<compile_context>
chip_gen: v7x
topology: tpu7x:2x2x1
jax: 0.10.2.dev20260603
libtpu: 0.0.44.dev20260713+nightly
codegen_flags: <defaults>
</compile_context>

<pallas_src>
import functools

import jax
import jax.numpy as jnp
import numpy as np
from jax import lax
from jax.experimental import pallas as pl
from jax.experimental.pallas import tpu as pltpu
from jax.experimental.pallas import tpu_sc as plsc

_NX, _NY = 392, 120
_N0 = _NX * _NY
_N1 = (_NX // 2) * (_NY // 2)
_N2 = (_NX // 4) * (_NY // 4)
_NP0, _NP1, _NP2 = 47104, 11776, 2944
_N12 = _NP1 + _NP2
_M0, _M1, _M2 = _NP0 // 4, _NP1 // 4, _NP2 // 4
_CPE = 128
_EP0, _K0 = 188416, 46
_EP1, _K1 = 49152, 12
_EP2, _K2 = 16384, 4
_KD = _K1 + _K2
_R4 = 736


def _mesh():
    return plsc.VectorSubcoreMesh(core_axis_name="c", subcore_axis_name="s")


_SC_PARAMS = pltpu.CompilerParams(use_tc_tiling_on_sc=False)



def _sc_deg(col0, col12):
    rpt0 = _NP0 // 16
    rpt12 = _N12 // 16
    zr = 736
    nz0 = rpt0 // zr

    @functools.partial(
        pl.kernel,
        out_type=[jax.ShapeDtypeStruct((2, _NP0, 16), jnp.float32),
                  jax.ShapeDtypeStruct((2, _N12, 16), jnp.float32)],
        mesh=_mesh(),
        compiler_params=_SC_PARAMS,
        scratch_types=[
            pltpu.VMEM((_K0, _CPE), jnp.int32),
            pltpu.VMEM((_KD, _CPE), jnp.int32),
            pltpu.VMEM((_CPE, 16), jnp.float32),
            pltpu.VMEM((rpt12, 16), jnp.float32),
            pltpu.VMEM_SHARED((_NP0, 16), jnp.float32),
            pltpu.VMEM_SHARED((_N12, 16), jnp.float32),
            pltpu.SemaphoreType.DMA,
        ],
    )
    def kfn(col0_hbm, col12_hbm, out0_hbm, out12_hbm, coli0, coli12,
            ones16, zbuf16, dacc0, dacc12, sem):
        cid = lax.axis_index("c")
        sid = lax.axis_index("s")
        wid = cid * 16 + sid

        def fill16(i, _):
            zbuf16[i, :] = jnp.zeros((16,), jnp.float32)
            return _

        lax.fori_loop(0, rpt12, fill16, None)

        def fillo16(i, _):
            ones16[i, :] = jnp.ones((16,), jnp.float32)
            return _

        lax.fori_loop(0, _CPE, fillo16, None)

        def zc0(i, _):
            pltpu.sync_copy(zbuf16.at[pl.ds(0, zr)],
                            dacc0.at[pl.ds(sid * rpt0 + i * zr, zr)])
            return _

        lax.fori_loop(0, nz0, zc0, None)
        pltpu.sync_copy(zbuf16, dacc12.at[pl.ds(sid * rpt12, rpt12)])
        pltpu.sync_copy(col0_hbm.at[wid], coli0)
        pltpu.sync_copy(col12_hbm.at[wid], coli12)
        plsc.subcore_barrier()

        def edge0(j, _):
            pltpu.sync_copy(ones16, dacc0.at[coli0.at[j]], add=True)
            return _

        lax.fori_loop(0, _K0, edge0, None)

        def edge12(j, _):
            pltpu.sync_copy(ones16, dacc12.at[coli12.at[j]], add=True)
            return _

        lax.fori_loop(0, _KD, edge12, None)
        plsc.subcore_barrier()
        pltpu.sync_copy(dacc0.at[pl.ds(sid * rpt0, rpt0)],
                        out0_hbm.at[cid, pl.ds(sid * rpt0, rpt0)])
        pltpu.sync_copy(dacc12.at[pl.ds(sid * rpt12, rpt12)],
                        out12_hbm.at[cid, pl.ds(sid * rpt12, rpt12)])

    return kfn(col0, col12)


def _sc_conv(s, row3, col3, np_rows):
    k_ops = row3.shape[1]
    cpe = row3.shape[2]
    khalf = k_ops // 2
    rpt = np_rows // 16
    zr = 184
    nzero = rpt // zr

    @functools.partial(
        pl.kernel,
        out_type=jax.ShapeDtypeStruct((2, np_rows, 32), jnp.float32),
        mesh=_mesh(),
        compiler_params=_SC_PARAMS,
        scratch_types=[
            pltpu.VMEM((k_ops, cpe), jnp.int32),
            pltpu.VMEM((k_ops, cpe), jnp.int32),
            pltpu.VMEM((cpe, 32), jnp.float32),
            pltpu.VMEM((cpe, 32), jnp.float32),
            pltpu.VMEM((zr, 32), jnp.float32),
            pltpu.VMEM_SHARED((np_rows, 32), jnp.float32),
            pltpu.SemaphoreType.DMA,
            pltpu.SemaphoreType.DMA,
            pltpu.SemaphoreType.DMA,
            pltpu.SemaphoreType.DMA,
            pltpu.SemaphoreType.DMA,
        ],
    )
    def kfn(s_hbm, row_hbm, col_hbm, out_hbm, rowi, coli, buf0, buf1, zbuf,
            acc, semz, sem0, sem1, sems0, sems1):
        cid = lax.axis_index("c")
        sid = lax.axis_index("s")
        wid = cid * 16 + sid

        def fill(i, _):
            zbuf[i, pl.ds(0, 16)] = jnp.zeros((16,), jnp.float32)
            zbuf[i, pl.ds(16, 16)] = jnp.zeros((16,), jnp.float32)
            return _

        lax.fori_loop(0, zr, fill, None)

        pltpu.async_copy(row_hbm.at[wid], rowi, semz)
        pltpu.async_copy(col_hbm.at[wid], coli, semz)

        def zc(i, _):
            pltpu.sync_copy(zbuf, acc.at[pl.ds(sid * rpt + i * zr, zr)])
            return _

        lax.fori_loop(0, nzero, zc, None)
        pltpu.make_async_copy(row_hbm.at[wid], rowi, semz).wait()
        pltpu.make_async_copy(col_hbm.at[wid], coli, semz).wait()
        plsc.subcore_barrier()

        pltpu.async_copy(s_hbm.at[rowi.at[0]], buf0, sem0)

        def edge(jj, _):
            j = jj * 2

            @pl.when(jj > 0)
            def _wait_s1():
                pltpu.make_async_copy(buf1, acc.at[coli.at[j - 1]],
                                      sems1).wait()

            pltpu.async_copy(s_hbm.at[rowi.at[j + 1]], buf1, sem1)
            pltpu.make_async_copy(s_hbm.at[rowi.at[j]], buf0, sem0).wait()
            pltpu.async_copy(buf0, acc.at[coli.at[j]], sems0, add=True)

            @pl.when(j + 2 < k_ops)
            def _prefetch():
                pltpu.make_async_copy(buf0, acc.at[coli.at[j]], sems0).wait()
                pltpu.async_copy(s_hbm.at[rowi.at[j + 2]], buf0, sem0)

            pltpu.make_async_copy(s_hbm.at[rowi.at[j + 1]], buf1, sem1).wait()
            pltpu.async_copy(buf1, acc.at[coli.at[j + 1]], sems1, add=True)
            return _

        lax.fori_loop(0, khalf, edge, None)
        pltpu.make_async_copy(buf0, acc.at[coli.at[k_ops - 2]], sems0).wait()
        pltpu.make_async_copy(buf1, acc.at[coli.at[k_ops - 1]], sems1).wait()
        plsc.subcore_barrier()
        pltpu.sync_copy(acc.at[pl.ds(sid * rpt, rpt)],
                        out_hbm.at[cid, pl.ds(sid * rpt, rpt)])

    return kfn(s, row3, col3)



def _rows(c):
    return pl.BlockSpec((_R4, c), lambda i: (i, 0))


def _const(shape):
    return pl.BlockSpec(shape, lambda i: tuple(0 for _ in shape))


def _f32(shape):
    return jax.ShapeDtypeStruct(shape, jnp.float32)


_XE = np.zeros((128, 128), np.float32)
_XO = np.zeros((128, 128), np.float32)
for _i in range(4):
    for _c in range(32):
        _XE[16 * _i, 32 * _i + _c] = 1.0
        _XO[64 + 16 * _i, 32 * _i + _c] = 1.0


def _tc_dinv12(dp, xe, xo):
    m_rows = _N12 // 4
    qin = _R4 // 2

    def body(d_ref, xe_ref, xo_ref, o_ref):
        deg = d_ref[0] + d_ref[1]
        t = jnp.broadcast_to(deg[:, None, :], (qin, 2, 128)).reshape(_R4, 128)
        riota = lax.broadcasted_iota(jnp.int32, (_R4, 128), 0)
        val = jnp.where(
            riota % 2 == 0,
            jnp.dot(t, xe_ref[...], preferred_element_type=jnp.float32),
            jnp.dot(t, xo_ref[...], preferred_element_type=jnp.float32))
        o_ref[...] = lax.rsqrt(1.0 + val)

    return pl.pallas_call(
        body,
        grid=(m_rows // _R4,),
        in_specs=[pl.BlockSpec((2, qin, 128), lambda i: (0, i, 0)),
                  _const((128, 128)), _const((128, 128))],
        out_specs=_rows(128),
        out_shape=_f32((m_rows, 128)),
    )(dp, xe, xo)


def _tc_head(xp, dp0, fc1_Wb, fc1_bt, W1b, xe, xo):
    qin = _R4 // 2

    def body(x_ref, d_ref, fw_ref, fb_ref, w1_ref, xe_ref, xo_ref,
             s_ref, di_ref):
        deg = d_ref[0] + d_ref[1]
        t = jnp.broadcast_to(deg[:, None, :], (qin, 2, 128)).reshape(_R4, 128)
        riota = lax.broadcasted_iota(jnp.int32, (_R4, 128), 0)
        val = jnp.where(
            riota % 2 == 0,
            jnp.dot(t, xe_ref[...], preferred_element_type=jnp.float32),
            jnp.dot(t, xo_ref[...], preferred_element_type=jnp.float32))
        dinv = lax.rsqrt(1.0 + val)
        h = jnp.dot(x_ref[...], fw_ref[...], preferred_element_type=jnp.float32)
        h = jnp.maximum(h + fb_ref[...], 0.0)
        s_ref[...] = jnp.dot(h, w1_ref[...], preferred_element_type=jnp.float32) * dinv
        di_ref[...] = dinv

    return pl.pallas_call(
        body,
        grid=(_M0 // _R4,),
        in_specs=[_rows(16), pl.BlockSpec((2, qin, 128), lambda i: (0, i, 0)),
                  _const((16, 128)), _const((1, 128)), _const((128, 128)),
                  _const((128, 128)), _const((128, 128))],
        out_specs=[_rows(128), _rows(128)],
        out_shape=[_f32((_M0, 128)), _f32((_M0, 128))],
    )(xp, dp0, fc1_Wb, fc1_bt, W1b, xe, xo)


def _tc_scale(inp, dinv, Wb, m_rows):

    def body(x_ref, di_ref, w_ref, s_ref):
        s_ref[...] = jnp.dot(x_ref[...], w_ref[...], preferred_element_type=jnp.float32) * di_ref[...]

    return pl.pallas_call(
        body,
        grid=(m_rows // _R4,),
        in_specs=[_rows(128), _rows(128), _const((128, 128))],
        out_specs=_rows(128),
        out_shape=_f32((m_rows, 128)),
    )(inp, dinv, Wb)


_EJ = np.zeros((4, 128, 128), np.float32)
_OJ = np.zeros((4, 128, 128), np.float32)
for _j in range(4):
    for _b in (0, 1):
        for _u in (0, 1):
            for _cc in range(16):
                _EJ[_j, 32 * _j + 16 * _b + _cc, 64 * _u + 32 * _b + 2 * _cc] = 1.0
                _OJ[_j, 32 * _j + 16 * _b + _cc, 64 * _u + 32 * _b + 2 * _cc + 1] = 1.0


def _tc_up_res_scale(a, c, dinv, Wb, EW, OW, m_out, aligned, off=0):
    q = m_out // 8

    def body(a_ref, c_ref, di_ref, w_ref, ew_ref, ow_ref, s_ref):
        xa = c_ref[0:q, :]
        if aligned:
            xb = c_ref[off:off + q, :]
        else:
            xb = jnp.concatenate(
                [c_ref[q - 1:2 * q - 1, 64:128], c_ref[q:2 * q, 0:64]],
                axis=1)
        ys = [
            jnp.dot(xa, ew_ref[j], preferred_element_type=jnp.float32)
            + jnp.dot(xb, ow_ref[j], preferred_element_type=jnp.float32)
            for j in range(4)
        ]
        st = jnp.stack(ys, axis=1)
        st = jnp.broadcast_to(st[:, :, None, :], (q, 4, 2, 128))
        up = st.reshape(m_out, 128)
        base = jnp.dot(a_ref[...], w_ref[...], preferred_element_type=jnp.float32)
        s_ref[...] = (base + up) * di_ref[...]

    full = lambda shape: pl.BlockSpec(shape, lambda: tuple(0 for _ in shape))
    return pl.pallas_call(
        body,
        in_specs=[full((m_out, 128)), full((m_out // 4, 128)),
                  full((m_out, 128)), full((128, 128)),
                  full((4, 128, 128)), full((4, 128, 128))],
        out_specs=full((m_out, 128)),
        out_shape=_f32((m_out, 128)),
    )(a, c, dinv, Wb, EW, OW)


def _tc_combine(ap, s, dinv, bt, m_rows):

    def body(a_ref, s_ref, di_ref, b_ref, o_ref):
        acc = a_ref[0] + a_ref[1] + s_ref[...]
        o_ref[...] = jnp.maximum(di_ref[...] * acc + b_ref[...], 0.0)

    return pl.pallas_call(
        body,
        grid=(m_rows // _R4,),
        in_specs=[pl.BlockSpec((2, _R4, 128), lambda i: (0, i, 0)),
                  _rows(128), _rows(128), _const((1, 128))],
        out_specs=_rows(128),
        out_shape=_f32((m_rows, 128)),
    )(ap, s, dinv, bt)


def _tc_tail(ap, s, dinv, bt, fc2_Wb, fc2_bt):

    def body(a_ref, s_ref, di_ref, b_ref, fw_ref, fb_ref, o_ref):
        acc = a_ref[0] + a_ref[1] + s_ref[...]
        e = jnp.maximum(di_ref[...] * acc + b_ref[...], 0.0)
        o_ref[...] = lax.dot_general(
            fw_ref[...], e, (((0,), (1,)), ((), ())),
            preferred_element_type=jnp.float32) + fb_ref[...]

    rt = 2944

    return pl.pallas_call(
        body,
        grid=(_M0 // rt,),
        in_specs=[pl.BlockSpec((2, rt, 128), lambda i: (0, i, 0)),
                  pl.BlockSpec((rt, 128), lambda i: (i, 0)),
                  pl.BlockSpec((rt, 128), lambda i: (i, 0)),
                  _const((1, 128)), _const((128, 12)), _const((12, 1))],
        out_specs=pl.BlockSpec((12, rt), lambda i: (0, i)),
        out_shape=_f32((12, _M0)),
    )(ap, s, dinv, bt, fc2_Wb, fc2_bt)



def _pad_flat(v, total, fill):
    return jnp.concatenate(
        [v.astype(jnp.int32),
         jnp.full((total - v.shape[0],), fill, jnp.int32)])


def _down_packed(a_pack, nx, ny, m_pad):
    n = nx * ny
    v = a_pack[:n // 4].reshape(nx, ny // 4, 128)[::2]
    d = jnp.concatenate([v[..., 0:32], v[..., 64:96]], axis=-1)
    d = d.reshape(n // 16, 128)
    return jnp.pad(d, ((0, m_pad - n // 16), (0, 0)))


def _blockdiag(W):
    return jnp.kron(jnp.eye(4, dtype=jnp.float32), W)


def _tile4(b):
    return jnp.tile(b.reshape(1, -1), (1, 4))


def kernel(x, edge_index_0, edge_index_1, edge_index_2, index_0, index_1,
           index_2, fc1_W, fc1_b, conv1_W, conv1_b, conv2_W, conv2_b,
           conv3_W, conv3_b, conv4_W, conv4_b, conv5_W, conv5_b,
           fc2_W, fc2_b):
    del index_0, index_1, index_2
    rowf0 = _pad_flat(edge_index_0[0], _EP0, 0)
    colf0 = _pad_flat(edge_index_0[1], _EP0, _N0)
    rowf1 = _pad_flat(edge_index_1[0], _EP1, 0)
    colf1 = _pad_flat(edge_index_1[1], _EP1, _N1)
    rowf2 = _pad_flat(edge_index_2[0], _EP2, 0)
    colf2 = _pad_flat(edge_index_2[1], _EP2, _N2)
    row3_0 = rowf0.reshape(32, _K0, _CPE)
    col3_0 = colf0.reshape(32, _K0, _CPE)
    row3_1 = rowf1.reshape(32, _K1, _CPE)
    col3_1 = colf1.reshape(32, _K1, _CPE)
    row3_2 = rowf2.reshape(32, _K2, _CPE)
    col3_2 = colf2.reshape(32, _K2, _CPE)
    col12 = jnp.concatenate([colf1, colf2 + _NP1]).reshape(32, _KD, _CPE)

    W1b = _blockdiag(conv1_W)
    W2b = _blockdiag(conv2_W)
    W3b = _blockdiag(conv3_W)
    W4b = _blockdiag(conv4_W)
    W5b = _blockdiag(conv5_W)
    fc1_Wb = _blockdiag(fc1_W)
    fc2_Wb = _blockdiag(fc2_W)
    ej = jnp.asarray(_EJ)
    oj = jnp.asarray(_OJ)
    EW4 = jnp.einsum("jab,bc->jac", ej, W4b, precision=lax.Precision.HIGHEST)
    OW4 = jnp.einsum("jab,bc->jac", oj, W4b, precision=lax.Precision.HIGHEST)
    EW5 = jnp.einsum("jab,bc->jac", ej, W5b, precision=lax.Precision.HIGHEST)
    OW5 = jnp.einsum("jab,bc->jac", oj, W5b, precision=lax.Precision.HIGHEST)

    dp0, dp12 = _sc_deg(col3_0, col12)
    dinv12 = _tc_dinv12(dp12.reshape(2, _N12 // 8, 128),
                        jnp.asarray(_XE), jnp.asarray(_XO))
    dinv1 = dinv12[:_M1]
    dinv2 = dinv12[_M1:]

    xp = jnp.pad(x.reshape(_N0 // 4, 16), ((0, _M0 - _N0 // 4), (0, 0)))
    s1, dinv0 = _tc_head(xp, dp0.reshape(2, _NP0 // 8, 128), fc1_Wb,
                         _tile4(fc1_b), W1b, jnp.asarray(_XE),
                         jnp.asarray(_XO))
    ap = _sc_conv(s1.reshape(_NP0, 32), row3_0, col3_0, _NP0)
    A = _tc_combine(ap.reshape(2, _M0, 128), s1, dinv0, _tile4(conv1_b), _M0)

    B0 = _down_packed(A, _NX, _NY, _M1)
    s2 = _tc_scale(B0, dinv1, W2b, _M1)
    bp = _sc_conv(s2.reshape(_NP1, 32), row3_1, col3_1, _NP1)
    B = _tc_combine(bp.reshape(2, _M1, 128), s2, dinv1, _tile4(conv2_b), _M1)

    C0 = _down_packed(B, _NX // 2, _NY // 2, _M2)
    s3 = _tc_scale(C0, dinv2, W3b, _M2)
    cp = _sc_conv(s3.reshape(_NP2, 32), row3_2, col3_2, _NP2)
    C = _tc_combine(cp.reshape(2, _M2, 128), s3, dinv2, _tile4(conv3_b), _M2)

    s4 = _tc_up_res_scale(B, C, dinv1, W4b, EW4, OW4, _M1, aligned=False)
    dpp = _sc_conv(s4.reshape(_NP1, 32), row3_1, col3_1, _NP1)
    D = _tc_combine(dpp.reshape(2, _M1, 128), s4, dinv1, _tile4(conv4_b), _M1)

    s5 = _tc_up_res_scale(A, D, dinv0, W5b, EW5, OW5, _M0, aligned=True,
                          off=_N1 // 8)
    ep = _sc_conv(s5.reshape(_NP0, 32), row3_0, col3_0, _NP0)
    outT = _tc_tail(ep.reshape(2, _M0, 128), s5, dinv0, _tile4(conv5_b),
                    fc2_Wb, jnp.tile(fc2_b, 4).reshape(12, 1))
    out = outT.reshape(4, 3, _M0).transpose(1, 2, 0).reshape(3, _NP0)
    return out[:, :_N0].T

# --- scband reference (transcript-rebuilt; emitter-appended) ---
"""Pipeline reference for scband-net-multi-11390253269716 (READ-ONLY COPY).

The authoritative reference and input builder live on the scoring server;
editing this copy changes nothing except your own understanding.
"""

import jax, jax.numpy as jnp
import numpy as np

n_x = 392
n_y = 120
N0 = n_x * n_y
N1 = (n_x // 2) * (n_y // 2)
N2 = (n_x // 4) * (n_y // 4)


def _upsample(x, dim, channels, scale):
    x = x.T
    for i in range(dim):
        x = jnp.repeat(x.reshape(1, channels, -1), scale, axis=2).reshape(channels, -1)
        channels = channels * 2
    return x.T


def _gcn_conv(x, edge_index, W, b):
    N = x.shape[0]
    loop = jnp.arange(N, dtype=edge_index.dtype)
    row = jnp.concatenate([edge_index[0], loop])
    col = jnp.concatenate([edge_index[1], loop])
    deg = jnp.zeros((N,), x.dtype).at[col].add(1.0)
    dinv = jnp.where(deg > 0, 1.0 / jnp.sqrt(deg), 0.0)
    norm = dinv[row] * dinv[col]
    h = x @ W
    msg = h[row] * norm[:, None]
    out = jnp.zeros((N, W.shape[1]), x.dtype).at[col].add(msg)
    return out + b


def setup_inputs(seed: int = 0):
    key = jax.random.key(seed)
    ks = jax.random.split(key, 16)
    inp = {}
    inp["x"] = jax.random.normal(ks[0], (N0, 4), dtype=jnp.float32)
    inp["edge_index_0"] = jax.random.randint(ks[1], (2, 188160), 0, N0)
    inp["edge_index_1"] = jax.random.randint(ks[2], (2, 47040), 0, N1)
    inp["edge_index_2"] = jax.random.randint(ks[3], (2, 11760), 0, N2)
    inp["index_0"] = jnp.arange(N0)
    inp["index_1"] = jnp.arange(N1)
    inp["index_2"] = jnp.arange(N2)
    inp["fc1_W"] = jax.random.normal(ks[4], (4, 32), dtype=jnp.float32) * 0.1
    inp["fc1_b"] = jnp.zeros((32,), dtype=jnp.float32)
    for i in range(1, 6):
        inp["conv%d_W" % i] = jax.random.normal(ks[4 + i], (32, 32), dtype=jnp.float32) * 0.1
        inp["conv%d_b" % i] = jnp.zeros((32,), dtype=jnp.float32)
    inp["fc2_W"] = jax.random.normal(ks[10], (32, 3), dtype=jnp.float32) * 0.1
    inp["fc2_b"] = jnp.zeros((3,), dtype=jnp.float32)
    return inp


def reference(x, edge_index_0, edge_index_1, edge_index_2, index_0, index_1, index_2, fc1_W, fc1_b, conv1_W, conv1_b, conv2_W, conv2_b, conv3_W, conv3_b, conv4_W, conv4_b, conv5_W, conv5_b, fc2_W, fc2_b):
    x = jax.nn.relu(x @ fc1_W + fc1_b)
    x = x.at[index_0].set(_gcn_conv(x[index_0], edge_index_0, conv1_W, conv1_b))
    x = jax.nn.relu(x)
    x1 = x.reshape(n_x, n_y, 32)[::2, ::2, :].reshape(-1, 32)
    x1 = x1.at[index_1].set(_gcn_conv(x1[index_1], edge_index_1, conv2_W, conv2_b))
    x1 = jax.nn.relu(x1)
    x2 = x1.reshape(n_x // 2, n_y // 2, 32)[::2, ::2, :].reshape(-1, 32)
    x2 = x2.at[index_2].set(_gcn_conv(x2[index_2], edge_index_2, conv3_W, conv3_b))
    x2 = jax.nn.relu(x2)
    x2_up = _upsample(x2, 2, 32, 2).reshape(-1, 32)
    x1_up = x1 + x2_up
    x1_up = x1_up.at[index_1].set(_gcn_conv(x1_up[index_1], edge_index_1, conv4_W, conv4_b))
    x1_up = jax.nn.relu(x1_up)
    x_up = _upsample(x1_up, 2, 32, 2).reshape(-1, 32)
    x = x + x_up
    x = x.at[index_0].set(_gcn_conv(x[index_0], edge_index_0, conv5_W, conv5_b))
    x = jax.nn.relu(x)
    x = x @ fc2_W + fc2_b
    return x[index_0]

if __name__ == "__main__":
    import jax
    _d = setup_inputs()
    print(jax.jit(kernel)(*tuple(_d.values())))

</pallas_src>

<mosaic_0001>
#map = affine_map<(d0, d1) -> (0, 0)>
#map1 = affine_map<(d0, d1) -> (0, 0, 0)>
module attributes {stable_mosaic.version = 14 : i64} {
  func.func @kfn(%arg0: i32, %arg1: i32, %arg2: memref<2944x32xf32, #tpu.memory_space<hbm>>, %arg3: memref<32x4x128xi32, #tpu.memory_space<hbm>>, %arg4: memref<32x4x128xi32, #tpu.memory_space<hbm>>, %arg5: memref<2x2944x32xf32, #tpu.memory_space<hbm>>, %arg6: memref<4x128xi32, #tpu.memory_space<vmem>>, %arg7: memref<4x128xi32, #tpu.memory_space<vmem>>, %arg8: memref<128x32xf32, #tpu.memory_space<vmem>>, %arg9: memref<128x32xf32, #tpu.memory_space<vmem>>, %arg10: memref<184x32xf32, #tpu.memory_space<vmem>>, %arg11: memref<2944x32xf32, #tpu.memory_space<vmem_shared>>, %arg12: memref<!tpu.dma_semaphore, #tpu.memory_space<semaphore_mem>>, %arg13: memref<!tpu.dma_semaphore, #tpu.memory_space<semaphore_mem>>, %arg14: memref<!tpu.dma_semaphore, #tpu.memory_space<semaphore_mem>>, %arg15: memref<!tpu.dma_semaphore, #tpu.memory_space<semaphore_mem>>, %arg16: memref<!tpu.dma_semaphore, #tpu.memory_space<semaphore_mem>>) attributes {dimension_semantics = [#tpu.dimension_semantics<core_parallel>, #tpu.dimension_semantics<subcore_parallel>], iteration_bounds = array<i64: 2, 16>, scalar_prefetch = 0 : i64, scratch_operands = 11 : i64, tpu.core_type = #tpu.core_type<sc_vector_subcore>, window_params = [{transform_indices = #map}, {transform_indices = #map1}, {transform_indices = #map1}, {transform_indices = #map1}]} {
    %mul3A = arith.constant 16 : i32
    %mul3A_0 = arith.muli %arg0, %mul3A : i32
    %add3A = arith.addi %mul3A_0, %arg1 : i32
    %scan3A = arith.constant 0 : i32
    %scan3A_1 = arith.constant 184 : i32
    %scan3A_2 = arith.addi %scan3A, %scan3A_1 : i32
    %scan3A_3 = arith.constant 1 : i32
    scf.for %scan3A_73 = %scan3A to %scan3A_2 step %scan3A_3  : i32 {
      %broadcast_in_dim3A = arith.constant 0.000000e+00 : f32
      %broadcast_in_dim3A_74 = vector.broadcast %broadcast_in_dim3A : f32 to vector<16xf32>
      %swap3A = arith.index_cast %scan3A_73 : i32 to index
      %swap3A_75 = arith.constant 0 : index
      %swap3A_76 = tpu.vector_load %arg10[%swap3A, %swap3A_75] {strides = array<i32>} : memref<184x32xf32, #tpu.memory_space<vmem>>, vector<1x16xf32>,
      %swap3A_77 = vector.shape_cast %swap3A_76 : vector<1x16xf32> to vector<16xf32>
      %swap3A_78 = vector.shape_cast %broadcast_in_dim3A_74 : vector<16xf32> to vector<1x16xf32>
      tpu.vector_store %arg10[%swap3A, %swap3A_75], %swap3A_78 {strides = array<i32>} : memref<184x32xf32, #tpu.memory_space<vmem>>, vector<1x16xf32>,
      %broadcast_in_dim3A_79 = arith.constant 0.000000e+00 : f32
      %broadcast_in_dim3A_80 = vector.broadcast %broadcast_in_dim3A_79 : f32 to vector<16xf32>
      %swap3A_81 = arith.index_cast %scan3A_73 : i32 to index
      %swap3A_82 = arith.constant 16 : index
      %swap3A_83 = tpu.vector_load %arg10[%swap3A_81, %swap3A_82] {strides = array<i32>} : memref<184x32xf32, #tpu.memory_space<vmem>>, vector<1x16xf32>,
      %swap3A_84 = vector.shape_cast %swap3A_83 : vector<1x16xf32> to vector<16xf32>
      %swap3A_85 = vector.shape_cast %broadcast_in_dim3A_80 : vector<16xf32> to vector<1x16xf32>
      tpu.vector_store %arg10[%swap3A_81, %swap3A_82], %swap3A_85 {strides = array<i32>} : memref<184x32xf32, #tpu.memory_space<vmem>>, vector<1x16xf32>,
    }
    %scan3A_4 = arith.constant 184 : i32
    %dma_start3A = arith.constant 0 : i32
    %dma_start3A_5 = arith.constant 0 : i32
    %dma_start3A_6 = tpu.memref_slice %arg3[%add3A, %dma_start3A, %dma_start3A_5] : memref<32x4x128xi32, #tpu.memory_space<hbm>> -> memref<1x4x128xi32, #tpu.memory_space<hbm>>
    %dma_start3A_7 = tpu.memref_squeeze %dma_start3A_6 : memref<1x4x128xi32, #tpu.memory_space<hbm>> -> memref<4x128xi32, #tpu.memory_space<hbm>>
    %dma_start3A_8 = arith.constant 0 : i32
    %dma_start3A_9 = arith.constant 0 : i32
    %dma_start3A_10 = tpu.memref_slice %arg3[%add3A, %dma_start3A_8, %dma_start3A_9] : memref<32x4x128xi32, #tpu.memory_space<hbm>> -> memref<1x4x128xi32, #tpu.memory_space<hbm>>
    %dma_start3A_11 = tpu.memref_squeeze %dma_start3A_10 : memref<1x4x128xi32, #tpu.memory_space<hbm>> -> memref<4x128xi32, #tpu.memory_space<hbm>>
    tpu.enqueue_dma source(%dma_start3A_11 : memref<4x128xi32, #tpu.memory_space<hbm>>) target(%arg6 : memref<4x128xi32, #tpu.memory_space<vmem>>) target_semaphore(%arg12 : memref<!tpu.dma_semaphore, #tpu.memory_space<semaphore_mem>>)
    %dma_start3A_12 = arith.constant 0 : i32
    %dma_start3A_13 = arith.constant 0 : i32
    %dma_start3A_14 = tpu.memref_slice %arg4[%add3A, %dma_start3A_12, %dma_start3A_13] : memref<32x4x128xi32, #tpu.memory_space<hbm>> -> memref<1x4x128xi32, #tpu.memory_space<hbm>>
    %dma_start3A_15 = tpu.memref_squeeze %dma_start3A_14 : memref<1x4x128xi32, #tpu.memory_space<hbm>> -> memref<4x128xi32, #tpu.memory_space<hbm>>
    %dma_start3A_16 = arith.constant 0 : i32
    %dma_start3A_17 = arith.constant 0 : i32
    %dma_start3A_18 = tpu.memref_slice %arg4[%add3A, %dma_start3A_16, %dma_start3A_17] : memref<32x4x128xi32, #tpu.memory_space<hbm>> -> memref<1x4x128xi32, #tpu.memory_space<hbm>>
    %dma_start3A_19 = tpu.memref_squeeze %dma_start3A_18 : memref<1x4x128xi32, #tpu.memory_space<hbm>> -> memref<4x128xi32, #tpu.memory_space<hbm>>
    tpu.enqueue_dma source(%dma_start3A_19 : memref<4x128xi32, #tpu.memory_space<hbm>>) target(%arg7 : memref<4x128xi32, #tpu.memory_space<vmem>>) target_semaphore(%arg12 : memref<!tpu.dma_semaphore, #tpu.memory_space<semaphore_mem>>)
    %scan3A_20 = arith.constant 0 : i32
    %mul3A_21 = arith.constant 184 : i32
    %mul3A_22 = arith.muli %arg1, %mul3A_21 : i32
    %mul3A_23 = arith.constant 184 : i32
    %mul3A_24 = arith.muli %scan3A_20, %mul3A_23 : i32
    %add3A_25 = arith.addi %mul3A_22, %mul3A_24 : i32
    "tpu.region"() ({
      %run_scoped3A = tpu.sem_alloc : memref<!tpu.dma_semaphore, #tpu.memory_space<semaphore_mem>>
      %dma_start3A_73 = arith.constant 0 : i32
      %dma_start3A_74 = tpu.memref_slice %arg11[%add3A_25, %dma_start3A_73] : memref<2944x32xf32, #tpu.memory_space<vmem_shared>> -> memref<184x32xf32, #tpu.memory_space<vmem_shared>>
      %dma_start3A_75 = arith.constant 0 : i32
      %dma_start3A_76 = tpu.memref_slice %arg11[%add3A_25, %dma_start3A_75] : memref<2944x32xf32, #tpu.memory_space<vmem_shared>> -> memref<184x32xf32, #tpu.memory_space<vmem_shared>>
      tpu.enqueue_dma source(%arg10 : memref<184x32xf32, #tpu.memory_space<vmem>>) target(%dma_start3A_76 : memref<184x32xf32, #tpu.memory_space<vmem_shared>>) target_semaphore(%run_scoped3A : memref<!tpu.dma_semaphore, #tpu.memory_space<semaphore_mem>>)
      %dma_wait3A_77 = arith.constant 0 : i32
      %dma_wait3A_78 = tpu.memref_slice %arg11[%add3A_25, %dma_wait3A_77] : memref<2944x32xf32, #tpu.memory_space<vmem_shared>> -> memref<184x32xf32, #tpu.memory_space<vmem_shared>>
      %dma_wait3A_79 = arith.constant 0 : i32
      %dma_wait3A_80 = tpu.memref_slice %arg11[%add3A_25, %dma_wait3A_79] : memref<2944x32xf32, #tpu.memory_space<vmem_shared>> -> memref<184x32xf32, #tpu.memory_space<vmem_shared>>
      tpu.wait_dma2 semaphore(%run_scoped3A : memref<!tpu.dma_semaphore, #tpu.memory_space<semaphore_mem>>) src(%arg10 : memref<184x32xf32, #tpu.memory_space<vmem>>) dst(%dma_wait3A_80 : memref<184x32xf32, #tpu.memory_space<vmem_shared>>)
      tpu.yield
    }) : () -> ()
    %scan3A_26 = arith.constant 1 : i32
    %dma_wait3A = arith.constant 0 : i32
    %dma_wait3A_27 = arith.constant 0 : i32
    %dma_wait3A_28 = tpu.memref_slice %arg3[%add3A, %dma_wait3A, %dma_wait3A_27] : memref<32x4x128xi32, #tpu.memory_space<hbm>> -> memref<1x4x128xi32, #tpu.memory_space<hbm>>
    %dma_wait3A_29 = tpu.memref_squeeze %dma_wait3A_28 : memref<1x4x128xi32, #tpu.memory_space<hbm>> -> memref<4x128xi32, #tpu.memory_space<hbm>>
    %dma_wait3A_30 = arith.constant 0 : i32
    %dma_wait3A_31 = arith.constant 0 : i32
    %dma_wait3A_32 = tpu.memref_slice %arg3[%add3A, %dma_wait3A_30, %dma_wait3A_31] : memref<32x4x128xi32, #tpu.memory_space<hbm>> -> memref<1x4x128xi32, #tpu.memory_space<hbm>>
    %dma_wait3A_33 = tpu.memref_squeeze %dma_wait3A_32 : memref<1x4x128xi32, #tpu.memory_space<hbm>> -> memref<4x128xi32, #tpu.memory_space<hbm>>
    tpu.wait_dma2 semaphore(%arg12 : memref<!tpu.dma_semaphore, #tpu.memory_space<semaphore_mem>>) src(%dma_wait3A_33 : memref<4x128xi32, #tpu.memory_space<hbm>>) dst(%arg6 : memref<4x128xi32, #tpu.memory_space<vmem>>)
    %dma_wait3A_34 = arith.constant 0 : i32
    %dma_wait3A_35 = arith.constant 0 : i32
    %dma_wait3A_36 = tpu.memref_slice %arg4[%add3A, %dma_wait3A_34, %dma_wait3A_35] : memref<32x4x128xi32, #tpu.memory_space<hbm>> -> memref<1x4x128xi32, #tpu.memory_space<hbm>>
    %dma_wait3A_37 = tpu.memref_squeeze %dma_wait3A_36 : memref<1x4x128xi32, #tpu.memory_space<hbm>> -> memref<4x128xi32, #tpu.memory_space<hbm>>
    %dma_wait3A_38 = arith.constant 0 : i32
    %dma_wait3A_39 = arith.constant 0 : i32
    %dma_wait3A_40 = tpu.memref_slice %arg4[%add3A, %dma_wait3A_38, %dma_wait3A_39] : memref<32x4x128xi32, #tpu.memory_space<hbm>> -> memref<1x4x128xi32, #tpu.memory_space<hbm>>
    %dma_wait3A_41 = tpu.memref_squeeze %dma_wait3A_40 : memref<1x4x128xi32, #tpu.memory_space<hbm>> -> memref<4x128xi32, #tpu.memory_space<hbm>>
    tpu.wait_dma2 semaphore(%arg12 : memref<!tpu.dma_semaphore, #tpu.memory_space<semaphore_mem>>) src(%dma_wait3A_41 : memref<4x128xi32, #tpu.memory_space<hbm>>) dst(%arg7 : memref<4x128xi32, #tpu.memory_space<vmem>>)
    %barrier3A = arith.constant 0 : index
    tpu.barrier barrier_id(%barrier3A)
    %dma_start3A_42 = arith.constant 0 : i32
    %dma_start3A_43 = arith.constant 0 : i32
    %dma_start3A_44 = tpu.memref_slice %arg6[%dma_start3A_42, %dma_start3A_43] : memref<4x128xi32, #tpu.memory_space<vmem>> -> memref<1x128xi32, #tpu.memory_space<vmem>>
    %dma_start3A_45 = tpu.memref_squeeze %dma_start3A_44 : memref<1x128xi32, #tpu.memory_space<vmem>> -> memref<128xi32, #tpu.memory_space<vmem>>
    %dma_start3A_46 = arith.constant 0 : i32
    %dma_start3A_47 = arith.constant 0 : i32
    %dma_start3A_48 = tpu.memref_slice %arg2[%dma_start3A_46, %dma_start3A_47] : memref<2944x32xf32, #tpu.memory_space<hbm>> -> memref<2944x32xf32, #tpu.memory_space<hbm>>
    tpu.enqueue_indirect_dma source(%dma_start3A_48 : memref<2944x32xf32, #tpu.memory_space<hbm>>) target(%arg8 : memref<128x32xf32, #tpu.memory_space<vmem>>) offsets(%dma_start3A_45 : memref<128xi32, #tpu.memory_space<vmem>>) semaphore(%arg13 : memref<!tpu.dma_semaphore, #tpu.memory_space<semaphore_mem>>)
    %scan3A_49 = arith.constant 0 : i32
    %scan3A_50 = arith.constant 2 : i32
    %scan3A_51 = arith.addi %scan3A_49, %scan3A_50 : i32
    %scan3A_52 = arith.constant 1 : i32
    scf.for %scan3A_73 = %scan3A_49 to %scan3A_51 step %scan3A_52  : i32 {
      %mul3A_74 = arith.constant 2 : i32
      %mul3A_75 = arith.muli %scan3A_73, %mul3A_74 : i32
      %gt3A = arith.constant 0 : i32
      %gt3A_76 = arith.cmpi sgt, %scan3A_73, %gt3A : i32
      %convert_element_type3A = arith.extui %gt3A_76 : i1 to i32
      %cond3A = arith.constant 0 : i32
      %cond3A_77 = arith.cmpi ne, %convert_element_type3A, %cond3A : i32
      scf.if %cond3A_77 {
        %sub3A = arith.constant 1 : i32
        %sub3A_120 = arith.subi %mul3A_75, %sub3A : i32
        %dma_wait3A_121 = arith.constant 0 : i32
        %dma_wait3A_122 = tpu.memref_slice %arg7[%sub3A_120, %dma_wait3A_121] : memref<4x128xi32, #tpu.memory_space<vmem>> -> memref<1x128xi32, #tpu.memory_space<vmem>>
        %dma_wait3A_123 = tpu.memref_squeeze %dma_wait3A_122 : memref<1x128xi32, #tpu.memory_space<vmem>> -> memref<128xi32, #tpu.memory_space<vmem>>
        %dma_wait3A_124 = arith.constant 0 : i32
        %dma_wait3A_125 = arith.constant 0 : i32
        %dma_wait3A_126 = tpu.memref_slice %arg11[%dma_wait3A_124, %dma_wait3A_125] : memref<2944x32xf32, #tpu.memory_space<vmem_shared>> -> memref<2944x32xf32, #tpu.memory_space<vmem_shared>>
        tpu.wait_indirect_dma semaphore(%arg16 : memref<!tpu.dma_semaphore, #tpu.memory_space<semaphore_mem>>) src(%arg9 : memref<128x32xf32, #tpu.memory_space<vmem>>) dst(%dma_wait3A_126 : memref<2944x32xf32, #tpu.memory_space<vmem_shared>>)
      } else {
      }
      %add3A_78 = arith.constant 1 : i32
      %add3A_79 = arith.addi %mul3A_75, %add3A_78 : i32
      %dma_start3A_80 = arith.constant 0 : i32
      %dma_start3A_81 = tpu.memref_slice %arg6[%add3A_79, %dma_start3A_80] : memref<4x128xi32, #tpu.memory_space<vmem>> -> memref<1x128xi32, #tpu.memory_space<vmem>>
      %dma_start3A_82 = tpu.memref_squeeze %dma_start3A_81 : memref<1x128xi32, #tpu.memory_space<vmem>> -> memref<128xi32, #tpu.memory_space<vmem>>
      %dma_start3A_83 = arith.constant 0 : i32
      %dma_start3A_84 = arith.constant 0 : i32
      %dma_start3A_85 = tpu.memref_slice %arg2[%dma_start3A_83, %dma_start3A_84] : memref<2944x32xf32, #tpu.memory_space<hbm>> -> memref<2944x32xf32, #tpu.memory_space<hbm>>
      tpu.enqueue_indirect_dma source(%dma_start3A_85 : memref<2944x32xf32, #tpu.memory_space<hbm>>) target(%arg9 : memref<128x32xf32, #tpu.memory_space<vmem>>) offsets(%dma_start3A_82 : memref<128xi32, #tpu.memory_space<vmem>>) semaphore(%arg14 : memref<!tpu.dma_semaphore, #tpu.memory_space<semaphore_mem>>)
      %dma_wait3A_86 = arith.constant 0 : i32
      %dma_wait3A_87 = tpu.memref_slice %arg6[%mul3A_75, %dma_wait3A_86] : memref<4x128xi32, #tpu.memory_space<vmem>> -> memref<1x128xi32, #tpu.memory_space<vmem>>
      %dma_wait3A_88 = tpu.memref_squeeze %dma_wait3A_87 : memref<1x128xi32, #tpu.memory_space<vmem>> -> memref<128xi32, #tpu.memory_space<vmem>>
      %dma_wait3A_89 = arith.constant 0 : i32
      %dma_wait3A_90 = arith.constant 0 : i32
      %dma_wait3A_91 = tpu.memref_slice %arg2[%dma_wait3A_89, %dma_wait3A_90] : memref<2944x32xf32, #tpu.memory_space<hbm>> -> memref<2944x32xf32, #tpu.memory_space<hbm>>
      tpu.wait_indirect_dma semaphore(%arg13 : memref<!tpu.dma_semaphore, #tpu.memory_space<semaphore_mem>>) src(%dma_wait3A_91 : memref<2944x32xf32, #tpu.memory_space<hbm>>) dst(%arg8 : memref<128x32xf32, #tpu.memory_space<vmem>>)
      %dma_start3A_92 = arith.constant 0 : i32
      %dma_start3A_93 = tpu.memref_slice %arg7[%mul3A_75, %dma_start3A_92] : memref<4x128xi32, #tpu.memory_space<vmem>> -> memref<1x128xi32, #tpu.memory_space<vmem>>
      %dma_start3A_94 = tpu.memref_squeeze %dma_start3A_93 : memref<1x128xi32, #tpu.memory_space<vmem>> -> memref<128xi32, #tpu.memory_space<vmem>>
      %dma_start3A_95 = arith.constant 0 : i32
      %dma_start3A_96 = arith.constant 0 : i32
      %dma_start3A_97 = tpu.memref_slice %arg11[%dma_start3A_95, %dma_start3A_96] : memref<2944x32xf32, #tpu.memory_space<vmem_shared>> -> memref<2944x32xf32, #tpu.memory_space<vmem_shared>>
      tpu.enqueue_indirect_dma source(%arg8 : memref<128x32xf32, #tpu.memory_space<vmem>>) target(%dma_start3A_97 : memref<2944x32xf32, #tpu.memory_space<vmem_shared>>) offsets(%dma_start3A_94 : memref<128xi32, #tpu.memory_space<vmem>>) semaphore(%arg15 : memref<!tpu.dma_semaphore, #tpu.memory_space<semaphore_mem>>) {add = true}
      %add3A_98 = arith.constant 2 : i32
      %add3A_99 = arith.addi %mul3A_75, %add3A_98 : i32
      %lt3A = arith.constant 4 : i32
      %lt3A_100 = arith.cmpi slt, %add3A_99, %lt3A : i32
      %convert_element_type3A_101 = arith.extui %lt3A_100 : i1 to i32
      %cond3A_102 = arith.constant 0 : i32
      %cond3A_103 = arith.cmpi ne, %convert_element_type3A_101, %cond3A_102 : i32
      scf.if %cond3A_103 {
        %dma_wait3A_120 = arith.constant 0 : i32
        %dma_wait3A_121 = tpu.memref_slice %arg7[%mul3A_75, %dma_wait3A_120] : memref<4x128xi32, #tpu.memory_space<vmem>> -> memref<1x128xi32, #tpu.memory_space<vmem>>
        %dma_wait3A_122 = tpu.memref_squeeze %dma_wait3A_121 : memref<1x128xi32, #tpu.memory_space<vmem>> -> memref<128xi32, #tpu.memory_space<vmem>>
        %dma_wait3A_123 = arith.constant 0 : i32
        %dma_wait3A_124 = arith.constant 0 : i32
        %dma_wait3A_125 = tpu.memref_slice %arg11[%dma_wait3A_123, %dma_wait3A_124] : memref<2944x32xf32, #tpu.memory_space<vmem_shared>> -> memref<2944x32xf32, #tpu.memory_space<vmem_shared>>
        tpu.wait_indirect_dma semaphore(%arg15 : memref<!tpu.dma_semaphore, #tpu.memory_space<semaphore_mem>>) src(%arg8 : memref<128x32xf32, #tpu.memory_space<vmem>>) dst(%dma_wait3A_125 : memref<2944x32xf32, #tpu.memory_space<vmem_shared>>)
        %add3A_126 = arith.constant 2 : i32
        %add3A_127 = arith.addi %mul3A_75, %add3A_126 : i32
        %dma_start3A_128 = arith.constant 0 : i32
        %dma_start3A_129 = tpu.memref_slice %arg6[%add3A_127, %dma_start3A_128] : memref<4x128xi32, #tpu.memory_space<vmem>> -> memref<1x128xi32, #tpu.memory_space<vmem>>
        %dma_start3A_130 = tpu.memref_squeeze %dma_start3A_129 : memref<1x128xi32, #tpu.memory_space<vmem>> -> memref<128xi32, #tpu.memory_space<vmem>>
        %dma_start3A_131 = arith.constant 0 : i32
        %dma_start3A_132 = arith.constant 0 : i32
        %dma_start3A_133 = tpu.memref_slice %arg2[%dma_start3A_131, %dma_start3A_132] : memref<2944x32xf32, #tpu.memory_space<hbm>> -> memref<2944x32xf32, #tpu.memory_space<hbm>>
        tpu.enqueue_indirect_dma source(%dma_start3A_133 : memref<2944x32xf32, #tpu.memory_space<hbm>>) target(%arg8 : memref<128x32xf32, #tpu.memory_space<vmem>>) offsets(%dma_start3A_130 : memref<128xi32, #tpu.memory_space<vmem>>) semaphore(%arg13 : memref<!tpu.dma_semaphore, #tpu.memory_space<semaphore_mem>>)
      } else {
      }
      %add3A_104 = arith.constant 1 : i32
      %add3A_105 = arith.addi %mul3A_75, %add3A_104 : i32
      %dma_wait3A_106 = arith.constant 0 : i32
      %dma_wait3A_107 = tpu.memref_slice %arg6[%add3A_105, %dma_wait3A_106] : memref<4x128xi32, #tpu.memory_space<vmem>> -> memref<1x128xi32, #tpu.memory_space<vmem>>
      %dma_wait3A_108 = tpu.memref_squeeze %dma_wait3A_107 : memref<1x128xi32, #tpu.memory_space<vmem>> -> memref<128xi32, #tpu.memory_space<vmem>>
      %dma_wait3A_109 = arith.constant 0 : i32
      %dma_wait3A_110 = arith.constant 0 : i32
      %dma_wait3A_111 = tpu.memref_slice %arg2[%dma_wait3A_109, %dma_wait3A_110] : memref<2944x32xf32, #tpu.memory_space<hbm>> -> memref<2944x32xf32, #tpu.memory_space<hbm>>
      tpu.wait_indirect_dma semaphore(%arg14 : memref<!tpu.dma_semaphore, #tpu.memory_space<semaphore_mem>>) src(%dma_wait3A_111 : memref<2944x32xf32, #tpu.memory_space<hbm>>) dst(%arg9 : memref<128x32xf32, #tpu.memory_space<vmem>>)
      %add3A_112 = arith.constant 1 : i32
      %add3A_113 = arith.addi %mul3A_75, %add3A_112 : i32
      %dma_start3A_114 = arith.constant 0 : i32
      %dma_start3A_115 = tpu.memref_slice %arg7[%add3A_113, %dma_start3A_114] : memref<4x128xi32, #tpu.memory_space<vmem>> -> memref<1x128xi32, #tpu.memory_space<vmem>>
      %dma_start3A_116 = tpu.memref_squeeze %dma_start3A_115 : memref<1x128xi32, #tpu.memory_space<vmem>> -> memref<128xi32, #tpu.memory_space<vmem>>
      %dma_start3A_117 = arith.constant 0 : i32
      %dma_start3A_118 = arith.constant 0 : i32
      %dma_start3A_119 = tpu.memref_slice %arg11[%dma_start3A_117, %dma_start3A_118] : memref<2944x32xf32, #tpu.memory_space<vmem_shared>> -> memref<2944x32xf32, #tpu.memory_space<vmem_shared>>
      tpu.enqueue_indirect_dma source(%arg9 : memref<128x32xf32, #tpu.memory_space<vmem>>) target(%dma_start3A_119 : memref<2944x32xf32, #tpu.memory_space<vmem_shared>>) offsets(%dma_start3A_116 : memref<128xi32, #tpu.memory_space<vmem>>) semaphore(%arg16 : memref<!tpu.dma_semaphore, #tpu.memory_space<semaphore_mem>>) {add = true}
    }
    %scan3A_53 = arith.constant 2 : i32
    %dma_wait3A_54 = arith.constant 2 : i32
    %dma_wait3A_55 = arith.constant 0 : i32
    %dma_wait3A_56 = tpu.memref_slice %arg7[%dma_wait3A_54, %dma_wait3A_55] : memref<4x128xi32, #tpu.memory_space<vmem>> -> memref<1x128xi32, #tpu.memory_space<vmem>>
    %dma_wait3A_57 = tpu.memref_squeeze %dma_wait3A_56 : memref<1x128xi32, #tpu.memory_space<vmem>> -> memref<128xi32, #tpu.memory_space<vmem>>
    %dma_wait3A_58 = arith.constant 0 : i32
    %dma_wait3A_59 = arith.constant 0 : i32
    %dma_wait3A_60 = tpu.memref_slice %arg11[%dma_wait3A_58, %dma_wait3A_59] : memref<2944x32xf32, #tpu.memory_space<vmem_shared>> -> memref<2944x32xf32, #tpu.memory_space<vmem_shared>>
    tpu.wait_indirect_dma semaphore(%arg15 : memref<!tpu.dma_semaphore, #tpu.memory_space<semaphore_mem>>) src(%arg8 : memref<128x32xf32, #tpu.memory_space<vmem>>) dst(%dma_wait3A_60 : memref<2944x32xf32, #tpu.memory_space<vmem_shared>>)
    %dma_wait3A_61 = arith.constant 3 : i32
    %dma_wait3A_62 = arith.constant 0 : i32
    %dma_wait3A_63 = tpu.memref_slice %arg7[%dma_wait3A_61, %dma_wait3A_62] : memref<4x128xi32, #tpu.memory_space<vmem>> -> memref<1x128xi32, #tpu.memory_space<vmem>>
    %dma_wait3A_64 = tpu.memref_squeeze %dma_wait3A_63 : memref<1x128xi32, #tpu.memory_space<vmem>> -> memref<128xi32, #tpu.memory_space<vmem>>
    %dma_wait3A_65 = arith.constant 0 : i32
    %dma_wait3A_66 = arith.constant 0 : i32
    %dma_wait3A_67 = tpu.memref_slice %arg11[%dma_wait3A_65, %dma_wait3A_66] : memref<2944x32xf32, #tpu.memory_space<vmem_shared>> -> memref<2944x32xf32, #tpu.memory_space<vmem_shared>>
    tpu.wait_indirect_dma semaphore(%arg16 : memref<!tpu.dma_semaphore, #tpu.memory_space<semaphore_mem>>) src(%arg9 : memref<128x32xf32, #tpu.memory_space<vmem>>) dst(%dma_wait3A_67 : memref<2944x32xf32, #tpu.memory_space<vmem_shared>>)
    %barrier3A_68 = arith.constant 0 : index
    tpu.barrier barrier_id(%barrier3A_68)
    %mul3A_69 = arith.constant 184 : i32
    %mul3A_70 = arith.muli %arg1, %mul3A_69 : i32
    %mul3A_71 = arith.constant 184 : i32
    %mul3A_72 = arith.muli %arg1, %mul3A_71 : i32
    "tpu.region"() ({
      %run_scoped3A = tpu.sem_alloc : memref<!tpu.dma_semaphore, #tpu.memory_space<semaphore_mem>>
      %dma_start3A_73 = arith.constant 0 : i32
      %dma_start3A_74 = tpu.memref_slice %arg5[%arg0, %mul3A_72, %dma_start3A_73] : memref<2x2944x32xf32, #tpu.memory_space<hbm>> -> memref<1x184x32xf32, #tpu.memory_space<hbm>>
      %dma_start3A_75 = tpu.memref_squeeze %dma_start3A_74 : memref<1x184x32xf32, #tpu.memory_space<hbm>> -> memref<184x32xf32, #tpu.memory_space<hbm>>
      %dma_start3A_76 = arith.constant 0 : i32
      %dma_start3A_77 = tpu.memref_slice %arg11[%mul3A_70, %dma_start3A_76] : memref<2944x32xf32, #tpu.memory_space<vmem_shared>> -> memref<184x32xf32, #tpu.memory_space<vmem_shared>>
      tpu.enqueue_dma source(%dma_start3A_77 : memref<184x32xf32, #tpu.memory_space<vmem_shared>>) target(%dma_start3A_75 : memref<184x32xf32, #tpu.memory_space<hbm>>) target_semaphore(%run_scoped3A : memref<!tpu.dma_semaphore, #tpu.memory_space<semaphore_mem>>)
      %dma_wait3A_78 = arith.constant 0 : i32
      %dma_wait3A_79 = tpu.memref_slice %arg5[%arg0, %mul3A_72, %dma_wait3A_78] : memref<2x2944x32xf32, #tpu.memory_space<hbm>> -> memref<1x184x32xf32, #tpu.memory_space<hbm>>
      %dma_wait3A_80 = tpu.memref_squeeze %dma_wait3A_79 : memref<1x184x32xf32, #tpu.memory_space<hbm>> -> memref<184x32xf32, #tpu.memory_space<hbm>>
      %dma_wait3A_81 = arith.constant 0 : i32
      %dma_wait3A_82 = tpu.memref_slice %arg11[%mul3A_70, %dma_wait3A_81] : memref<2944x32xf32, #tpu.memory_space<vmem_shared>> -> memref<184x32xf32, #tpu.memory_space<vmem_shared>>
      tpu.wait_dma2 semaphore(%run_scoped3A : memref<!tpu.dma_semaphore, #tpu.memory_space<semaphore_mem>>) src(%dma_wait3A_82 : memref<184x32xf32, #tpu.memory_space<vmem_shared>>) dst(%dma_wait3A_80 : memref<184x32xf32, #tpu.memory_space<hbm>>)
      tpu.yield
    }) : () -> ()
    return
  }
}

#map = affine_map<(d0, d1) -> (0, 0, 0)>
module attributes {stable_mosaic.version = 14 : i64} {
  func.func @kfn(%arg0: i32, %arg1: i32, %arg2: memref<32x46x128xi32, #tpu.memory_space<hbm>>, %arg3: memref<32x16x128xi32, #tpu.memory_space<hbm>>, %arg4: memref<2x47104x16xf32, #tpu.memory_space<hbm>>, %arg5: memref<2x14720x16xf32, #tpu.memory_space<hbm>>, %arg6: memref<46x128xi32, #tpu.memory_space<vmem>>, %arg7: memref<16x128xi32, #tpu.memory_space<vmem>>, %arg8: memref<128x16xf32, #tpu.memory_space<vmem>>, %arg9: memref<920x16xf32, #tpu.memory_space<vmem>>, %arg10: memref<47104x16xf32, #tpu.memory_space<vmem_shared>>, %arg11: memref<14720x16xf32, #tpu.memory_space<vmem_shared>>, %arg12: memref<!tpu.dma_semaphore, #tpu.memory_space<semaphore_mem>>) attributes {dimension_semantics = [#tpu.dimension_semantics<core_parallel>, #tpu.dimension_semantics<subcore_parallel>], iteration_bounds = array<i64: 2, 16>, scalar_prefetch = 0 : i64, scratch_operands = 7 : i64, tpu.core_type = #tpu.core_type<sc_vector_subcore>, window_params = [{transform_indices = #map}, {transform_indices = #map}, {transform_indices = #map}, {transform_indices = #map}]} {
    %mul3A = arith.constant 16 : i32
    %mul3A_0 = arith.muli %arg0, %mul3A : i32
    %add3A = arith.addi %mul3A_0, %arg1 : i32
    %scan3A = arith.constant 0 : i32
    %scan3A_1 = arith.constant 920 : i32
    %scan3A_2 = arith.addi %scan3A, %scan3A_1 : i32
    %scan3A_3 = arith.constant 1 : i32
    scf.for %scan3A_36 = %scan3A to %scan3A_2 step %scan3A_3  : i32 {
      %broadcast_in_dim3A = arith.constant 0.000000e+00 : f32
      %broadcast_in_dim3A_37 = vector.broadcast %broadcast_in_dim3A : f32 to vector<16xf32>
      %swap3A = arith.index_cast %scan3A_36 : i32 to index
      %swap3A_38 = arith.constant 0 : index
      %swap3A_39 = tpu.vector_load %arg9[%swap3A, %swap3A_38] {strides = array<i32>} : memref<920x16xf32, #tpu.memory_space<vmem>>, vector<1x16xf32>,
      %swap3A_40 = vector.shape_cast %swap3A_39 : vector<1x16xf32> to vector<16xf32>
      %swap3A_41 = vector.shape_cast %broadcast_in_dim3A_37 : vector<16xf32> to vector<1x16xf32>
      tpu.vector_store %arg9[%swap3A, %swap3A_38], %swap3A_41 {strides = array<i32>} : memref<920x16xf32, #tpu.memory_space<vmem>>, vector<1x16xf32>,
    }
    %scan3A_4 = arith.constant 920 : i32
    %scan3A_5 = arith.constant 0 : i32
    %scan3A_6 = arith.constant 128 : i32
    %scan3A_7 = arith.addi %scan3A_5, %scan3A_6 : i32
    %scan3A_8 = arith.constant 1 : i32
    scf.for %scan3A_36 = %scan3A_5 to %scan3A_7 step %scan3A_8  : i32 {
      %broadcast_in_dim3A = arith.constant 1.000000e+00 : f32
      %broadcast_in_dim3A_37 = vector.broadcast %broadcast_in_dim3A : f32 to vector<16xf32>
      %swap3A = arith.index_cast %scan3A_36 : i32 to index
      %swap3A_38 = arith.constant 0 : index
      %swap3A_39 = tpu.vector_load %arg8[%swap3A, %swap3A_38] {strides = array<i32>} : memref<128x16xf32, #tpu.memory_space<vmem>>, vector<1x16xf32>,
      %swap3A_40 = vector.shape_cast %swap3A_39 : vector<1x16xf32> to vector<16xf32>
      %swap3A_41 = vector.shape_cast %broadcast_in_dim3A_37 : vector<16xf32> to vector<1x16xf32>
      tpu.vector_store %arg8[%swap3A, %swap3A_38], %swap3A_41 {strides = array<i32>} : memref<128x16xf32, #tpu.memory_space<vmem>>, vector<1x16xf32>,
    }
    %scan3A_9 = arith.constant 128 : i32
    %scan3A_10 = arith.constant 0 : i32
    %scan3A_11 = arith.constant 4 : i32
    %scan3A_12 = arith.addi %scan3A_10, %scan3A_11 : i32
    %scan3A_13 = arith.constant 1 : i32
    scf.for %scan3A_36 = %scan3A_10 to %scan3A_12 step %scan3A_13  : i32 {
      %mul3A_37 = arith.constant 2944 : i32
      %mul3A_38 = arith.muli %arg1, %mul3A_37 : i32
      %mul3A_39 = arith.constant 736 : i32
      %mul3A_40 = arith.muli %scan3A_36, %mul3A_39 : i32
      %add3A_41 = arith.addi %mul3A_38, %mul3A_40 : i32
      "tpu.region"() ({
        %run_scoped3A = tpu.sem_alloc : memref<!tpu.dma_semaphore, #tpu.memory_space<semaphore_mem>>
        %dma_start3A = arith.constant 0 : i32
        %dma_start3A_42 = arith.constant 0 : i32
        %dma_start3A_43 = tpu.memref_slice %arg9[%dma_start3A, %dma_start3A_42] : memref<920x16xf32, #tpu.memory_space<vmem>> -> memref<736x16xf32, #tpu.memory_space<vmem>>
        %dma_start3A_44 = arith.constant 0 : i32
        %dma_start3A_45 = tpu.memref_slice %arg10[%add3A_41, %dma_start3A_44] : memref<47104x16xf32, #tpu.memory_space<vmem_shared>> -> memref<736x16xf32, #tpu.memory_space<vmem_shared>>
        %dma_start3A_46 = arith.constant 0 : i32
        %dma_start3A_47 = tpu.memref_slice %arg10[%add3A_41, %dma_start3A_46] : memref<47104x16xf32, #tpu.memory_space<vmem_shared>> -> memref<736x16xf32, #tpu.memory_space<vmem_shared>>
        %dma_start3A_48 = arith.constant 0 : i32
        %dma_start3A_49 = arith.constant 0 : i32
        %dma_start3A_50 = tpu.memref_slice %arg9[%dma_start3A_48, %dma_start3A_49] : memref<920x16xf32, #tpu.memory_space<vmem>> -> memref<736x16xf32, #tpu.memory_space<vmem>>
        tpu.enqueue_dma source(%dma_start3A_50 : memref<736x16xf32, #tpu.memory_space<vmem>>) target(%dma_start3A_47 : memref<736x16xf32, #tpu.memory_space<vmem_shared>>) target_semaphore(%run_scoped3A : memref<!tpu.dma_semaphore, #tpu.memory_space<semaphore_mem>>)
        %dma_wait3A = arith.constant 0 : i32
        %dma_wait3A_51 = arith.constant 0 : i32
        %dma_wait3A_52 = tpu.memref_slice %arg9[%dma_wait3A, %dma_wait3A_51] : memref<920x16xf32, #tpu.memory_space<vmem>> -> memref<736x16xf32, #tpu.memory_space<vmem>>
        %dma_wait3A_53 = arith.constant 0 : i32
        %dma_wait3A_54 = tpu.memref_slice %arg10[%add3A_41, %dma_wait3A_53] : memref<47104x16xf32, #tpu.memory_space<vmem_shared>> -> memref<736x16xf32, #tpu.memory_space<vmem_shared>>
        %dma_wait3A_55 = arith.constant 0 : i32
        %dma_wait3A_56 = tpu.memref_slice %arg10[%add3A_41, %dma_wait3A_55] : memref<47104x16xf32, #tpu.memory_space<vmem_shared>> -> memref<736x16xf32, #tpu.memory_space<vmem_shared>>
        %dma_wait3A_57 = arith.constant 0 : i32
        %dma_wait3A_58 = arith.constant 0 : i32
        %dma_wait3A_59 = tpu.memref_slice %arg9[%dma_wait3A_57, %dma_wait3A_58] : memref<920x16xf32, #tpu.memory_space<vmem>> -> memref<736x16xf32, #tpu.memory_space<vmem>>
        tpu.wait_dma2 semaphore(%run_scoped3A : memref<!tpu.dma_semaphore, #tpu.memory_space<semaphore_mem>>) src(%dma_wait3A_59 : memref<736x16xf32, #tpu.memory_space<vmem>>) dst(%dma_wait3A_56 : memref<736x16xf32, #tpu.memory_space<vmem_shared>>)
        tpu.yield
      }) : () -> ()
    }
    %scan3A_14 = arith.constant 4 : i32
    %mul3A_15 = arith.constant 920 : i32
    %mul3A_16 = arith.muli %arg1, %mul3A_15 : i32
    "tpu.region"() ({
      %run_scoped3A = tpu.sem_alloc : memref<!tpu.dma_semaphore, #tpu.memory_space<semaphore_mem>>
      %dma_start3A = arith.constant 0 : i32
      %dma_start3A_36 = tpu.memref_slice %arg11[%mul3A_16, %dma_start3A] : memref<14720x16xf32, #tpu.memory_space<vmem_shared>> -> memref<920x16xf32, #tpu.memory_space<vmem_shared>>
      %dma_start3A_37 = arith.constant 0 : i32
      %dma_start3A_38 = tpu.memref_slice %arg11[%mul3A_16, %dma_start3A_37] : memref<14720x16xf32, #tpu.memory_space<vmem_shared>> -> memref<920x16xf32, #tpu.memory_space<vmem_shared>>
      tpu.enqueue_dma source(%arg9 : memref<920x16xf32, #tpu.memory_space<vmem>>) target(%dma_start3A_38 : memref<920x16xf32, #tpu.memory_space<vmem_shared>>) target_semaphore(%run_scoped3A : memref<!tpu.dma_semaphore, #tpu.memory_space<semaphore_mem>>)
      %dma_wait3A = arith.constant 0 : i32
      %dma_wait3A_39 = tpu.memref_slice %arg11[%mul3A_16, %dma_wait3A] : memref<14720x16xf32, #tpu.memory_space<vmem_shared>> -> memref<920x16xf32, #tpu.memory_space<vmem_shared>>
      %dma_wait3A_40 = arith.constant 0 : i32
      %dma_wait3A_41 = tpu.memref_slice %arg11[%mul3A_16, %dma_wait3A_40] : memref<14720x16xf32, #tpu.memory_space<vmem_shared>> -> memref<920x16xf32, #tpu.memory_space<vmem_shared>>
      tpu.wait_dma2 semaphore(%run_scoped3A : memref<!tpu.dma_semaphore, #tpu.memory_space<semaphore_mem>>) src(%arg9 : memref<920x16xf32, #tpu.memory_space<vmem>>) dst(%dma_wait3A_41 : memref<920x16xf32, #tpu.memory_space<vmem_shared>>)
      tpu.yield
    }) : () -> ()
    "tpu.region"() ({
      %run_scoped3A = tpu.sem_alloc : memref<!tpu.dma_semaphore, #tpu.memory_space<semaphore_mem>>
      %dma_start3A = arith.constant 0 : i32
      %dma_start3A_36 = arith.constant 0 : i32
      %dma_start3A_37 = tpu.memref_slice %arg2[%add3A, %dma_start3A, %dma_start3A_36] : memref<32x46x128xi32, #tpu.memory_space<hbm>> -> memref<1x46x128xi32, #tpu.memory_space<hbm>>
      %dma_start3A_38 = tpu.memref_squeeze %dma_start3A_37 : memref<1x46x128xi32, #tpu.memory_space<hbm>> -> memref<46x128xi32, #tpu.memory_space<hbm>>
      %dma_start3A_39 = arith.constant 0 : i32
      %dma_start3A_40 = arith.constant 0 : i32
      %dma_start3A_41 = tpu.memref_slice %arg2[%add3A, %dma_start3A_39, %dma_start3A_40] : memref<32x46x128xi32, #tpu.memory_space<hbm>> -> memref<1x46x128xi32, #tpu.memory_space<hbm>>
      %dma_start3A_42 = tpu.memref_squeeze %dma_start3A_41 : memref<1x46x128xi32, #tpu.memory_space<hbm>> -> memref<46x128xi32, #tpu.memory_space<hbm>>
      tpu.enqueue_dma source(%dma_start3A_42 : memref<46x128xi32, #tpu.memory_space<hbm>>) target(%arg6 : memref<46x128xi32, #tpu.memory_space<vmem>>) target_semaphore(%run_scoped3A : memref<!tpu.dma_semaphore, #tpu.memory_space<semaphore_mem>>)
      %dma_wait3A = arith.constant 0 : i32
      %dma_wait3A_43 = arith.constant 0 : i32
      %dma_wait3A_44 = tpu.memref_slice %arg2[%add3A, %dma_wait3A, %dma_wait3A_43] : memref<32x46x128xi32, #tpu.memory_space<hbm>> -> memref<1x46x128xi32, #tpu.memory_space<hbm>>
      %dma_wait3A_45 = tpu.memref_squeeze %dma_wait3A_44 : memref<1x46x128xi32, #tpu.memory_space<hbm>> -> memref<46x128xi32, #tpu.memory_space<hbm>>
      %dma_wait3A_46 = arith.constant 0 : i32
      %dma_wait3A_47 = arith.constant 0 : i32
      %dma_wait3A_48 = tpu.memref_slice %arg2[%add3A, %dma_wait3A_46, %dma_wait3A_47] : memref<32x46x128xi32, #tpu.memory_space<hbm>> -> memref<1x46x128xi32, #tpu.memory_space<hbm>>
      %dma_wait3A_49 = tpu.memref_squeeze %dma_wait3A_48 : memref<1x46x128xi32, #tpu.memory_space<hbm>> -> memref<46x128xi32, #tpu.memory_space<hbm>>
      tpu.wait_dma2 semaphore(%run_scoped3A : memref<!tpu.dma_semaphore, #tpu.memory_space<semaphore_mem>>) src(%dma_wait3A_49 : memref<46x128xi32, #tpu.memory_space<hbm>>) dst(%arg6 : memref<46x128xi32, #tpu.memory_space<vmem>>)
      tpu.yield
    }) : () -> ()
    "tpu.region"() ({
      %run_scoped3A = tpu.sem_alloc : memref<!tpu.dma_semaphore, #tpu.memory_space<semaphore_mem>>
      %dma_start3A = arith.constant 0 : i32
      %dma_start3A_36 = arith.constant 0 : i32
      %dma_start3A_37 = tpu.memref_slice %arg3[%add3A, %dma_start3A, %dma_start3A_36] : memref<32x16x128xi32, #tpu.memory_space<hbm>> -> memref<1x16x128xi32, #tpu.memory_space<hbm>>
      %dma_start3A_38 = tpu.memref_squeeze %dma_start3A_37 : memref<1x16x128xi32, #tpu.memory_space<hbm>> -> memref<16x128xi32, #tpu.memory_space<hbm>>
      %dma_start3A_39 = arith.constant 0 : i32
      %dma_start3A_40 = arith.constant 0 : i32
      %dma_start3A_41 = tpu.memref_slice %arg3[%add3A, %dma_start3A_39, %dma_start3A_40] : memref<32x16x128xi32, #tpu.memory_space<hbm>> -> memref<1x16x128xi32, #tpu.memory_space<hbm>>
      %dma_start3A_42 = tpu.memref_squeeze %dma_start3A_41 : memref<1x16x128xi32, #tpu.memory_space<hbm>> -> memref<16x128xi32, #tpu.memory_space<hbm>>
      tpu.enqueue_dma source(%dma_start3A_42 : memref<16x128xi32, #tpu.memory_space<hbm>>) target(%arg7 : memref<16x128xi32, #tpu.memory_space<vmem>>) target_semaphore(%run_scoped3A : memref<!tpu.dma_semaphore, #tpu.memory_space<semaphore_mem>>)
      %dma_wait3A = arith.constant 0 : i32
      %dma_wait3A_43 = arith.constant 0 : i32
      %dma_wait3A_44 = tpu.memref_slice %arg3[%add3A, %dma_wait3A, %dma_wait3A_43] : memref<32x16x128xi32, #tpu.memory_space<hbm>> -> memref<1x16x128xi32, #tpu.memory_space<hbm>>
      %dma_wait3A_45 = tpu.memref_squeeze %dma_wait3A_44 : memref<1x16x128xi32, #tpu.memory_space<hbm>> -> memref<16x128xi32, #tpu.memory_space<hbm>>
      %dma_wait3A_46 = arith.constant 0 : i32
      %dma_wait3A_47 = arith.constant 0 : i32
      %dma_wait3A_48 = tpu.memref_slice %arg3[%add3A, %dma_wait3A_46, %dma_wait3A_47] : memref<32x16x128xi32, #tpu.memory_space<hbm>> -> memref<1x16x128xi32, #tpu.memory_space<hbm>>
      %dma_wait3A_49 = tpu.memref_squeeze %dma_wait3A_48 : memref<1x16x128xi32, #tpu.memory_space<hbm>> -> memref<16x128xi32, #tpu.memory_space<hbm>>
      tpu.wait_dma2 semaphore(%run_scoped3A : memref<!tpu.dma_semaphore, #tpu.memory_space<semaphore_mem>>) src(%dma_wait3A_49 : memref<16x128xi32, #tpu.memory_space<hbm>>) dst(%arg7 : memref<16x128xi32, #tpu.memory_space<vmem>>)
      tpu.yield
    }) : () -> ()
    %barrier3A = arith.constant 0 : index
    tpu.barrier barrier_id(%barrier3A)
    %scan3A_17 = arith.constant 0 : i32
    %scan3A_18 = arith.constant 46 : i32
    %scan3A_19 = arith.addi %scan3A_17, %scan3A_18 : i32
    %scan3A_20 = arith.constant 1 : i32
    scf.for %scan3A_36 = %scan3A_17 to %scan3A_19 step %scan3A_20  : i32 {
      "tpu.region"() ({
        %run_scoped3A = tpu.sem_alloc : memref<!tpu.dma_semaphore, #tpu.memory_space<semaphore_mem>>
        %dma_start3A = arith.constant 0 : i32
        %dma_start3A_37 = tpu.memref_slice %arg6[%scan3A_36, %dma_start3A] : memref<46x128xi32, #tpu.memory_space<vmem>> -> memref<1x128xi32, #tpu.memory_space<vmem>>
        %dma_start3A_38 = tpu.memref_squeeze %dma_start3A_37 : memref<1x128xi32, #tpu.memory_space<vmem>> -> memref<128xi32, #tpu.memory_space<vmem>>
        %dma_start3A_39 = arith.constant 0 : i32
        %dma_start3A_40 = arith.constant 0 : i32
        %dma_start3A_41 = tpu.memref_slice %arg10[%dma_start3A_39, %dma_start3A_40] : memref<47104x16xf32, #tpu.memory_space<vmem_shared>> -> memref<47104x16xf32, #tpu.memory_space<vmem_shared>>
        tpu.enqueue_indirect_dma source(%arg8 : memref<128x16xf32, #tpu.memory_space<vmem>>) target(%dma_start3A_41 : memref<47104x16xf32, #tpu.memory_space<vmem_shared>>) offsets(%dma_start3A_38 : memref<128xi32, #tpu.memory_space<vmem>>) semaphore(%run_scoped3A : memref<!tpu.dma_semaphore, #tpu.memory_space<semaphore_mem>>) {add = true}
        %dma_wait3A = arith.constant 0 : i32
        %dma_wait3A_42 = tpu.memref_slice %arg6[%scan3A_36, %dma_wait3A] : memref<46x128xi32, #tpu.memory_space<vmem>> -> memref<1x128xi32, #tpu.memory_space<vmem>>
        %dma_wait3A_43 = tpu.memref_squeeze %dma_wait3A_42 : memref<1x128xi32, #tpu.memory_space<vmem>> -> memref<128xi32, #tpu.memory_space<vmem>>
        %dma_wait3A_44 = arith.constant 0 : i32
        %dma_wait3A_45 = arith.constant 0 : i32
        %dma_wait3A_46 = tpu.memref_slice %arg10[%dma_wait3A_44, %dma_wait3A_45] : memref<47104x16xf32, #tpu.memory_space<vmem_shared>> -> memref<47104x16xf32, #tpu.memory_space<vmem_shared>>
        tpu.wait_indirect_dma semaphore(%run_scoped3A : memref<!tpu.dma_semaphore, #tpu.memory_space<semaphore_mem>>) src(%arg8 : memref<128x16xf32, #tpu.memory_space<vmem>>) dst(%dma_wait3A_46 : memref<47104x16xf32, #tpu.memory_space<vmem_shared>>)
        tpu.yield
      }) : () -> ()
    }
    %scan3A_21 = arith.constant 46 : i32
    %scan3A_22 = arith.constant 0 : i32
    %scan3A_23 = arith.constant 16 : i32
    %scan3A_24 = arith.addi %scan3A_22, %scan3A_23 : i32
    %scan3A_25 = arith.constant 1 : i32
    scf.for %scan3A_36 = %scan3A_22 to %scan3A_24 step %scan3A_25  : i32 {
      "tpu.region"() ({
        %run_scoped3A = tpu.sem_alloc : memref<!tpu.dma_semaphore, #tpu.memory_space<semaphore_mem>>
        %dma_start3A = arith.constant 0 : i32
        %dma_start3A_37 = tpu.memref_slice %arg7[%scan3A_36, %dma_start3A] : memref<16x128xi32, #tpu.memory_space<vmem>> -> memref<1x128xi32, #tpu.memory_space<vmem>>
        %dma_start3A_38 = tpu.memref_squeeze %dma_start3A_37 : memref<1x128xi32, #tpu.memory_space<vmem>> -> memref<128xi32, #tpu.memory_space<vmem>>
        %dma_start3A_39 = arith.constant 0 : i32
        %dma_start3A_40 = arith.constant 0 : i32
        %dma_start3A_41 = tpu.memref_slice %arg11[%dma_start3A_39, %dma_start3A_40] : memref<14720x16xf32, #tpu.memory_space<vmem_shared>> -> memref<14720x16xf32, #tpu.memory_space<vmem_shared>>
        tpu.enqueue_indirect_dma source(%arg8 : memref<128x16xf32, #tpu.memory_space<vmem>>) target(%dma_start3A_41 : memref<14720x16xf32, #tpu.memory_space<vmem_shared>>) offsets(%dma_start3A_38 : memref<128xi32, #tpu.memory_space<vmem>>) semaphore(%run_scoped3A : memref<!tpu.dma_semaphore, #tpu.memory_space<semaphore_mem>>) {add = true}
        %dma_wait3A = arith.constant 0 : i32
        %dma_wait3A_42 = tpu.memref_slice %arg7[%scan3A_36, %dma_wait3A] : memref<16x128xi32, #tpu.memory_space<vmem>> -> memref<1x128xi32, #tpu.memory_space<vmem>>
        %dma_wait3A_43 = tpu.memref_squeeze %dma_wait3A_42 : memref<1x128xi32, #tpu.memory_space<vmem>> -> memref<128xi32, #tpu.memory_space<vmem>>
        %dma_wait3A_44 = arith.constant 0 : i32
        %dma_wait3A_45 = arith.constant 0 : i32
        %dma_wait3A_46 = tpu.memref_slice %arg11[%dma_wait3A_44, %dma_wait3A_45] : memref<14720x16xf32, #tpu.memory_space<vmem_shared>> -> memref<14720x16xf32, #tpu.memory_space<vmem_shared>>
        tpu.wait_indirect_dma semaphore(%run_scoped3A : memref<!tpu.dma_semaphore, #tpu.memory_space<semaphore_mem>>) src(%arg8 : memref<128x16xf32, #tpu.memory_space<vmem>>) dst(%dma_wait3A_46 : memref<14720x16xf32, #tpu.memory_space<vmem_shared>>)
        tpu.yield
      }) : () -> ()
    }
    %scan3A_26 = arith.constant 16 : i32
    %barrier3A_27 = arith.constant 0 : index
    tpu.barrier barrier_id(%barrier3A_27)
    %mul3A_28 = arith.constant 2944 : i32
    %mul3A_29 = arith.muli %arg1, %mul3A_28 : i32
    %mul3A_30 = arith.constant 2944 : i32
    %mul3A_31 = arith.muli %arg1, %mul3A_30 : i32
    "tpu.region"() ({
      %run_scoped3A = tpu.sem_alloc : memref<!tpu.dma_semaphore, #tpu.memory_space<semaphore_mem>>
      %dma_start3A = arith.constant 0 : i32
      %dma_start3A_36 = tpu.memref_slice %arg4[%arg0, %mul3A_31, %dma_start3A] : memref<2x47104x16xf32, #tpu.memory_space<hbm>> -> memref<1x2944x16xf32, #tpu.memory_space<hbm>>
      %dma_start3A_37 = tpu.memref_squeeze %dma_start3A_36 : memref<1x2944x16xf32, #tpu.memory_space<hbm>> -> memref<2944x16xf32, #tpu.memory_space<hbm>>
      %dma_start3A_38 = arith.constant 0 : i32
      %dma_start3A_39 = tpu.memref_slice %arg10[%mul3A_29, %dma_start3A_38] : memref<47104x16xf32, #tpu.memory_space<vmem_shared>> -> memref<2944x16xf32, #tpu.memory_space<vmem_shared>>
      tpu.enqueue_dma source(%dma_start3A_39 : memref<2944x16xf32, #tpu.memory_space<vmem_shared>>) target(%dma_start3A_37 : memref<2944x16xf32, #tpu.memory_space<hbm>>) target_semaphore(%run_scoped3A : memref<!tpu.dma_semaphore, #tpu.memory_space<semaphore_mem>>)
      %dma_wait3A = arith.constant 0 : i32
      %dma_wait3A_40 = tpu.memref_slice %arg4[%arg0, %mul3A_31, %dma_wait3A] : memref<2x47104x16xf32, #tpu.memory_space<hbm>> -> memref<1x2944x16xf32, #tpu.memory_space<hbm>>
      %dma_wait3A_41 = tpu.memref_squeeze %dma_wait3A_40 : memref<1x2944x16xf32, #tpu.memory_space<hbm>> -> memref<2944x16xf32, #tpu.memory_space<hbm>>
      %dma_wait3A_42 = arith.constant 0 : i32
      %dma_wait3A_43 = tpu.memref_slice %arg10[%mul3A_29, %dma_wait3A_42] : memref<47104x16xf32, #tpu.memory_space<vmem_shared>> -> memref<2944x16xf32, #tpu.memory_space<vmem_shared>>
      tpu.wait_dma2 semaphore(%run_scoped3A : memref<!tpu.dma_semaphore, #tpu.memory_space<semaphore_mem>>) src(%dma_wait3A_43 : memref<2944x16xf32, #tpu.memory_space<vmem_shared>>) dst(%dma_wait3A_41 : memref<2944x16xf32, #tpu.memory_space<hbm>>)
      tpu.yield
    }) : () -> ()
    %mul3A_32 = arith.constant 920 : i32
    %mul3A_33 = arith.muli %arg1, %mul3A_32 : i32
    %mul3A_34 = arith.constant 920 : i32
    %mul3A_35 = arith.muli %arg1, %mul3A_34 : i32
    "tpu.region"() ({
      %run_scoped3A = tpu.sem_alloc : memref<!tpu.dma_semaphore, #tpu.memory_space<semaphore_mem>>
      %dma_start3A = arith.constant 0 : i32
      %dma_start3A_36 = tpu.memref_slice %arg5[%arg0, %mul3A_35, %dma_start3A] : memref<2x14720x16xf32, #tpu.memory_space<hbm>> -> memref<1x920x16xf32, #tpu.memory_space<hbm>>
      %dma_start3A_37 = tpu.memref_squeeze %dma_start3A_36 : memref<1x920x16xf32, #tpu.memory_space<hbm>> -> memref<920x16xf32, #tpu.memory_space<hbm>>
      %dma_start3A_38 = arith.constant 0 : i32
      %dma_start3A_39 = tpu.memref_slice %arg11[%mul3A_33, %dma_start3A_38] : memref<14720x16xf32, #tpu.memory_space<vmem_shared>> -> memref<920x16xf32, #tpu.memory_space<vmem_shared>>
      tpu.enqueue_dma source(%dma_start3A_39 : memref<920x16xf32, #tpu.memory_space<vmem_shared>>) target(%dma_start3A_37 : memref<920x16xf32, #tpu.memory_space<hbm>>) target_semaphore(%run_scoped3A : memref<!tpu.dma_semaphore, #tpu.memory_space<semaphore_mem>>)
      %dma_wait3A = arith.constant 0 : i32
      %dma_wait3A_40 = tpu.memref_slice %arg5[%arg0, %mul3A_35, %dma_wait3A] : memref<2x14720x16xf32, #tpu.memory_space<hbm>> -> memref<1x920x16xf32, #tpu.memory_space<hbm>>
      %dma_wait3A_41 = tpu.memref_squeeze %dma_wait3A_40 : memref<1x920x16xf32, #tpu.memory_space<hbm>> -> memref<920x16xf32, #tpu.memory_space<hbm>>
      %dma_wait3A_42 = arith.constant 0 : i32
      %dma_wait3A_43 = tpu.memref_slice %arg11[%mul3A_33, %dma_wait3A_42] : memref<14720x16xf32, #tpu.memory_space<vmem_shared>> -> memref<920x16xf32, #tpu.memory_space<vmem_shared>>
      tpu.wait_dma2 semaphore(%run_scoped3A : memref<!tpu.dma_semaphore, #tpu.memory_space<semaphore_mem>>) src(%dma_wait3A_43 : memref<920x16xf32, #tpu.memory_space<vmem_shared>>) dst(%dma_wait3A_41 : memref<920x16xf32, #tpu.memory_space<hbm>>)
      tpu.yield
    }) : () -> ()
    return
  }
}

#map = affine_map<(d0, d1) -> (0, 0)>
#map1 = affine_map<(d0, d1) -> (0, 0, 0)>
module attributes {stable_mosaic.version = 14 : i64} {
  func.func @kfn(%arg0: i32, %arg1: i32, %arg2: memref<11776x32xf32, #tpu.memory_space<hbm>>, %arg3: memref<32x12x128xi32, #tpu.memory_space<hbm>>, %arg4: memref<32x12x128xi32, #tpu.memory_space<hbm>>, %arg5: memref<2x11776x32xf32, #tpu.memory_space<hbm>>, %arg6: memref<12x128xi32, #tpu.memory_space<vmem>>, %arg7: memref<12x128xi32, #tpu.memory_space<vmem>>, %arg8: memref<128x32xf32, #tpu.memory_space<vmem>>, %arg9: memref<128x32xf32, #tpu.memory_space<vmem>>, %arg10: memref<184x32xf32, #tpu.memory_space<vmem>>, %arg11: memref<11776x32xf32, #tpu.memory_space<vmem_shared>>, %arg12: memref<!tpu.dma_semaphore, #tpu.memory_space<semaphore_mem>>, %arg13: memref<!tpu.dma_semaphore, #tpu.memory_space<semaphore_mem>>, %arg14: memref<!tpu.dma_semaphore, #tpu.memory_space<semaphore_mem>>, %arg15: memref<!tpu.dma_semaphore, #tpu.memory_space<semaphore_mem>>, %arg16: memref<!tpu.dma_semaphore, #tpu.memory_space<semaphore_mem>>) attributes {dimension_semantics = [#tpu.dimension_semantics<core_parallel>, #tpu.dimension_semantics<subcore_parallel>], iteration_bounds = array<i64: 2, 16>, scalar_prefetch = 0 : i64, scratch_operands = 11 : i64, tpu.core_type = #tpu.core_type<sc_vector_subcore>, window_params = [{transform_indices = #map}, {transform_indices = #map1}, {transform_indices = #map1}, {transform_indices = #map1}]} {
    %mul3A = arith.constant 16 : i32
    %mul3A_0 = arith.muli %arg0, %mul3A : i32
    %add3A = arith.addi %mul3A_0, %arg1 : i32
    %scan3A = arith.constant 0 : i32
    %scan3A_1 = arith.constant 184 : i32
    %scan3A_2 = arith.addi %scan3A, %scan3A_1 : i32
    %scan3A_3 = arith.constant 1 : i32
    scf.for %scan3A_71 = %scan3A to %scan3A_2 step %scan3A_3  : i32 {
      %broadcast_in_dim3A = arith.constant 0.000000e+00 : f32
      %broadcast_in_dim3A_72 = vector.broadcast %broadcast_in_dim3A : f32 to vector<16xf32>
      %swap3A = arith.index_cast %scan3A_71 : i32 to index
      %swap3A_73 = arith.constant 0 : index
      %swap3A_74 = tpu.vector_load %arg10[%swap3A, %swap3A_73] {strides = array<i32>} : memref<184x32xf32, #tpu.memory_space<vmem>>, vector<1x16xf32>,
      %swap3A_75 = vector.shape_cast %swap3A_74 : vector<1x16xf32> to vector<16xf32>
      %swap3A_76 = vector.shape_cast %broadcast_in_dim3A_72 : vector<16xf32> to vector<1x16xf32>
      tpu.vector_store %arg10[%swap3A, %swap3A_73], %swap3A_76 {strides = array<i32>} : memref<184x32xf32, #tpu.memory_space<vmem>>, vector<1x16xf32>,
      %broadcast_in_dim3A_77 = arith.constant 0.000000e+00 : f32
      %broadcast_in_dim3A_78 = vector.broadcast %broadcast_in_dim3A_77 : f32 to vector<16xf32>
      %swap3A_79 = arith.index_cast %scan3A_71 : i32 to index
      %swap3A_80 = arith.constant 16 : index
      %swap3A_81 = tpu.vector_load %arg10[%swap3A_79, %swap3A_80] {strides = array<i32>} : memref<184x32xf32, #tpu.memory_space<vmem>>, vector<1x16xf32>,
      %swap3A_82 = vector.shape_cast %swap3A_81 : vector<1x16xf32> to vector<16xf32>
      %swap3A_83 = vector.shape_cast %broadcast_in_dim3A_78 : vector<16xf32> to vector<1x16xf32>
      tpu.vector_store %arg10[%swap3A_79, %swap3A_80], %swap3A_83 {strides = array<i32>} : memref<184x32xf32, #tpu.memory_space<vmem>>, vector<1x16xf32>,
    }
    %scan3A_4 = arith.constant 184 : i32
    %dma_start3A = arith.constant 0 : i32
    %dma_start3A_5 = arith.constant 0 : i32
    %dma_start3A_6 = tpu.memref_slice %arg3[%add3A, %dma_start3A, %dma_start3A_5] : memref<32x12x128xi32, #tpu.memory_space<hbm>> -> memref<1x12x128xi32, #tpu.memory_space<hbm>>
    %dma_start3A_7 = tpu.memref_squeeze %dma_start3A_6 : memref<1x12x128xi32, #tpu.memory_space<hbm>> -> memref<12x128xi32, #tpu.memory_space<hbm>>
    %dma_start3A_8 = arith.constant 0 : i32
    %dma_start3A_9 = arith.constant 0 : i32
    %dma_start3A_10 = tpu.memref_slice %arg3[%add3A, %dma_start3A_8, %dma_start3A_9] : memref<32x12x128xi32, #tpu.memory_space<hbm>> -> memref<1x12x128xi32, #tpu.memory_space<hbm>>
    %dma_start3A_11 = tpu.memref_squeeze %dma_start3A_10 : memref<1x12x128xi32, #tpu.memory_space<hbm>> -> memref<12x128xi32, #tpu.memory_space<hbm>>
    tpu.enqueue_dma source(%dma_start3A_11 : memref<12x128xi32, #tpu.memory_space<hbm>>) target(%arg6 : memref<12x128xi32, #tpu.memory_space<vmem>>) target_semaphore(%arg12 : memref<!tpu.dma_semaphore, #tpu.memory_space<semaphore_mem>>)
    %dma_start3A_12 = arith.constant 0 : i32
    %dma_start3A_13 = arith.constant 0 : i32
    %dma_start3A_14 = tpu.memref_slice %arg4[%add3A, %dma_start3A_12, %dma_start3A_13] : memref<32x12x128xi32, #tpu.memory_space<hbm>> -> memref<1x12x128xi32, #tpu.memory_space<hbm>>
    %dma_start3A_15 = tpu.memref_squeeze %dma_start3A_14 : memref<1x12x128xi32, #tpu.memory_space<hbm>> -> memref<12x128xi32, #tpu.memory_space<hbm>>
    %dma_start3A_16 = arith.constant 0 : i32
    %dma_start3A_17 = arith.constant 0 : i32
    %dma_start3A_18 = tpu.memref_slice %arg4[%add3A, %dma_start3A_16, %dma_start3A_17] : memref<32x12x128xi32, #tpu.memory_space<hbm>> -> memref<1x12x128xi32, #tpu.memory_space<hbm>>
    %dma_start3A_19 = tpu.memref_squeeze %dma_start3A_18 : memref<1x12x128xi32, #tpu.memory_space<hbm>> -> memref<12x128xi32, #tpu.memory_space<hbm>>
    tpu.enqueue_dma source(%dma_start3A_19 : memref<12x128xi32, #tpu.memory_space<hbm>>) target(%arg7 : memref<12x128xi32, #tpu.memory_space<vmem>>) target_semaphore(%arg12 : memref<!tpu.dma_semaphore, #tpu.memory_space<semaphore_mem>>)
    %scan3A_20 = arith.constant 0 : i32
    %scan3A_21 = arith.constant 4 : i32
    %scan3A_22 = arith.addi %scan3A_20, %scan3A_21 : i32
    %scan3A_23 = arith.constant 1 : i32
    scf.for %scan3A_71 = %scan3A_20 to %scan3A_22 step %scan3A_23  : i32 {
      %mul3A_72 = arith.constant 736 : i32
      %mul3A_73 = arith.muli %arg1, %mul3A_72 : i32
      %mul3A_74 = arith.constant 184 : i32
      %mul3A_75 = arith.muli %scan3A_71, %mul3A_74 : i32
      %add3A_76 = arith.addi %mul3A_73, %mul3A_75 : i32
      "tpu.region"() ({
        %run_scoped3A = tpu.sem_alloc : memref<!tpu.dma_semaphore, #tpu.memory_space<semaphore_mem>>
        %dma_start3A_77 = arith.constant 0 : i32
        %dma_start3A_78 = tpu.memref_slice %arg11[%add3A_76, %dma_start3A_77] : memref<11776x32xf32, #tpu.memory_space<vmem_shared>> -> memref<184x32xf32, #tpu.memory_space<vmem_shared>>
        %dma_start3A_79 = arith.constant 0 : i32
        %dma_start3A_80 = tpu.memref_slice %arg11[%add3A_76, %dma_start3A_79] : memref<11776x32xf32, #tpu.memory_space<vmem_shared>> -> memref<184x32xf32, #tpu.memory_space<vmem_shared>>
        tpu.enqueue_dma source(%arg10 : memref<184x32xf32, #tpu.memory_space<vmem>>) target(%dma_start3A_80 : memref<184x32xf32, #tpu.memory_space<vmem_shared>>) target_semaphore(%run_scoped3A : memref<!tpu.dma_semaphore, #tpu.memory_space<semaphore_mem>>)
        %dma_wait3A_81 = arith.constant 0 : i32
        %dma_wait3A_82 = tpu.memref_slice %arg11[%add3A_76, %dma_wait3A_81] : memref<11776x32xf32, #tpu.memory_space<vmem_shared>> -> memref<184x32xf32, #tpu.memory_space<vmem_shared>>
        %dma_wait3A_83 = arith.constant 0 : i32
        %dma_wait3A_84 = tpu.memref_slice %arg11[%add3A_76, %dma_wait3A_83] : memref<11776x32xf32, #tpu.memory_space<vmem_shared>> -> memref<184x32xf32, #tpu.memory_space<vmem_shared>>
        tpu.wait_dma2 semaphore(%run_scoped3A : memref<!tpu.dma_semaphore, #tpu.memory_space<semaphore_mem>>) src(%arg10 : memref<184x32xf32, #tpu.memory_space<vmem>>) dst(%dma_wait3A_84 : memref<184x32xf32, #tpu.memory_space<vmem_shared>>)
        tpu.yield
      }) : () -> ()
    }
    %scan3A_24 = arith.constant 4 : i32
    %dma_wait3A = arith.constant 0 : i32
    %dma_wait3A_25 = arith.constant 0 : i32
    %dma_wait3A_26 = tpu.memref_slice %arg3[%add3A, %dma_wait3A, %dma_wait3A_25] : memref<32x12x128xi32, #tpu.memory_space<hbm>> -> memref<1x12x128xi32, #tpu.memory_space<hbm>>
    %dma_wait3A_27 = tpu.memref_squeeze %dma_wait3A_26 : memref<1x12x128xi32, #tpu.memory_space<hbm>> -> memref<12x128xi32, #tpu.memory_space<hbm>>
    %dma_wait3A_28 = arith.constant 0 : i32
    %dma_wait3A_29 = arith.constant 0 : i32
    %dma_wait3A_30 = tpu.memref_slice %arg3[%add3A, %dma_wait3A_28, %dma_wait3A_29] : memref<32x12x128xi32, #tpu.memory_space<hbm>> -> memref<1x12x128xi32, #tpu.memory_space<hbm>>
    %dma_wait3A_31 = tpu.memref_squeeze %dma_wait3A_30 : memref<1x12x128xi32, #tpu.memory_space<hbm>> -> memref<12x128xi32, #tpu.memory_space<hbm>>
    tpu.wait_dma2 semaphore(%arg12 : memref<!tpu.dma_semaphore, #tpu.memory_space<semaphore_mem>>) src(%dma_wait3A_31 : memref<12x128xi32, #tpu.memory_space<hbm>>) dst(%arg6 : memref<12x128xi32, #tpu.memory_space<vmem>>)
    %dma_wait3A_32 = arith.constant 0 : i32
    %dma_wait3A_33 = arith.constant 0 : i32
    %dma_wait3A_34 = tpu.memref_slice %arg4[%add3A, %dma_wait3A_32, %dma_wait3A_33] : memref<32x12x128xi32, #tpu.memory_space<hbm>> -> memref<1x12x128xi32, #tpu.memory_space<hbm>>
    %dma_wait3A_35 = tpu.memref_squeeze %dma_wait3A_34 : memref<1x12x128xi32, #tpu.memory_space<hbm>> -> memref<12x128xi32, #tpu.memory_space<hbm>>
    %dma_wait3A_36 = arith.constant 0 : i32
    %dma_wait3A_37 = arith.constant 0 : i32
    %dma_wait3A_38 = tpu.memref_slice %arg4[%add3A, %dma_wait3A_36, %dma_wait3A_37] : memref<32x12x128xi32, #tpu.memory_space<hbm>> -> memref<1x12x128xi32, #tpu.memory_space<hbm>>
    %dma_wait3A_39 = tpu.memref_squeeze %dma_wait3A_38 : memref<1x12x128xi32, #tpu.memory_space<hbm>> -> memref<12x128xi32, #tpu.memory_space<hbm>>
    tpu.wait_dma2 semaphore(%arg12 : memref<!tpu.dma_semaphore, #tpu.memory_space<semaphore_mem>>) src(%dma_wait3A_39 : memref<12x128xi32, #tpu.memory_space<hbm>>) dst(%arg7 : memref<12x128xi32, #tpu.memory_space<vmem>>)
    %barrier3A = arith.constant 0 : index
    tpu.barrier barrier_id(%barrier3A)
    %dma_start3A_40 = arith.constant 0 : i32
    %dma_start3A_41 = arith.constant 0 : i32
    %dma_start3A_42 = tpu.memref_slice %arg6[%dma_start3A_40, %dma_start3A_41] : memref<12x128xi32, #tpu.memory_space<vmem>> -> memref<1x128xi32, #tpu.memory_space<vmem>>
    %dma_start3A_43 = tpu.memref_squeeze %dma_start3A_42 : memref<1x128xi32, #tpu.memory_space<vmem>> -> memref<128xi32, #tpu.memory_space<vmem>>
    %dma_start3A_44 = arith.constant 0 : i32
    %dma_start3A_45 = arith.constant 0 : i32
    %dma_start3A_46 = tpu.memref_slice %arg2[%dma_start3A_44, %dma_start3A_45] : memref<11776x32xf32, #tpu.memory_space<hbm>> -> memref<11776x32xf32, #tpu.memory_space<hbm>>
    tpu.enqueue_indirect_dma source(%dma_start3A_46 : memref<11776x32xf32, #tpu.memory_space<hbm>>) target(%arg8 : memref<128x32xf32, #tpu.memory_space<vmem>>) offsets(%dma_start3A_43 : memref<128xi32, #tpu.memory_space<vmem>>) semaphore(%arg13 : memref<!tpu.dma_semaphore, #tpu.memory_space<semaphore_mem>>)
    %scan3A_47 = arith.constant 0 : i32
    %scan3A_48 = arith.constant 6 : i32
    %scan3A_49 = arith.addi %scan3A_47, %scan3A_48 : i32
    %scan3A_50 = arith.constant 1 : i32
    scf.for %scan3A_71 = %scan3A_47 to %scan3A_49 step %scan3A_50  : i32 {
      %mul3A_72 = arith.constant 2 : i32
      %mul3A_73 = arith.muli %scan3A_71, %mul3A_72 : i32
      %gt3A = arith.constant 0 : i32
      %gt3A_74 = arith.cmpi sgt, %scan3A_71, %gt3A : i32
      %convert_element_type3A = arith.extui %gt3A_74 : i1 to i32
      %cond3A = arith.constant 0 : i32
      %cond3A_75 = arith.cmpi ne, %convert_element_type3A, %cond3A : i32
      scf.if %cond3A_75 {
        %sub3A = arith.constant 1 : i32
        %sub3A_118 = arith.subi %mul3A_73, %sub3A : i32
        %dma_wait3A_119 = arith.constant 0 : i32
        %dma_wait3A_120 = tpu.memref_slice %arg7[%sub3A_118, %dma_wait3A_119] : memref<12x128xi32, #tpu.memory_space<vmem>> -> memref<1x128xi32, #tpu.memory_space<vmem>>
        %dma_wait3A_121 = tpu.memref_squeeze %dma_wait3A_120 : memref<1x128xi32, #tpu.memory_space<vmem>> -> memref<128xi32, #tpu.memory_space<vmem>>
        %dma_wait3A_122 = arith.constant 0 : i32
        %dma_wait3A_123 = arith.constant 0 : i32
        %dma_wait3A_124 = tpu.memref_slice %arg11[%dma_wait3A_122, %dma_wait3A_123] : memref<11776x32xf32, #tpu.memory_space<vmem_shared>> -> memref<11776x32xf32, #tpu.memory_space<vmem_shared>>
        tpu.wait_indirect_dma semaphore(%arg16 : memref<!tpu.dma_semaphore, #tpu.memory_space<semaphore_mem>>) src(%arg9 : memref<128x32xf32, #tpu.memory_space<vmem>>) dst(%dma_wait3A_124 : memref<11776x32xf32, #tpu.memory_space<vmem_shared>>)
      } else {
      }
      %add3A_76 = arith.constant 1 : i32
      %add3A_77 = arith.addi %mul3A_73, %add3A_76 : i32
      %dma_start3A_78 = arith.constant 0 : i32
      %dma_start3A_79 = tpu.memref_slice %arg6[%add3A_77, %dma_start3A_78] : memref<12x128xi32, #tpu.memory_space<vmem>> -> memref<1x128xi32, #tpu.memory_space<vmem>>
      %dma_start3A_80 = tpu.memref_squeeze %dma_start3A_79 : memref<1x128xi32, #tpu.memory_space<vmem>> -> memref<128xi32, #tpu.memory_space<vmem>>
      %dma_start3A_81 = arith.constant 0 : i32
      %dma_start3A_82 = arith.constant 0 : i32
      %dma_start3A_83 = tpu.memref_slice %arg2[%dma_start3A_81, %dma_start3A_82] : memref<11776x32xf32, #tpu.memory_space<hbm>> -> memref<11776x32xf32, #tpu.memory_space<hbm>>
      tpu.enqueue_indirect_dma source(%dma_start3A_83 : memref<11776x32xf32, #tpu.memory_space<hbm>>) target(%arg9 : memref<128x32xf32, #tpu.memory_space<vmem>>) offsets(%dma_start3A_80 : memref<128xi32, #tpu.memory_space<vmem>>) semaphore(%arg14 : memref<!tpu.dma_semaphore, #tpu.memory_space<semaphore_mem>>)
      %dma_wait3A_84 = arith.constant 0 : i32
      %dma_wait3A_85 = tpu.memref_slice %arg6[%mul3A_73, %dma_wait3A_84] : memref<12x128xi32, #tpu.memory_space<vmem>> -> memref<1x128xi32, #tpu.memory_space<vmem>>
      %dma_wait3A_86 = tpu.memref_squeeze %dma_wait3A_85 : memref<1x128xi32, #tpu.memory_space<vmem>> -> memref<128xi32, #tpu.memory_space<vmem>>
      %dma_wait3A_87 = arith.constant 0 : i32
      %dma_wait3A_88 = arith.constant 0 : i32
      %dma_wait3A_89 = tpu.memref_slice %arg2[%dma_wait3A_87, %dma_wait3A_88] : memref<11776x32xf32, #tpu.memory_space<hbm>> -> memref<11776x32xf32, #tpu.memory_space<hbm>>
      tpu.wait_indirect_dma semaphore(%arg13 : memref<!tpu.dma_semaphore, #tpu.memory_space<semaphore_mem>>) src(%dma_wait3A_89 : memref<11776x32xf32, #tpu.memory_space<hbm>>) dst(%arg8 : memref<128x32xf32, #tpu.memory_space<vmem>>)
      %dma_start3A_90 = arith.constant 0 : i32
      %dma_start3A_91 = tpu.memref_slice %arg7[%mul3A_73, %dma_start3A_90] : memref<12x128xi32, #tpu.memory_space<vmem>> -> memref<1x128xi32, #tpu.memory_space<vmem>>
      %dma_start3A_92 = tpu.memref_squeeze %dma_start3A_91 : memref<1x128xi32, #tpu.memory_space<vmem>> -> memref<128xi32, #tpu.memory_space<vmem>>
      %dma_start3A_93 = arith.constant 0 : i32
      %dma_start3A_94 = arith.constant 0 : i32
      %dma_start3A_95 = tpu.memref_slice %arg11[%dma_start3A_93, %dma_start3A_94] : memref<11776x32xf32, #tpu.memory_space<vmem_shared>> -> memref<11776x32xf32, #tpu.memory_space<vmem_shared>>
      tpu.enqueue_indirect_dma source(%arg8 : memref<128x32xf32, #tpu.memory_space<vmem>>) target(%dma_start3A_95 : memref<11776x32xf32, #tpu.memory_space<vmem_shared>>) offsets(%dma_start3A_92 : memref<128xi32, #tpu.memory_space<vmem>>) semaphore(%arg15 : memref<!tpu.dma_semaphore, #tpu.memory_space<semaphore_mem>>) {add = true}
      %add3A_96 = arith.constant 2 : i32
      %add3A_97 = arith.addi %mul3A_73, %add3A_96 : i32
      %lt3A = arith.constant 12 : i32
      %lt3A_98 = arith.cmpi slt, %add3A_97, %lt3A : i32
      %convert_element_type3A_99 = arith.extui %lt3A_98 : i1 to i32
      %cond3A_100 = arith.constant 0 : i32
      %cond3A_101 = arith.cmpi ne, %convert_element_type3A_99, %cond3A_100 : i32
      scf.if %cond3A_101 {
        %dma_wait3A_118 = arith.constant 0 : i32
        %dma_wait3A_119 = tpu.memref_slice %arg7[%mul3A_73, %dma_wait3A_118] : memref<12x128xi32, #tpu.memory_space<vmem>> -> memref<1x128xi32, #tpu.memory_space<vmem>>
        %dma_wait3A_120 = tpu.memref_squeeze %dma_wait3A_119 : memref<1x128xi32, #tpu.memory_space<vmem>> -> memref<128xi32, #tpu.memory_space<vmem>>
        %dma_wait3A_121 = arith.constant 0 : i32
        %dma_wait3A_122 = arith.constant 0 : i32
        %dma_wait3A_123 = tpu.memref_slice %arg11[%dma_wait3A_121, %dma_wait3A_122] : memref<11776x32xf32, #tpu.memory_space<vmem_shared>> -> memref<11776x32xf32, #tpu.memory_space<vmem_shared>>
        tpu.wait_indirect_dma semaphore(%arg15 : memref<!tpu.dma_semaphore, #tpu.memory_space<semaphore_mem>>) src(%arg8 : memref<128x32xf32, #tpu.memory_space<vmem>>) dst(%dma_wait3A_123 : memref<11776x32xf32, #tpu.memory_space<vmem_shared>>)
        %add3A_124 = arith.constant 2 : i32
        %add3A_125 = arith.addi %mul3A_73, %add3A_124 : i32
        %dma_start3A_126 = arith.constant 0 : i32
        %dma_start3A_127 = tpu.memref_slice %arg6[%add3A_125, %dma_start3A_126] : memref<12x128xi32, #tpu.memory_space<vmem>> -> memref<1x128xi32, #tpu.memory_space<vmem>>
        %dma_start3A_128 = tpu.memref_squeeze %dma_start3A_127 : memref<1x128xi32, #tpu.memory_space<vmem>> -> memref<128xi32, #tpu.memory_space<vmem>>
        %dma_start3A_129 = arith.constant 0 : i32
        %dma_start3A_130 = arith.constant 0 : i32
        %dma_start3A_131 = tpu.memref_slice %arg2[%dma_start3A_129, %dma_start3A_130] : memref<11776x32xf32, #tpu.memory_space<hbm>> -> memref<11776x32xf32, #tpu.memory_space<hbm>>
        tpu.enqueue_indirect_dma source(%dma_start3A_131 : memref<11776x32xf32, #tpu.memory_space<hbm>>) target(%arg8 : memref<128x32xf32, #tpu.memory_space<vmem>>) offsets(%dma_start3A_128 : memref<128xi32, #tpu.memory_space<vmem>>) semaphore(%arg13 : memref<!tpu.dma_semaphore, #tpu.memory_space<semaphore_mem>>)
      } else {
      }
      %add3A_102 = arith.constant 1 : i32
      %add3A_103 = arith.addi %mul3A_73, %add3A_102 : i32
      %dma_wait3A_104 = arith.constant 0 : i32
      %dma_wait3A_105 = tpu.memref_slice %arg6[%add3A_103, %dma_wait3A_104] : memref<12x128xi32, #tpu.memory_space<vmem>> -> memref<1x128xi32, #tpu.memory_space<vmem>>
      %dma_wait3A_106 = tpu.memref_squeeze %dma_wait3A_105 : memref<1x128xi32, #tpu.memory_space<vmem>> -> memref<128xi32, #tpu.memory_space<vmem>>
      %dma_wait3A_107 = arith.constant 0 : i32
      %dma_wait3A_108 = arith.constant 0 : i32
      %dma_wait3A_109 = tpu.memref_slice %arg2[%dma_wait3A_107, %dma_wait3A_108] : memref<11776x32xf32, #tpu.memory_space<hbm>> -> memref<11776x32xf32, #tpu.memory_space<hbm>>
      tpu.wait_indirect_dma semaphore(%arg14 : memref<!tpu.dma_semaphore, #tpu.memory_space<semaphore_mem>>) src(%dma_wait3A_109 : memref<11776x32xf32, #tpu.memory_space<hbm>>) dst(%arg9 : memref<128x32xf32, #tpu.memory_space<vmem>>)
      %add3A_110 = arith.constant 1 : i32
      %add3A_111 = arith.addi %mul3A_73, %add3A_110 : i32
      %dma_start3A_112 = arith.constant 0 : i32
      %dma_start3A_113 = tpu.memref_slice %arg7[%add3A_111, %dma_start3A_112] : memref<12x128xi32, #tpu.memory_space<vmem>> -> memref<1x128xi32, #tpu.memory_space<vmem>>
      %dma_start3A_114 = tpu.memref_squeeze %dma_start3A_113 : memref<1x128xi32, #tpu.memory_space<vmem>> -> memref<128xi32, #tpu.memory_space<vmem>>
      %dma_start3A_115 = arith.constant 0 : i32
      %dma_start3A_116 = arith.constant 0 : i32
      %dma_start3A_117 = tpu.memref_slice %arg11[%dma_start3A_115, %dma_start3A_116] : memref<11776x32xf32, #tpu.memory_space<vmem_shared>> -> memref<11776x32xf32, #tpu.memory_space<vmem_shared>>
      tpu.enqueue_indirect_dma source(%arg9 : memref<128x32xf32, #tpu.memory_space<vmem>>) target(%dma_start3A_117 : memref<11776x32xf32, #tpu.memory_space<vmem_shared>>) offsets(%dma_start3A_114 : memref<128xi32, #tpu.memory_space<vmem>>) semaphore(%arg16 : memref<!tpu.dma_semaphore, #tpu.memory_space<semaphore_mem>>) {add = true}
    }
    %scan3A_51 = arith.constant 6 : i32
    %dma_wait3A_52 = arith.constant 10 : i32
    %dma_wait3A_53 = arith.constant 0 : i32
    %dma_wait3A_54 = tpu.memref_slice %arg7[%dma_wait3A_52, %dma_wait3A_53] : memref<12x128xi32, #tpu.memory_space<vmem>> -> memref<1x128xi32, #tpu.memory_space<vmem>>
    %dma_wait3A_55 = tpu.memref_squeeze %dma_wait3A_54 : memref<1x128xi32, #tpu.memory_space<vmem>> -> memref<128xi32, #tpu.memory_space<vmem>>
    %dma_wait3A_56 = arith.constant 0 : i32
    %dma_wait3A_57 = arith.constant 0 : i32
    %dma_wait3A_58 = tpu.memref_slice %arg11[%dma_wait3A_56, %dma_wait3A_57] : memref<11776x32xf32, #tpu.memory_space<vmem_shared>> -> memref<11776x32xf32, #tpu.memory_space<vmem_shared>>
    tpu.wait_indirect_dma semaphore(%arg15 : memref<!tpu.dma_semaphore, #tpu.memory_space<semaphore_mem>>) src(%arg8 : memref<128x32xf32, #tpu.memory_space<vmem>>) dst(%dma_wait3A_58 : memref<11776x32xf32, #tpu.memory_space<vmem_shared>>)
    %dma_wait3A_59 = arith.constant 11 : i32
    %dma_wait3A_60 = arith.constant 0 : i32
    %dma_wait3A_61 = tpu.memref_slice %arg7[%dma_wait3A_59, %dma_wait3A_60] : memref<12x128xi32, #tpu.memory_space<vmem>> -> memref<1x128xi32, #tpu.memory_space<vmem>>
    %dma_wait3A_62 = tpu.memref_squeeze %dma_wait3A_61 : memref<1x128xi32, #tpu.memory_space<vmem>> -> memref<128xi32, #tpu.memory_space<vmem>>
    %dma_wait3A_63 = arith.constant 0 : i32
    %dma_wait3A_64 = arith.constant 0 : i32
    %dma_wait3A_65 = tpu.memref_slice %arg11[%dma_wait3A_63, %dma_wait3A_64] : memref<11776x32xf32, #tpu.memory_space<vmem_shared>> -> memref<11776x32xf32, #tpu.memory_space<vmem_shared>>
    tpu.wait_indirect_dma semaphore(%arg16 : memref<!tpu.dma_semaphore, #tpu.memory_space<semaphore_mem>>) src(%arg9 : memref<128x32xf32, #tpu.memory_space<vmem>>) dst(%dma_wait3A_65 : memref<11776x32xf32, #tpu.memory_space<vmem_shared>>)
    %barrier3A_66 = arith.constant 0 : index
    tpu.barrier barrier_id(%barrier3A_66)
    %mul3A_67 = arith.constant 736 : i32
    %mul3A_68 = arith.muli %arg1, %mul3A_67 : i32
    %mul3A_69 = arith.constant 736 : i32
    %mul3A_70 = arith.muli %arg1, %mul3A_69 : i32
    "tpu.region"() ({
      %run_scoped3A = tpu.sem_alloc : memref<!tpu.dma_semaphore, #tpu.memory_space<semaphore_mem>>
      %dma_start3A_71 = arith.constant 0 : i32
      %dma_start3A_72 = tpu.memref_slice %arg5[%arg0, %mul3A_70, %dma_start3A_71] : memref<2x11776x32xf32, #tpu.memory_space<hbm>> -> memref<1x736x32xf32, #tpu.memory_space<hbm>>
      %dma_start3A_73 = tpu.memref_squeeze %dma_start3A_72 : memref<1x736x32xf32, #tpu.memory_space<hbm>> -> memref<736x32xf32, #tpu.memory_space<hbm>>
      %dma_start3A_74 = arith.constant 0 : i32
      %dma_start3A_75 = tpu.memref_slice %arg11[%mul3A_68, %dma_start3A_74] : memref<11776x32xf32, #tpu.memory_space<vmem_shared>> -> memref<736x32xf32, #tpu.memory_space<vmem_shared>>
      tpu.enqueue_dma source(%dma_start3A_75 : memref<736x32xf32, #tpu.memory_space<vmem_shared>>) target(%dma_start3A_73 : memref<736x32xf32, #tpu.memory_space<hbm>>) target_semaphore(%run_scoped3A : memref<!tpu.dma_semaphore, #tpu.memory_space<semaphore_mem>>)
      %dma_wait3A_76 = arith.constant 0 : i32
      %dma_wait3A_77 = tpu.memref_slice %arg5[%arg0, %mul3A_70, %dma_wait3A_76] : memref<2x11776x32xf32, #tpu.memory_space<hbm>> -> memref<1x736x32xf32, #tpu.memory_space<hbm>>
      %dma_wait3A_78 = tpu.memref_squeeze %dma_wait3A_77 : memref<1x736x32xf32, #tpu.memory_space<hbm>> -> memref<736x32xf32, #tpu.memory_space<hbm>>
      %dma_wait3A_79 = arith.constant 0 : i32
      %dma_wait3A_80 = tpu.memref_slice %arg11[%mul3A_68, %dma_wait3A_79] : memref<11776x32xf32, #tpu.memory_space<vmem_shared>> -> memref<736x32xf32, #tpu.memory_space<vmem_shared>>
      tpu.wait_dma2 semaphore(%run_scoped3A : memref<!tpu.dma_semaphore, #tpu.memory_space<semaphore_mem>>) src(%dma_wait3A_80 : memref<736x32xf32, #tpu.memory_space<vmem_shared>>) dst(%dma_wait3A_78 : memref<736x32xf32, #tpu.memory_space<hbm>>)
      tpu.yield
    }) : () -> ()
    return
  }
}

#map = affine_map<(d0, d1) -> (0, 0)>
#map1 = affine_map<(d0, d1) -> (0, 0, 0)>
module attributes {stable_mosaic.version = 14 : i64} {
  func.func @kfn(%arg0: i32, %arg1: i32, %arg2: memref<47104x32xf32, #tpu.memory_space<hbm>>, %arg3: memref<32x46x128xi32, #tpu.memory_space<hbm>>, %arg4: memref<32x46x128xi32, #tpu.memory_space<hbm>>, %arg5: memref<2x47104x32xf32, #tpu.memory_space<hbm>>, %arg6: memref<46x128xi32, #tpu.memory_space<vmem>>, %arg7: memref<46x128xi32, #tpu.memory_space<vmem>>, %arg8: memref<128x32xf32, #tpu.memory_space<vmem>>, %arg9: memref<128x32xf32, #tpu.memory_space<vmem>>, %arg10: memref<184x32xf32, #tpu.memory_space<vmem>>, %arg11: memref<47104x32xf32, #tpu.memory_space<vmem_shared>>, %arg12: memref<!tpu.dma_semaphore, #tpu.memory_space<semaphore_mem>>, %arg13: memref<!tpu.dma_semaphore, #tpu.memory_space<semaphore_mem>>, %arg14: memref<!tpu.dma_semaphore, #tpu.memory_space<semaphore_mem>>, %arg15: memref<!tpu.dma_semaphore, #tpu.memory_space<semaphore_mem>>, %arg16: memref<!tpu.dma_semaphore, #tpu.memory_space<semaphore_mem>>) attributes {dimension_semantics = [#tpu.dimension_semantics<core_parallel>, #tpu.dimension_semantics<subcore_parallel>], iteration_bounds = array<i64: 2, 16>, scalar_prefetch = 0 : i64, scratch_operands = 11 : i64, tpu.core_type = #tpu.core_type<sc_vector_subcore>, window_params = [{transform_indices = #map}, {transform_indices = #map1}, {transform_indices = #map1}, {transform_indices = #map1}]} {
    %mul3A = arith.constant 16 : i32
    %mul3A_0 = arith.muli %arg0, %mul3A : i32
    %add3A = arith.addi %mul3A_0, %arg1 : i32
    %scan3A = arith.constant 0 : i32
    %scan3A_1 = arith.constant 184 : i32
    %scan3A_2 = arith.addi %scan3A, %scan3A_1 : i32
    %scan3A_3 = arith.constant 1 : i32
    scf.for %scan3A_71 = %scan3A to %scan3A_2 step %scan3A_3  : i32 {
      %broadcast_in_dim3A = arith.constant 0.000000e+00 : f32
      %broadcast_in_dim3A_72 = vector.broadcast %broadcast_in_dim3A : f32 to vector<16xf32>
      %swap3A = arith.index_cast %scan3A_71 : i32 to index
      %swap3A_73 = arith.constant 0 : index
      %swap3A_74 = tpu.vector_load %arg10[%swap3A, %swap3A_73] {strides = array<i32>} : memref<184x32xf32, #tpu.memory_space<vmem>>, vector<1x16xf32>,
      %swap3A_75 = vector.shape_cast %swap3A_74 : vector<1x16xf32> to vector<16xf32>
      %swap3A_76 = vector.shape_cast %broadcast_in_dim3A_72 : vector<16xf32> to vector<1x16xf32>
      tpu.vector_store %arg10[%swap3A, %swap3A_73], %swap3A_76 {strides = array<i32>} : memref<184x32xf32, #tpu.memory_space<vmem>>, vector<1x16xf32>,
      %broadcast_in_dim3A_77 = arith.constant 0.000000e+00 : f32
      %broadcast_in_dim3A_78 = vector.broadcast %broadcast_in_dim3A_77 : f32 to vector<16xf32>
      %swap3A_79 = arith.index_cast %scan3A_71 : i32 to index
      %swap3A_80 = arith.constant 16 : index
      %swap3A_81 = tpu.vector_load %arg10[%swap3A_79, %swap3A_80] {strides = array<i32>} : memref<184x32xf32, #tpu.memory_space<vmem>>, vector<1x16xf32>,
      %swap3A_82 = vector.shape_cast %swap3A_81 : vector<1x16xf32> to vector<16xf32>
      %swap3A_83 = vector.shape_cast %broadcast_in_dim3A_78 : vector<16xf32> to vector<1x16xf32>
      tpu.vector_store %arg10[%swap3A_79, %swap3A_80], %swap3A_83 {strides = array<i32>} : memref<184x32xf32, #tpu.memory_space<vmem>>, vector<1x16xf32>,
    }
    %scan3A_4 = arith.constant 184 : i32
    %dma_start3A = arith.constant 0 : i32
    %dma_start3A_5 = arith.constant 0 : i32
    %dma_start3A_6 = tpu.memref_slice %arg3[%add3A, %dma_start3A, %dma_start3A_5] : memref<32x46x128xi32, #tpu.memory_space<hbm>> -> memref<1x46x128xi32, #tpu.memory_space<hbm>>
    %dma_start3A_7 = tpu.memref_squeeze %dma_start3A_6 : memref<1x46x128xi32, #tpu.memory_space<hbm>> -> memref<46x128xi32, #tpu.memory_space<hbm>>
    %dma_start3A_8 = arith.constant 0 : i32
    %dma_start3A_9 = arith.constant 0 : i32
    %dma_start3A_10 = tpu.memref_slice %arg3[%add3A, %dma_start3A_8, %dma_start3A_9] : memref<32x46x128xi32, #tpu.memory_space<hbm>> -> memref<1x46x128xi32, #tpu.memory_space<hbm>>
    %dma_start3A_11 = tpu.memref_squeeze %dma_start3A_10 : memref<1x46x128xi32, #tpu.memory_space<hbm>> -> memref<46x128xi32, #tpu.memory_space<hbm>>
    tpu.enqueue_dma source(%dma_start3A_11 : memref<46x128xi32, #tpu.memory_space<hbm>>) target(%arg6 : memref<46x128xi32, #tpu.memory_space<vmem>>) target_semaphore(%arg12 : memref<!tpu.dma_semaphore, #tpu.memory_space<semaphore_mem>>)
    %dma_start3A_12 = arith.constant 0 : i32
    %dma_start3A_13 = arith.constant 0 : i32
    %dma_start3A_14 = tpu.memref_slice %arg4[%add3A, %dma_start3A_12, %dma_start3A_13] : memref<32x46x128xi32, #tpu.memory_space<hbm>> -> memref<1x46x128xi32, #tpu.memory_space<hbm>>
    %dma_start3A_15 = tpu.memref_squeeze %dma_start3A_14 : memref<1x46x128xi32, #tpu.memory_space<hbm>> -> memref<46x128xi32, #tpu.memory_space<hbm>>
    %dma_start3A_16 = arith.constant 0 : i32
    %dma_start3A_17 = arith.constant 0 : i32
    %dma_start3A_18 = tpu.memref_slice %arg4[%add3A, %dma_start3A_16, %dma_start3A_17] : memref<32x46x128xi32, #tpu.memory_space<hbm>> -> memref<1x46x128xi32, #tpu.memory_space<hbm>>
    %dma_start3A_19 = tpu.memref_squeeze %dma_start3A_18 : memref<1x46x128xi32, #tpu.memory_space<hbm>> -> memref<46x128xi32, #tpu.memory_space<hbm>>
    tpu.enqueue_dma source(%dma_start3A_19 : memref<46x128xi32, #tpu.memory_space<hbm>>) target(%arg7 : memref<46x128xi32, #tpu.memory_space<vmem>>) target_semaphore(%arg12 : memref<!tpu.dma_semaphore, #tpu.memory_space<semaphore_mem>>)
    %scan3A_20 = arith.constant 0 : i32
    %scan3A_21 = arith.constant 16 : i32
    %scan3A_22 = arith.addi %scan3A_20, %scan3A_21 : i32
    %scan3A_23 = arith.constant 1 : i32
    scf.for %scan3A_71 = %scan3A_20 to %scan3A_22 step %scan3A_23  : i32 {
      %mul3A_72 = arith.constant 2944 : i32
      %mul3A_73 = arith.muli %arg1, %mul3A_72 : i32
      %mul3A_74 = arith.constant 184 : i32
      %mul3A_75 = arith.muli %scan3A_71, %mul3A_74 : i32
      %add3A_76 = arith.addi %mul3A_73, %mul3A_75 : i32
      "tpu.region"() ({
        %run_scoped3A = tpu.sem_alloc : memref<!tpu.dma_semaphore, #tpu.memory_space<semaphore_mem>>
        %dma_start3A_77 = arith.constant 0 : i32
        %dma_start3A_78 = tpu.memref_slice %arg11[%add3A_76, %dma_start3A_77] : memref<47104x32xf32, #tpu.memory_space<vmem_shared>> -> memref<184x32xf32, #tpu.memory_space<vmem_shared>>
        %dma_start3A_79 = arith.constant 0 : i32
        %dma_start3A_80 = tpu.memref_slice %arg11[%add3A_76, %dma_start3A_79] : memref<47104x32xf32, #tpu.memory_space<vmem_shared>> -> memref<184x32xf32, #tpu.memory_space<vmem_shared>>
        tpu.enqueue_dma source(%arg10 : memref<184x32xf32, #tpu.memory_space<vmem>>) target(%dma_start3A_80 : memref<184x32xf32, #tpu.memory_space<vmem_shared>>) target_semaphore(%run_scoped3A : memref<!tpu.dma_semaphore, #tpu.memory_space<semaphore_mem>>)
        %dma_wait3A_81 = arith.constant 0 : i32
        %dma_wait3A_82 = tpu.memref_slice %arg11[%add3A_76, %dma_wait3A_81] : memref<47104x32xf32, #tpu.memory_space<vmem_shared>> -> memref<184x32xf32, #tpu.memory_space<vmem_shared>>
        %dma_wait3A_83 = arith.constant 0 : i32
        %dma_wait3A_84 = tpu.memref_slice %arg11[%add3A_76, %dma_wait3A_83] : memref<47104x32xf32, #tpu.memory_space<vmem_shared>> -> memref<184x32xf32, #tpu.memory_space<vmem_shared>>
        tpu.wait_dma2 semaphore(%run_scoped3A : memref<!tpu.dma_semaphore, #tpu.memory_space<semaphore_mem>>) src(%arg10 : memref<184x32xf32, #tpu.memory_space<vmem>>) dst(%dma_wait3A_84 : memref<184x32xf32, #tpu.memory_space<vmem_shared>>)
        tpu.yield
      }) : () -> ()
    }
    %scan3A_24 = arith.constant 16 : i32
    %dma_wait3A = arith.constant 0 : i32
    %dma_wait3A_25 = arith.constant 0 : i32
    %dma_wait3A_26 = tpu.memref_slice %arg3[%add3A, %dma_wait3A, %dma_wait3A_25] : memref<32x46x128xi32, #tpu.memory_space<hbm>> -> memref<1x46x128xi32, #tpu.memory_space<hbm>>
    %dma_wait3A_27 = tpu.memref_squeeze %dma_wait3A_26 : memref<1x46x128xi32, #tpu.memory_space<hbm>> -> memref<46x128xi32, #tpu.memory_space<hbm>>
    %dma_wait3A_28 = arith.constant 0 : i32
    %dma_wait3A_29 = arith.constant 0 : i32
    %dma_wait3A_30 = tpu.memref_slice %arg3[%add3A, %dma_wait3A_28, %dma_wait3A_29] : memref<32x46x128xi32, #tpu.memory_space<hbm>> -> memref<1x46x128xi32, #tpu.memory_space<hbm>>
    %dma_wait3A_31 = tpu.memref_squeeze %dma_wait3A_30 : memref<1x46x128xi32, #tpu.memory_space<hbm>> -> memref<46x128xi32, #tpu.memory_space<hbm>>
    tpu.wait_dma2 semaphore(%arg12 : memref<!tpu.dma_semaphore, #tpu.memory_space<semaphore_mem>>) src(%dma_wait3A_31 : memref<46x128xi32, #tpu.memory_space<hbm>>) dst(%arg6 : memref<46x128xi32, #tpu.memory_space<vmem>>)
    %dma_wait3A_32 = arith.constant 0 : i32
    %dma_wait3A_33 = arith.constant 0 : i32
    %dma_wait3A_34 = tpu.memref_slice %arg4[%add3A, %dma_wait3A_32, %dma_wait3A_33] : memref<32x46x128xi32, #tpu.memory_space<hbm>> -> memref<1x46x128xi32, #tpu.memory_space<hbm>>
    %dma_wait3A_35 = tpu.memref_squeeze %dma_wait3A_34 : memref<1x46x128xi32, #tpu.memory_space<hbm>> -> memref<46x128xi32, #tpu.memory_space<hbm>>
    %dma_wait3A_36 = arith.constant 0 : i32
    %dma_wait3A_37 = arith.constant 0 : i32
    %dma_wait3A_38 = tpu.memref_slice %arg4[%add3A, %dma_wait3A_36, %dma_wait3A_37] : memref<32x46x128xi32, #tpu.memory_space<hbm>> -> memref<1x46x128xi32, #tpu.memory_space<hbm>>
    %dma_wait3A_39 = tpu.memref_squeeze %dma_wait3A_38 : memref<1x46x128xi32, #tpu.memory_space<hbm>> -> memref<46x128xi32, #tpu.memory_space<hbm>>
    tpu.wait_dma2 semaphore(%arg12 : memref<!tpu.dma_semaphore, #tpu.memory_space<semaphore_mem>>) src(%dma_wait3A_39 : memref<46x128xi32, #tpu.memory_space<hbm>>) dst(%arg7 : memref<46x128xi32, #tpu.memory_space<vmem>>)
    %barrier3A = arith.constant 0 : index
    tpu.barrier barrier_id(%barrier3A)
    %dma_start3A_40 = arith.constant 0 : i32
    %dma_start3A_41 = arith.constant 0 : i32
    %dma_start3A_42 = tpu.memref_slice %arg6[%dma_start3A_40, %dma_start3A_41] : memref<46x128xi32, #tpu.memory_space<vmem>> -> memref<1x128xi32, #tpu.memory_space<vmem>>
    %dma_start3A_43 = tpu.memref_squeeze %dma_start3A_42 : memref<1x128xi32, #tpu.memory_space<vmem>> -> memref<128xi32, #tpu.memory_space<vmem>>
    %dma_start3A_44 = arith.constant 0 : i32
    %dma_start3A_45 = arith.constant 0 : i32
    %dma_start3A_46 = tpu.memref_slice %arg2[%dma_start3A_44, %dma_start3A_45] : memref<47104x32xf32, #tpu.memory_space<hbm>> -> memref<47104x32xf32, #tpu.memory_space<hbm>>
    tpu.enqueue_indirect_dma source(%dma_start3A_46 : memref<47104x32xf32, #tpu.memory_space<hbm>>) target(%arg8 : memref<128x32xf32, #tpu.memory_space<vmem>>) offsets(%dma_start3A_43 : memref<128xi32, #tpu.memory_space<vmem>>) semaphore(%arg13 : memref<!tpu.dma_semaphore, #tpu.memory_space<semaphore_mem>>)
    %scan3A_47 = arith.constant 0 : i32
    %scan3A_48 = arith.constant 23 : i32
    %scan3A_49 = arith.addi %scan3A_47, %scan3A_48 : i32
    %scan3A_50 = arith.constant 1 : i32
    scf.for %scan3A_71 = %scan3A_47 to %scan3A_49 step %scan3A_50  : i32 {
      %mul3A_72 = arith.constant 2 : i32
      %mul3A_73 = arith.muli %scan3A_71, %mul3A_72 : i32
      %gt3A = arith.constant 0 : i32
      %gt3A_74 = arith.cmpi sgt, %scan3A_71, %gt3A : i32
      %convert_element_type3A = arith.extui %gt3A_74 : i1 to i32
      %cond3A = arith.constant 0 : i32
      %cond3A_75 = arith.cmpi ne, %convert_element_type3A, %cond3A : i32
      scf.if %cond3A_75 {
        %sub3A = arith.constant 1 : i32
        %sub3A_118 = arith.subi %mul3A_73, %sub3A : i32
        %dma_wait3A_119 = arith.constant 0 : i32
        %dma_wait3A_120 = tpu.memref_slice %arg7[%sub3A_118, %dma_wait3A_119] : memref<46x128xi32, #tpu.memory_space<vmem>> -> memref<1x128xi32, #tpu.memory_space<vmem>>
        %dma_wait3A_121 = tpu.memref_squeeze %dma_wait3A_120 : memref<1x128xi32, #tpu.memory_space<vmem>> -> memref<128xi32, #tpu.memory_space<vmem>>
        %dma_wait3A_122 = arith.constant 0 : i32
        %dma_wait3A_123 = arith.constant 0 : i32
        %dma_wait3A_124 = tpu.memref_slice %arg11[%dma_wait3A_122, %dma_wait3A_123] : memref<47104x32xf32, #tpu.memory_space<vmem_shared>> -> memref<47104x32xf32, #tpu.memory_space<vmem_shared>>
        tpu.wait_indirect_dma semaphore(%arg16 : memref<!tpu.dma_semaphore, #tpu.memory_space<semaphore_mem>>) src(%arg9 : memref<128x32xf32, #tpu.memory_space<vmem>>) dst(%dma_wait3A_124 : memref<47104x32xf32, #tpu.memory_space<vmem_shared>>)
      } else {
      }
      %add3A_76 = arith.constant 1 : i32
      %add3A_77 = arith.addi %mul3A_73, %add3A_76 : i32
      %dma_start3A_78 = arith.constant 0 : i32
      %dma_start3A_79 = tpu.memref_slice %arg6[%add3A_77, %dma_start3A_78] : memref<46x128xi32, #tpu.memory_space<vmem>> -> memref<1x128xi32, #tpu.memory_space<vmem>>
      %dma_start3A_80 = tpu.memref_squeeze %dma_start3A_79 : memref<1x128xi32, #tpu.memory_space<vmem>> -> memref<128xi32, #tpu.memory_space<vmem>>
      %dma_start3A_81 = arith.constant 0 : i32
      %dma_start3A_82 = arith.constant 0 : i32
      %dma_start3A_83 = tpu.memref_slice %arg2[%dma_start3A_81, %dma_start3A_82] : memref<47104x32xf32, #tpu.memory_space<hbm>> -> memref<47104x32xf32, #tpu.memory_space<hbm>>
      tpu.enqueue_indirect_dma source(%dma_start3A_83 : memref<47104x32xf32, #tpu.memory_space<hbm>>) target(%arg9 : memref<128x32xf32, #tpu.memory_space<vmem>>) offsets(%dma_start3A_80 : memref<128xi32, #tpu.memory_space<vmem>>) semaphore(%arg14 : memref<!tpu.dma_semaphore, #tpu.memory_space<semaphore_mem>>)
      %dma_wait3A_84 = arith.constant 0 : i32
      %dma_wait3A_85 = tpu.memref_slice %arg6[%mul3A_73, %dma_wait3A_84] : memref<46x128xi32, #tpu.memory_space<vmem>> -> memref<1x128xi32, #tpu.memory_space<vmem>>
      %dma_wait3A_86 = tpu.memref_squeeze %dma_wait3A_85 : memref<1x128xi32, #tpu.memory_space<vmem>> -> memref<128xi32, #tpu.memory_space<vmem>>
      %dma_wait3A_87 = arith.constant 0 : i32
      %dma_wait3A_88 = arith.constant 0 : i32
      %dma_wait3A_89 = tpu.memref_slice %arg2[%dma_wait3A_87, %dma_wait3A_88] : memref<47104x32xf32, #tpu.memory_space<hbm>> -> memref<47104x32xf32, #tpu.memory_space<hbm>>
      tpu.wait_indirect_dma semaphore(%arg13 : memref<!tpu.dma_semaphore, #tpu.memory_space<semaphore_mem>>) src(%dma_wait3A_89 : memref<47104x32xf32, #tpu.memory_space<hbm>>) dst(%arg8 : memref<128x32xf32, #tpu.memory_space<vmem>>)
      %dma_start3A_90 = arith.constant 0 : i32
      %dma_start3A_91 = tpu.memref_slice %arg7[%mul3A_73, %dma_start3A_90] : memref<46x128xi32, #tpu.memory_space<vmem>> -> memref<1x128xi32, #tpu.memory_space<vmem>>
      %dma_start3A_92 = tpu.memref_squeeze %dma_start3A_91 : memref<1x128xi32, #tpu.memory_space<vmem>> -> memref<128xi32, #tpu.memory_space<vmem>>
      %dma_start3A_93 = arith.constant 0 : i32
      %dma_start3A_94 = arith.constant 0 : i32
      %dma_start3A_95 = tpu.memref_slice %arg11[%dma_start3A_93, %dma_start3A_94] : memref<47104x32xf32, #tpu.memory_space<vmem_shared>> -> memref<47104x32xf32, #tpu.memory_space<vmem_shared>>
      tpu.enqueue_indirect_dma source(%arg8 : memref<128x32xf32, #tpu.memory_space<vmem>>) target(%dma_start3A_95 : memref<47104x32xf32, #tpu.memory_space<vmem_shared>>) offsets(%dma_start3A_92 : memref<128xi32, #tpu.memory_space<vmem>>) semaphore(%arg15 : memref<!tpu.dma_semaphore, #tpu.memory_space<semaphore_mem>>) {add = true}
      %add3A_96 = arith.constant 2 : i32
      %add3A_97 = arith.addi %mul3A_73, %add3A_96 : i32
      %lt3A = arith.constant 46 : i32
      %lt3A_98 = arith.cmpi slt, %add3A_97, %lt3A : i32
      %convert_element_type3A_99 = arith.extui %lt3A_98 : i1 to i32
      %cond3A_100 = arith.constant 0 : i32
      %cond3A_101 = arith.cmpi ne, %convert_element_type3A_99, %cond3A_100 : i32
      scf.if %cond3A_101 {
        %dma_wait3A_118 = arith.constant 0 : i32
        %dma_wait3A_119 = tpu.memref_slice %arg7[%mul3A_73, %dma_wait3A_118] : memref<46x128xi32, #tpu.memory_space<vmem>> -> memref<1x128xi32, #tpu.memory_space<vmem>>
        %dma_wait3A_120 = tpu.memref_squeeze %dma_wait3A_119 : memref<1x128xi32, #tpu.memory_space<vmem>> -> memref<128xi32, #tpu.memory_space<vmem>>
        %dma_wait3A_121 = arith.constant 0 : i32
        %dma_wait3A_122 = arith.constant 0 : i32
        %dma_wait3A_123 = tpu.memref_slice %arg11[%dma_wait3A_121, %dma_wait3A_122] : memref<47104x32xf32, #tpu.memory_space<vmem_shared>> -> memref<47104x32xf32, #tpu.memory_space<vmem_shared>>
        tpu.wait_indirect_dma semaphore(%arg15 : memref<!tpu.dma_semaphore, #tpu.memory_space<semaphore_mem>>) src(%arg8 : memref<128x32xf32, #tpu.memory_space<vmem>>) dst(%dma_wait3A_123 : memref<47104x32xf32, #tpu.memory_space<vmem_shared>>)
        %add3A_124 = arith.constant 2 : i32
        %add3A_125 = arith.addi %mul3A_73, %add3A_124 : i32
        %dma_start3A_126 = arith.constant 0 : i32
        %dma_start3A_127 = tpu.memref_slice %arg6[%add3A_125, %dma_start3A_126] : memref<46x128xi32, #tpu.memory_space<vmem>> -> memref<1x128xi32, #tpu.memory_space<vmem>>
        %dma_start3A_128 = tpu.memref_squeeze %dma_start3A_127 : memref<1x128xi32, #tpu.memory_space<vmem>> -> memref<128xi32, #tpu.memory_space<vmem>>
        %dma_start3A_129 = arith.constant 0 : i32
        %dma_start3A_130 = arith.constant 0 : i32
        %dma_start3A_131 = tpu.memref_slice %arg2[%dma_start3A_129, %dma_start3A_130] : memref<47104x32xf32, #tpu.memory_space<hbm>> -> memref<47104x32xf32, #tpu.memory_space<hbm>>
        tpu.enqueue_indirect_dma source(%dma_start3A_131 : memref<47104x32xf32, #tpu.memory_space<hbm>>) target(%arg8 : memref<128x32xf32, #tpu.memory_space<vmem>>) offsets(%dma_start3A_128 : memref<128xi32, #tpu.memory_space<vmem>>) semaphore(%arg13 : memref<!tpu.dma_semaphore, #tpu.memory_space<semaphore_mem>>)
      } else {
      }
      %add3A_102 = arith.constant 1 : i32
      %add3A_103 = arith.addi %mul3A_73, %add3A_102 : i32
      %dma_wait3A_104 = arith.constant 0 : i32
      %dma_wait3A_105 = tpu.memref_slice %arg6[%add3A_103, %dma_wait3A_104] : memref<46x128xi32, #tpu.memory_space<vmem>> -> memref<1x128xi32, #tpu.memory_space<vmem>>
      %dma_wait3A_106 = tpu.memref_squeeze %dma_wait3A_105 : memref<1x128xi32, #tpu.memory_space<vmem>> -> memref<128xi32, #tpu.memory_space<vmem>>
      %dma_wait3A_107 = arith.constant 0 : i32
      %dma_wait3A_108 = arith.constant 0 : i32
      %dma_wait3A_109 = tpu.memref_slice %arg2[%dma_wait3A_107, %dma_wait3A_108] : memref<47104x32xf32, #tpu.memory_space<hbm>> -> memref<47104x32xf32, #tpu.memory_space<hbm>>
      tpu.wait_indirect_dma semaphore(%arg14 : memref<!tpu.dma_semaphore, #tpu.memory_space<semaphore_mem>>) src(%dma_wait3A_109 : memref<47104x32xf32, #tpu.memory_space<hbm>>) dst(%arg9 : memref<128x32xf32, #tpu.memory_space<vmem>>)
      %add3A_110 = arith.constant 1 : i32
      %add3A_111 = arith.addi %mul3A_73, %add3A_110 : i32
      %dma_start3A_112 = arith.constant 0 : i32
      %dma_start3A_113 = tpu.memref_slice %arg7[%add3A_111, %dma_start3A_112] : memref<46x128xi32, #tpu.memory_space<vmem>> -> memref<1x128xi32, #tpu.memory_space<vmem>>
      %dma_start3A_114 = tpu.memref_squeeze %dma_start3A_113 : memref<1x128xi32, #tpu.memory_space<vmem>> -> memref<128xi32, #tpu.memory_space<vmem>>
      %dma_start3A_115 = arith.constant 0 : i32
      %dma_start3A_116 = arith.constant 0 : i32
      %dma_start3A_117 = tpu.memref_slice %arg11[%dma_start3A_115, %dma_start3A_116] : memref<47104x32xf32, #tpu.memory_space<vmem_shared>> -> memref<47104x32xf32, #tpu.memory_space<vmem_shared>>
      tpu.enqueue_indirect_dma source(%arg9 : memref<128x32xf32, #tpu.memory_space<vmem>>) target(%dma_start3A_117 : memref<47104x32xf32, #tpu.memory_space<vmem_shared>>) offsets(%dma_start3A_114 : memref<128xi32, #tpu.memory_space<vmem>>) semaphore(%arg16 : memref<!tpu.dma_semaphore, #tpu.memory_space<semaphore_mem>>) {add = true}
    }
    %scan3A_51 = arith.constant 23 : i32
    %dma_wait3A_52 = arith.constant 44 : i32
    %dma_wait3A_53 = arith.constant 0 : i32
    %dma_wait3A_54 = tpu.memref_slice %arg7[%dma_wait3A_52, %dma_wait3A_53] : memref<46x128xi32, #tpu.memory_space<vmem>> -> memref<1x128xi32, #tpu.memory_space<vmem>>
    %dma_wait3A_55 = tpu.memref_squeeze %dma_wait3A_54 : memref<1x128xi32, #tpu.memory_space<vmem>> -> memref<128xi32, #tpu.memory_space<vmem>>
    %dma_wait3A_56 = arith.constant 0 : i32
    %dma_wait3A_57 = arith.constant 0 : i32
    %dma_wait3A_58 = tpu.memref_slice %arg11[%dma_wait3A_56, %dma_wait3A_57] : memref<47104x32xf32, #tpu.memory_space<vmem_shared>> -> memref<47104x32xf32, #tpu.memory_space<vmem_shared>>
    tpu.wait_indirect_dma semaphore(%arg15 : memref<!tpu.dma_semaphore, #tpu.memory_space<semaphore_mem>>) src(%arg8 : memref<128x32xf32, #tpu.memory_space<vmem>>) dst(%dma_wait3A_58 : memref<47104x32xf32, #tpu.memory_space<vmem_shared>>)
    %dma_wait3A_59 = arith.constant 45 : i32
    %dma_wait3A_60 = arith.constant 0 : i32
    %dma_wait3A_61 = tpu.memref_slice %arg7[%dma_wait3A_59, %dma_wait3A_60] : memref<46x128xi32, #tpu.memory_space<vmem>> -> memref<1x128xi32, #tpu.memory_space<vmem>>
    %dma_wait3A_62 = tpu.memref_squeeze %dma_wait3A_61 : memref<1x128xi32, #tpu.memory_space<vmem>> -> memref<128xi32, #tpu.memory_space<vmem>>
    %dma_wait3A_63 = arith.constant 0 : i32
    %dma_wait3A_64 = arith.constant 0 : i32
    %dma_wait3A_65 = tpu.memref_slice %arg11[%dma_wait3A_63, %dma_wait3A_64] : memref<47104x32xf32, #tpu.memory_space<vmem_shared>> -> memref<47104x32xf32, #tpu.memory_space<vmem_shared>>
    tpu.wait_indirect_dma semaphore(%arg16 : memref<!tpu.dma_semaphore, #tpu.memory_space<semaphore_mem>>) src(%arg9 : memref<128x32xf32, #tpu.memory_space<vmem>>) dst(%dma_wait3A_65 : memref<47104x32xf32, #tpu.memory_space<vmem_shared>>)
    %barrier3A_66 = arith.constant 0 : index
    tpu.barrier barrier_id(%barrier3A_66)
    %mul3A_67 = arith.constant 2944 : i32
    %mul3A_68 = arith.muli %arg1, %mul3A_67 : i32
    %mul3A_69 = arith.constant 2944 : i32
    %mul3A_70 = arith.muli %arg1, %mul3A_69 : i32
    "tpu.region"() ({
      %run_scoped3A = tpu.sem_alloc : memref<!tpu.dma_semaphore, #tpu.memory_space<semaphore_mem>>
      %dma_start3A_71 = arith.constant 0 : i32
      %dma_start3A_72 = tpu.memref_slice %arg5[%arg0, %mul3A_70, %dma_start3A_71] : memref<2x47104x32xf32, #tpu.memory_space<hbm>> -> memref<1x2944x32xf32, #tpu.memory_space<hbm>>
      %dma_start3A_73 = tpu.memref_squeeze %dma_start3A_72 : memref<1x2944x32xf32, #tpu.memory_space<hbm>> -> memref<2944x32xf32, #tpu.memory_space<hbm>>
      %dma_start3A_74 = arith.constant 0 : i32
      %dma_start3A_75 = tpu.memref_slice %arg11[%mul3A_68, %dma_start3A_74] : memref<47104x32xf32, #tpu.memory_space<vmem_shared>> -> memref<2944x32xf32, #tpu.memory_space<vmem_shared>>
      tpu.enqueue_dma source(%dma_start3A_75 : memref<2944x32xf32, #tpu.memory_space<vmem_shared>>) target(%dma_start3A_73 : memref<2944x32xf32, #tpu.memory_space<hbm>>) target_semaphore(%run_scoped3A : memref<!tpu.dma_semaphore, #tpu.memory_space<semaphore_mem>>)
      %dma_wait3A_76 = arith.constant 0 : i32
      %dma_wait3A_77 = tpu.memref_slice %arg5[%arg0, %mul3A_70, %dma_wait3A_76] : memref<2x47104x32xf32, #tpu.memory_space<hbm>> -> memref<1x2944x32xf32, #tpu.memory_space<hbm>>
      %dma_wait3A_78 = tpu.memref_squeeze %dma_wait3A_77 : memref<1x2944x32xf32, #tpu.memory_space<hbm>> -> memref<2944x32xf32, #tpu.memory_space<hbm>>
      %dma_wait3A_79 = arith.constant 0 : i32
      %dma_wait3A_80 = tpu.memref_slice %arg11[%mul3A_68, %dma_wait3A_79] : memref<47104x32xf32, #tpu.memory_space<vmem_shared>> -> memref<2944x32xf32, #tpu.memory_space<vmem_shared>>
      tpu.wait_dma2 semaphore(%run_scoped3A : memref<!tpu.dma_semaphore, #tpu.memory_space<semaphore_mem>>) src(%dma_wait3A_80 : memref<2944x32xf32, #tpu.memory_space<vmem_shared>>) dst(%dma_wait3A_78 : memref<2944x32xf32, #tpu.memory_space<hbm>>)
      tpu.yield
    }) : () -> ()
    return
  }
}

#map = affine_map<(d0, d1) -> (0, 0)>
#map1 = affine_map<(d0, d1) -> (0, 0, 0)>
module attributes {stable_mosaic.version = 14 : i64} {
  func.func @kfn(%arg0: i32, %arg1: i32, %arg2: memref<11776x32xf32, #tpu.memory_space<hbm>>, %arg3: memref<32x12x128xi32, #tpu.memory_space<hbm>>, %arg4: memref<32x12x128xi32, #tpu.memory_space<hbm>>, %arg5: memref<2x11776x32xf32, #tpu.memory_space<hbm>>, %arg6: memref<12x128xi32, #tpu.memory_space<vmem>>, %arg7: memref<12x128xi32, #tpu.memory_space<vmem>>, %arg8: memref<128x32xf32, #tpu.memory_space<vmem>>, %arg9: memref<128x32xf32, #tpu.memory_space<vmem>>, %arg10: memref<184x32xf32, #tpu.memory_space<vmem>>, %arg11: memref<11776x32xf32, #tpu.memory_space<vmem_shared>>, %arg12: memref<!tpu.dma_semaphore, #tpu.memory_space<semaphore_mem>>, %arg13: memref<!tpu.dma_semaphore, #tpu.memory_space<semaphore_mem>>, %arg14: memref<!tpu.dma_semaphore, #tpu.memory_space<semaphore_mem>>, %arg15: memref<!tpu.dma_semaphore, #tpu.memory_space<semaphore_mem>>, %arg16: memref<!tpu.dma_semaphore, #tpu.memory_space<semaphore_mem>>) attributes {dimension_semantics = [#tpu.dimension_semantics<core_parallel>, #tpu.dimension_semantics<subcore_parallel>], iteration_bounds = array<i64: 2, 16>, scalar_prefetch = 0 : i64, scratch_operands = 11 : i64, tpu.core_type = #tpu.core_type<sc_vector_subcore>, window_params = [{transform_indices = #map}, {transform_indices = #map1}, {transform_indices = #map1}, {transform_indices = #map1}]} {
    %mul3A = arith.constant 16 : i32
    %mul3A_0 = arith.muli %arg0, %mul3A : i32
    %add3A = arith.addi %mul3A_0, %arg1 : i32
    %scan3A = arith.constant 0 : i32
    %scan3A_1 = arith.constant 184 : i32
    %scan3A_2 = arith.addi %scan3A, %scan3A_1 : i32
    %scan3A_3 = arith.constant 1 : i32
    scf.for %scan3A_71 = %scan3A to %scan3A_2 step %scan3A_3  : i32 {
      %broadcast_in_dim3A = arith.constant 0.000000e+00 : f32
      %broadcast_in_dim3A_72 = vector.broadcast %broadcast_in_dim3A : f32 to vector<16xf32>
      %swap3A = arith.index_cast %scan3A_71 : i32 to index
      %swap3A_73 = arith.constant 0 : index
      %swap3A_74 = tpu.vector_load %arg10[%swap3A, %swap3A_73] {strides = array<i32>} : memref<184x32xf32, #tpu.memory_space<vmem>>, vector<1x16xf32>,
      %swap3A_75 = vector.shape_cast %swap3A_74 : vector<1x16xf32> to vector<16xf32>
      %swap3A_76 = vector.shape_cast %broadcast_in_dim3A_72 : vector<16xf32> to vector<1x16xf32>
      tpu.vector_store %arg10[%swap3A, %swap3A_73], %swap3A_76 {strides = array<i32>} : memref<184x32xf32, #tpu.memory_space<vmem>>, vector<1x16xf32>,
      %broadcast_in_dim3A_77 = arith.constant 0.000000e+00 : f32
      %broadcast_in_dim3A_78 = vector.broadcast %broadcast_in_dim3A_77 : f32 to vector<16xf32>
      %swap3A_79 = arith.index_cast %scan3A_71 : i32 to index
      %swap3A_80 = arith.constant 16 : index
      %swap3A_81 = tpu.vector_load %arg10[%swap3A_79, %swap3A_80] {strides = array<i32>} : memref<184x32xf32, #tpu.memory_space<vmem>>, vector<1x16xf32>,
      %swap3A_82 = vector.shape_cast %swap3A_81 : vector<1x16xf32> to vector<16xf32>
      %swap3A_83 = vector.shape_cast %broadcast_in_dim3A_78 : vector<16xf32> to vector<1x16xf32>
      tpu.vector_store %arg10[%swap3A_79, %swap3A_80], %swap3A_83 {strides = array<i32>} : memref<184x32xf32, #tpu.memory_space<vmem>>, vector<1x16xf32>,
    }
    %scan3A_4 = arith.constant 184 : i32
    %dma_start3A = arith.constant 0 : i32
    %dma_start3A_5 = arith.constant 0 : i32
    %dma_start3A_6 = tpu.memref_slice %arg3[%add3A, %dma_start3A, %dma_start3A_5] : memref<32x12x128xi32, #tpu.memory_space<hbm>> -> memref<1x12x128xi32, #tpu.memory_space<hbm>>
    %dma_start3A_7 = tpu.memref_squeeze %dma_start3A_6 : memref<1x12x128xi32, #tpu.memory_space<hbm>> -> memref<12x128xi32, #tpu.memory_space<hbm>>
    %dma_start3A_8 = arith.constant 0 : i32
    %dma_start3A_9 = arith.constant 0 : i32
    %dma_start3A_10 = tpu.memref_slice %arg3[%add3A, %dma_start3A_8, %dma_start3A_9] : memref<32x12x128xi32, #tpu.memory_space<hbm>> -> memref<1x12x128xi32, #tpu.memory_space<hbm>>
    %dma_start3A_11 = tpu.memref_squeeze %dma_start3A_10 : memref<1x12x128xi32, #tpu.memory_space<hbm>> -> memref<12x128xi32, #tpu.memory_space<hbm>>
    tpu.enqueue_dma source(%dma_start3A_11 : memref<12x128xi32, #tpu.memory_space<hbm>>) target(%arg6 : memref<12x128xi32, #tpu.memory_space<vmem>>) target_semaphore(%arg12 : memref<!tpu.dma_semaphore, #tpu.memory_space<semaphore_mem>>)
    %dma_start3A_12 = arith.constant 0 : i32
    %dma_start3A_13 = arith.constant 0 : i32
    %dma_start3A_14 = tpu.memref_slice %arg4[%add3A, %dma_start3A_12, %dma_start3A_13] : memref<32x12x128xi32, #tpu.memory_space<hbm>> -> memref<1x12x128xi32, #tpu.memory_space<hbm>>
    %dma_start3A_15 = tpu.memref_squeeze %dma_start3A_14 : memref<1x12x128xi32, #tpu.memory_space<hbm>> -> memref<12x128xi32, #tpu.memory_space<hbm>>
    %dma_start3A_16 = arith.constant 0 : i32
    %dma_start3A_17 = arith.constant 0 : i32
    %dma_start3A_18 = tpu.memref_slice %arg4[%add3A, %dma_start3A_16, %dma_start3A_17] : memref<32x12x128xi32, #tpu.memory_space<hbm>> -> memref<1x12x128xi32, #tpu.memory_space<hbm>>
    %dma_start3A_19 = tpu.memref_squeeze %dma_start3A_18 : memref<1x12x128xi32, #tpu.memory_space<hbm>> -> memref<12x128xi32, #tpu.memory_space<hbm>>
    tpu.enqueue_dma source(%dma_start3A_19 : memref<12x128xi32, #tpu.memory_space<hbm>>) target(%arg7 : memref<12x128xi32, #tpu.memory_space<vmem>>) target_semaphore(%arg12 : memref<!tpu.dma_semaphore, #tpu.memory_space<semaphore_mem>>)
    %scan3A_20 = arith.constant 0 : i32
    %scan3A_21 = arith.constant 4 : i32
    %scan3A_22 = arith.addi %scan3A_20, %scan3A_21 : i32
    %scan3A_23 = arith.constant 1 : i32
    scf.for %scan3A_71 = %scan3A_20 to %scan3A_22 step %scan3A_23  : i32 {
      %mul3A_72 = arith.constant 736 : i32
      %mul3A_73 = arith.muli %arg1, %mul3A_72 : i32
      %mul3A_74 = arith.constant 184 : i32
      %mul3A_75 = arith.muli %scan3A_71, %mul3A_74 : i32
      %add3A_76 = arith.addi %mul3A_73, %mul3A_75 : i32
      "tpu.region"() ({
        %run_scoped3A = tpu.sem_alloc : memref<!tpu.dma_semaphore, #tpu.memory_space<semaphore_mem>>
        %dma_start3A_77 = arith.constant 0 : i32
        %dma_start3A_78 = tpu.memref_slice %arg11[%add3A_76, %dma_start3A_77] : memref<11776x32xf32, #tpu.memory_space<vmem_shared>> -> memref<184x32xf32, #tpu.memory_space<vmem_shared>>
        %dma_start3A_79 = arith.constant 0 : i32
        %dma_start3A_80 = tpu.memref_slice %arg11[%add3A_76, %dma_start3A_79] : memref<11776x32xf32, #tpu.memory_space<vmem_shared>> -> memref<184x32xf32, #tpu.memory_space<vmem_shared>>
        tpu.enqueue_dma source(%arg10 : memref<184x32xf32, #tpu.memory_space<vmem>>) target(%dma_start3A_80 : memref<184x32xf32, #tpu.memory_space<vmem_shared>>) target_semaphore(%run_scoped3A : memref<!tpu.dma_semaphore, #tpu.memory_space<semaphore_mem>>)
        %dma_wait3A_81 = arith.constant 0 : i32
        %dma_wait3A_82 = tpu.memref_slice %arg11[%add3A_76, %dma_wait3A_81] : memref<11776x32xf32, #tpu.memory_space<vmem_shared>> -> memref<184x32xf32, #tpu.memory_space<vmem_shared>>
        %dma_wait3A_83 = arith.constant 0 : i32
        %dma_wait3A_84 = tpu.memref_slice %arg11[%add3A_76, %dma_wait3A_83] : memref<11776x32xf32, #tpu.memory_space<vmem_shared>> -> memref<184x32xf32, #tpu.memory_space<vmem_shared>>
        tpu.wait_dma2 semaphore(%run_scoped3A : memref<!tpu.dma_semaphore, #tpu.memory_space<semaphore_mem>>) src(%arg10 : memref<184x32xf32, #tpu.memory_space<vmem>>) dst(%dma_wait3A_84 : memref<184x32xf32, #tpu.memory_space<vmem_shared>>)
        tpu.yield
      }) : () -> ()
    }
    %scan3A_24 = arith.constant 4 : i32
    %dma_wait3A = arith.constant 0 : i32
    %dma_wait3A_25 = arith.constant 0 : i32
    %dma_wait3A_26 = tpu.memref_slice %arg3[%add3A, %dma_wait3A, %dma_wait3A_25] : memref<32x12x128xi32, #tpu.memory_space<hbm>> -> memref<1x12x128xi32, #tpu.memory_space<hbm>>
    %dma_wait3A_27 = tpu.memref_squeeze %dma_wait3A_26 : memref<1x12x128xi32, #tpu.memory_space<hbm>> -> memref<12x128xi32, #tpu.memory_space<hbm>>
    %dma_wait3A_28 = arith.constant 0 : i32
    %dma_wait3A_29 = arith.constant 0 : i32
    %dma_wait3A_30 = tpu.memref_slice %arg3[%add3A, %dma_wait3A_28, %dma_wait3A_29] : memref<32x12x128xi32, #tpu.memory_space<hbm>> -> memref<1x12x128xi32, #tpu.memory_space<hbm>>
    %dma_wait3A_31 = tpu.memref_squeeze %dma_wait3A_30 : memref<1x12x128xi32, #tpu.memory_space<hbm>> -> memref<12x128xi32, #tpu.memory_space<hbm>>
    tpu.wait_dma2 semaphore(%arg12 : memref<!tpu.dma_semaphore, #tpu.memory_space<semaphore_mem>>) src(%dma_wait3A_31 : memref<12x128xi32, #tpu.memory_space<hbm>>) dst(%arg6 : memref<12x128xi32, #tpu.memory_space<vmem>>)
    %dma_wait3A_32 = arith.constant 0 : i32
    %dma_wait3A_33 = arith.constant 0 : i32
    %dma_wait3A_34 = tpu.memref_slice %arg4[%add3A, %dma_wait3A_32, %dma_wait3A_33] : memref<32x12x128xi32, #tpu.memory_space<hbm>> -> memref<1x12x128xi32, #tpu.memory_space<hbm>>
    %dma_wait3A_35 = tpu.memref_squeeze %dma_wait3A_34 : memref<1x12x128xi32, #tpu.memory_space<hbm>> -> memref<12x128xi32, #tpu.memory_space<hbm>>
    %dma_wait3A_36 = arith.constant 0 : i32
    %dma_wait3A_37 = arith.constant 0 : i32
    %dma_wait3A_38 = tpu.memref_slice %arg4[%add3A, %dma_wait3A_36, %dma_wait3A_37] : memref<32x12x128xi32, #tpu.memory_space<hbm>> -> memref<1x12x128xi32, #tpu.memory_space<hbm>>
    %dma_wait3A_39 = tpu.memref_squeeze %dma_wait3A_38 : memref<1x12x128xi32, #tpu.memory_space<hbm>> -> memref<12x128xi32, #tpu.memory_space<hbm>>
    tpu.wait_dma2 semaphore(%arg12 : memref<!tpu.dma_semaphore, #tpu.memory_space<semaphore_mem>>) src(%dma_wait3A_39 : memref<12x128xi32, #tpu.memory_space<hbm>>) dst(%arg7 : memref<12x128xi32, #tpu.memory_space<vmem>>)
    %barrier3A = arith.constant 0 : index
    tpu.barrier barrier_id(%barrier3A)
    %dma_start3A_40 = arith.constant 0 : i32
    %dma_start3A_41 = arith.constant 0 : i32
    %dma_start3A_42 = tpu.memref_slice %arg6[%dma_start3A_40, %dma_start3A_41] : memref<12x128xi32, #tpu.memory_space<vmem>> -> memref<1x128xi32, #tpu.memory_space<vmem>>
    %dma_start3A_43 = tpu.memref_squeeze %dma_start3A_42 : memref<1x128xi32, #tpu.memory_space<vmem>> -> memref<128xi32, #tpu.memory_space<vmem>>
    %dma_start3A_44 = arith.constant 0 : i32
    %dma_start3A_45 = arith.constant 0 : i32
    %dma_start3A_46 = tpu.memref_slice %arg2[%dma_start3A_44, %dma_start3A_45] : memref<11776x32xf32, #tpu.memory_space<hbm>> -> memref<11776x32xf32, #tpu.memory_space<hbm>>
    tpu.enqueue_indirect_dma source(%dma_start3A_46 : memref<11776x32xf32, #tpu.memory_space<hbm>>) target(%arg8 : memref<128x32xf32, #tpu.memory_space<vmem>>) offsets(%dma_start3A_43 : memref<128xi32, #tpu.memory_space<vmem>>) semaphore(%arg13 : memref<!tpu.dma_semaphore, #tpu.memory_space<semaphore_mem>>)
    %scan3A_47 = arith.constant 0 : i32
    %scan3A_48 = arith.constant 6 : i32
    %scan3A_49 = arith.addi %scan3A_47, %scan3A_48 : i32
    %scan3A_50 = arith.constant 1 : i32
    scf.for %scan3A_71 = %scan3A_47 to %scan3A_49 step %scan3A_50  : i32 {
      %mul3A_72 = arith.constant 2 : i32
      %mul3A_73 = arith.muli %scan3A_71, %mul3A_72 : i32
      %gt3A = arith.constant 0 : i32
      %gt3A_74 = arith.cmpi sgt, %scan3A_71, %gt3A : i32
      %convert_element_type3A = arith.extui %gt3A_74 : i1 to i32
      %cond3A = arith.constant 0 : i32
      %cond3A_75 = arith.cmpi ne, %convert_element_type3A, %cond3A : i32
      scf.if %cond3A_75 {
        %sub3A = arith.constant 1 : i32
        %sub3A_118 = arith.subi %mul3A_73, %sub3A : i32
        %dma_wait3A_119 = arith.constant 0 : i32
        %dma_wait3A_120 = tpu.memref_slice %arg7[%sub3A_118, %dma_wait3A_119] : memref<12x128xi32, #tpu.memory_space<vmem>> -> memref<1x128xi32, #tpu.memory_space<vmem>>
        %dma_wait3A_121 = tpu.memref_squeeze %dma_wait3A_120 : memref<1x128xi32, #tpu.memory_space<vmem>> -> memref<128xi32, #tpu.memory_space<vmem>>
        %dma_wait3A_122 = arith.constant 0 : i32
        %dma_wait3A_123 = arith.constant 0 : i32
        %dma_wait3A_124 = tpu.memref_slice %arg11[%dma_wait3A_122, %dma_wait3A_123] : memref<11776x32xf32, #tpu.memory_space<vmem_shared>> -> memref<11776x32xf32, #tpu.memory_space<vmem_shared>>
        tpu.wait_indirect_dma semaphore(%arg16 : memref<!tpu.dma_semaphore, #tpu.memory_space<semaphore_mem>>) src(%arg9 : memref<128x32xf32, #tpu.memory_space<vmem>>) dst(%dma_wait3A_124 : memref<11776x32xf32, #tpu.memory_space<vmem_shared>>)
      } else {
      }
      %add3A_76 = arith.constant 1 : i32
      %add3A_77 = arith.addi %mul3A_73, %add3A_76 : i32
      %dma_start3A_78 = arith.constant 0 : i32
      %dma_start3A_79 = tpu.memref_slice %arg6[%add3A_77, %dma_start3A_78] : memref<12x128xi32, #tpu.memory_space<vmem>> -> memref<1x128xi32, #tpu.memory_space<vmem>>
      %dma_start3A_80 = tpu.memref_squeeze %dma_start3A_79 : memref<1x128xi32, #tpu.memory_space<vmem>> -> memref<128xi32, #tpu.memory_space<vmem>>
      %dma_start3A_81 = arith.constant 0 : i32
      %dma_start3A_82 = arith.constant 0 : i32
      %dma_start3A_83 = tpu.memref_slice %arg2[%dma_start3A_81, %dma_start3A_82] : memref<11776x32xf32, #tpu.memory_space<hbm>> -> memref<11776x32xf32, #tpu.memory_space<hbm>>
      tpu.enqueue_indirect_dma source(%dma_start3A_83 : memref<11776x32xf32, #tpu.memory_space<hbm>>) target(%arg9 : memref<128x32xf32, #tpu.memory_space<vmem>>) offsets(%dma_start3A_80 : memref<128xi32, #tpu.memory_space<vmem>>) semaphore(%arg14 : memref<!tpu.dma_semaphore, #tpu.memory_space<semaphore_mem>>)
      %dma_wait3A_84 = arith.constant 0 : i32
      %dma_wait3A_85 = tpu.memref_slice %arg6[%mul3A_73, %dma_wait3A_84] : memref<12x128xi32, #tpu.memory_space<vmem>> -> memref<1x128xi32, #tpu.memory_space<vmem>>
      %dma_wait3A_86 = tpu.memref_squeeze %dma_wait3A_85 : memref<1x128xi32, #tpu.memory_space<vmem>> -> memref<128xi32, #tpu.memory_space<vmem>>
      %dma_wait3A_87 = arith.constant 0 : i32
      %dma_wait3A_88 = arith.constant 0 : i32
      %dma_wait3A_89 = tpu.memref_slice %arg2[%dma_wait3A_87, %dma_wait3A_88] : memref<11776x32xf32, #tpu.memory_space<hbm>> -> memref<11776x32xf32, #tpu.memory_space<hbm>>
      tpu.wait_indirect_dma semaphore(%arg13 : memref<!tpu.dma_semaphore, #tpu.memory_space<semaphore_mem>>) src(%dma_wait3A_89 : memref<11776x32xf32, #tpu.memory_space<hbm>>) dst(%arg8 : memref<128x32xf32, #tpu.memory_space<vmem>>)
      %dma_start3A_90 = arith.constant 0 : i32
      %dma_start3A_91 = tpu.memref_slice %arg7[%mul3A_73, %dma_start3A_90] : memref<12x128xi32, #tpu.memory_space<vmem>> -> memref<1x128xi32, #tpu.memory_space<vmem>>
      %dma_start3A_92 = tpu.memref_squeeze %dma_start3A_91 : memref<1x128xi32, #tpu.memory_space<vmem>> -> memref<128xi32, #tpu.memory_space<vmem>>
      %dma_start3A_93 = arith.constant 0 : i32
      %dma_start3A_94 = arith.constant 0 : i32
      %dma_start3A_95 = tpu.memref_slice %arg11[%dma_start3A_93, %dma_start3A_94] : memref<11776x32xf32, #tpu.memory_space<vmem_shared>> -> memref<11776x32xf32, #tpu.memory_space<vmem_shared>>
      tpu.enqueue_indirect_dma source(%arg8 : memref<128x32xf32, #tpu.memory_space<vmem>>) target(%dma_start3A_95 : memref<11776x32xf32, #tpu.memory_space<vmem_shared>>) offsets(%dma_start3A_92 : memref<128xi32, #tpu.memory_space<vmem>>) semaphore(%arg15 : memref<!tpu.dma_semaphore, #tpu.memory_space<semaphore_mem>>) {add = true}
      %add3A_96 = arith.constant 2 : i32
      %add3A_97 = arith.addi %mul3A_73, %add3A_96 : i32
      %lt3A = arith.constant 12 : i32
      %lt3A_98 = arith.cmpi slt, %add3A_97, %lt3A : i32
      %convert_element_type3A_99 = arith.extui %lt3A_98 : i1 to i32
      %cond3A_100 = arith.constant 0 : i32
      %cond3A_101 = arith.cmpi ne, %convert_element_type3A_99, %cond3A_100 : i32
      scf.if %cond3A_101 {
        %dma_wait3A_118 = arith.constant 0 : i32
        %dma_wait3A_119 = tpu.memref_slice %arg7[%mul3A_73, %dma_wait3A_118] : memref<12x128xi32, #tpu.memory_space<vmem>> -> memref<1x128xi32, #tpu.memory_space<vmem>>
        %dma_wait3A_120 = tpu.memref_squeeze %dma_wait3A_119 : memref<1x128xi32, #tpu.memory_space<vmem>> -> memref<128xi32, #tpu.memory_space<vmem>>
        %dma_wait3A_121 = arith.constant 0 : i32
        %dma_wait3A_122 = arith.constant 0 : i32
        %dma_wait3A_123 = tpu.memref_slice %arg11[%dma_wait3A_121, %dma_wait3A_122] : memref<11776x32xf32, #tpu.memory_space<vmem_shared>> -> memref<11776x32xf32, #tpu.memory_space<vmem_shared>>
        tpu.wait_indirect_dma semaphore(%arg15 : memref<!tpu.dma_semaphore, #tpu.memory_space<semaphore_mem>>) src(%arg8 : memref<128x32xf32, #tpu.memory_space<vmem>>) dst(%dma_wait3A_123 : memref<11776x32xf32, #tpu.memory_space<vmem_shared>>)
        %add3A_124 = arith.constant 2 : i32
        %add3A_125 = arith.addi %mul3A_73, %add3A_124 : i32
        %dma_start3A_126 = arith.constant 0 : i32
        %dma_start3A_127 = tpu.memref_slice %arg6[%add3A_125, %dma_start3A_126] : memref<12x128xi32, #tpu.memory_space<vmem>> -> memref<1x128xi32, #tpu.memory_space<vmem>>
        %dma_start3A_128 = tpu.memref_squeeze %dma_start3A_127 : memref<1x128xi32, #tpu.memory_space<vmem>> -> memref<128xi32, #tpu.memory_space<vmem>>
        %dma_start3A_129 = arith.constant 0 : i32
        %dma_start3A_130 = arith.constant 0 : i32
        %dma_start3A_131 = tpu.memref_slice %arg2[%dma_start3A_129, %dma_start3A_130] : memref<11776x32xf32, #tpu.memory_space<hbm>> -> memref<11776x32xf32, #tpu.memory_space<hbm>>
        tpu.enqueue_indirect_dma source(%dma_start3A_131 : memref<11776x32xf32, #tpu.memory_space<hbm>>) target(%arg8 : memref<128x32xf32, #tpu.memory_space<vmem>>) offsets(%dma_start3A_128 : memref<128xi32, #tpu.memory_space<vmem>>) semaphore(%arg13 : memref<!tpu.dma_semaphore, #tpu.memory_space<semaphore_mem>>)
      } else {
      }
      %add3A_102 = arith.constant 1 : i32
      %add3A_103 = arith.addi %mul3A_73, %add3A_102 : i32
      %dma_wait3A_104 = arith.constant 0 : i32
      %dma_wait3A_105 = tpu.memref_slice %arg6[%add3A_103, %dma_wait3A_104] : memref<12x128xi32, #tpu.memory_space<vmem>> -> memref<1x128xi32, #tpu.memory_space<vmem>>
      %dma_wait3A_106 = tpu.memref_squeeze %dma_wait3A_105 : memref<1x128xi32, #tpu.memory_space<vmem>> -> memref<128xi32, #tpu.memory_space<vmem>>
      %dma_wait3A_107 = arith.constant 0 : i32
      %dma_wait3A_108 = arith.constant 0 : i32
      %dma_wait3A_109 = tpu.memref_slice %arg2[%dma_wait3A_107, %dma_wait3A_108] : memref<11776x32xf32, #tpu.memory_space<hbm>> -> memref<11776x32xf32, #tpu.memory_space<hbm>>
      tpu.wait_indirect_dma semaphore(%arg14 : memref<!tpu.dma_semaphore, #tpu.memory_space<semaphore_mem>>) src(%dma_wait3A_109 : memref<11776x32xf32, #tpu.memory_space<hbm>>) dst(%arg9 : memref<128x32xf32, #tpu.memory_space<vmem>>)
      %add3A_110 = arith.constant 1 : i32
      %add3A_111 = arith.addi %mul3A_73, %add3A_110 : i32
      %dma_start3A_112 = arith.constant 0 : i32
      %dma_start3A_113 = tpu.memref_slice %arg7[%add3A_111, %dma_start3A_112] : memref<12x128xi32, #tpu.memory_space<vmem>> -> memref<1x128xi32, #tpu.memory_space<vmem>>
      %dma_start3A_114 = tpu.memref_squeeze %dma_start3A_113 : memref<1x128xi32, #tpu.memory_space<vmem>> -> memref<128xi32, #tpu.memory_space<vmem>>
      %dma_start3A_115 = arith.constant 0 : i32
      %dma_start3A_116 = arith.constant 0 : i32
      %dma_start3A_117 = tpu.memref_slice %arg11[%dma_start3A_115, %dma_start3A_116] : memref<11776x32xf32, #tpu.memory_space<vmem_shared>> -> memref<11776x32xf32, #tpu.memory_space<vmem_shared>>
      tpu.enqueue_indirect_dma source(%arg9 : memref<128x32xf32, #tpu.memory_space<vmem>>) target(%dma_start3A_117 : memref<11776x32xf32, #tpu.memory_space<vmem_shared>>) offsets(%dma_start3A_114 : memref<128xi32, #tpu.memory_space<vmem>>) semaphore(%arg16 : memref<!tpu.dma_semaphore, #tpu.memory_space<semaphore_mem>>) {add = true}
    }
    %scan3A_51 = arith.constant 6 : i32
    %dma_wait3A_52 = arith.constant 10 : i32
    %dma_wait3A_53 = arith.constant 0 : i32
    %dma_wait3A_54 = tpu.memref_slice %arg7[%dma_wait3A_52, %dma_wait3A_53] : memref<12x128xi32, #tpu.memory_space<vmem>> -> memref<1x128xi32, #tpu.memory_space<vmem>>
    %dma_wait3A_55 = tpu.memref_squeeze %dma_wait3A_54 : memref<1x128xi32, #tpu.memory_space<vmem>> -> memref<128xi32, #tpu.memory_space<vmem>>
    %dma_wait3A_56 = arith.constant 0 : i32
    %dma_wait3A_57 = arith.constant 0 : i32
    %dma_wait3A_58 = tpu.memref_slice %arg11[%dma_wait3A_56, %dma_wait3A_57] : memref<11776x32xf32, #tpu.memory_space<vmem_shared>> -> memref<11776x32xf32, #tpu.memory_space<vmem_shared>>
    tpu.wait_indirect_dma semaphore(%arg15 : memref<!tpu.dma_semaphore, #tpu.memory_space<semaphore_mem>>) src(%arg8 : memref<128x32xf32, #tpu.memory_space<vmem>>) dst(%dma_wait3A_58 : memref<11776x32xf32, #tpu.memory_space<vmem_shared>>)
    %dma_wait3A_59 = arith.constant 11 : i32
    %dma_wait3A_60 = arith.constant 0 : i32
    %dma_wait3A_61 = tpu.memref_slice %arg7[%dma_wait3A_59, %dma_wait3A_60] : memref<12x128xi32, #tpu.memory_space<vmem>> -> memref<1x128xi32, #tpu.memory_space<vmem>>
    %dma_wait3A_62 = tpu.memref_squeeze %dma_wait3A_61 : memref<1x128xi32, #tpu.memory_space<vmem>> -> memref<128xi32, #tpu.memory_space<vmem>>
    %dma_wait3A_63 = arith.constant 0 : i32
    %dma_wait3A_64 = arith.constant 0 : i32
    %dma_wait3A_65 = tpu.memref_slice %arg11[%dma_wait3A_63, %dma_wait3A_64] : memref<11776x32xf32, #tpu.memory_space<vmem_shared>> -> memref<11776x32xf32, #tpu.memory_space<vmem_shared>>
    tpu.wait_indirect_dma semaphore(%arg16 : memref<!tpu.dma_semaphore, #tpu.memory_space<semaphore_mem>>) src(%arg9 : memref<128x32xf32, #tpu.memory_space<vmem>>) dst(%dma_wait3A_65 : memref<11776x32xf32, #tpu.memory_space<vmem_shared>>)
    %barrier3A_66 = arith.constant 0 : index
    tpu.barrier barrier_id(%barrier3A_66)
    %mul3A_67 = arith.constant 736 : i32
    %mul3A_68 = arith.muli %arg1, %mul3A_67 : i32
    %mul3A_69 = arith.constant 736 : i32
    %mul3A_70 = arith.muli %arg1, %mul3A_69 : i32
    "tpu.region"() ({
      %run_scoped3A = tpu.sem_alloc : memref<!tpu.dma_semaphore, #tpu.memory_space<semaphore_mem>>
      %dma_start3A_71 = arith.constant 0 : i32
      %dma_start3A_72 = tpu.memref_slice %arg5[%arg0, %mul3A_70, %dma_start3A_71] : memref<2x11776x32xf32, #tpu.memory_space<hbm>> -> memref<1x736x32xf32, #tpu.memory_space<hbm>>
      %dma_start3A_73 = tpu.memref_squeeze %dma_start3A_72 : memref<1x736x32xf32, #tpu.memory_space<hbm>> -> memref<736x32xf32, #tpu.memory_space<hbm>>
      %dma_start3A_74 = arith.constant 0 : i32
      %dma_start3A_75 = tpu.memref_slice %arg11[%mul3A_68, %dma_start3A_74] : memref<11776x32xf32, #tpu.memory_space<vmem_shared>> -> memref<736x32xf32, #tpu.memory_space<vmem_shared>>
      tpu.enqueue_dma source(%dma_start3A_75 : memref<736x32xf32, #tpu.memory_space<vmem_shared>>) target(%dma_start3A_73 : memref<736x32xf32, #tpu.memory_space<hbm>>) target_semaphore(%run_scoped3A : memref<!tpu.dma_semaphore, #tpu.memory_space<semaphore_mem>>)
      %dma_wait3A_76 = arith.constant 0 : i32
      %dma_wait3A_77 = tpu.memref_slice %arg5[%arg0, %mul3A_70, %dma_wait3A_76] : memref<2x11776x32xf32, #tpu.memory_space<hbm>> -> memref<1x736x32xf32, #tpu.memory_space<hbm>>
      %dma_wait3A_78 = tpu.memref_squeeze %dma_wait3A_77 : memref<1x736x32xf32, #tpu.memory_space<hbm>> -> memref<736x32xf32, #tpu.memory_space<hbm>>
      %dma_wait3A_79 = arith.constant 0 : i32
      %dma_wait3A_80 = tpu.memref_slice %arg11[%mul3A_68, %dma_wait3A_79] : memref<11776x32xf32, #tpu.memory_space<vmem_shared>> -> memref<736x32xf32, #tpu.memory_space<vmem_shared>>
      tpu.wait_dma2 semaphore(%run_scoped3A : memref<!tpu.dma_semaphore, #tpu.memory_space<semaphore_mem>>) src(%dma_wait3A_80 : memref<736x32xf32, #tpu.memory_space<vmem_shared>>) dst(%dma_wait3A_78 : memref<736x32xf32, #tpu.memory_space<hbm>>)
      tpu.yield
    }) : () -> ()
    return
  }
}

#map = affine_map<(d0, d1) -> (0, 0)>
#map1 = affine_map<(d0, d1) -> (0, 0, 0)>
module attributes {stable_mosaic.version = 14 : i64} {
  func.func @kfn(%arg0: i32, %arg1: i32, %arg2: memref<47104x32xf32, #tpu.memory_space<hbm>>, %arg3: memref<32x46x128xi32, #tpu.memory_space<hbm>>, %arg4: memref<32x46x128xi32, #tpu.memory_space<hbm>>, %arg5: memref<2x47104x32xf32, #tpu.memory_space<hbm>>, %arg6: memref<46x128xi32, #tpu.memory_space<vmem>>, %arg7: memref<46x128xi32, #tpu.memory_space<vmem>>, %arg8: memref<128x32xf32, #tpu.memory_space<vmem>>, %arg9: memref<128x32xf32, #tpu.memory_space<vmem>>, %arg10: memref<184x32xf32, #tpu.memory_space<vmem>>, %arg11: memref<47104x32xf32, #tpu.memory_space<vmem_shared>>, %arg12: memref<!tpu.dma_semaphore, #tpu.memory_space<semaphore_mem>>, %arg13: memref<!tpu.dma_semaphore, #tpu.memory_space<semaphore_mem>>, %arg14: memref<!tpu.dma_semaphore, #tpu.memory_space<semaphore_mem>>, %arg15: memref<!tpu.dma_semaphore, #tpu.memory_space<semaphore_mem>>, %arg16: memref<!tpu.dma_semaphore, #tpu.memory_space<semaphore_mem>>) attributes {dimension_semantics = [#tpu.dimension_semantics<core_parallel>, #tpu.dimension_semantics<subcore_parallel>], iteration_bounds = array<i64: 2, 16>, scalar_prefetch = 0 : i64, scratch_operands = 11 : i64, tpu.core_type = #tpu.core_type<sc_vector_subcore>, window_params = [{transform_indices = #map}, {transform_indices = #map1}, {transform_indices = #map1}, {transform_indices = #map1}]} {
    %mul3A = arith.constant 16 : i32
    %mul3A_0 = arith.muli %arg0, %mul3A : i32
    %add3A = arith.addi %mul3A_0, %arg1 : i32
    %scan3A = arith.constant 0 : i32
    %scan3A_1 = arith.constant 184 : i32
    %scan3A_2 = arith.addi %scan3A, %scan3A_1 : i32
    %scan3A_3 = arith.constant 1 : i32
    scf.for %scan3A_71 = %scan3A to %scan3A_2 step %scan3A_3  : i32 {
      %broadcast_in_dim3A = arith.constant 0.000000e+00 : f32
      %broadcast_in_dim3A_72 = vector.broadcast %broadcast_in_dim3A : f32 to vector<16xf32>
      %swap3A = arith.index_cast %scan3A_71 : i32 to index
      %swap3A_73 = arith.constant 0 : index
      %swap3A_74 = tpu.vector_load %arg10[%swap3A, %swap3A_73] {strides = array<i32>} : memref<184x32xf32, #tpu.memory_space<vmem>>, vector<1x16xf32>,
      %swap3A_75 = vector.shape_cast %swap3A_74 : vector<1x16xf32> to vector<16xf32>
      %swap3A_76 = vector.shape_cast %broadcast_in_dim3A_72 : vector<16xf32> to vector<1x16xf32>
      tpu.vector_store %arg10[%swap3A, %swap3A_73], %swap3A_76 {strides = array<i32>} : memref<184x32xf32, #tpu.memory_space<vmem>>, vector<1x16xf32>,
      %broadcast_in_dim3A_77 = arith.constant 0.000000e+00 : f32
      %broadcast_in_dim3A_78 = vector.broadcast %broadcast_in_dim3A_77 : f32 to vector<16xf32>
      %swap3A_79 = arith.index_cast %scan3A_71 : i32 to index
      %swap3A_80 = arith.constant 16 : index
      %swap3A_81 = tpu.vector_load %arg10[%swap3A_79, %swap3A_80] {strides = array<i32>} : memref<184x32xf32, #tpu.memory_space<vmem>>, vector<1x16xf32>,
      %swap3A_82 = vector.shape_cast %swap3A_81 : vector<1x16xf32> to vector<16xf32>
      %swap3A_83 = vector.shape_cast %broadcast_in_dim3A_78 : vector<16xf32> to vector<1x16xf32>
      tpu.vector_store %arg10[%swap3A_79, %swap3A_80], %swap3A_83 {strides = array<i32>} : memref<184x32xf32, #tpu.memory_space<vmem>>, vector<1x16xf32>,
    }
    %scan3A_4 = arith.constant 184 : i32
    %dma_start3A = arith.constant 0 : i32
    %dma_start3A_5 = arith.constant 0 : i32
    %dma_start3A_6 = tpu.memref_slice %arg3[%add3A, %dma_start3A, %dma_start3A_5] : memref<32x46x128xi32, #tpu.memory_space<hbm>> -> memref<1x46x128xi32, #tpu.memory_space<hbm>>
    %dma_start3A_7 = tpu.memref_squeeze %dma_start3A_6 : memref<1x46x128xi32, #tpu.memory_space<hbm>> -> memref<46x128xi32, #tpu.memory_space<hbm>>
    %dma_start3A_8 = arith.constant 0 : i32
    %dma_start3A_9 = arith.constant 0 : i32
    %dma_start3A_10 = tpu.memref_slice %arg3[%add3A, %dma_start3A_8, %dma_start3A_9] : memref<32x46x128xi32, #tpu.memory_space<hbm>> -> memref<1x46x128xi32, #tpu.memory_space<hbm>>
    %dma_start3A_11 = tpu.memref_squeeze %dma_start3A_10 : memref<1x46x128xi32, #tpu.memory_space<hbm>> -> memref<46x128xi32, #tpu.memory_space<hbm>>
    tpu.enqueue_dma source(%dma_start3A_11 : memref<46x128xi32, #tpu.memory_space<hbm>>) target(%arg6 : memref<46x128xi32, #tpu.memory_space<vmem>>) target_semaphore(%arg12 : memref<!tpu.dma_semaphore, #tpu.memory_space<semaphore_mem>>)
    %dma_start3A_12 = arith.constant 0 : i32
    %dma_start3A_13 = arith.constant 0 : i32
    %dma_start3A_14 = tpu.memref_slice %arg4[%add3A, %dma_start3A_12, %dma_start3A_13] : memref<32x46x128xi32, #tpu.memory_space<hbm>> -> memref<1x46x128xi32, #tpu.memory_space<hbm>>
    %dma_start3A_15 = tpu.memref_squeeze %dma_start3A_14 : memref<1x46x128xi32, #tpu.memory_space<hbm>> -> memref<46x128xi32, #tpu.memory_space<hbm>>
    %dma_start3A_16 = arith.constant 0 : i32
    %dma_start3A_17 = arith.constant 0 : i32
    %dma_start3A_18 = tpu.memref_slice %arg4[%add3A, %dma_start3A_16, %dma_start3A_17] : memref<32x46x128xi32, #tpu.memory_space<hbm>> -> memref<1x46x128xi32, #tpu.memory_space<hbm>>
    %dma_start3A_19 = tpu.memref_squeeze %dma_start3A_18 : memref<1x46x128xi32, #tpu.memory_space<hbm>> -> memref<46x128xi32, #tpu.memory_space<hbm>>
    tpu.enqueue_dma source(%dma_start3A_19 : memref<46x128xi32, #tpu.memory_space<hbm>>) target(%arg7 : memref<46x128xi32, #tpu.memory_space<vmem>>) target_semaphore(%arg12 : memref<!tpu.dma_semaphore, #tpu.memory_space<semaphore_mem>>)
    %scan3A_20 = arith.constant 0 : i32
    %scan3A_21 = arith.constant 16 : i32
    %scan3A_22 = arith.addi %scan3A_20, %scan3A_21 : i32
    %scan3A_23 = arith.constant 1 : i32
    scf.for %scan3A_71 = %scan3A_20 to %scan3A_22 step %scan3A_23  : i32 {
      %mul3A_72 = arith.constant 2944 : i32
      %mul3A_73 = arith.muli %arg1, %mul3A_72 : i32
      %mul3A_74 = arith.constant 184 : i32
      %mul3A_75 = arith.muli %scan3A_71, %mul3A_74 : i32
      %add3A_76 = arith.addi %mul3A_73, %mul3A_75 : i32
      "tpu.region"() ({
        %run_scoped3A = tpu.sem_alloc : memref<!tpu.dma_semaphore, #tpu.memory_space<semaphore_mem>>
        %dma_start3A_77 = arith.constant 0 : i32
        %dma_start3A_78 = tpu.memref_slice %arg11[%add3A_76, %dma_start3A_77] : memref<47104x32xf32, #tpu.memory_space<vmem_shared>> -> memref<184x32xf32, #tpu.memory_space<vmem_shared>>
        %dma_start3A_79 = arith.constant 0 : i32
        %dma_start3A_80 = tpu.memref_slice %arg11[%add3A_76, %dma_start3A_79] : memref<47104x32xf32, #tpu.memory_space<vmem_shared>> -> memref<184x32xf32, #tpu.memory_space<vmem_shared>>
        tpu.enqueue_dma source(%arg10 : memref<184x32xf32, #tpu.memory_space<vmem>>) target(%dma_start3A_80 : memref<184x32xf32, #tpu.memory_space<vmem_shared>>) target_semaphore(%run_scoped3A : memref<!tpu.dma_semaphore, #tpu.memory_space<semaphore_mem>>)
        %dma_wait3A_81 = arith.constant 0 : i32
        %dma_wait3A_82 = tpu.memref_slice %arg11[%add3A_76, %dma_wait3A_81] : memref<47104x32xf32, #tpu.memory_space<vmem_shared>> -> memref<184x32xf32, #tpu.memory_space<vmem_shared>>
        %dma_wait3A_83 = arith.constant 0 : i32
        %dma_wait3A_84 = tpu.memref_slice %arg11[%add3A_76, %dma_wait3A_83] : memref<47104x32xf32, #tpu.memory_space<vmem_shared>> -> memref<184x32xf32, #tpu.memory_space<vmem_shared>>
        tpu.wait_dma2 semaphore(%run_scoped3A : memref<!tpu.dma_semaphore, #tpu.memory_space<semaphore_mem>>) src(%arg10 : memref<184x32xf32, #tpu.memory_space<vmem>>) dst(%dma_wait3A_84 : memref<184x32xf32, #tpu.memory_space<vmem_shared>>)
        tpu.yield
      }) : () -> ()
    }
    %scan3A_24 = arith.constant 16 : i32
    %dma_wait3A = arith.constant 0 : i32
    %dma_wait3A_25 = arith.constant 0 : i32
    %dma_wait3A_26 = tpu.memref_slice %arg3[%add3A, %dma_wait3A, %dma_wait3A_25] : memref<32x46x128xi32, #tpu.memory_space<hbm>> -> memref<1x46x128xi32, #tpu.memory_space<hbm>>
    %dma_wait3A_27 = tpu.memref_squeeze %dma_wait3A_26 : memref<1x46x128xi32, #tpu.memory_space<hbm>> -> memref<46x128xi32, #tpu.memory_space<hbm>>
    %dma_wait3A_28 = arith.constant 0 : i32
    %dma_wait3A_29 = arith.constant 0 : i32
    %dma_wait3A_30 = tpu.memref_slice %arg3[%add3A, %dma_wait3A_28, %dma_wait3A_29] : memref<32x46x128xi32, #tpu.memory_space<hbm>> -> memref<1x46x128xi32, #tpu.memory_space<hbm>>
    %dma_wait3A_31 = tpu.memref_squeeze %dma_wait3A_30 : memref<1x46x128xi32, #tpu.memory_space<hbm>> -> memref<46x128xi32, #tpu.memory_space<hbm>>
    tpu.wait_dma2 semaphore(%arg12 : memref<!tpu.dma_semaphore, #tpu.memory_space<semaphore_mem>>) src(%dma_wait3A_31 : memref<46x128xi32, #tpu.memory_space<hbm>>) dst(%arg6 : memref<46x128xi32, #tpu.memory_space<vmem>>)
    %dma_wait3A_32 = arith.constant 0 : i32
    %dma_wait3A_33 = arith.constant 0 : i32
    %dma_wait3A_34 = tpu.memref_slice %arg4[%add3A, %dma_wait3A_32, %dma_wait3A_33] : memref<32x46x128xi32, #tpu.memory_space<hbm>> -> memref<1x46x128xi32, #tpu.memory_space<hbm>>
    %dma_wait3A_35 = tpu.memref_squeeze %dma_wait3A_34 : memref<1x46x128xi32, #tpu.memory_space<hbm>> -> memref<46x128xi32, #tpu.memory_space<hbm>>
    %dma_wait3A_36 = arith.constant 0 : i32
    %dma_wait3A_37 = arith.constant 0 : i32
    %dma_wait3A_38 = tpu.memref_slice %arg4[%add3A, %dma_wait3A_36, %dma_wait3A_37] : memref<32x46x128xi32, #tpu.memory_space<hbm>> -> memref<1x46x128xi32, #tpu.memory_space<hbm>>
    %dma_wait3A_39 = tpu.memref_squeeze %dma_wait3A_38 : memref<1x46x128xi32, #tpu.memory_space<hbm>> -> memref<46x128xi32, #tpu.memory_space<hbm>>
    tpu.wait_dma2 semaphore(%arg12 : memref<!tpu.dma_semaphore, #tpu.memory_space<semaphore_mem>>) src(%dma_wait3A_39 : memref<46x128xi32, #tpu.memory_space<hbm>>) dst(%arg7 : memref<46x128xi32, #tpu.memory_space<vmem>>)
    %barrier3A = arith.constant 0 : index
    tpu.barrier barrier_id(%barrier3A)
    %dma_start3A_40 = arith.constant 0 : i32
    %dma_start3A_41 = arith.constant 0 : i32
    %dma_start3A_42 = tpu.memref_slice %arg6[%dma_start3A_40, %dma_start3A_41] : memref<46x128xi32, #tpu.memory_space<vmem>> -> memref<1x128xi32, #tpu.memory_space<vmem>>
    %dma_start3A_43 = tpu.memref_squeeze %dma_start3A_42 : memref<1x128xi32, #tpu.memory_space<vmem>> -> memref<128xi32, #tpu.memory_space<vmem>>
    %dma_start3A_44 = arith.constant 0 : i32
    %dma_start3A_45 = arith.constant 0 : i32
    %dma_start3A_46 = tpu.memref_slice %arg2[%dma_start3A_44, %dma_start3A_45] : memref<47104x32xf32, #tpu.memory_space<hbm>> -> memref<47104x32xf32, #tpu.memory_space<hbm>>
    tpu.enqueue_indirect_dma source(%dma_start3A_46 : memref<47104x32xf32, #tpu.memory_space<hbm>>) target(%arg8 : memref<128x32xf32, #tpu.memory_space<vmem>>) offsets(%dma_start3A_43 : memref<128xi32, #tpu.memory_space<vmem>>) semaphore(%arg13 : memref<!tpu.dma_semaphore, #tpu.memory_space<semaphore_mem>>)
    %scan3A_47 = arith.constant 0 : i32
    %scan3A_48 = arith.constant 23 : i32
    %scan3A_49 = arith.addi %scan3A_47, %scan3A_48 : i32
    %scan3A_50 = arith.constant 1 : i32
    scf.for %scan3A_71 = %scan3A_47 to %scan3A_49 step %scan3A_50  : i32 {
      %mul3A_72 = arith.constant 2 : i32
      %mul3A_73 = arith.muli %scan3A_71, %mul3A_72 : i32
      %gt3A = arith.constant 0 : i32
      %gt3A_74 = arith.cmpi sgt, %scan3A_71, %gt3A : i32
      %convert_element_type3A = arith.extui %gt3A_74 : i1 to i32
      %cond3A = arith.constant 0 : i32
      %cond3A_75 = arith.cmpi ne, %convert_element_type3A, %cond3A : i32
      scf.if %cond3A_75 {
        %sub3A = arith.constant 1 : i32
        %sub3A_118 = arith.subi %mul3A_73, %sub3A : i32
        %dma_wait3A_119 = arith.constant 0 : i32
        %dma_wait3A_120 = tpu.memref_slice %arg7[%sub3A_118, %dma_wait3A_119] : memref<46x128xi32, #tpu.memory_space<vmem>> -> memref<1x128xi32, #tpu.memory_space<vmem>>
        %dma_wait3A_121 = tpu.memref_squeeze %dma_wait3A_120 : memref<1x128xi32, #tpu.memory_space<vmem>> -> memref<128xi32, #tpu.memory_space<vmem>>
        %dma_wait3A_122 = arith.constant 0 : i32
        %dma_wait3A_123 = arith.constant 0 : i32
        %dma_wait3A_124 = tpu.memref_slice %arg11[%dma_wait3A_122, %dma_wait3A_123] : memref<47104x32xf32, #tpu.memory_space<vmem_shared>> -> memref<47104x32xf32, #tpu.memory_space<vmem_shared>>
        tpu.wait_indirect_dma semaphore(%arg16 : memref<!tpu.dma_semaphore, #tpu.memory_space<semaphore_mem>>) src(%arg9 : memref<128x32xf32, #tpu.memory_space<vmem>>) dst(%dma_wait3A_124 : memref<47104x32xf32, #tpu.memory_space<vmem_shared>>)
      } else {
      }
      %add3A_76 = arith.constant 1 : i32
      %add3A_77 = arith.addi %mul3A_73, %add3A_76 : i32
      %dma_start3A_78 = arith.constant 0 : i32
      %dma_start3A_79 = tpu.memref_slice %arg6[%add3A_77, %dma_start3A_78] : memref<46x128xi32, #tpu.memory_space<vmem>> -> memref<1x128xi32, #tpu.memory_space<vmem>>
      %dma_start3A_80 = tpu.memref_squeeze %dma_start3A_79 : memref<1x128xi32, #tpu.memory_space<vmem>> -> memref<128xi32, #tpu.memory_space<vmem>>
      %dma_start3A_81 = arith.constant 0 : i32
      %dma_start3A_82 = arith.constant 0 : i32
      %dma_start3A_83 = tpu.memref_slice %arg2[%dma_start3A_81, %dma_start3A_82] : memref<47104x32xf32, #tpu.memory_space<hbm>> -> memref<47104x32xf32, #tpu.memory_space<hbm>>
      tpu.enqueue_indirect_dma source(%dma_start3A_83 : memref<47104x32xf32, #tpu.memory_space<hbm>>) target(%arg9 : memref<128x32xf32, #tpu.memory_space<vmem>>) offsets(%dma_start3A_80 : memref<128xi32, #tpu.memory_space<vmem>>) semaphore(%arg14 : memref<!tpu.dma_semaphore, #tpu.memory_space<semaphore_mem>>)
      %dma_wait3A_84 = arith.constant 0 : i32
      %dma_wait3A_85 = tpu.memref_slice %arg6[%mul3A_73, %dma_wait3A_84] : memref<46x128xi32, #tpu.memory_space<vmem>> -> memref<1x128xi32, #tpu.memory_space<vmem>>
      %dma_wait3A_86 = tpu.memref_squeeze %dma_wait3A_85 : memref<1x128xi32, #tpu.memory_space<vmem>> -> memref<128xi32, #tpu.memory_space<vmem>>
      %dma_wait3A_87 = arith.constant 0 : i32
      %dma_wait3A_88 = arith.constant 0 : i32
      %dma_wait3A_89 = tpu.memref_slice %arg2[%dma_wait3A_87, %dma_wait3A_88] : memref<47104x32xf32, #tpu.memory_space<hbm>> -> memref<47104x32xf32, #tpu.memory_space<hbm>>
      tpu.wait_indirect_dma semaphore(%arg13 : memref<!tpu.dma_semaphore, #tpu.memory_space<semaphore_mem>>) src(%dma_wait3A_89 : memref<47104x32xf32, #tpu.memory_space<hbm>>) dst(%arg8 : memref<128x32xf32, #tpu.memory_space<vmem>>)
      %dma_start3A_90 = arith.constant 0 : i32
      %dma_start3A_91 = tpu.memref_slice %arg7[%mul3A_73, %dma_start3A_90] : memref<46x128xi32, #tpu.memory_space<vmem>> -> memref<1x128xi32, #tpu.memory_space<vmem>>
      %dma_start3A_92 = tpu.memref_squeeze %dma_start3A_91 : memref<1x128xi32, #tpu.memory_space<vmem>> -> memref<128xi32, #tpu.memory_space<vmem>>
      %dma_start3A_93 = arith.constant 0 : i32
      %dma_start3A_94 = arith.constant 0 : i32
      %dma_start3A_95 = tpu.memref_slice %arg11[%dma_start3A_93, %dma_start3A_94] : memref<47104x32xf32, #tpu.memory_space<vmem_shared>> -> memref<47104x32xf32, #tpu.memory_space<vmem_shared>>
      tpu.enqueue_indirect_dma source(%arg8 : memref<128x32xf32, #tpu.memory_space<vmem>>) target(%dma_start3A_95 : memref<47104x32xf32, #tpu.memory_space<vmem_shared>>) offsets(%dma_start3A_92 : memref<128xi32, #tpu.memory_space<vmem>>) semaphore(%arg15 : memref<!tpu.dma_semaphore, #tpu.memory_space<semaphore_mem>>) {add = true}
      %add3A_96 = arith.constant 2 : i32
      %add3A_97 = arith.addi %mul3A_73, %add3A_96 : i32
      %lt3A = arith.constant 46 : i32
      %lt3A_98 = arith.cmpi slt, %add3A_97, %lt3A : i32
      %convert_element_type3A_99 = arith.extui %lt3A_98 : i1 to i32
      %cond3A_100 = arith.constant 0 : i32
      %cond3A_101 = arith.cmpi ne, %convert_element_type3A_99, %cond3A_100 : i32
      scf.if %cond3A_101 {
        %dma_wait3A_118 = arith.constant 0 : i32
        %dma_wait3A_119 = tpu.memref_slice %arg7[%mul3A_73, %dma_wait3A_118] : memref<46x128xi32, #tpu.memory_space<vmem>> -> memref<1x128xi32, #tpu.memory_space<vmem>>
        %dma_wait3A_120 = tpu.memref_squeeze %dma_wait3A_119 : memref<1x128xi32, #tpu.memory_space<vmem>> -> memref<128xi32, #tpu.memory_space<vmem>>
        %dma_wait3A_121 = arith.constant 0 : i32
        %dma_wait3A_122 = arith.constant 0 : i32
        %dma_wait3A_123 = tpu.memref_slice %arg11[%dma_wait3A_121, %dma_wait3A_122] : memref<47104x32xf32, #tpu.memory_space<vmem_shared>> -> memref<47104x32xf32, #tpu.memory_space<vmem_shared>>
        tpu.wait_indirect_dma semaphore(%arg15 : memref<!tpu.dma_semaphore, #tpu.memory_space<semaphore_mem>>) src(%arg8 : memref<128x32xf32, #tpu.memory_space<vmem>>) dst(%dma_wait3A_123 : memref<47104x32xf32, #tpu.memory_space<vmem_shared>>)
        %add3A_124 = arith.constant 2 : i32
        %add3A_125 = arith.addi %mul3A_73, %add3A_124 : i32
        %dma_start3A_126 = arith.constant 0 : i32
        %dma_start3A_127 = tpu.memref_slice %arg6[%add3A_125, %dma_start3A_126] : memref<46x128xi32, #tpu.memory_space<vmem>> -> memref<1x128xi32, #tpu.memory_space<vmem>>
        %dma_start3A_128 = tpu.memref_squeeze %dma_start3A_127 : memref<1x128xi32, #tpu.memory_space<vmem>> -> memref<128xi32, #tpu.memory_space<vmem>>
        %dma_start3A_129 = arith.constant 0 : i32
        %dma_start3A_130 = arith.constant 0 : i32
        %dma_start3A_131 = tpu.memref_slice %arg2[%dma_start3A_129, %dma_start3A_130] : memref<47104x32xf32, #tpu.memory_space<hbm>> -> memref<47104x32xf32, #tpu.memory_space<hbm>>
        tpu.enqueue_indirect_dma source(%dma_start3A_131 : memref<47104x32xf32, #tpu.memory_space<hbm>>) target(%arg8 : memref<128x32xf32, #tpu.memory_space<vmem>>) offsets(%dma_start3A_128 : memref<128xi32, #tpu.memory_space<vmem>>) semaphore(%arg13 : memref<!tpu.dma_semaphore, #tpu.memory_space<semaphore_mem>>)
      } else {
      }
      %add3A_102 = arith.constant 1 : i32
      %add3A_103 = arith.addi %mul3A_73, %add3A_102 : i32
      %dma_wait3A_104 = arith.constant 0 : i32
      %dma_wait3A_105 = tpu.memref_slice %arg6[%add3A_103, %dma_wait3A_104] : memref<46x128xi32, #tpu.memory_space<vmem>> -> memref<1x128xi32, #tpu.memory_space<vmem>>
      %dma_wait3A_106 = tpu.memref_squeeze %dma_wait3A_105 : memref<1x128xi32, #tpu.memory_space<vmem>> -> memref<128xi32, #tpu.memory_space<vmem>>
      %dma_wait3A_107 = arith.constant 0 : i32
      %dma_wait3A_108 = arith.constant 0 : i32
      %dma_wait3A_109 = tpu.memref_slice %arg2[%dma_wait3A_107, %dma_wait3A_108] : memref<47104x32xf32, #tpu.memory_space<hbm>> -> memref<47104x32xf32, #tpu.memory_space<hbm>>
      tpu.wait_indirect_dma semaphore(%arg14 : memref<!tpu.dma_semaphore, #tpu.memory_space<semaphore_mem>>) src(%dma_wait3A_109 : memref<47104x32xf32, #tpu.memory_space<hbm>>) dst(%arg9 : memref<128x32xf32, #tpu.memory_space<vmem>>)
      %add3A_110 = arith.constant 1 : i32
      %add3A_111 = arith.addi %mul3A_73, %add3A_110 : i32
      %dma_start3A_112 = arith.constant 0 : i32
      %dma_start3A_113 = tpu.memref_slice %arg7[%add3A_111, %dma_start3A_112] : memref<46x128xi32, #tpu.memory_space<vmem>> -> memref<1x128xi32, #tpu.memory_space<vmem>>
      %dma_start3A_114 = tpu.memref_squeeze %dma_start3A_113 : memref<1x128xi32, #tpu.memory_space<vmem>> -> memref<128xi32, #tpu.memory_space<vmem>>
      %dma_start3A_115 = arith.constant 0 : i32
      %dma_start3A_116 = arith.constant 0 : i32
      %dma_start3A_117 = tpu.memref_slice %arg11[%dma_start3A_115, %dma_start3A_116] : memref<47104x32xf32, #tpu.memory_space<vmem_shared>> -> memref<47104x32xf32, #tpu.memory_space<vmem_shared>>
      tpu.enqueue_indirect_dma source(%arg9 : memref<128x32xf32, #tpu.memory_space<vmem>>) target(%dma_start3A_117 : memref<47104x32xf32, #tpu.memory_space<vmem_shared>>) offsets(%dma_start3A_114 : memref<128xi32, #tpu.memory_space<vmem>>) semaphore(%arg16 : memref<!tpu.dma_semaphore, #tpu.memory_space<semaphore_mem>>) {add = true}
    }
    %scan3A_51 = arith.constant 23 : i32
    %dma_wait3A_52 = arith.constant 44 : i32
    %dma_wait3A_53 = arith.constant 0 : i32
    %dma_wait3A_54 = tpu.memref_slice %arg7[%dma_wait3A_52, %dma_wait3A_53] : memref<46x128xi32, #tpu.memory_space<vmem>> -> memref<1x128xi32, #tpu.memory_space<vmem>>
    %dma_wait3A_55 = tpu.memref_squeeze %dma_wait3A_54 : memref<1x128xi32, #tpu.memory_space<vmem>> -> memref<128xi32, #tpu.memory_space<vmem>>
    %dma_wait3A_56 = arith.constant 0 : i32
    %dma_wait3A_57 = arith.constant 0 : i32
    %dma_wait3A_58 = tpu.memref_slice %arg11[%dma_wait3A_56, %dma_wait3A_57] : memref<47104x32xf32, #tpu.memory_space<vmem_shared>> -> memref<47104x32xf32, #tpu.memory_space<vmem_shared>>
    tpu.wait_indirect_dma semaphore(%arg15 : memref<!tpu.dma_semaphore, #tpu.memory_space<semaphore_mem>>) src(%arg8 : memref<128x32xf32, #tpu.memory_space<vmem>>) dst(%dma_wait3A_58 : memref<47104x32xf32, #tpu.memory_space<vmem_shared>>)
    %dma_wait3A_59 = arith.constant 45 : i32
    %dma_wait3A_60 = arith.constant 0 : i32
    %dma_wait3A_61 = tpu.memref_slice %arg7[%dma_wait3A_59, %dma_wait3A_60] : memref<46x128xi32, #tpu.memory_space<vmem>> -> memref<1x128xi32, #tpu.memory_space<vmem>>
    %dma_wait3A_62 = tpu.memref_squeeze %dma_wait3A_61 : memref<1x128xi32, #tpu.memory_space<vmem>> -> memref<128xi32, #tpu.memory_space<vmem>>
    %dma_wait3A_63 = arith.constant 0 : i32
    %dma_wait3A_64 = arith.constant 0 : i32
    %dma_wait3A_65 = tpu.memref_slice %arg11[%dma_wait3A_63, %dma_wait3A_64] : memref<47104x32xf32, #tpu.memory_space<vmem_shared>> -> memref<47104x32xf32, #tpu.memory_space<vmem_shared>>
    tpu.wait_indirect_dma semaphore(%arg16 : memref<!tpu.dma_semaphore, #tpu.memory_space<semaphore_mem>>) src(%arg9 : memref<128x32xf32, #tpu.memory_space<vmem>>) dst(%dma_wait3A_65 : memref<47104x32xf32, #tpu.memory_space<vmem_shared>>)
    %barrier3A_66 = arith.constant 0 : index
    tpu.barrier barrier_id(%barrier3A_66)
    %mul3A_67 = arith.constant 2944 : i32
    %mul3A_68 = arith.muli %arg1, %mul3A_67 : i32
    %mul3A_69 = arith.constant 2944 : i32
    %mul3A_70 = arith.muli %arg1, %mul3A_69 : i32
    "tpu.region"() ({
      %run_scoped3A = tpu.sem_alloc : memref<!tpu.dma_semaphore, #tpu.memory_space<semaphore_mem>>
      %dma_start3A_71 = arith.constant 0 : i32
      %dma_start3A_72 = tpu.memref_slice %arg5[%arg0, %mul3A_70, %dma_start3A_71] : memref<2x47104x32xf32, #tpu.memory_space<hbm>> -> memref<1x2944x32xf32, #tpu.memory_space<hbm>>
      %dma_start3A_73 = tpu.memref_squeeze %dma_start3A_72 : memref<1x2944x32xf32, #tpu.memory_space<hbm>> -> memref<2944x32xf32, #tpu.memory_space<hbm>>
      %dma_start3A_74 = arith.constant 0 : i32
      %dma_start3A_75 = tpu.memref_slice %arg11[%mul3A_68, %dma_start3A_74] : memref<47104x32xf32, #tpu.memory_space<vmem_shared>> -> memref<2944x32xf32, #tpu.memory_space<vmem_shared>>
      tpu.enqueue_dma source(%dma_start3A_75 : memref<2944x32xf32, #tpu.memory_space<vmem_shared>>) target(%dma_start3A_73 : memref<2944x32xf32, #tpu.memory_space<hbm>>) target_semaphore(%run_scoped3A : memref<!tpu.dma_semaphore, #tpu.memory_space<semaphore_mem>>)
      %dma_wait3A_76 = arith.constant 0 : i32
      %dma_wait3A_77 = tpu.memref_slice %arg5[%arg0, %mul3A_70, %dma_wait3A_76] : memref<2x47104x32xf32, #tpu.memory_space<hbm>> -> memref<1x2944x32xf32, #tpu.memory_space<hbm>>
      %dma_wait3A_78 = tpu.memref_squeeze %dma_wait3A_77 : memref<1x2944x32xf32, #tpu.memory_space<hbm>> -> memref<2944x32xf32, #tpu.memory_space<hbm>>
      %dma_wait3A_79 = arith.constant 0 : i32
      %dma_wait3A_80 = tpu.memref_slice %arg11[%mul3A_68, %dma_wait3A_79] : memref<47104x32xf32, #tpu.memory_space<vmem_shared>> -> memref<2944x32xf32, #tpu.memory_space<vmem_shared>>
      tpu.wait_dma2 semaphore(%run_scoped3A : memref<!tpu.dma_semaphore, #tpu.memory_space<semaphore_mem>>) src(%dma_wait3A_80 : memref<2944x32xf32, #tpu.memory_space<vmem_shared>>) dst(%dma_wait3A_78 : memref<2944x32xf32, #tpu.memory_space<hbm>>)
      tpu.yield
    }) : () -> ()
    return
  }
}

module attributes {stable_mosaic.version = 14 : i64} {
  func.func @body(%arg0: i32, %arg1: memref<736x16xf32, #tpu.memory_space<vmem>>, %arg2: memref<2x368x128xf32, #tpu.memory_space<vmem>>, %arg3: memref<16x128xf32, #tpu.memory_space<vmem>>, %arg4: memref<1x128xf32, #tpu.memory_space<vmem>>, %arg5: memref<128x128xf32, #tpu.memory_space<vmem>>, %arg6: memref<128x128xf32, #tpu.memory_space<vmem>>, %arg7: memref<128x128xf32, #tpu.memory_space<vmem>>, %arg8: memref<736x128xf32, #tpu.memory_space<vmem>>, %arg9: memref<736x128xf32, #tpu.memory_space<vmem>>) attributes {dimension_semantics = [#tpu.dimension_semantics<arbitrary>], iteration_bounds = array<i64: 16>, scalar_prefetch = 0 : i64, scratch_operands = 0 : i64, tpu.core_type = #tpu.core_type<tc>, window_params = [{transform_indices = @transform_0, window_bounds = array<i64: 736, 16>}, {transform_indices = @transform_1, window_bounds = array<i64: 2, 368, 128>}, {pipeline_mode = #tpu.pipeline_mode<synchronous>, transform_indices = @transform_2, window_bounds = array<i64: 16, 128>}, {pipeline_mode = #tpu.pipeline_mode<synchronous>, transform_indices = @transform_3, window_bounds = array<i64: 1, 128>}, {pipeline_mode = #tpu.pipeline_mode<synchronous>, transform_indices = @transform_4, window_bounds = array<i64: 128, 128>}, {pipeline_mode = #tpu.pipeline_mode<synchronous>, transform_indices = @transform_5, window_bounds = array<i64: 128, 128>}, {pipeline_mode = #tpu.pipeline_mode<synchronous>, transform_indices = @transform_6, window_bounds = array<i64: 128, 128>}, {transform_indices = @transform_7, window_bounds = array<i64: 736, 128>}, {transform_indices = @transform_8, window_bounds = array<i64: 736, 128>}]} {
    %get3A = arith.constant 0 : index
    %get3A_0 = arith.constant 0 : index
    %get3A_1 = arith.constant 0 : index
    %get3A_2 = vector.load %arg2[%get3A, %get3A_0, %get3A_1] : memref<2x368x128xf32, #tpu.memory_space<vmem>>, vector<1x368x128xf32>
    %get3A_3 = vector.shape_cast %get3A_2 : vector<1x368x128xf32> to vector<368x128xf32>
    %get3A_4 = arith.constant 1 : index
    %get3A_5 = arith.constant 0 : index
    %get3A_6 = arith.constant 0 : index
    %get3A_7 = vector.load %arg2[%get3A_4, %get3A_5, %get3A_6] : memref<2x368x128xf32, #tpu.memory_space<vmem>>, vector<1x368x128xf32>
    %get3A_8 = vector.shape_cast %get3A_7 : vector<1x368x128xf32> to vector<368x128xf32>
    %add3A = arith.addf %get3A_3, %get3A_8 : vector<368x128xf32>
    %broadcast_in_dim3A = vector.shape_cast %add3A : vector<368x128xf32> to vector<368x1x128xf32>
    %broadcast_in_dim3A_9 = vector.shape_cast %broadcast_in_dim3A : vector<368x1x128xf32> to vector<368x1x128xf32>
    %broadcast_in_dim3A_10 = vector.broadcast %broadcast_in_dim3A_9 : vector<368x1x128xf32> to vector<368x2x128xf32>
    %reshape3A = vector.shape_cast %broadcast_in_dim3A_10 : vector<368x2x128xf32> to vector<736x128xf32>
    %iota3A = tpu.iota {dimensions = array<i32: 0>} : vector<736x128xi32>
    %jit3A = arith.constant 2 : i32
    %eq3A = arith.constant 0 : i32
    %eq3A_11 = arith.cmpi eq, %jit3A, %eq3A : i32
    %jit3A_12 = arith.constant 1 : i32
    %select_n3A = arith.select %eq3A_11, %jit3A_12, %jit3A : i32
    %rem3A = vector.broadcast %select_n3A : i32 to vector<736x128xi32>
    %rem3A_13 = arith.remsi %iota3A, %rem3A : vector<736x128xi32>
    %ne3A = arith.constant 0 : i32
    %ne3A_14 = vector.broadcast %ne3A : i32 to vector<736x128xi32>
    %ne3A_15 = arith.cmpi ne, %rem3A_13, %ne3A_14 : vector<736x128xi32>
    %lt3A = arith.constant 0 : i32
    %lt3A_16 = vector.broadcast %lt3A : i32 to vector<736x128xi32>
    %lt3A_17 = arith.cmpi slt, %rem3A_13, %lt3A_16 : vector<736x128xi32>
    %lt3A_18 = arith.constant 0 : i32
    %lt3A_19 = arith.cmpi slt, %select_n3A, %lt3A_18 : i32
    %ne3A_20 = vector.broadcast %lt3A_19 : i1 to vector<736x128xi1>
    %ne3A_21 = vector.broadcast %ne3A_20 : vector<736x128xi1> to vector<736x128xi1>
    %ne3A_22 = arith.xori %lt3A_17, %ne3A_21 : vector<736x128xi1>
    %and3A = arith.andi %ne3A_22, %ne3A_15 : vector<736x128xi1>
    %add3A_23 = vector.broadcast %select_n3A : i32 to vector<736x128xi32>
    %add3A_24 = arith.addi %rem3A_13, %add3A_23 : vector<736x128xi32>
    %select_n3A_25 = arith.select %and3A, %add3A_24, %rem3A_13 : vector<736x128xi1>, vector<736x128xi32>
    %eq3A_26 = arith.constant 0 : i32
    %eq3A_27 = vector.broadcast %eq3A_26 : i32 to vector<736x128xi32>
    %eq3A_28 = arith.cmpi eq, %select_n3A_25, %eq3A_27 : vector<736x128xi32>
    %get3A_29 = arith.constant 0 : index
    %get3A_30 = arith.constant 0 : index
    %get3A_31 = vector.load %arg6[%get3A_29, %get3A_30] : memref<128x128xf32, #tpu.memory_space<vmem>>, vector<128x128xf32>
    %dot_general3A = arith.constant dense<0.000000e+00> : vector<736x128xf32>
    %dot_general3A_32 = tpu.matmul %reshape3A, %get3A_31, %dot_general3A {dimension_numbers = #tpu.dot_dimension_numbers<[1], [0], [0], [1], [0, 0, 1, 1], [], []>, transpose_lhs_hint = false} : vector<736x128xf32>, vector<128x128xf32>, vector<736x128xf32> -> vector<736x128xf32>
    %get3A_33 = arith.constant 0 : index
    %get3A_34 = arith.constant 0 : index
    %get3A_35 = vector.load %arg7[%get3A_33, %get3A_34] : memref<128x128xf32, #tpu.memory_space<vmem>>, vector<128x128xf32>
    %dot_general3A_36 = arith.constant dense<0.000000e+00> : vector<736x128xf32>
    %dot_general3A_37 = tpu.matmul %reshape3A, %get3A_35, %dot_general3A_36 {dimension_numbers = #tpu.dot_dimension_numbers<[1], [0], [0], [1], [0, 0, 1, 1], [], []>, transpose_lhs_hint = false} : vector<736x128xf32>, vector<128x128xf32>, vector<736x128xf32> -> vector<736x128xf32>
    %select_n3A_38 = arith.select %eq3A_28, %dot_general3A_32, %dot_general3A_37 : vector<736x128xi1>, vector<736x128xf32>
    %add3A_39 = arith.constant 1.000000e+00 : f32
    %add3A_40 = vector.broadcast %add3A_39 : f32 to vector<736x128xf32>
    %add3A_41 = arith.addf %add3A_40, %select_n3A_38 : vector<736x128xf32>
    %rsqrt3A = math.rsqrt %add3A_41 : vector<736x128xf32>
    %get3A_42 = arith.constant 0 : index
    %get3A_43 = arith.constant 0 : index
    %get3A_44 = vector.load %arg1[%get3A_42, %get3A_43] : memref<736x16xf32, #tpu.memory_space<vmem>>, vector<736x16xf32>
    %get3A_45 = arith.constant 0 : index
    %get3A_46 = arith.constant 0 : index
    %get3A_47 = vector.load %arg3[%get3A_45, %get3A_46] : memref<16x128xf32, #tpu.memory_space<vmem>>, vector<16x128xf32>
    %dot_general3A_48 = arith.constant dense<0.000000e+00> : vector<736x128xf32>
    %dot_general3A_49 = tpu.matmul %get3A_44, %get3A_47, %dot_general3A_48 {dimension_numbers = #tpu.dot_dimension_numbers<[1], [0], [0], [1], [0, 0, 1, 1], [], []>, transpose_lhs_hint = false} : vector<736x16xf32>, vector<16x128xf32>, vector<736x128xf32> -> vector<736x128xf32>
    %get3A_50 = arith.constant 0 : index
    %get3A_51 = arith.constant 0 : index
    %get3A_52 = vector.load %arg4[%get3A_50, %get3A_51] : memref<1x128xf32, #tpu.memory_space<vmem>>, vector<1x128xf32>
    %add3A_53 = vector.broadcast %get3A_52 : vector<1x128xf32> to vector<736x128xf32>
    %add3A_54 = arith.addf %dot_general3A_49, %add3A_53 : vector<736x128xf32>
    %max3A = arith.constant 0.000000e+00 : f32
    %max3A_55 = vector.broadcast %max3A : f32 to vector<736x128xf32>
    %max3A_56 = arith.maximumf %add3A_54, %max3A_55 : vector<736x128xf32>
    %get3A_57 = arith.constant 0 : index
    %get3A_58 = arith.constant 0 : index
    %get3A_59 = vector.load %arg5[%get3A_57, %get3A_58] : memref<128x128xf32, #tpu.memory_space<vmem>>, vector<128x128xf32>
    %dot_general3A_60 = arith.constant dense<0.000000e+00> : vector<736x128xf32>
    %dot_general3A_61 = tpu.matmul %max3A_56, %get3A_59, %dot_general3A_60 {dimension_numbers = #tpu.dot_dimension_numbers<[1], [0], [0], [1], [0, 0, 1, 1], [], []>, transpose_lhs_hint = false} : vector<736x128xf32>, vector<128x128xf32>, vector<736x128xf32> -> vector<736x128xf32>
    %mul3A = arith.mulf %dot_general3A_61, %rsqrt3A : vector<736x128xf32>
    %swap3A = arith.constant 0 : index
    %swap3A_62 = arith.constant 0 : index
    %swap3A_63 = vector.load %arg8[%swap3A, %swap3A_62] : memref<736x128xf32, #tpu.memory_space<vmem>>, vector<736x128xf32>
    tpu.vector_store %arg8[%swap3A, %swap3A_62], %mul3A {strides = array<i32>} : memref<736x128xf32, #tpu.memory_space<vmem>>, vector<736x128xf32>,
    %swap3A_64 = arith.constant 0 : index
    %swap3A_65 = arith.constant 0 : index
    %swap3A_66 = vector.load %arg9[%swap3A_64, %swap3A_65] : memref<736x128xf32, #tpu.memory_space<vmem>>, vector<736x128xf32>
    tpu.vector_store %arg9[%swap3A_64, %swap3A_65], %rsqrt3A {strides = array<i32>} : memref<736x128xf32, #tpu.memory_space<vmem>>, vector<736x128xf32>,
    return
  }
  func.func @transform_0(%arg0: i32) -> (i32, i32) {
    %c0_i32 = arith.constant 0 : i32
    %c0_i32_0 = arith.constant 0 : i32
    return %arg0, %c0_i32 : i32, i32
  }
  func.func @transform_1(%arg0: i32) -> (i32, i32, i32) {
    %c0_i32 = arith.constant 0 : i32
    %c0_i32_0 = arith.constant 0 : i32
    %c0_i32_1 = arith.constant 0 : i32
    return %c0_i32, %arg0, %c0_i32_0 : i32, i32, i32
  }
  func.func @transform_2(%arg0: i32) -> (i32, i32) {
    %c0_i32 = arith.constant 0 : i32
    %c0_i32_0 = arith.constant 0 : i32
    %c0_i32_1 = arith.constant 0 : i32
    return %c0_i32, %c0_i32_0 : i32, i32
  }
  func.func @transform_3(%arg0: i32) -> (i32, i32) {
    %c0_i32 = arith.constant 0 : i32
    %c0_i32_0 = arith.constant 0 : i32
    %c0_i32_1 = arith.constant 0 : i32
    return %c0_i32, %c0_i32_0 : i32, i32
  }
  func.func @transform_4(%arg0: i32) -> (i32, i32) {
    %c0_i32 = arith.constant 0 : i32
    %c0_i32_0 = arith.constant 0 : i32
    %c0_i32_1 = arith.constant 0 : i32
    return %c0_i32, %c0_i32_0 : i32, i32
  }
  func.func @transform_5(%arg0: i32) -> (i32, i32) {
    %c0_i32 = arith.constant 0 : i32
    %c0_i32_0 = arith.constant 0 : i32
    %c0_i32_1 = arith.constant 0 : i32
    return %c0_i32, %c0_i32_0 : i32, i32
  }
  func.func @transform_6(%arg0: i32) -> (i32, i32) {
    %c0_i32 = arith.constant 0 : i32
    %c0_i32_0 = arith.constant 0 : i32
    %c0_i32_1 = arith.constant 0 : i32
    return %c0_i32, %c0_i32_0 : i32, i32
  }
  func.func @transform_7(%arg0: i32) -> (i32, i32) {
    %c0_i32 = arith.constant 0 : i32
    %c0_i32_0 = arith.constant 0 : i32
    return %arg0, %c0_i32 : i32, i32
  }
  func.func @transform_8(%arg0: i32) -> (i32, i32) {
    %c0_i32 = arith.constant 0 : i32
    %c0_i32_0 = arith.constant 0 : i32
    return %arg0, %c0_i32 : i32, i32
  }
}

module attributes {stable_mosaic.version = 14 : i64} {
  func.func @body(%arg0: i32, %arg1: memref<2x368x128xf32, #tpu.memory_space<vmem>>, %arg2: memref<128x128xf32, #tpu.memory_space<vmem>>, %arg3: memref<128x128xf32, #tpu.memory_space<vmem>>, %arg4: memref<736x128xf32, #tpu.memory_space<vmem>>) attributes {dimension_semantics = [#tpu.dimension_semantics<arbitrary>], iteration_bounds = array<i64: 5>, scalar_prefetch = 0 : i64, scratch_operands = 0 : i64, tpu.core_type = #tpu.core_type<tc>, window_params = [{transform_indices = @transform_0, window_bounds = array<i64: 2, 368, 128>}, {pipeline_mode = #tpu.pipeline_mode<synchronous>, transform_indices = @transform_1, window_bounds = array<i64: 128, 128>}, {pipeline_mode = #tpu.pipeline_mode<synchronous>, transform_indices = @transform_2, window_bounds = array<i64: 128, 128>}, {transform_indices = @transform_3, window_bounds = array<i64: 736, 128>}]} {
    %get3A = arith.constant 0 : index
    %get3A_0 = arith.constant 0 : index
    %get3A_1 = arith.constant 0 : index
    %get3A_2 = vector.load %arg1[%get3A, %get3A_0, %get3A_1] : memref<2x368x128xf32, #tpu.memory_space<vmem>>, vector<1x368x128xf32>
    %get3A_3 = vector.shape_cast %get3A_2 : vector<1x368x128xf32> to vector<368x128xf32>
    %get3A_4 = arith.constant 1 : index
    %get3A_5 = arith.constant 0 : index
    %get3A_6 = arith.constant 0 : index
    %get3A_7 = vector.load %arg1[%get3A_4, %get3A_5, %get3A_6] : memref<2x368x128xf32, #tpu.memory_space<vmem>>, vector<1x368x128xf32>
    %get3A_8 = vector.shape_cast %get3A_7 : vector<1x368x128xf32> to vector<368x128xf32>
    %add3A = arith.addf %get3A_3, %get3A_8 : vector<368x128xf32>
    %broadcast_in_dim3A = vector.shape_cast %add3A : vector<368x128xf32> to vector<368x1x128xf32>
    %broadcast_in_dim3A_9 = vector.shape_cast %broadcast_in_dim3A : vector<368x1x128xf32> to vector<368x1x128xf32>
    %broadcast_in_dim3A_10 = vector.broadcast %broadcast_in_dim3A_9 : vector<368x1x128xf32> to vector<368x2x128xf32>
    %reshape3A = vector.shape_cast %broadcast_in_dim3A_10 : vector<368x2x128xf32> to vector<736x128xf32>
    %iota3A = tpu.iota {dimensions = array<i32: 0>} : vector<736x128xi32>
    %jit3A = arith.constant 2 : i32
    %eq3A = arith.constant 0 : i32
    %eq3A_11 = arith.cmpi eq, %jit3A, %eq3A : i32
    %jit3A_12 = arith.constant 1 : i32
    %select_n3A = arith.select %eq3A_11, %jit3A_12, %jit3A : i32
    %rem3A = vector.broadcast %select_n3A : i32 to vector<736x128xi32>
    %rem3A_13 = arith.remsi %iota3A, %rem3A : vector<736x128xi32>
    %ne3A = arith.constant 0 : i32
    %ne3A_14 = vector.broadcast %ne3A : i32 to vector<736x128xi32>
    %ne3A_15 = arith.cmpi ne, %rem3A_13, %ne3A_14 : vector<736x128xi32>
    %lt3A = arith.constant 0 : i32
    %lt3A_16 = vector.broadcast %lt3A : i32 to vector<736x128xi32>
    %lt3A_17 = arith.cmpi slt, %rem3A_13, %lt3A_16 : vector<736x128xi32>
    %lt3A_18 = arith.constant 0 : i32
    %lt3A_19 = arith.cmpi slt, %select_n3A, %lt3A_18 : i32
    %ne3A_20 = vector.broadcast %lt3A_19 : i1 to vector<736x128xi1>
    %ne3A_21 = vector.broadcast %ne3A_20 : vector<736x128xi1> to vector<736x128xi1>
    %ne3A_22 = arith.xori %lt3A_17, %ne3A_21 : vector<736x128xi1>
    %and3A = arith.andi %ne3A_22, %ne3A_15 : vector<736x128xi1>
    %add3A_23 = vector.broadcast %select_n3A : i32 to vector<736x128xi32>
    %add3A_24 = arith.addi %rem3A_13, %add3A_23 : vector<736x128xi32>
    %select_n3A_25 = arith.select %and3A, %add3A_24, %rem3A_13 : vector<736x128xi1>, vector<736x128xi32>
    %eq3A_26 = arith.constant 0 : i32
    %eq3A_27 = vector.broadcast %eq3A_26 : i32 to vector<736x128xi32>
    %eq3A_28 = arith.cmpi eq, %select_n3A_25, %eq3A_27 : vector<736x128xi32>
    %get3A_29 = arith.constant 0 : index
    %get3A_30 = arith.constant 0 : index
    %get3A_31 = vector.load %arg2[%get3A_29, %get3A_30] : memref<128x128xf32, #tpu.memory_space<vmem>>, vector<128x128xf32>
    %dot_general3A = arith.constant dense<0.000000e+00> : vector<736x128xf32>
    %dot_general3A_32 = tpu.matmul %reshape3A, %get3A_31, %dot_general3A {dimension_numbers = #tpu.dot_dimension_numbers<[1], [0], [0], [1], [0, 0, 1, 1], [], []>, transpose_lhs_hint = false} : vector<736x128xf32>, vector<128x128xf32>, vector<736x128xf32> -> vector<736x128xf32>
    %get3A_33 = arith.constant 0 : index
    %get3A_34 = arith.constant 0 : index
    %get3A_35 = vector.load %arg3[%get3A_33, %get3A_34] : memref<128x128xf32, #tpu.memory_space<vmem>>, vector<128x128xf32>
    %dot_general3A_36 = arith.constant dense<0.000000e+00> : vector<736x128xf32>
    %dot_general3A_37 = tpu.matmul %reshape3A, %get3A_35, %dot_general3A_36 {dimension_numbers = #tpu.dot_dimension_numbers<[1], [0], [0], [1], [0, 0, 1, 1], [], []>, transpose_lhs_hint = false} : vector<736x128xf32>, vector<128x128xf32>, vector<736x128xf32> -> vector<736x128xf32>
    %select_n3A_38 = arith.select %eq3A_28, %dot_general3A_32, %dot_general3A_37 : vector<736x128xi1>, vector<736x128xf32>
    %add3A_39 = arith.constant 1.000000e+00 : f32
    %add3A_40 = vector.broadcast %add3A_39 : f32 to vector<736x128xf32>
    %add3A_41 = arith.addf %add3A_40, %select_n3A_38 : vector<736x128xf32>
    %rsqrt3A = math.rsqrt %add3A_41 : vector<736x128xf32>
    %swap3A = arith.constant 0 : index
    %swap3A_42 = arith.constant 0 : index
    %swap3A_43 = vector.load %arg4[%swap3A, %swap3A_42] : memref<736x128xf32, #tpu.memory_space<vmem>>, vector<736x128xf32>
    tpu.vector_store %arg4[%swap3A, %swap3A_42], %rsqrt3A {strides = array<i32>} : memref<736x128xf32, #tpu.memory_space<vmem>>, vector<736x128xf32>,
    return
  }
  func.func @transform_0(%arg0: i32) -> (i32, i32, i32) {
    %c0_i32 = arith.constant 0 : i32
    %c0_i32_0 = arith.constant 0 : i32
    %c0_i32_1 = arith.constant 0 : i32
    return %c0_i32, %arg0, %c0_i32_0 : i32, i32, i32
  }
  func.func @transform_1(%arg0: i32) -> (i32, i32) {
    %c0_i32 = arith.constant 0 : i32
    %c0_i32_0 = arith.constant 0 : i32
    %c0_i32_1 = arith.constant 0 : i32
    return %c0_i32, %c0_i32_0 : i32, i32
  }
  func.func @transform_2(%arg0: i32) -> (i32, i32) {
    %c0_i32 = arith.constant 0 : i32
    %c0_i32_0 = arith.constant 0 : i32
    %c0_i32_1 = arith.constant 0 : i32
    return %c0_i32, %c0_i32_0 : i32, i32
  }
  func.func @transform_3(%arg0: i32) -> (i32, i32) {
    %c0_i32 = arith.constant 0 : i32
    %c0_i32_0 = arith.constant 0 : i32
    return %arg0, %c0_i32 : i32, i32
  }
}

module attributes {stable_mosaic.version = 14 : i64} {
  func.func @body(%arg0: i32, %arg1: memref<2x736x128xf32, #tpu.memory_space<vmem>>, %arg2: memref<736x128xf32, #tpu.memory_space<vmem>>, %arg3: memref<736x128xf32, #tpu.memory_space<vmem>>, %arg4: memref<1x128xf32, #tpu.memory_space<vmem>>, %arg5: memref<736x128xf32, #tpu.memory_space<vmem>>) attributes {dimension_semantics = [#tpu.dimension_semantics<arbitrary>], iteration_bounds = array<i64: 16>, scalar_prefetch = 0 : i64, scratch_operands = 0 : i64, tpu.core_type = #tpu.core_type<tc>, window_params = [{transform_indices = @transform_0, window_bounds = array<i64: 2, 736, 128>}, {transform_indices = @transform_1, window_bounds = array<i64: 736, 128>}, {transform_indices = @transform_2, window_bounds = array<i64: 736, 128>}, {pipeline_mode = #tpu.pipeline_mode<synchronous>, transform_indices = @transform_3, window_bounds = array<i64: 1, 128>}, {transform_indices = @transform_4, window_bounds = array<i64: 736, 128>}]} {
    %get3A = arith.constant 0 : index
    %get3A_0 = arith.constant 0 : index
    %get3A_1 = arith.constant 0 : index
    %get3A_2 = vector.load %arg1[%get3A, %get3A_0, %get3A_1] : memref<2x736x128xf32, #tpu.memory_space<vmem>>, vector<1x736x128xf32>
    %get3A_3 = vector.shape_cast %get3A_2 : vector<1x736x128xf32> to vector<736x128xf32>
    %get3A_4 = arith.constant 1 : index
    %get3A_5 = arith.constant 0 : index
    %get3A_6 = arith.constant 0 : index
    %get3A_7 = vector.load %arg1[%get3A_4, %get3A_5, %get3A_6] : memref<2x736x128xf32, #tpu.memory_space<vmem>>, vector<1x736x128xf32>
    %get3A_8 = vector.shape_cast %get3A_7 : vector<1x736x128xf32> to vector<736x128xf32>
    %add3A = arith.addf %get3A_3, %get3A_8 : vector<736x128xf32>
    %get3A_9 = arith.constant 0 : index
    %get3A_10 = arith.constant 0 : index
    %get3A_11 = vector.load %arg2[%get3A_9, %get3A_10] : memref<736x128xf32, #tpu.memory_space<vmem>>, vector<736x128xf32>
    %add3A_12 = arith.addf %add3A, %get3A_11 : vector<736x128xf32>
    %get3A_13 = arith.constant 0 : index
    %get3A_14 = arith.constant 0 : index
    %get3A_15 = vector.load %arg3[%get3A_13, %get3A_14] : memref<736x128xf32, #tpu.memory_space<vmem>>, vector<736x128xf32>
    %mul3A = arith.mulf %get3A_15, %add3A_12 : vector<736x128xf32>
    %get3A_16 = arith.constant 0 : index
    %get3A_17 = arith.constant 0 : index
    %get3A_18 = vector.load %arg4[%get3A_16, %get3A_17] : memref<1x128xf32, #tpu.memory_space<vmem>>, vector<1x128xf32>
    %add3A_19 = vector.broadcast %get3A_18 : vector<1x128xf32> to vector<736x128xf32>
    %add3A_20 = arith.addf %mul3A, %add3A_19 : vector<736x128xf32>
    %max3A = arith.constant 0.000000e+00 : f32
    %max3A_21 = vector.broadcast %max3A : f32 to vector<736x128xf32>
    %max3A_22 = arith.maximumf %add3A_20, %max3A_21 : vector<736x128xf32>
    %swap3A = arith.constant 0 : index
    %swap3A_23 = arith.constant 0 : index
    %swap3A_24 = vector.load %arg5[%swap3A, %swap3A_23] : memref<736x128xf32, #tpu.memory_space<vmem>>, vector<736x128xf32>
    tpu.vector_store %arg5[%swap3A, %swap3A_23], %max3A_22 {strides = array<i32>} : memref<736x128xf32, #tpu.memory_space<vmem>>, vector<736x128xf32>,
    return
  }
  func.func @transform_0(%arg0: i32) -> (i32, i32, i32) {
    %c0_i32 = arith.constant 0 : i32
    %c0_i32_0 = arith.constant 0 : i32
    %c0_i32_1 = arith.constant 0 : i32
    return %c0_i32, %arg0, %c0_i32_0 : i32, i32, i32
  }
  func.func @transform_1(%arg0: i32) -> (i32, i32) {
    %c0_i32 = arith.constant 0 : i32
    %c0_i32_0 = arith.constant 0 : i32
    return %arg0, %c0_i32 : i32, i32
  }
  func.func @transform_2(%arg0: i32) -> (i32, i32) {
    %c0_i32 = arith.constant 0 : i32
    %c0_i32_0 = arith.constant 0 : i32
    return %arg0, %c0_i32 : i32, i32
  }
  func.func @transform_3(%arg0: i32) -> (i32, i32) {
    %c0_i32 = arith.constant 0 : i32
    %c0_i32_0 = arith.constant 0 : i32
    %c0_i32_1 = arith.constant 0 : i32
    return %c0_i32, %c0_i32_0 : i32, i32
  }
  func.func @transform_4(%arg0: i32) -> (i32, i32) {
    %c0_i32 = arith.constant 0 : i32
    %c0_i32_0 = arith.constant 0 : i32
    return %arg0, %c0_i32 : i32, i32
  }
}

module attributes {stable_mosaic.version = 14 : i64} {
  func.func @body(%arg0: i32, %arg1: memref<736x128xf32, #tpu.memory_space<vmem>>, %arg2: memref<736x128xf32, #tpu.memory_space<vmem>>, %arg3: memref<128x128xf32, #tpu.memory_space<vmem>>, %arg4: memref<736x128xf32, #tpu.memory_space<vmem>>) attributes {dimension_semantics = [#tpu.dimension_semantics<arbitrary>], iteration_bounds = array<i64: 4>, scalar_prefetch = 0 : i64, scratch_operands = 0 : i64, tpu.core_type = #tpu.core_type<tc>, window_params = [{transform_indices = @transform_0, window_bounds = array<i64: 736, 128>}, {transform_indices = @transform_1, window_bounds = array<i64: 736, 128>}, {pipeline_mode = #tpu.pipeline_mode<synchronous>, transform_indices = @transform_2, window_bounds = array<i64: 128, 128>}, {transform_indices = @transform_3, window_bounds = array<i64: 736, 128>}]} {
    %get3A = arith.constant 0 : index
    %get3A_0 = arith.constant 0 : index
    %get3A_1 = vector.load %arg1[%get3A, %get3A_0] : memref<736x128xf32, #tpu.memory_space<vmem>>, vector<736x128xf32>
    %get3A_2 = arith.constant 0 : index
    %get3A_3 = arith.constant 0 : index
    %get3A_4 = vector.load %arg3[%get3A_2, %get3A_3] : memref<128x128xf32, #tpu.memory_space<vmem>>, vector<128x128xf32>
    %dot_general3A = arith.constant dense<0.000000e+00> : vector<736x128xf32>
    %dot_general3A_5 = tpu.matmul %get3A_1, %get3A_4, %dot_general3A {dimension_numbers = #tpu.dot_dimension_numbers<[1], [0], [0], [1], [0, 0, 1, 1], [], []>, transpose_lhs_hint = false} : vector<736x128xf32>, vector<128x128xf32>, vector<736x128xf32> -> vector<736x128xf32>
    %get3A_6 = arith.constant 0 : index
    %get3A_7 = arith.constant 0 : index
    %get3A_8 = vector.load %arg2[%get3A_6, %get3A_7] : memref<736x128xf32, #tpu.memory_space<vmem>>, vector<736x128xf32>
    %mul3A = arith.mulf %dot_general3A_5, %get3A_8 : vector<736x128xf32>
    %swap3A = arith.constant 0 : index
    %swap3A_9 = arith.constant 0 : index
    %swap3A_10 = vector.load %arg4[%swap3A, %swap3A_9] : memref<736x128xf32, #tpu.memory_space<vmem>>, vector<736x128xf32>
    tpu.vector_store %arg4[%swap3A, %swap3A_9], %mul3A {strides = array<i32>} : memref<736x128xf32, #tpu.memory_space<vmem>>, vector<736x128xf32>,
    return
  }
  func.func @transform_0(%arg0: i32) -> (i32, i32) {
    %c0_i32 = arith.constant 0 : i32
    %c0_i32_0 = arith.constant 0 : i32
    return %arg0, %c0_i32 : i32, i32
  }
  func.func @transform_1(%arg0: i32) -> (i32, i32) {
    %c0_i32 = arith.constant 0 : i32
    %c0_i32_0 = arith.constant 0 : i32
    return %arg0, %c0_i32 : i32, i32
  }
  func.func @transform_2(%arg0: i32) -> (i32, i32) {
    %c0_i32 = arith.constant 0 : i32
    %c0_i32_0 = arith.constant 0 : i32
    %c0_i32_1 = arith.constant 0 : i32
    return %c0_i32, %c0_i32_0 : i32, i32
  }
  func.func @transform_3(%arg0: i32) -> (i32, i32) {
    %c0_i32 = arith.constant 0 : i32
    %c0_i32_0 = arith.constant 0 : i32
    return %arg0, %c0_i32 : i32, i32
  }
}

module attributes {stable_mosaic.version = 14 : i64} {
  func.func @body(%arg0: i32, %arg1: memref<2x736x128xf32, #tpu.memory_space<vmem>>, %arg2: memref<736x128xf32, #tpu.memory_space<vmem>>, %arg3: memref<736x128xf32, #tpu.memory_space<vmem>>, %arg4: memref<1x128xf32, #tpu.memory_space<vmem>>, %arg5: memref<736x128xf32, #tpu.memory_space<vmem>>) attributes {dimension_semantics = [#tpu.dimension_semantics<arbitrary>], iteration_bounds = array<i64: 4>, scalar_prefetch = 0 : i64, scratch_operands = 0 : i64, tpu.core_type = #tpu.core_type<tc>, window_params = [{transform_indices = @transform_0, window_bounds = array<i64: 2, 736, 128>}, {transform_indices = @transform_1, window_bounds = array<i64: 736, 128>}, {transform_indices = @transform_2, window_bounds = array<i64: 736, 128>}, {pipeline_mode = #tpu.pipeline_mode<synchronous>, transform_indices = @transform_3, window_bounds = array<i64: 1, 128>}, {transform_indices = @transform_4, window_bounds = array<i64: 736, 128>}]} {
    %get3A = arith.constant 0 : index
    %get3A_0 = arith.constant 0 : index
    %get3A_1 = arith.constant 0 : index
    %get3A_2 = vector.load %arg1[%get3A, %get3A_0, %get3A_1] : memref<2x736x128xf32, #tpu.memory_space<vmem>>, vector<1x736x128xf32>
    %get3A_3 = vector.shape_cast %get3A_2 : vector<1x736x128xf32> to vector<736x128xf32>
    %get3A_4 = arith.constant 1 : index
    %get3A_5 = arith.constant 0 : index
    %get3A_6 = arith.constant 0 : index
    %get3A_7 = vector.load %arg1[%get3A_4, %get3A_5, %get3A_6] : memref<2x736x128xf32, #tpu.memory_space<vmem>>, vector<1x736x128xf32>
    %get3A_8 = vector.shape_cast %get3A_7 : vector<1x736x128xf32> to vector<736x128xf32>
    %add3A = arith.addf %get3A_3, %get3A_8 : vector<736x128xf32>
    %get3A_9 = arith.constant 0 : index
    %get3A_10 = arith.constant 0 : index
    %get3A_11 = vector.load %arg2[%get3A_9, %get3A_10] : memref<736x128xf32, #tpu.memory_space<vmem>>, vector<736x128xf32>
    %add3A_12 = arith.addf %add3A, %get3A_11 : vector<736x128xf32>
    %get3A_13 = arith.constant 0 : index
    %get3A_14 = arith.constant 0 : index
    %get3A_15 = vector.load %arg3[%get3A_13, %get3A_14] : memref<736x128xf32, #tpu.memory_space<vmem>>, vector<736x128xf32>
    %mul3A = arith.mulf %get3A_15, %add3A_12 : vector<736x128xf32>
    %get3A_16 = arith.constant 0 : index
    %get3A_17 = arith.constant 0 : index
    %get3A_18 = vector.load %arg4[%get3A_16, %get3A_17] : memref<1x128xf32, #tpu.memory_space<vmem>>, vector<1x128xf32>
    %add3A_19 = vector.broadcast %get3A_18 : vector<1x128xf32> to vector<736x128xf32>
    %add3A_20 = arith.addf %mul3A, %add3A_19 : vector<736x128xf32>
    %max3A = arith.constant 0.000000e+00 : f32
    %max3A_21 = vector.broadcast %max3A : f32 to vector<736x128xf32>
    %max3A_22 = arith.maximumf %add3A_20, %max3A_21 : vector<736x128xf32>
    %swap3A = arith.constant 0 : index
    %swap3A_23 = arith.constant 0 : index
    %swap3A_24 = vector.load %arg5[%swap3A, %swap3A_23] : memref<736x128xf32, #tpu.memory_space<vmem>>, vector<736x128xf32>
    tpu.vector_store %arg5[%swap3A, %swap3A_23], %max3A_22 {strides = array<i32>} : memref<736x128xf32, #tpu.memory_space<vmem>>, vector<736x128xf32>,
    return
  }
  func.func @transform_0(%arg0: i32) -> (i32, i32, i32) {
    %c0_i32 = arith.constant 0 : i32
    %c0_i32_0 = arith.constant 0 : i32
    %c0_i32_1 = arith.constant 0 : i32
    return %c0_i32, %arg0, %c0_i32_0 : i32, i32, i32
  }
  func.func @transform_1(%arg0: i32) -> (i32, i32) {
    %c0_i32 = arith.constant 0 : i32
    %c0_i32_0 = arith.constant 0 : i32
    return %arg0, %c0_i32 : i32, i32
  }
  func.func @transform_2(%arg0: i32) -> (i32, i32) {
    %c0_i32 = arith.constant 0 : i32
    %c0_i32_0 = arith.constant 0 : i32
    return %arg0, %c0_i32 : i32, i32
  }
  func.func @transform_3(%arg0: i32) -> (i32, i32) {
    %c0_i32 = arith.constant 0 : i32
    %c0_i32_0 = arith.constant 0 : i32
    %c0_i32_1 = arith.constant 0 : i32
    return %c0_i32, %c0_i32_0 : i32, i32
  }
  func.func @transform_4(%arg0: i32) -> (i32, i32) {
    %c0_i32 = arith.constant 0 : i32
    %c0_i32_0 = arith.constant 0 : i32
    return %arg0, %c0_i32 : i32, i32
  }
}

module attributes {stable_mosaic.version = 14 : i64} {
  func.func @body(%arg0: i32, %arg1: memref<736x128xf32, #tpu.memory_space<vmem>>, %arg2: memref<736x128xf32, #tpu.memory_space<vmem>>, %arg3: memref<128x128xf32, #tpu.memory_space<vmem>>, %arg4: memref<736x128xf32, #tpu.memory_space<vmem>>) attributes {dimension_semantics = [#tpu.dimension_semantics<arbitrary>], iteration_bounds = array<i64: 1>, scalar_prefetch = 0 : i64, scratch_operands = 0 : i64, tpu.core_type = #tpu.core_type<tc>, window_params = [{transform_indices = @transform_0, window_bounds = array<i64: 736, 128>}, {transform_indices = @transform_1, window_bounds = array<i64: 736, 128>}, {pipeline_mode = #tpu.pipeline_mode<synchronous>, transform_indices = @transform_2, window_bounds = array<i64: 128, 128>}, {transform_indices = @transform_3, window_bounds = array<i64: 736, 128>}]} {
    %get3A = arith.constant 0 : index
    %get3A_0 = arith.constant 0 : index
    %get3A_1 = vector.load %arg1[%get3A, %get3A_0] : memref<736x128xf32, #tpu.memory_space<vmem>>, vector<736x128xf32>
    %get3A_2 = arith.constant 0 : index
    %get3A_3 = arith.constant 0 : index
    %get3A_4 = vector.load %arg3[%get3A_2, %get3A_3] : memref<128x128xf32, #tpu.memory_space<vmem>>, vector<128x128xf32>
    %dot_general3A = arith.constant dense<0.000000e+00> : vector<736x128xf32>
    %dot_general3A_5 = tpu.matmul %get3A_1, %get3A_4, %dot_general3A {dimension_numbers = #tpu.dot_dimension_numbers<[1], [0], [0], [1], [0, 0, 1, 1], [], []>, transpose_lhs_hint = false} : vector<736x128xf32>, vector<128x128xf32>, vector<736x128xf32> -> vector<736x128xf32>
    %get3A_6 = arith.constant 0 : index
    %get3A_7 = arith.constant 0 : index
    %get3A_8 = vector.load %arg2[%get3A_6, %get3A_7] : memref<736x128xf32, #tpu.memory_space<vmem>>, vector<736x128xf32>
    %mul3A = arith.mulf %dot_general3A_5, %get3A_8 : vector<736x128xf32>
    %swap3A = arith.constant 0 : index
    %swap3A_9 = arith.constant 0 : index
    %swap3A_10 = vector.load %arg4[%swap3A, %swap3A_9] : memref<736x128xf32, #tpu.memory_space<vmem>>, vector<736x128xf32>
    tpu.vector_store %arg4[%swap3A, %swap3A_9], %mul3A {strides = array<i32>} : memref<736x128xf32, #tpu.memory_space<vmem>>, vector<736x128xf32>,
    return
  }
  func.func @transform_0(%arg0: i32) -> (i32, i32) {
    %c0_i32 = arith.constant 0 : i32
    %c0_i32_0 = arith.constant 0 : i32
    return %arg0, %c0_i32 : i32, i32
  }
  func.func @transform_1(%arg0: i32) -> (i32, i32) {
    %c0_i32 = arith.constant 0 : i32
    %c0_i32_0 = arith.constant 0 : i32
    return %arg0, %c0_i32 : i32, i32
  }
  func.func @transform_2(%arg0: i32) -> (i32, i32) {
    %c0_i32 = arith.constant 0 : i32
    %c0_i32_0 = arith.constant 0 : i32
    %c0_i32_1 = arith.constant 0 : i32
    return %c0_i32, %c0_i32_0 : i32, i32
  }
  func.func @transform_3(%arg0: i32) -> (i32, i32) {
    %c0_i32 = arith.constant 0 : i32
    %c0_i32_0 = arith.constant 0 : i32
    return %arg0, %c0_i32 : i32, i32
  }
}

module attributes {stable_mosaic.version = 14 : i64} {
  func.func @body(%arg0: i32, %arg1: memref<2x736x128xf32, #tpu.memory_space<vmem>>, %arg2: memref<736x128xf32, #tpu.memory_space<vmem>>, %arg3: memref<736x128xf32, #tpu.memory_space<vmem>>, %arg4: memref<1x128xf32, #tpu.memory_space<vmem>>, %arg5: memref<736x128xf32, #tpu.memory_space<vmem>>) attributes {dimension_semantics = [#tpu.dimension_semantics<arbitrary>], iteration_bounds = array<i64: 1>, scalar_prefetch = 0 : i64, scratch_operands = 0 : i64, tpu.core_type = #tpu.core_type<tc>, window_params = [{transform_indices = @transform_0, window_bounds = array<i64: 2, 736, 128>}, {transform_indices = @transform_1, window_bounds = array<i64: 736, 128>}, {transform_indices = @transform_2, window_bounds = array<i64: 736, 128>}, {pipeline_mode = #tpu.pipeline_mode<synchronous>, transform_indices = @transform_3, window_bounds = array<i64: 1, 128>}, {transform_indices = @transform_4, window_bounds = array<i64: 736, 128>}]} {
    %get3A = arith.constant 0 : index
    %get3A_0 = arith.constant 0 : index
    %get3A_1 = arith.constant 0 : index
    %get3A_2 = vector.load %arg1[%get3A, %get3A_0, %get3A_1] : memref<2x736x128xf32, #tpu.memory_space<vmem>>, vector<1x736x128xf32>
    %get3A_3 = vector.shape_cast %get3A_2 : vector<1x736x128xf32> to vector<736x128xf32>
    %get3A_4 = arith.constant 1 : index
    %get3A_5 = arith.constant 0 : index
    %get3A_6 = arith.constant 0 : index
    %get3A_7 = vector.load %arg1[%get3A_4, %get3A_5, %get3A_6] : memref<2x736x128xf32, #tpu.memory_space<vmem>>, vector<1x736x128xf32>
    %get3A_8 = vector.shape_cast %get3A_7 : vector<1x736x128xf32> to vector<736x128xf32>
    %add3A = arith.addf %get3A_3, %get3A_8 : vector<736x128xf32>
    %get3A_9 = arith.constant 0 : index
    %get3A_10 = arith.constant 0 : index
    %get3A_11 = vector.load %arg2[%get3A_9, %get3A_10] : memref<736x128xf32, #tpu.memory_space<vmem>>, vector<736x128xf32>
    %add3A_12 = arith.addf %add3A, %get3A_11 : vector<736x128xf32>
    %get3A_13 = arith.constant 0 : index
    %get3A_14 = arith.constant 0 : index
    %get3A_15 = vector.load %arg3[%get3A_13, %get3A_14] : memref<736x128xf32, #tpu.memory_space<vmem>>, vector<736x128xf32>
    %mul3A = arith.mulf %get3A_15, %add3A_12 : vector<736x128xf32>
    %get3A_16 = arith.constant 0 : index
    %get3A_17 = arith.constant 0 : index
    %get3A_18 = vector.load %arg4[%get3A_16, %get3A_17] : memref<1x128xf32, #tpu.memory_space<vmem>>, vector<1x128xf32>
    %add3A_19 = vector.broadcast %get3A_18 : vector<1x128xf32> to vector<736x128xf32>
    %add3A_20 = arith.addf %mul3A, %add3A_19 : vector<736x128xf32>
    %max3A = arith.constant 0.000000e+00 : f32
    %max3A_21 = vector.broadcast %max3A : f32 to vector<736x128xf32>
    %max3A_22 = arith.maximumf %add3A_20, %max3A_21 : vector<736x128xf32>
    %swap3A = arith.constant 0 : index
    %swap3A_23 = arith.constant 0 : index
    %swap3A_24 = vector.load %arg5[%swap3A, %swap3A_23] : memref<736x128xf32, #tpu.memory_space<vmem>>, vector<736x128xf32>
    tpu.vector_store %arg5[%swap3A, %swap3A_23], %max3A_22 {strides = array<i32>} : memref<736x128xf32, #tpu.memory_space<vmem>>, vector<736x128xf32>,
    return
  }
  func.func @transform_0(%arg0: i32) -> (i32, i32, i32) {
    %c0_i32 = arith.constant 0 : i32
    %c0_i32_0 = arith.constant 0 : i32
    %c0_i32_1 = arith.constant 0 : i32
    return %c0_i32, %arg0, %c0_i32_0 : i32, i32, i32
  }
  func.func @transform_1(%arg0: i32) -> (i32, i32) {
    %c0_i32 = arith.constant 0 : i32
    %c0_i32_0 = arith.constant 0 : i32
    return %arg0, %c0_i32 : i32, i32
  }
  func.func @transform_2(%arg0: i32) -> (i32, i32) {
    %c0_i32 = arith.constant 0 : i32
    %c0_i32_0 = arith.constant 0 : i32
    return %arg0, %c0_i32 : i32, i32
  }
  func.func @transform_3(%arg0: i32) -> (i32, i32) {
    %c0_i32 = arith.constant 0 : i32
    %c0_i32_0 = arith.constant 0 : i32
    %c0_i32_1 = arith.constant 0 : i32
    return %c0_i32, %c0_i32_0 : i32, i32
  }
  func.func @transform_4(%arg0: i32) -> (i32, i32) {
    %c0_i32 = arith.constant 0 : i32
    %c0_i32_0 = arith.constant 0 : i32
    return %arg0, %c0_i32 : i32, i32
  }
}

module attributes {stable_mosaic.version = 14 : i64} {
  func.func @body(%arg0: memref<2944x128xf32, #tpu.memory_space<vmem>>, %arg1: memref<736x128xf32, #tpu.memory_space<vmem>>, %arg2: memref<2944x128xf32, #tpu.memory_space<vmem>>, %arg3: memref<128x128xf32, #tpu.memory_space<vmem>>, %arg4: memref<4x128x128xf32, #tpu.memory_space<vmem>>, %arg5: memref<4x128x128xf32, #tpu.memory_space<vmem>>, %arg6: memref<2944x128xf32, #tpu.memory_space<vmem>>) attributes {dimension_semantics = [], scalar_prefetch = 0 : i64, scratch_operands = 0 : i64, tpu.core_type = #tpu.core_type<tc>} {
    %get3A = arith.constant 0 : index
    %get3A_0 = arith.constant 0 : index
    %get3A_1 = vector.load %arg1[%get3A, %get3A_0] : memref<736x128xf32, #tpu.memory_space<vmem>>, vector<368x128xf32>
    %get3A_2 = arith.constant 367 : index
    %get3A_3 = arith.constant 64 : index
    %get3A_4 = vector.load %arg1[%get3A_2, %get3A_3] : memref<736x128xf32, #tpu.memory_space<vmem>>, vector<368x64xf32>
    %get3A_5 = arith.constant 368 : index
    %get3A_6 = arith.constant 0 : index
    %get3A_7 = vector.load %arg1[%get3A_5, %get3A_6] : memref<736x128xf32, #tpu.memory_space<vmem>>, vector<368x64xf32>
    %concatenate3A = tpu.concatenate %get3A_4, %get3A_7 in 1 : vector<368x64xf32>, vector<368x64xf32> -> vector<368x128xf32>
    %get3A_8 = arith.constant 0 : index
    %get3A_9 = arith.constant 0 : index
    %get3A_10 = arith.constant 0 : index
    %get3A_11 = vector.load %arg4[%get3A_8, %get3A_9, %get3A_10] : memref<4x128x128xf32, #tpu.memory_space<vmem>>, vector<1x128x128xf32>
    %get3A_12 = vector.shape_cast %get3A_11 : vector<1x128x128xf32> to vector<128x128xf32>
    %dot_general3A = arith.constant dense<0.000000e+00> : vector<368x128xf32>
    %dot_general3A_13 = tpu.matmul %get3A_1, %get3A_12, %dot_general3A {dimension_numbers = #tpu.dot_dimension_numbers<[1], [0], [0], [1], [0, 0, 1, 1], [], []>, transpose_lhs_hint = false} : vector<368x128xf32>, vector<128x128xf32>, vector<368x128xf32> -> vector<368x128xf32>
    %get3A_14 = arith.constant 0 : index
    %get3A_15 = arith.constant 0 : index
    %get3A_16 = arith.constant 0 : index
    %get3A_17 = vector.load %arg5[%get3A_14, %get3A_15, %get3A_16] : memref<4x128x128xf32, #tpu.memory_space<vmem>>, vector<1x128x128xf32>
    %get3A_18 = vector.shape_cast %get3A_17 : vector<1x128x128xf32> to vector<128x128xf32>
    %dot_general3A_19 = arith.constant dense<0.000000e+00> : vector<368x128xf32>
    %dot_general3A_20 = tpu.matmul %concatenate3A, %get3A_18, %dot_general3A_19 {dimension_numbers = #tpu.dot_dimension_numbers<[1], [0], [0], [1], [0, 0, 1, 1], [], []>, transpose_lhs_hint = false} : vector<368x128xf32>, vector<128x128xf32>, vector<368x128xf32> -> vector<368x128xf32>
    %add3A = arith.addf %dot_general3A_13, %dot_general3A_20 : vector<368x128xf32>
    %get3A_21 = arith.constant 1 : index
    %get3A_22 = arith.constant 0 : index
    %get3A_23 = arith.constant 0 : index
    %get3A_24 = vector.load %arg4[%get3A_21, %get3A_22, %get3A_23] : memref<4x128x128xf32, #tpu.memory_space<vmem>>, vector<1x128x128xf32>
    %get3A_25 = vector.shape_cast %get3A_24 : vector<1x128x128xf32> to vector<128x128xf32>
    %dot_general3A_26 = arith.constant dense<0.000000e+00> : vector<368x128xf32>
    %dot_general3A_27 = tpu.matmul %get3A_1, %get3A_25, %dot_general3A_26 {dimension_numbers = #tpu.dot_dimension_numbers<[1], [0], [0], [1], [0, 0, 1, 1], [], []>, transpose_lhs_hint = false} : vector<368x128xf32>, vector<128x128xf32>, vector<368x128xf32> -> vector<368x128xf32>
    %get3A_28 = arith.constant 1 : index
    %get3A_29 = arith.constant 0 : index
    %get3A_30 = arith.constant 0 : index
    %get3A_31 = vector.load %arg5[%get3A_28, %get3A_29, %get3A_30] : memref<4x128x128xf32, #tpu.memory_space<vmem>>, vector<1x128x128xf32>
    %get3A_32 = vector.shape_cast %get3A_31 : vector<1x128x128xf32> to vector<128x128xf32>
    %dot_general3A_33 = arith.constant dense<0.000000e+00> : vector<368x128xf32>
    %dot_general3A_34 = tpu.matmul %concatenate3A, %get3A_32, %dot_general3A_33 {dimension_numbers = #tpu.dot_dimension_numbers<[1], [0], [0], [1], [0, 0, 1, 1], [], []>, transpose_lhs_hint = false} : vector<368x128xf32>, vector<128x128xf32>, vector<368x128xf32> -> vector<368x128xf32>
    %add3A_35 = arith.addf %dot_general3A_27, %dot_general3A_34 : vector<368x128xf32>
    %get3A_36 = arith.constant 2 : index
    %get3A_37 = arith.constant 0 : index
    %get3A_38 = arith.constant 0 : index
    %get3A_39 = vector.load %arg4[%get3A_36, %get3A_37, %get3A_38] : memref<4x128x128xf32, #tpu.memory_space<vmem>>, vector<1x128x128xf32>
    %get3A_40 = vector.shape_cast %get3A_39 : vector<1x128x128xf32> to vector<128x128xf32>
    %dot_general3A_41 = arith.constant dense<0.000000e+00> : vector<368x128xf32>
    %dot_general3A_42 = tpu.matmul %get3A_1, %get3A_40, %dot_general3A_41 {dimension_numbers = #tpu.dot_dimension_numbers<[1], [0], [0], [1], [0, 0, 1, 1], [], []>, transpose_lhs_hint = false} : vector<368x128xf32>, vector<128x128xf32>, vector<368x128xf32> -> vector<368x128xf32>
    %get3A_43 = arith.constant 2 : index
    %get3A_44 = arith.constant 0 : index
    %get3A_45 = arith.constant 0 : index
    %get3A_46 = vector.load %arg5[%get3A_43, %get3A_44, %get3A_45] : memref<4x128x128xf32, #tpu.memory_space<vmem>>, vector<1x128x128xf32>
    %get3A_47 = vector.shape_cast %get3A_46 : vector<1x128x128xf32> to vector<128x128xf32>
    %dot_general3A_48 = arith.constant dense<0.000000e+00> : vector<368x128xf32>
    %dot_general3A_49 = tpu.matmul %concatenate3A, %get3A_47, %dot_general3A_48 {dimension_numbers = #tpu.dot_dimension_numbers<[1], [0], [0], [1], [0, 0, 1, 1], [], []>, transpose_lhs_hint = false} : vector<368x128xf32>, vector<128x128xf32>, vector<368x128xf32> -> vector<368x128xf32>
    %add3A_50 = arith.addf %dot_general3A_42, %dot_general3A_49 : vector<368x128xf32>
    %get3A_51 = arith.constant 3 : index
    %get3A_52 = arith.constant 0 : index
    %get3A_53 = arith.constant 0 : index
    %get3A_54 = vector.load %arg4[%get3A_51, %get3A_52, %get3A_53] : memref<4x128x128xf32, #tpu.memory_space<vmem>>, vector<1x128x128xf32>
    %get3A_55 = vector.shape_cast %get3A_54 : vector<1x128x128xf32> to vector<128x128xf32>
    %dot_general3A_56 = arith.constant dense<0.000000e+00> : vector<368x128xf32>
    %dot_general3A_57 = tpu.matmul %get3A_1, %get3A_55, %dot_general3A_56 {dimension_numbers = #tpu.dot_dimension_numbers<[1], [0], [0], [1], [0, 0, 1, 1], [], []>, transpose_lhs_hint = false} : vector<368x128xf32>, vector<128x128xf32>, vector<368x128xf32> -> vector<368x128xf32>
    %get3A_58 = arith.constant 3 : index
    %get3A_59 = arith.constant 0 : index
    %get3A_60 = arith.constant 0 : index
    %get3A_61 = vector.load %arg5[%get3A_58, %get3A_59, %get3A_60] : memref<4x128x128xf32, #tpu.memory_space<vmem>>, vector<1x128x128xf32>
    %get3A_62 = vector.shape_cast %get3A_61 : vector<1x128x128xf32> to vector<128x128xf32>
    %dot_general3A_63 = arith.constant dense<0.000000e+00> : vector<368x128xf32>
    %dot_general3A_64 = tpu.matmul %concatenate3A, %get3A_62, %dot_general3A_63 {dimension_numbers = #tpu.dot_dimension_numbers<[1], [0], [0], [1], [0, 0, 1, 1], [], []>, transpose_lhs_hint = false} : vector<368x128xf32>, vector<128x128xf32>, vector<368x128xf32> -> vector<368x128xf32>
    %add3A_65 = arith.addf %dot_general3A_57, %dot_general3A_64 : vector<368x128xf32>
    %stack3A = vector.shape_cast %add3A : vector<368x128xf32> to vector<368x1x128xf32>
    %stack3A_66 = vector.shape_cast %add3A_35 : vector<368x128xf32> to vector<368x1x128xf32>
    %stack3A_67 = vector.shape_cast %add3A_50 : vector<368x128xf32> to vector<368x1x128xf32>
    %stack3A_68 = vector.shape_cast %add3A_65 : vector<368x128xf32> to vector<368x1x128xf32>
    %stack3A_69 = tpu.concatenate %stack3A, %stack3A_66, %stack3A_67, %stack3A_68 in 1 : vector<368x1x128xf32>, vector<368x1x128xf32>, vector<368x1x128xf32>, vector<368x1x128xf32> -> vector<368x4x128xf32>
    %broadcast_in_dim3A = vector.shape_cast %stack3A_69 : vector<368x4x128xf32> to vector<368x4x1x128xf32>
    %broadcast_in_dim3A_70 = vector.shape_cast %broadcast_in_dim3A : vector<368x4x1x128xf32> to vector<368x4x1x128xf32>
    %broadcast_in_dim3A_71 = vector.broadcast %broadcast_in_dim3A_70 : vector<368x4x1x128xf32> to vector<368x4x2x128xf32>
    %reshape3A = vector.shape_cast %broadcast_in_dim3A_71 : vector<368x4x2x128xf32> to vector<2944x128xf32>
    %get3A_72 = arith.constant 0 : index
    %get3A_73 = arith.constant 0 : index
    %get3A_74 = vector.load %arg0[%get3A_72, %get3A_73] : memref<2944x128xf32, #tpu.memory_space<vmem>>, vector<2944x128xf32>
    %get3A_75 = arith.constant 0 : index
    %get3A_76 = arith.constant 0 : index
    %get3A_77 = vector.load %arg3[%get3A_75, %get3A_76] : memref<128x128xf32, #tpu.memory_space<vmem>>, vector<128x128xf32>
    %dot_general3A_78 = arith.constant dense<0.000000e+00> : vector<2944x128xf32>
    %dot_general3A_79 = tpu.matmul %get3A_74, %get3A_77, %dot_general3A_78 {dimension_numbers = #tpu.dot_dimension_numbers<[1], [0], [0], [1], [0, 0, 1, 1], [], []>, transpose_lhs_hint = false} : vector<2944x128xf32>, vector<128x128xf32>, vector<2944x128xf32> -> vector<2944x128xf32>
    %add3A_80 = arith.addf %dot_general3A_79, %reshape3A : vector<2944x128xf32>
    %get3A_81 = arith.constant 0 : index
    %get3A_82 = arith.constant 0 : index
    %get3A_83 = vector.load %arg2[%get3A_81, %get3A_82] : memref<2944x128xf32, #tpu.memory_space<vmem>>, vector<2944x128xf32>
    %mul3A = arith.mulf %add3A_80, %get3A_83 : vector<2944x128xf32>
    %swap3A = arith.constant 0 : index
    %swap3A_84 = arith.constant 0 : index
    %swap3A_85 = vector.load %arg6[%swap3A, %swap3A_84] : memref<2944x128xf32, #tpu.memory_space<vmem>>, vector<2944x128xf32>
    tpu.vector_store %arg6[%swap3A, %swap3A_84], %mul3A {strides = array<i32>} : memref<2944x128xf32, #tpu.memory_space<vmem>>, vector<2944x128xf32>,
    return
  }
}

module attributes {stable_mosaic.version = 14 : i64} {
  func.func @body(%arg0: memref<11776x128xf32, #tpu.memory_space<vmem>>, %arg1: memref<2944x128xf32, #tpu.memory_space<vmem>>, %arg2: memref<11776x128xf32, #tpu.memory_space<vmem>>, %arg3: memref<128x128xf32, #tpu.memory_space<vmem>>, %arg4: memref<4x128x128xf32, #tpu.memory_space<vmem>>, %arg5: memref<4x128x128xf32, #tpu.memory_space<vmem>>, %arg6: memref<11776x128xf32, #tpu.memory_space<vmem>>) attributes {dimension_semantics = [], scalar_prefetch = 0 : i64, scratch_operands = 0 : i64, tpu.core_type = #tpu.core_type<tc>} {
    %get3A = arith.constant 0 : index
    %get3A_0 = arith.constant 0 : index
    %get3A_1 = vector.load %arg1[%get3A, %get3A_0] : memref<2944x128xf32, #tpu.memory_space<vmem>>, vector<1472x128xf32>
    %get3A_2 = arith.constant 1470 : index
    %get3A_3 = arith.constant 0 : index
    %get3A_4 = vector.load %arg1[%get3A_2, %get3A_3] : memref<2944x128xf32, #tpu.memory_space<vmem>>, vector<1472x128xf32>
    %get3A_5 = arith.constant 0 : index
    %get3A_6 = arith.constant 0 : index
    %get3A_7 = arith.constant 0 : index
    %get3A_8 = vector.load %arg4[%get3A_5, %get3A_6, %get3A_7] : memref<4x128x128xf32, #tpu.memory_space<vmem>>, vector<1x128x128xf32>
    %get3A_9 = vector.shape_cast %get3A_8 : vector<1x128x128xf32> to vector<128x128xf32>
    %dot_general3A = arith.constant dense<0.000000e+00> : vector<1472x128xf32>
    %dot_general3A_10 = tpu.matmul %get3A_1, %get3A_9, %dot_general3A {dimension_numbers = #tpu.dot_dimension_numbers<[1], [0], [0], [1], [0, 0, 1, 1], [], []>, transpose_lhs_hint = false} : vector<1472x128xf32>, vector<128x128xf32>, vector<1472x128xf32> -> vector<1472x128xf32>
    %get3A_11 = arith.constant 0 : index
    %get3A_12 = arith.constant 0 : index
    %get3A_13 = arith.constant 0 : index
    %get3A_14 = vector.load %arg5[%get3A_11, %get3A_12, %get3A_13] : memref<4x128x128xf32, #tpu.memory_space<vmem>>, vector<1x128x128xf32>
    %get3A_15 = vector.shape_cast %get3A_14 : vector<1x128x128xf32> to vector<128x128xf32>
    %dot_general3A_16 = arith.constant dense<0.000000e+00> : vector<1472x128xf32>
    %dot_general3A_17 = tpu.matmul %get3A_4, %get3A_15, %dot_general3A_16 {dimension_numbers = #tpu.dot_dimension_numbers<[1], [0], [0], [1], [0, 0, 1, 1], [], []>, transpose_lhs_hint = false} : vector<1472x128xf32>, vector<128x128xf32>, vector<1472x128xf32> -> vector<1472x128xf32>
    %add3A = arith.addf %dot_general3A_10, %dot_general3A_17 : vector<1472x128xf32>
    %get3A_18 = arith.constant 1 : index
    %get3A_19 = arith.constant 0 : index
    %get3A_20 = arith.constant 0 : index
    %get3A_21 = vector.load %arg4[%get3A_18, %get3A_19, %get3A_20] : memref<4x128x128xf32, #tpu.memory_space<vmem>>, vector<1x128x128xf32>
    %get3A_22 = vector.shape_cast %get3A_21 : vector<1x128x128xf32> to vector<128x128xf32>
    %dot_general3A_23 = arith.constant dense<0.000000e+00> : vector<1472x128xf32>
    %dot_general3A_24 = tpu.matmul %get3A_1, %get3A_22, %dot_general3A_23 {dimension_numbers = #tpu.dot_dimension_numbers<[1], [0], [0], [1], [0, 0, 1, 1], [], []>, transpose_lhs_hint = false} : vector<1472x128xf32>, vector<128x128xf32>, vector<1472x128xf32> -> vector<1472x128xf32>
    %get3A_25 = arith.constant 1 : index
    %get3A_26 = arith.constant 0 : index
    %get3A_27 = arith.constant 0 : index
    %get3A_28 = vector.load %arg5[%get3A_25, %get3A_26, %get3A_27] : memref<4x128x128xf32, #tpu.memory_space<vmem>>, vector<1x128x128xf32>
    %get3A_29 = vector.shape_cast %get3A_28 : vector<1x128x128xf32> to vector<128x128xf32>
    %dot_general3A_30 = arith.constant dense<0.000000e+00> : vector<1472x128xf32>
    %dot_general3A_31 = tpu.matmul %get3A_4, %get3A_29, %dot_general3A_30 {dimension_numbers = #tpu.dot_dimension_numbers<[1], [0], [0], [1], [0, 0, 1, 1], [], []>, transpose_lhs_hint = false} : vector<1472x128xf32>, vector<128x128xf32>, vector<1472x128xf32> -> vector<1472x128xf32>
    %add3A_32 = arith.addf %dot_general3A_24, %dot_general3A_31 : vector<1472x128xf32>
    %get3A_33 = arith.constant 2 : index
    %get3A_34 = arith.constant 0 : index
    %get3A_35 = arith.constant 0 : index
    %get3A_36 = vector.load %arg4[%get3A_33, %get3A_34, %get3A_35] : memref<4x128x128xf32, #tpu.memory_space<vmem>>, vector<1x128x128xf32>
    %get3A_37 = vector.shape_cast %get3A_36 : vector<1x128x128xf32> to vector<128x128xf32>
    %dot_general3A_38 = arith.constant dense<0.000000e+00> : vector<1472x128xf32>
    %dot_general3A_39 = tpu.matmul %get3A_1, %get3A_37, %dot_general3A_38 {dimension_numbers = #tpu.dot_dimension_numbers<[1], [0], [0], [1], [0, 0, 1, 1], [], []>, transpose_lhs_hint = false} : vector<1472x128xf32>, vector<128x128xf32>, vector<1472x128xf32> -> vector<1472x128xf32>
    %get3A_40 = arith.constant 2 : index
    %get3A_41 = arith.constant 0 : index
    %get3A_42 = arith.constant 0 : index
    %get3A_43 = vector.load %arg5[%get3A_40, %get3A_41, %get3A_42] : memref<4x128x128xf32, #tpu.memory_space<vmem>>, vector<1x128x128xf32>
    %get3A_44 = vector.shape_cast %get3A_43 : vector<1x128x128xf32> to vector<128x128xf32>
    %dot_general3A_45 = arith.constant dense<0.000000e+00> : vector<1472x128xf32>
    %dot_general3A_46 = tpu.matmul %get3A_4, %get3A_44, %dot_general3A_45 {dimension_numbers = #tpu.dot_dimension_numbers<[1], [0], [0], [1], [0, 0, 1, 1], [], []>, transpose_lhs_hint = false} : vector<1472x128xf32>, vector<128x128xf32>, vector<1472x128xf32> -> vector<1472x128xf32>
    %add3A_47 = arith.addf %dot_general3A_39, %dot_general3A_46 : vector<1472x128xf32>
    %get3A_48 = arith.constant 3 : index
    %get3A_49 = arith.constant 0 : index
    %get3A_50 = arith.constant 0 : index
    %get3A_51 = vector.load %arg4[%get3A_48, %get3A_49, %get3A_50] : memref<4x128x128xf32, #tpu.memory_space<vmem>>, vector<1x128x128xf32>
    %get3A_52 = vector.shape_cast %get3A_51 : vector<1x128x128xf32> to vector<128x128xf32>
    %dot_general3A_53 = arith.constant dense<0.000000e+00> : vector<1472x128xf32>
    %dot_general3A_54 = tpu.matmul %get3A_1, %get3A_52, %dot_general3A_53 {dimension_numbers = #tpu.dot_dimension_numbers<[1], [0], [0], [1], [0, 0, 1, 1], [], []>, transpose_lhs_hint = false} : vector<1472x128xf32>, vector<128x128xf32>, vector<1472x128xf32> -> vector<1472x128xf32>
    %get3A_55 = arith.constant 3 : index
    %get3A_56 = arith.constant 0 : index
    %get3A_57 = arith.constant 0 : index
    %get3A_58 = vector.load %arg5[%get3A_55, %get3A_56, %get3A_57] : memref<4x128x128xf32, #tpu.memory_space<vmem>>, vector<1x128x128xf32>
    %get3A_59 = vector.shape_cast %get3A_58 : vector<1x128x128xf32> to vector<128x128xf32>
    %dot_general3A_60 = arith.constant dense<0.000000e+00> : vector<1472x128xf32>
    %dot_general3A_61 = tpu.matmul %get3A_4, %get3A_59, %dot_general3A_60 {dimension_numbers = #tpu.dot_dimension_numbers<[1], [0], [0], [1], [0, 0, 1, 1], [], []>, transpose_lhs_hint = false} : vector<1472x128xf32>, vector<128x128xf32>, vector<1472x128xf32> -> vector<1472x128xf32>
    %add3A_62 = arith.addf %dot_general3A_54, %dot_general3A_61 : vector<1472x128xf32>
    %stack3A = vector.shape_cast %add3A : vector<1472x128xf32> to vector<1472x1x128xf32>
    %stack3A_63 = vector.shape_cast %add3A_32 : vector<1472x128xf32> to vector<1472x1x128xf32>
    %stack3A_64 = vector.shape_cast %add3A_47 : vector<1472x128xf32> to vector<1472x1x128xf32>
    %stack3A_65 = vector.shape_cast %add3A_62 : vector<1472x128xf32> to vector<1472x1x128xf32>
    %stack3A_66 = tpu.concatenate %stack3A, %stack3A_63, %stack3A_64, %stack3A_65 in 1 : vector<1472x1x128xf32>, vector<1472x1x128xf32>, vector<1472x1x128xf32>, vector<1472x1x128xf32> -> vector<1472x4x128xf32>
    %broadcast_in_dim3A = vector.shape_cast %stack3A_66 : vector<1472x4x128xf32> to vector<1472x4x1x128xf32>
    %broadcast_in_dim3A_67 = vector.shape_cast %broadcast_in_dim3A : vector<1472x4x1x128xf32> to vector<1472x4x1x128xf32>
    %broadcast_in_dim3A_68 = vector.broadcast %broadcast_in_dim3A_67 : vector<1472x4x1x128xf32> to vector<1472x4x2x128xf32>
    %reshape3A = vector.shape_cast %broadcast_in_dim3A_68 : vector<1472x4x2x128xf32> to vector<11776x128xf32>
    %get3A_69 = arith.constant 0 : index
    %get3A_70 = arith.constant 0 : index
    %get3A_71 = vector.load %arg0[%get3A_69, %get3A_70] : memref<11776x128xf32, #tpu.memory_space<vmem>>, vector<11776x128xf32>
    %get3A_72 = arith.constant 0 : index
    %get3A_73 = arith.constant 0 : index
    %get3A_74 = vector.load %arg3[%get3A_72, %get3A_73] : memref<128x128xf32, #tpu.memory_space<vmem>>, vector<128x128xf32>
    %dot_general3A_75 = arith.constant dense<0.000000e+00> : vector<11776x128xf32>
    %dot_general3A_76 = tpu.matmul %get3A_71, %get3A_74, %dot_general3A_75 {dimension_numbers = #tpu.dot_dimension_numbers<[1], [0], [0], [1], [0, 0, 1, 1], [], []>, transpose_lhs_hint = false} : vector<11776x128xf32>, vector<128x128xf32>, vector<11776x128xf32> -> vector<11776x128xf32>
    %add3A_77 = arith.addf %dot_general3A_76, %reshape3A : vector<11776x128xf32>
    %get3A_78 = arith.constant 0 : index
    %get3A_79 = arith.constant 0 : index
    %get3A_80 = vector.load %arg2[%get3A_78, %get3A_79] : memref<11776x128xf32, #tpu.memory_space<vmem>>, vector<11776x128xf32>
    %mul3A = arith.mulf %add3A_77, %get3A_80 : vector<11776x128xf32>
    %swap3A = arith.constant 0 : index
    %swap3A_81 = arith.constant 0 : index
    %swap3A_82 = vector.load %arg6[%swap3A, %swap3A_81] : memref<11776x128xf32, #tpu.memory_space<vmem>>, vector<11776x128xf32>
    tpu.vector_store %arg6[%swap3A, %swap3A_81], %mul3A {strides = array<i32>} : memref<11776x128xf32, #tpu.memory_space<vmem>>, vector<11776x128xf32>,
    return
  }
}

module attributes {stable_mosaic.version = 14 : i64} {
  func.func @body(%arg0: i32, %arg1: memref<2x2944x128xf32, #tpu.memory_space<vmem>>, %arg2: memref<2944x128xf32, #tpu.memory_space<vmem>>, %arg3: memref<2944x128xf32, #tpu.memory_space<vmem>>, %arg4: memref<1x128xf32, #tpu.memory_space<vmem>>, %arg5: memref<128x12xf32, #tpu.memory_space<vmem>>, %arg6: memref<12x1xf32, #tpu.memory_space<vmem>>, %arg7: memref<12x2944xf32, #tpu.memory_space<vmem>>) attributes {dimension_semantics = [#tpu.dimension_semantics<arbitrary>], iteration_bounds = array<i64: 4>, scalar_prefetch = 0 : i64, scratch_operands = 0 : i64, tpu.core_type = #tpu.core_type<tc>, window_params = [{transform_indices = @transform_0, window_bounds = array<i64: 2, 2944, 128>}, {transform_indices = @transform_1, window_bounds = array<i64: 2944, 128>}, {transform_indices = @transform_2, window_bounds = array<i64: 2944, 128>}, {pipeline_mode = #tpu.pipeline_mode<synchronous>, transform_indices = @transform_3, window_bounds = array<i64: 1, 128>}, {pipeline_mode = #tpu.pipeline_mode<synchronous>, transform_indices = @transform_4, window_bounds = array<i64: 128, 12>}, {pipeline_mode = #tpu.pipeline_mode<synchronous>, transform_indices = @transform_5, window_bounds = array<i64: 12, 1>}, {transform_indices = @transform_6, window_bounds = array<i64: 12, 2944>}]} {
    %get3A = arith.constant 0 : index
    %get3A_0 = arith.constant 0 : index
    %get3A_1 = arith.constant 0 : index
    %get3A_2 = vector.load %arg1[%get3A, %get3A_0, %get3A_1] : memref<2x2944x128xf32, #tpu.memory_space<vmem>>, vector<1x2944x128xf32>
    %get3A_3 = vector.shape_cast %get3A_2 : vector<1x2944x128xf32> to vector<2944x128xf32>
    %get3A_4 = arith.constant 1 : index
    %get3A_5 = arith.constant 0 : index
    %get3A_6 = arith.constant 0 : index
    %get3A_7 = vector.load %arg1[%get3A_4, %get3A_5, %get3A_6] : memref<2x2944x128xf32, #tpu.memory_space<vmem>>, vector<1x2944x128xf32>
    %get3A_8 = vector.shape_cast %get3A_7 : vector<1x2944x128xf32> to vector<2944x128xf32>
    %add3A = arith.addf %get3A_3, %get3A_8 : vector<2944x128xf32>
    %get3A_9 = arith.constant 0 : index
    %get3A_10 = arith.constant 0 : index
    %get3A_11 = vector.load %arg2[%get3A_9, %get3A_10] : memref<2944x128xf32, #tpu.memory_space<vmem>>, vector<2944x128xf32>
    %add3A_12 = arith.addf %add3A, %get3A_11 : vector<2944x128xf32>
    %get3A_13 = arith.constant 0 : index
    %get3A_14 = arith.constant 0 : index
    %get3A_15 = vector.load %arg3[%get3A_13, %get3A_14] : memref<2944x128xf32, #tpu.memory_space<vmem>>, vector<2944x128xf32>
    %mul3A = arith.mulf %get3A_15, %add3A_12 : vector<2944x128xf32>
    %get3A_16 = arith.constant 0 : index
    %get3A_17 = arith.constant 0 : index
    %get3A_18 = vector.load %arg4[%get3A_16, %get3A_17] : memref<1x128xf32, #tpu.memory_space<vmem>>, vector<1x128xf32>
    %add3A_19 = vector.broadcast %get3A_18 : vector<1x128xf32> to vector<2944x128xf32>
    %add3A_20 = arith.addf %mul3A, %add3A_19 : vector<2944x128xf32>
    %max3A = arith.constant 0.000000e+00 : f32
    %max3A_21 = vector.broadcast %max3A : f32 to vector<2944x128xf32>
    %max3A_22 = arith.maximumf %add3A_20, %max3A_21 : vector<2944x128xf32>
    %get3A_23 = arith.constant 0 : index
    %get3A_24 = arith.constant 0 : index
    %get3A_25 = vector.load %arg5[%get3A_23, %get3A_24] : memref<128x12xf32, #tpu.memory_space<vmem>>, vector<128x12xf32>
    %dot_general3A = arith.constant dense<0.000000e+00> : vector<12x2944xf32>
    %dot_general3A_26 = tpu.matmul %get3A_25, %max3A_22, %dot_general3A {dimension_numbers = #tpu.dot_dimension_numbers<[0], [1], [1], [0], [0, 1, 1, 0], [], []>, transpose_lhs_hint = false} : vector<128x12xf32>, vector<2944x128xf32>, vector<12x2944xf32> -> vector<12x2944xf32>
    %get3A_27 = arith.constant 0 : index
    %get3A_28 = arith.constant 0 : index
    %get3A_29 = vector.load %arg6[%get3A_27, %get3A_28] : memref<12x1xf32, #tpu.memory_space<vmem>>, vector<12x1xf32>
    %add3A_30 = vector.broadcast %get3A_29 : vector<12x1xf32> to vector<12x2944xf32>
    %add3A_31 = arith.addf %dot_general3A_26, %add3A_30 : vector<12x2944xf32>
    %swap3A = arith.constant 0 : index
    %swap3A_32 = arith.constant 0 : index
    %swap3A_33 = vector.load %arg7[%swap3A, %swap3A_32] : memref<12x2944xf32, #tpu.memory_space<vmem>>, vector<12x2944xf32>
    tpu.vector_store %arg7[%swap3A, %swap3A_32], %add3A_31 {strides = array<i32>} : memref<12x2944xf32, #tpu.memory_space<vmem>>, vector<12x2944xf32>,
    return
  }
  func.func @transform_0(%arg0: i32) -> (i32, i32, i32) {
    %c0_i32 = arith.constant 0 : i32
    %c0_i32_0 = arith.constant 0 : i32
    %c0_i32_1 = arith.constant 0 : i32
    return %c0_i32, %arg0, %c0_i32_0 : i32, i32, i32
  }
  func.func @transform_1(%arg0: i32) -> (i32, i32) {
    %c0_i32 = arith.constant 0 : i32
    %c0_i32_0 = arith.constant 0 : i32
    return %arg0, %c0_i32 : i32, i32
  }
  func.func @transform_2(%arg0: i32) -> (i32, i32) {
    %c0_i32 = arith.constant 0 : i32
    %c0_i32_0 = arith.constant 0 : i32
    return %arg0, %c0_i32 : i32, i32
  }
  func.func @transform_3(%arg0: i32) -> (i32, i32) {
    %c0_i32 = arith.constant 0 : i32
    %c0_i32_0 = arith.constant 0 : i32
    %c0_i32_1 = arith.constant 0 : i32
    return %c0_i32, %c0_i32_0 : i32, i32
  }
  func.func @transform_4(%arg0: i32) -> (i32, i32) {
    %c0_i32 = arith.constant 0 : i32
    %c0_i32_0 = arith.constant 0 : i32
    %c0_i32_1 = arith.constant 0 : i32
    return %c0_i32, %c0_i32_0 : i32, i32
  }
  func.func @transform_5(%arg0: i32) -> (i32, i32) {
    %c0_i32 = arith.constant 0 : i32
    %c0_i32_0 = arith.constant 0 : i32
    %c0_i32_1 = arith.constant 0 : i32
    return %c0_i32, %c0_i32_0 : i32, i32
  }
  func.func @transform_6(%arg0: i32) -> (i32, i32) {
    %c0_i32 = arith.constant 0 : i32
    %c0_i32_0 = arith.constant 0 : i32
    return %c0_i32, %arg0 : i32, i32
  }
}

</mosaic_0001>

<sc_bundles>
// kernel: kernel.19.cloned.1.call-start
scs
__scs_entry_jumppad:
0x0: {  	(pc) =	sbr.rel $0x88, $3  }
0x1: {  	(tag) =	ssettag $0x0;
	lr =	simm.s32 $0x1  }
0x2: {  	[smem:$0x3F8F] =	sst lr;
	_ =	strace $0xD0000000  }
0x3: {  	_ = 	snop  }
0x4: {  	_ = 	snop  }
0x5: {  	_ = 	snop  }
0x6: {  	_ = 	snop  }
0x7: {  	_ = 	snop  }
__scs_overlays_trampoline_lowered:
0x8: {  	[smem:$0x3F9E] =	sst s0  }
0x9: {  	[smem:$0x3F9F] =	sst s1  }
0xa: {  	[smem:$0x3FA0] =	sst s2  }
0xb: {  	[smem:$0x3FA1] =	sst s3  }
0xc: {  	[smem:$0x3FA2] =	sst s4  }
0xd: {  	[smem:$0x3FA3] =	sst s5  }
0xe: {  	[smem:$0x3FA4] =	sst s6  }
0xf: {  	[smem:$0x3FA5] =	sst s7  }
0x10: {  	[smem:$0x3FA6] =	sst s8  }
0x11: {  	[smem:$0x3FA7] =	sst s9;
	s0 =	simm.s32 @!p0 $0x0  }
0x12: {  	s1 =	sld [smem:$0x3F8D];
	s0 =	simm.s32 @p0 $0x1  }
0x13: {  	[smem:$0x3FA8] =	sst s0;
	s0 =	simm.s32 @!p1 $0x0  }
0x14: {  	s2 =	sld [smem:$0x3F8C];
	s0 =	simm.s32 @p1 $0x1  }
0x15: {  	[smem:$0x3FA9] =	sst s0;
	s0 =	simm.s32 @!p2 $0x0  }
0x16: {  	s3 =	sld [smem:$0x3FDB];
	s0 =	simm.s32 @p2 $0x1  }
0x17: {  	s4 =	simm.s32 $0x1BF5;
	[smem:$0x3FAB] =	sst s0  }
0x18: {  	s0 =	sld [smem:$0x3F8E];
	_ =	swait.ge [sflag:s4], $0x0  }
0x19: {  	s7 =	sld [smem:$0x3F8F]  }
0x1a: {  	s8 =	sadd.s32 $0xFFFFE003, lr  }
0x1b: {  	s9 =	sadd.s32 $0xFFFFFEF7, lr;
	s5 =	simm.s32 $0xFFFFFFFF;
	p2 =	slt.u32 s8, $0xFFFFF086  }
0x1c: {  	p1 =	slt.u32 s9, $0xF7A;
	s5 =	simm.s32 @!p2 $0x0  }
0x1d: {  	s5 =	simm.s32 @p1 $0x1;
	p0 =	seq.s32 s7, s2  }
0x1e: {  	s7 =	smul.u32 @!p0 $0xF7A, s2;
	p2 =	seq.s32 @!p0 s5, $0x0  }
0x1f: {  	s9 =	smul.u32 $0xF7A, s1;
	s8 =	simm.s32 @!p0 $0x1BF5;
	p2 =	por !p2, p0  }
0x20: {  	[sflag:s8] =	ssyncset.s32 @!p0 $0xFFFFF086;
	s6 =	sadd.s32 @!p0 s3, s7;
	s7 =	simm.s32 @!p0 $0x108  }
0x21: {  	s3 =	sadd.s32 s3, s9;
	s6 =	sadd.s32 @!p0 $0x88, s6;
	s7 =	simm.s32 @p2 $0x1082  }
0x22: {  	[simem:s7], [sflag:s8] =	dma.local @!p0 [hbm:s6], $0xF7A  }
0x23: {  	s9 =	sor.u32 $0xD0000000, s2;
	s6 =	simm.s32 $0x108;
	_ =	swait.ge @!p0 [sflag:s8], $0x0  }
0x24: {  	s3 =	sadd.s32 $0x88, s3;
	s6 =	simm.s32 @!p1 $0x1082;
	[sflag:s4] =	ssyncset.s32 $0xFFFFF086  }
0x25: {  	[simem:s6], [sflag:s4] =	dma.local [hbm:s3], $0xF7A  }
0x26: {  	[smem:$0x3F8F] =	sst s1;
	(tag) =	ssettag s2;
	_ =	strace s9  }
0x27: {  	s1 =	sld [smem:$0x3F9F]  }
0x28: {  	s2 =	sld [smem:$0x3FA0]  }
0x29: {  	s4 =	sld [smem:$0x3FA2]  }
0x2a: {  	p0 =	seq.s32 s5, $0x0;
	s5 =	sld [smem:$0x3FA3]  }
0x2b: {  	s6 =	sld [smem:$0x3FA4]  }
0x2c: {  	s7 =	sld [smem:$0x3FA5]  }
0x2d: {  	s3 =	simm.s32 $0x108;
	s8 =	sld [smem:$0x3FA6]  }
0x2e: {  	s3 =	simm.s32 @!p0 $0x1082;
	s9 =	sld [smem:$0x3FA7]  }
0x2f: {  	lr =	sadd.s32 s0, s3;
	s0 =	sld [smem:$0x3F9E]  }
0x30: {  	s3 =	sld [smem:$0x3FA1]  }
0x31: {  	[smem:$0x3FAA] =	sst s10  }
0x32: {  	s10 =	sld [smem:$0x3FA8];
	_ =	sdelay $0x3  }
0x33: {  	p0 =	seq.s32 s10, $0x1;
	s10 =	sld [smem:$0x3FAA];
	_ =	sdelay $0x3  }
0x34: {  	[smem:$0x3FAA] =	sst s10  }
0x35: {  	s10 =	sld [smem:$0x3FA9];
	_ =	sdelay $0x3  }
0x36: {  	p1 =	seq.s32 s10, $0x1;
	s10 =	sld [smem:$0x3FAA];
	_ =	sdelay $0x3  }
0x37: {  	[smem:$0x3FAA] =	sst s10  }
0x38: {  	s10 =	sld [smem:$0x3FAB]  }
0x39: {  	_ = 	snop;
	(pc) =	sbr.ind lr, $3  }
0x3a: {  	_ = 	snop  }
0x3b: {  	_ = 	snop  }
0x3c: {  	p2 =	seq.s32 s10, $0x1;
	s10 =	sld [smem:$0x3FAA]  }
0x3d: {  	_ =	shalt  }
0x3e: {  	_ =	shalt  }
0x3f: {  	_ =	shalt  }
0x40: {  	_ =	shalt  }
0x41: {  	_ =	shalt  }
0x42: {  	_ =	shalt  }
0x43: {  	_ =	shalt  }
0x44: {  	_ =	shalt  }
0x45: {  	_ =	shalt  }
0x46: {  	_ =	shalt  }
0x47: {  	_ =	shalt  }
0x48: {  	_ =	shalt  }
0x49: {  	_ =	shalt  }
0x4a: {  	_ =	shalt  }
0x4b: {  	_ =	shalt  }
0x4c: {  	_ =	shalt  }
0x4d: {  	_ =	shalt  }
0x4e: {  	_ =	shalt  }
0x4f: {  	_ =	shalt  }
0x50: {  	_ =	shalt  }
0x51: {  	_ =	shalt  }
0x52: {  	_ =	shalt  }
0x53: {  	_ =	shalt  }
0x54: {  	_ =	shalt  }
0x55: {  	_ =	shalt  }
0x56: {  	_ =	shalt  }
0x57: {  	_ =	shalt  }
0x58: {  	_ =	shalt  }
0x59: {  	_ =	shalt  }
0x5a: {  	_ =	shalt  }
0x5b: {  	_ =	shalt  }
0x5c: {  	_ =	shalt  }
0x5d: {  	_ =	shalt  }
0x5e: {  	_ =	shalt  }
0x5f: {  	_ =	shalt  }
0x60: {  	_ =	shalt  }
0x61: {  	_ =	shalt  }
0x62: {  	_ =	shalt  }
0x63: {  	_ =	shalt  }
0x64: {  	_ =	shalt  }
0x65: {  	_ =	shalt  }
0x66: {  	_ =	shalt  }
0x67: {  	_ =	shalt  }
0x68: {  	_ =	shalt  }
0x69: {  	_ =	shalt  }
0x6a: {  	_ =	shalt  }
0x6b: {  	_ =	shalt  }
0x6c: {  	_ =	shalt  }
0x6d: {  	_ =	shalt  }
0x6e: {  	_ =	shalt  }
0x6f: {  	_ =	shalt  }
0x70: {  	_ =	shalt  }
0x71: {  	_ =	shalt  }
0x72: {  	_ =	shalt  }
0x73: {  	_ =	shalt  }
0x74: {  	_ =	shalt  }
0x75: {  	_ =	shalt  }
0x76: {  	_ =	shalt  }
0x77: {  	_ =	shalt  }
0x78: {  	_ =	shalt  }
0x79: {  	_ =	shalt  }
0x7a: {  	_ =	shalt  }
0x7b: {  	_ =	shalt  }
0x7c: {  	_ =	shalt  }
0x7d: {  	_ =	shalt  }
0x7e: {  	_ =	shalt  }
0x7f: {  	_ =	shalt  }
0x80: {  	_ =	shalt  }
0x81: {  	_ =	shalt  }
0x82: {  	_ =	shalt  }
0x83: {  	_ =	shalt  }
0x84: {  	_ =	shalt  }
0x85: {  	_ =	shalt  }
0x86: {  	_ =	shalt  }
0x87: {  	_ =	shalt  }
.Lfunc_end0:
.L_simem_size_0:
called_computation_lowered:
.L_overlay_start_0:
0x88: {  	s2 =	sld [smem:$0x3FD9]  }
0x89: {  	s3 =	sld [smem:$0x3FFE];
	_ =	sdelay $0x1  }
0x8a: {  	s1 =	srdreg.scid  }
0x8b: {  	s0 =	sand.u32 $0x1, s1  }
0x8c: {  	s17 =	sshll.u32 s0, $0xA;
	s2 =	sadd.s32 s3, s2  }
0x8d: {  	s2 =	sadd.s32 s2, s17  }
0x8e: {  	[smem:$0x3FB6] =	sst s2  }
0x8f: {  	_ = 	snop  }
0x90: {  	s2 =	sld [smem:$0x3FD0];
	(tm) =	ssettm $0x1  }
0x91: {  	s18 =	sld [smem:$0x3FFB];
	_ =	sdelay $0x3  }
0x92: {  	_ =	strace s18  }
0x93: {  	s3 =	sld [smem:$0x3FFC];
	_ =	sdelay $0x3  }
0x94: {  	_ =	strace s3  }
0x95: {  	s3 =	sld [smem:$0x3FFD];
	_ =	sdelay $0x3  }
0x96: {  	_ =	strace s3  }
0x97: {  	_ =	strace $0x8FFFFFFF  }
0x98: {  	s19 =	sld [smem:$0x3FDB];
	_ =	sdelay $0x1  }
0x99: {  	s4 =	simm.s32 $_scs_section_size  }
0x9a: {  	s5 =	simm.s32 $_size__tile_overlayer_lowered;
	s6 =	simm.s32 $_tile_overlayer_lowered  }
0x9b: {  	s22 =	simm.s32 $0x1BFF;
	s21 =	sshll.u32 s6, $0x1;
	s3 =	sadd.s32 s4, s19  }
0x9c: {  	s7 =	simm.s32 $0x0;
	s20 =	sshll.u32 s5, $0x1;
	s5 =	sadd.s32 s21, s3  }
0x9d: {  	[timem:s7], [sflag:s22] =	dma.local [hbm:s5], s20  }
0x9e: {  	_ =	swait.ge [sflag:s22], s20  }
0x9f: {  	s4 =	ssub.s32 $0x0, s20;
	[sflag:s22] =	ssyncset.done $0x0  }
0xa0: {  	[sflag:s22] =	ssyncadd.s32 s4;
	_ =	sdelay $0x1  }
0xa1: {  	s23 =	simm.s32 $0x1B8B  }
0xa2: {  	_ =	swait.ge [sflag:s23], $0x1  }
0xa3: {  	[sflag:s23] =	ssyncset.done $0x0  }
0xa4: {  	s25 =	simm.s32 $0x1B8E;
	s24 =	sld [smem:$0x3FFE];
	[sflag:s23] =	ssyncadd.s32 $0xFFFFFFFF  }
0xa5: {  	s26 =	simm.s32 $execute0_lowered;
	[smem:$0x3FD2] =	sst s25  }
0xa6: {  	s5 =	sshll.u32 s26, $0x1;
	_ =	strace $0x80000046;
	[dreg:$0x1] =	wrdreg $0xFFFFFFFF  }
0xa7: {  	s28 =	simm.s32 $_size_execute0_lowered;
	s3 =	sadd.s32 s3, s5;
	[dreg:$0x0] =	wrdreg $0x0  }
0xa8: {  	s5 =	sshll.u32 s28, $0x1;
	[dreg:$0x2] =	wrdreg s3  }
0xa9: {  	[dreg:$0x3] =	wrdreg s5  }
0xaa: {  	[dreg:$0x4] =	wrdreg $0xC0  }
0xab: {  	_ =	task [dreg:s7], $0x5FFFF  }
0xac: {  	[dreg:$0x1] =	wrdreg $0xFFFFFFFF  }
0xad: {  	[dreg:$0x0] =	wrdreg $0x60  }
0xae: {  	[dreg:$0x2] =	wrdreg s2  }
0xaf: {  	[dreg:$0x3] =	wrdreg s24  }
0xb0: {  	[dreg:$0x4] =	wrdreg $0x60800  }
0xb1: {  	[dreg:$0x5] =	wrdreg $0x118800  }
0xb2: {  	[dreg:$0x6] =	wrdreg $0x9  }
0xb3: {  	_ =	task.clear_ibuf [dreg:s7], $0x7FFFF;
	_ =	strace $0x90000046  }
0xb4: {  	s29 =	simm.s32 $0x9;
	_ =	strace $0x80000048  }
0xb5: {  	_ =	swait.ge [sflag:s29], $0x1  }
0xb6: {  	[sflag:s29] =	ssyncadd.s32 $0xFFFFFFFF  }
0xb7: {  	_ =	strace $0x90000048  }
0xb8: {  	_ =	sfence  }
0xb9: {  	s30 =	sld [smem:$0x0];
	_ =	sdelay $0x2  }
0xba: {  	s31 =	sshll.u32 s1, $0xD;
	s1 =	sshrl.u32 s1, $0x2  }
0xbb: {  	s3 =	sand.u32 $0x4000, s31;
	s1 =	sadd.s32 s1, s30  }
0xbc: {  	s0 =	sor.u32 s3, s0;
	s1 =	sshll.u32 s1, $0x11  }
0xbd: {  	s0 =	sor.u32 s1, s0  }
0xbe: {  	s0 =	sadd.s32 $0x8F2B, s0  }
0xbf: {  	[sflag:s0] =	ssyncadd.remote.s32 $0x1  }
0xc0: {  	_ =	sfence.sel $0xFFFF  }
0xc1: {  	[dreg:$0x0] =	wrdreg $0xFFFFFFFF;
	(pc) =	sbr.abs _section_cstart, $3  }
0xc2: {  	[dreg:$0x1] =	wrdreg $0xFFFFFFFF  }
0xc3: {  	_ =	task.clear_ibuf [dreg:s7], $0x2FFFF;
	_ =	strace $0x9FFFFFFF  }
0xc4: {  	(tm) =	ssettm $0x7FFFFFFF  }
0xc5: {  	_ =	shalt  }
tec
execute0_lowered:
.L_overlay_start_1:
0x0: {  	(tag) =	ssettag $0x1  }
0x1: {  	s0 =	rddreg [dreg:$0x0]  }
0x2: {  	s2 =	rddreg [dreg:$0x1]  }
0x3: {  	s1 =	rddreg [dreg:$0x2]  }
0x4: {  	s3 =	rddreg [dreg:$0x3]  }
0x5: {  	s4 =	srdreg.scid;
	s13 =	stileid.u32  }
0x6: {  	s15 =	simm.s32 $0x2700;
	s16 =	simm.s32 $0x1;
	s17 =	simm.s32 $0x1700  }
0x7: {  	s18 =	simm.s32 $0x80;
	s19 =	simm.s32 $0x1F00;
	s28 =	simm.s32 $0x1A80  }
0x8: {  	s29 =	simm.s32 $0x1B00;
	s30 =	simm.s32 $0x1B80;
	s31 =	simm.s32 $0x1C00  }
0x9: {  	s20 =	simm.s32 $0x1D80;
	s21 =	simm.s32 $0x1E00;
	s9 =	smul.u32 $0xB800, s13  }
0xa: {  	s22 =	simm.s32 $0x1E80;
	s5 =	sand.u32 $0x1, s4;
	s8 =	smul.u32 $0x3980, s13  }
0xb: {  	s4 =	simm.s32 $0x0;
	s6 =	smul.u32 $0xB8000, s5;
	s7 =	sshll.u32 s5, $0x4  }
0xc: {  	[smem:$0x7FF] =	sst s4;
	s11 =	smul.u32 $0x39800, s5;
	s5 =	ssub.s32 $0x2, s5  }
0xd: {  	s7 =	sor.u32 s13, s7;
	_ =	strace $0x80000047;
	s24 =	sshrl.u32 s5, $0x1  }
0xe: {  	s13 =	smul.u32 $0x2E000, s13;
	s25 =	sadd.s32 s9, s1;
	s10 =	sshll.u32 s7, $0x8  }
0xf: {  	s6 =	sadd.s32 s9, s6;
	s23 =	sadd.s32 s8, s11;
	s7 =	smul.u32 $0x2E0, s7  }
0x10: {  	s11 =	ssub.s32 s5, s24;
	s5 =	sadd.s32 s8, s3;
	s6 =	sshrl.u32 s6, $0x3  }
0x11: {  	s25 =	sshrl.u32 s25, $0x3;
	s12 =	sadd.s32 s6, s2;
	s6 =	sshrl.u32 s23, $0x3  }
0x12: {  	s10 =	sadd.s32 s10, s2;
	s26 =	sshrl.u32 s13, $0x2;
	s2 =	sadd.s32 s6, s2  }
0x13: {  	s6 =	sadd.s32 s0, s7;
	s7 =	sadd.s32 $0x7400, s10;
	s8 =	sadd.s32 $0x9400, s12  }
0x14: {  	s10 =	smax.u32 s11, $0x1;
	s11 =	sadd.s32 s26, s1;
	s26 =	simm.s32 $0x1A00  }
0x15: {  	s0 =	simm.s32 $0x1C80;
	s9 =	sadd.s32 $0x37400, s2;
	s12 =	sadd.s32 $0x2E00, s11  }
0x16: {  	v0 =	vimm.f32 $0.0e+00;
	v1 =	vimm.f32 $1.000000000e+00;
	s13 =	sadd.s32 $0x5C00, s11;
	s14 =	sadd.s32 $0x8A00, s11;
	s2 =	simm.s32 $0x1D00  }
.LBB2_1:
0x17: {  	s23 =	simm.s32 $0x0  }
.LBB2_2:
0x18: {  	p0 =	sne.s32 s23, $0xE5C0  }
.Ltmp0:
0x19: {  	_ = 	snop;
	(pc) =	sbr.rel @p0 .LBB2_2-.Ltmp0, $3  }
0x1a: {  	_ =	sdelay $0x1  }
0x1b: {  	s24 =	sshra.s32 s23, $0x2  }
0x1c: {  	s23 =	sadd.s32 $0x40, s23;
	[tilespmem:s24+$0x2700] =	vst v0  }
0x1d: {  	s23 =	simm.s32 $0x40;
	s24 =	simm.s32 $0x0  }
.LBB2_4:
0x1e: {  	p0 =	sne.s32 s23, $0x1FC0;
	[tilespmem:s24+$0x1F00] =	vst v1;
	s24 =	smov.u32 s23;
	s23 =	sadd.s32 $0x40, s23  }
.Ltmp1:
0x1f: {  	(pc) =	sbr.rel @p0 .LBB2_4-.Ltmp1, $2  }
0x20: {  	_ =	sdelay $0x2  }
0x21: {  	s24 =	sshra.s32 s24, $0x2  }
0x22: {  	[tilespmem:s24+$0x1F00] =	vst v1  }
0x23: {  	[spmem:s11] =	stream.linear.scatter [tilespmem:s15], [sflag:$0x1], $0x2E00, $0x38;
	[tilespmem:$0x15200] =	vst v63  }
0x24: {  	_ =	swait.ge [sflag:s16], $0x2E00  }
0x25: {  	[sflag:s16] =	ssyncset.done $0x0  }
0x26: {  	[sflag:s16] =	ssyncadd.s32 $0xFFFFD200  }
0x27: {  	[spmem:s12] =	stream.linear.scatter [tilespmem:s15], [sflag:$0x1], $0x2E00, $0x38;
	[tilespmem:$0x15200] =	vst v63  }
0x28: {  	_ =	swait.ge [sflag:s16], $0x2E00  }
0x29: {  	[sflag:s16] =	ssyncset.done $0x0  }
0x2a: {  	[sflag:s16] =	ssyncadd.s32 $0xFFFFD200  }
0x2b: {  	[spmem:s13] =	stream.linear.scatter [tilespmem:s15], [sflag:$0x1], $0x2E00, $0x38;
	[tilespmem:$0x15200] =	vst v63  }
0x2c: {  	_ =	swait.ge [sflag:s16], $0x2E00  }
0x2d: {  	[sflag:s16] =	ssyncset.done $0x0  }
0x2e: {  	[sflag:s16] =	ssyncadd.s32 $0xFFFFD200  }
0x2f: {  	[spmem:s14] =	stream.linear.scatter [tilespmem:s15], [sflag:$0x1], $0x2E00, $0x38;
	[tilespmem:$0x15200] =	vst v63  }
0x30: {  	_ =	swait.ge [sflag:s16], $0x2E00  }
0x31: {  	[sflag:s16] =	ssyncset.done $0x0  }
0x32: {  	[sflag:s16] =	ssyncadd.s32 $0xFFFFD200  }
0x33: {  	[spmem:s5] =	stream.linear.scatter [tilespmem:s15], [sflag:$0x1], $0x3980, $0x38;
	[tilespmem:$0x15200] =	vst v63  }
0x34: {  	_ =	swait.ge [sflag:s16], $0x3980  }
0x35: {  	[sflag:s16] =	ssyncset.done $0x0  }
0x36: {  	s23 =	simm.s32 $0x0;
	[sflag:s16] =	ssyncadd.s32 $0xFFFFC680  }
0x37: {  	[tilespmem:s23], [sflag:$0x1] =	stream.linear.gather [hbm4b:s6+s23], $0x1700, $0x38;
	[tilespmem:$0x15200] =	vst v63  }
0x38: {  	_ =	swait.ge [sflag:s16], $0x1700  }
0x39: {  	[sflag:s16] =	ssyncset.done $0x0  }
0x3a: {  	[sflag:s16] =	ssyncadd.s32 $0xFFFFE900  }
0x3b: {  	[tilespmem:s17], [sflag:$0x1] =	stream.linear.gather [hbm4b:s7+s23], $0x800, $0x38;
	[tilespmem:$0x15200] =	vst v63  }
0x3c: {  	_ =	swait.ge [sflag:s16], $0x800  }
0x3d: {  	[sflag:s16] =	ssyncset.done $0x0  }
0x3e: {  	[sflag:s16] =	ssyncadd.s32 $0xFFFFF800  }
0x3f: {  	s24 =	simm.s32 $0x0;
	[bflag:$0x0] =	sbarrier.arrive $0xFFFF  }
0x40: {  	[spmem:s1] =	stream.indirect.scatter.add.f32 [tilespmem:s19], [sflag:$0x1], $0x10, s24, s18, $0xb8;
	[tilespmem:$0x15200] =	vst v63  }
0x41: {  	_ =	swait.ge [sflag:s16], $0x800  }
0x42: {  	s23 =	simm.s32 $0x200;
	[sflag:s16] =	ssyncset.done $0x0  }
.LBB2_6:
0x43: {  	s24 =	sshra.s32 s23, $0x2;
	[sflag:s16] =	ssyncadd.s32 $0xFFFFF800;
	p0 =	sne.s32 s23, $0x5A00  }
0x44: {  	[spmem:s1] =	stream.indirect.scatter.add.f32 [tilespmem:s19], [sflag:$0x1], $0x10, s24, s18, $0xb8;
	[tilespmem:$0x15200] =	vst v63  }
.Ltmp2:
0x45: {  	_ = 	snop;
	(pc) =	sbr.rel @p0 .LBB2_6-.Ltmp2, $4  }
0x46: {  	_ = 	snop  }
0x47: {  	s23 =	sadd.s32 $0x200, s23  }
0x48: {  	_ =	swait.ge [sflag:s16], $0x800  }
0x49: {  	[sflag:s16] =	ssyncset.done $0x0  }
0x4a: {  	[sflag:s16] =	ssyncadd.s32 $0xFFFFF800  }
0x4b: {  	[spmem:s3] =	stream.indirect.scatter.add.f32 [tilespmem:s19], [sflag:$0x1], $0x10, s17, s18, $0xb8;
	[tilespmem:$0x15200] =	vst v63  }
0x4c: {  	_ =	swait.ge [sflag:s16], $0x800  }
0x4d: {  	[sflag:s16] =	ssyncset.done $0x0  }
0x4e: {  	s23 =	simm.s32 $0x1780;
	[sflag:s16] =	ssyncadd.s32 $0xFFFFF800  }
0x4f: {  	[spmem:s3] =	stream.indirect.scatter.add.f32 [tilespmem:s19], [sflag:$0x1], $0x10, s23, s18, $0xb8;
	[tilespmem:$0x15200] =	vst v63  }
0x50: {  	_ =	swait.ge [sflag:s16], $0x800  }
0x51: {  	[sflag:s16] =	ssyncset.done $0x0  }
0x52: {  	s24 =	simm.s32 $0x1800;
	[sflag:s16] =	ssyncadd.s32 $0xFFFFF800  }
0x53: {  	[spmem:s3] =	stream.indirect.scatter.add.f32 [tilespmem:s19], [sflag:$0x1], $0x10, s24, s18, $0xb8;
	[tilespmem:$0x15200] =	vst v63  }
0x54: {  	_ =	swait.ge [sflag:s16], $0x800  }
0x55: {  	[sflag:s16] =	ssyncset.done $0x0  }
0x56: {  	s24 =	simm.s32 $0x1880;
	[sflag:s16] =	ssyncadd.s32 $0xFFFFF800  }
0x57: {  	[spmem:s3] =	stream.indirect.scatter.add.f32 [tilespmem:s19], [sflag:$0x1], $0x10, s24, s18, $0xb8;
	[tilespmem:$0x15200] =	vst v63  }
0x58: {  	_ =	swait.ge [sflag:s16], $0x800  }
0x59: {  	[sflag:s16] =	ssyncset.done $0x0  }
0x5a: {  	s24 =	simm.s32 $0x1900;
	[sflag:s16] =	ssyncadd.s32 $0xFFFFF800  }
0x5b: {  	[spmem:s3] =	stream.indirect.scatter.add.f32 [tilespmem:s19], [sflag:$0x1], $0x10, s24, s18, $0xb8;
	[tilespmem:$0x15200] =	vst v63  }
0x5c: {  	_ =	swait.ge [sflag:s16], $0x800  }
0x5d: {  	[sflag:s16] =	ssyncset.done $0x0  }
0x5e: {  	s24 =	simm.s32 $0x1980;
	[sflag:s16] =	ssyncadd.s32 $0xFFFFF800  }
0x5f: {  	[spmem:s3] =	stream.indirect.scatter.add.f32 [tilespmem:s19], [sflag:$0x1], $0x10, s24, s18, $0xb8;
	[tilespmem:$0x15200] =	vst v63  }
0x60: {  	_ =	swait.ge [sflag:s16], $0x800  }
0x61: {  	[sflag:s16] =	ssyncset.done $0x0  }
0x62: {  	[sflag:s16] =	ssyncadd.s32 $0xFFFFF800  }
0x63: {  	[spmem:s3] =	stream.indirect.scatter.add.f32 [tilespmem:s19], [sflag:$0x1], $0x10, s26, s18, $0xb8;
	[tilespmem:$0x15200] =	vst v63  }
0x64: {  	_ =	swait.ge [sflag:s16], $0x800  }
0x65: {  	[sflag:s16] =	ssyncset.done $0x0  }
0x66: {  	[sflag:s16] =	ssyncadd.s32 $0xFFFFF800  }
0x67: {  	[spmem:s3] =	stream.indirect.scatter.add.f32 [tilespmem:s19], [sflag:$0x1], $0x10, s28, s18, $0xb8;
	[tilespmem:$0x15200] =	vst v63  }
0x68: {  	_ =	swait.ge [sflag:s16], $0x800  }
0x69: {  	[sflag:s16] =	ssyncset.done $0x0  }
0x6a: {  	[sflag:s16] =	ssyncadd.s32 $0xFFFFF800  }
0x6b: {  	[spmem:s3] =	stream.indirect.scatter.add.f32 [tilespmem:s19], [sflag:$0x1], $0x10, s29, s18, $0xb8;
	[tilespmem:$0x15200] =	vst v63  }
0x6c: {  	_ =	swait.ge [sflag:s16], $0x800  }
0x6d: {  	[sflag:s16] =	ssyncset.done $0x0  }
0x6e: {  	[sflag:s16] =	ssyncadd.s32 $0xFFFFF800  }
0x6f: {  	[spmem:s3] =	stream.indirect.scatter.add.f32 [tilespmem:s19], [sflag:$0x1], $0x10, s30, s18, $0xb8;
	[tilespmem:$0x15200] =	vst v63  }
0x70: {  	_ =	swait.ge [sflag:s16], $0x800  }
0x71: {  	[sflag:s16] =	ssyncset.done $0x0  }
0x72: {  	[sflag:s16] =	ssyncadd.s32 $0xFFFFF800  }
0x73: {  	[spmem:s3] =	stream.indirect.scatter.add.f32 [tilespmem:s19], [sflag:$0x1], $0x10, s31, s18, $0xb8;
	[tilespmem:$0x15200] =	vst v63  }
0x74: {  	_ =	swait.ge [sflag:s16], $0x800  }
0x75: {  	[sflag:s16] =	ssyncset.done $0x0  }
0x76: {  	[sflag:s16] =	ssyncadd.s32 $0xFFFFF800  }
0x77: {  	[spmem:s3] =	stream.indirect.scatter.add.f32 [tilespmem:s19], [sflag:$0x1], $0x10, s0, s18, $0xb8;
	[tilespmem:$0x15200] =	vst v63  }
0x78: {  	_ =	swait.ge [sflag:s16], $0x800  }
0x79: {  	[sflag:s16] =	ssyncset.done $0x0  }
0x7a: {  	[sflag:s16] =	ssyncadd.s32 $0xFFFFF800  }
0x7b: {  	[spmem:s3] =	stream.indirect.scatter.add.f32 [tilespmem:s19], [sflag:$0x1], $0x10, s2, s18, $0xb8;
	[tilespmem:$0x15200] =	vst v63  }
0x7c: {  	_ =	swait.ge [sflag:s16], $0x800  }
0x7d: {  	[sflag:s16] =	ssyncset.done $0x0  }
0x7e: {  	[sflag:s16] =	ssyncadd.s32 $0xFFFFF800  }
0x7f: {  	[spmem:s3] =	stream.indirect.scatter.add.f32 [tilespmem:s19], [sflag:$0x1], $0x10, s20, s18, $0xb8;
	[tilespmem:$0x15200] =	vst v63  }
0x80: {  	_ =	swait.ge [sflag:s16], $0x800  }
0x81: {  	[sflag:s16] =	ssyncset.done $0x0  }
0x82: {  	[sflag:s16] =	ssyncadd.s32 $0xFFFFF800  }
0x83: {  	[spmem:s3] =	stream.indirect.scatter.add.f32 [tilespmem:s19], [sflag:$0x1], $0x10, s21, s18, $0xb8;
	[tilespmem:$0x15200] =	vst v63  }
0x84: {  	_ =	swait.ge [sflag:s16], $0x800  }
0x85: {  	[sflag:s16] =	ssyncset.done $0x0  }
0x86: {  	[sflag:s16] =	ssyncadd.s32 $0xFFFFF800  }
0x87: {  	[spmem:s3] =	stream.indirect.scatter.add.f32 [tilespmem:s19], [sflag:$0x1], $0x10, s22, s18, $0xb8;
	[tilespmem:$0x15200] =	vst v63  }
0x88: {  	_ =	swait.ge [sflag:s16], $0x800  }
0x89: {  	s24 =	stileid.u32;
	[sflag:s16] =	ssyncset.done $0x0  }
0x8a: {  	s23 =	sshll.u32 s24, $0x6;
	[sflag:s16] =	ssyncadd.s32 $0xFFFFF800  }
0x8b: {  	s23 =	sor.u32 $0x1C01, s23;
	[bflag:$0x0] =	sbarrier.arrive $0xFFFF  }
0x8c: {  	[hbm:s8], [sflag:s23] =	dma.local [spmem:s25], $0x1700  }
0x8d: {  	s4 =	sadd.s32 $0x1, s4;
	_ =	swait.ge [sflag:s16], $0x1700  }
0x8e: {  	p0 =	sne.s32 s4, s10;
	[sflag:s16] =	ssyncset.done $0x0  }
.Ltmp3:
0x8f: {  	s24 =	sshrl.u32 s5, $0x3;
	[sflag:s16] =	ssyncadd.s32 $0xFFFFE900;
	(pc) =	sbr.rel @p0 .LBB2_1-.Ltmp3, $4  }
0x90: {  	[hbm:s9], [sflag:s23] =	dma.local [spmem:s24], $0x730  }
0x91: {  	_ =	swait.ge [sflag:s16], $0x730  }
0x92: {  	[sflag:s16] =	ssyncset.done $0x0  }
0x93: {  	[sflag:s16] =	ssyncadd.s32 $0xFFFFF8D0  }
0x94: {  	_ =	sfence.sel $0x180000  }
0x95: {  	[bflag:$0x0] =	sbarrier.arrive $0xFFFF  }
0x96: {  	_ =	strace $0x90000047  }
0x97: {  	s0 =	stileid.u32;
	[bflag:$0x2] =	sbarrier.arrive $0xFFFF  }
0x98: {  	p0 =	sne.s32 s0, $0x0;
	s0 =	rddreg [dreg:$0x4]  }
0x99: {  	s0 =	sadd.s32 @!p0 $0x100000, s0  }
0x9a: {  	[sflag:s0] =	ssyncadd.tile.s32 @!p0 $0x1;
	_ =	shalt  }
.Lfunc_end2:
_tile_overlayer_lowered:
.L_overlay_start_2:
0x9b: {  	(tag) =	ssettag $0x2  }
0x9c: {  	s0 =	rddreg [dreg:$0x0];
	s2 =	stileid.u32  }
0x9d: {  	s1 =	rddreg [dreg:$0x1];
	p0 =	sne.s32 s2, $0x0  }
0x9e: {  	s3 =	rddreg [dreg:$0x2];
	[bflag:$0x3] =	sbarrier.arrive $0xFFFF;
	s2 =	simm.s32 @!p0 $0x1C01  }
0x9f: {  	[timem:s3], [sflag:s2] =	dma.local @!p0 [hbm:s0], s1  }
0xa0: {  	s0 =	simm.s32 @!p0 $0x1  }
0xa1: {  	_ =	swait.ge @!p0 [sflag:s0], s1  }
0xa2: {  	s1 =	ssub.s32 @!p0 $0x0, s1;
	[sflag:s0] =	ssyncset.done @!p0 $0x0  }
0xa3: {  	[sflag:s0] =	ssyncadd.s32 @!p0 s1  }
0xa4: {  	[bflag:$0x3] =	sbarrier.arrive $0xFFFF  }
0xa5: {  	_ =	shalt  }

// kernel: kernel.22.cloned.1.call-start
scs
__scs_entry_jumppad:
0x0: {  	(pc) =	sbr.rel $0x88, $3  }
0x1: {  	(tag) =	ssettag $0x0;
	lr =	simm.s32 $0x1  }
0x2: {  	[smem:$0x3F8F] =	sst lr;
	_ =	strace $0xD0000000  }
0x3: {  	_ = 	snop  }
0x4: {  	_ = 	snop  }
0x5: {  	_ = 	snop  }
0x6: {  	_ = 	snop  }
0x7: {  	_ = 	snop  }
__scs_overlays_trampoline_lowered:
0x8: {  	[smem:$0x3F9E] =	sst s0  }
0x9: {  	[smem:$0x3F9F] =	sst s1  }
0xa: {  	[smem:$0x3FA0] =	sst s2  }
0xb: {  	[smem:$0x3FA1] =	sst s3  }
0xc: {  	[smem:$0x3FA2] =	sst s4  }
0xd: {  	[smem:$0x3FA3] =	sst s5  }
0xe: {  	[smem:$0x3FA4] =	sst s6  }
0xf: {  	[smem:$0x3FA5] =	sst s7  }
0x10: {  	[smem:$0x3FA6] =	sst s8  }
0x11: {  	[smem:$0x3FA7] =	sst s9;
	s0 =	simm.s32 @!p0 $0x0  }
0x12: {  	s1 =	sld [smem:$0x3F8D];
	s0 =	simm.s32 @p0 $0x1  }
0x13: {  	[smem:$0x3FA8] =	sst s0;
	s0 =	simm.s32 @!p1 $0x0  }
0x14: {  	s2 =	sld [smem:$0x3F8C];
	s0 =	simm.s32 @p1 $0x1  }
0x15: {  	[smem:$0x3FA9] =	sst s0;
	s0 =	simm.s32 @!p2 $0x0  }
0x16: {  	s3 =	sld [smem:$0x3FDB];
	s0 =	simm.s32 @p2 $0x1  }
0x17: {  	s4 =	simm.s32 $0x1BF5;
	[smem:$0x3FAB] =	sst s0  }
0x18: {  	s0 =	sld [smem:$0x3F8E];
	_ =	swait.ge [sflag:s4], $0x0  }
0x19: {  	s7 =	sld [smem:$0x3F8F]  }
0x1a: {  	s8 =	sadd.s32 $0xFFFFE003, lr  }
0x1b: {  	s9 =	sadd.s32 $0xFFFFFEF7, lr;
	s5 =	simm.s32 $0xFFFFFFFF;
	p2 =	slt.u32 s8, $0xFFFFF086  }
0x1c: {  	p1 =	slt.u32 s9, $0xF7A;
	s5 =	simm.s32 @!p2 $0x0  }
0x1d: {  	s5 =	simm.s32 @p1 $0x1;
	p0 =	seq.s32 s7, s2  }
0x1e: {  	s7 =	smul.u32 @!p0 $0xF7A, s2;
	p2 =	seq.s32 @!p0 s5, $0x0  }
0x1f: {  	s9 =	smul.u32 $0xF7A, s1;
	s8 =	simm.s32 @!p0 $0x1BF5;
	p2 =	por !p2, p0  }
0x20: {  	[sflag:s8] =	ssyncset.s32 @!p0 $0xFFFFF086;
	s6 =	sadd.s32 @!p0 s3, s7;
	s7 =	simm.s32 @!p0 $0x108  }
0x21: {  	s3 =	sadd.s32 s3, s9;
	s6 =	sadd.s32 @!p0 $0x88, s6;
	s7 =	simm.s32 @p2 $0x1082  }
0x22: {  	[simem:s7], [sflag:s8] =	dma.local @!p0 [hbm:s6], $0xF7A  }
0x23: {  	s9 =	sor.u32 $0xD0000000, s2;
	s6 =	simm.s32 $0x108;
	_ =	swait.ge @!p0 [sflag:s8], $0x0  }
0x24: {  	s3 =	sadd.s32 $0x88, s3;
	s6 =	simm.s32 @!p1 $0x1082;
	[sflag:s4] =	ssyncset.s32 $0xFFFFF086  }
0x25: {  	[simem:s6], [sflag:s4] =	dma.local [hbm:s3], $0xF7A  }
0x26: {  	[smem:$0x3F8F] =	sst s1;
	(tag) =	ssettag s2;
	_ =	strace s9  }
0x27: {  	s1 =	sld [smem:$0x3F9F]  }
0x28: {  	s2 =	sld [smem:$0x3FA0]  }
0x29: {  	s4 =	sld [smem:$0x3FA2]  }
0x2a: {  	p0 =	seq.s32 s5, $0x0;
	s5 =	sld [smem:$0x3FA3]  }
0x2b: {  	s6 =	sld [smem:$0x3FA4]  }
0x2c: {  	s7 =	sld [smem:$0x3FA5]  }
0x2d: {  	s3 =	simm.s32 $0x108;
	s8 =	sld [smem:$0x3FA6]  }
0x2e: {  	s3 =	simm.s32 @!p0 $0x1082;
	s9 =	sld [smem:$0x3FA7]  }
0x2f: {  	lr =	sadd.s32 s0, s3;
	s0 =	sld [smem:$0x3F9E]  }
0x30: {  	s3 =	sld [smem:$0x3FA1]  }
0x31: {  	[smem:$0x3FAA] =	sst s10  }
0x32: {  	s10 =	sld [smem:$0x3FA8];
	_ =	sdelay $0x3  }
0x33: {  	p0 =	seq.s32 s10, $0x1;
	s10 =	sld [smem:$0x3FAA];
	_ =	sdelay $0x3  }
0x34: {  	[smem:$0x3FAA] =	sst s10  }
0x35: {  	s10 =	sld [smem:$0x3FA9];
	_ =	sdelay $0x3  }
0x36: {  	p1 =	seq.s32 s10, $0x1;
	s10 =	sld [smem:$0x3FAA];
	_ =	sdelay $0x3  }
0x37: {  	[smem:$0x3FAA] =	sst s10  }
0x38: {  	s10 =	sld [smem:$0x3FAB]  }
0x39: {  	_ = 	snop;
	(pc) =	sbr.ind lr, $3  }
0x3a: {  	_ = 	snop  }
0x3b: {  	_ = 	snop  }
0x3c: {  	p2 =	seq.s32 s10, $0x1;
	s10 =	sld [smem:$0x3FAA]  }
0x3d: {  	_ =	shalt  }
0x3e: {  	_ =	shalt  }
0x3f: {  	_ =	shalt  }
0x40: {  	_ =	shalt  }
0x41: {  	_ =	shalt  }
0x42: {  	_ =	shalt  }
0x43: {  	_ =	shalt  }
0x44: {  	_ =	shalt  }
0x45: {  	_ =	shalt  }
0x46: {  	_ =	shalt  }
0x47: {  	_ =	shalt  }
0x48: {  	_ =	shalt  }
0x49: {  	_ =	shalt  }
0x4a: {  	_ =	shalt  }
0x4b: {  	_ =	shalt  }
0x4c: {  	_ =	shalt  }
0x4d: {  	_ =	shalt  }
0x4e: {  	_ =	shalt  }
0x4f: {  	_ =	shalt  }
0x50: {  	_ =	shalt  }
0x51: {  	_ =	shalt  }
0x52: {  	_ =	shalt  }
0x53: {  	_ =	shalt  }
0x54: {  	_ =	shalt  }
0x55: {  	_ =	shalt  }
0x56: {  	_ =	shalt  }
0x57: {  	_ =	shalt  }
0x58: {  	_ =	shalt  }
0x59: {  	_ =	shalt  }
0x5a: {  	_ =	shalt  }
0x5b: {  	_ =	shalt  }
0x5c: {  	_ =	shalt  }
0x5d: {  	_ =	shalt  }
0x5e: {  	_ =	shalt  }
0x5f: {  	_ =	shalt  }
0x60: {  	_ =	shalt  }
0x61: {  	_ =	shalt  }
0x62: {  	_ =	shalt  }
0x63: {  	_ =	shalt  }
0x64: {  	_ =	shalt  }
0x65: {  	_ =	shalt  }
0x66: {  	_ =	shalt  }
0x67: {  	_ =	shalt  }
0x68: {  	_ =	shalt  }
0x69: {  	_ =	shalt  }
0x6a: {  	_ =	shalt  }
0x6b: {  	_ =	shalt  }
0x6c: {  	_ =	shalt  }
0x6d: {  	_ =	shalt  }
0x6e: {  	_ =	shalt  }
0x6f: {  	_ =	shalt  }
0x70: {  	_ =	shalt  }
0x71: {  	_ =	shalt  }
0x72: {  	_ =	shalt  }
0x73: {  	_ =	shalt  }
0x74: {  	_ =	shalt  }
0x75: {  	_ =	shalt  }
0x76: {  	_ =	shalt  }
0x77: {  	_ =	shalt  }
0x78: {  	_ =	shalt  }
0x79: {  	_ =	shalt  }
0x7a: {  	_ =	shalt  }
0x7b: {  	_ =	shalt  }
0x7c: {  	_ =	shalt  }
0x7d: {  	_ =	shalt  }
0x7e: {  	_ =	shalt  }
0x7f: {  	_ =	shalt  }
0x80: {  	_ =	shalt  }
0x81: {  	_ =	shalt  }
0x82: {  	_ =	shalt  }
0x83: {  	_ =	shalt  }
0x84: {  	_ =	shalt  }
0x85: {  	_ =	shalt  }
0x86: {  	_ =	shalt  }
0x87: {  	_ =	shalt  }
.Lfunc_end0:
.L_simem_size_0:
called_computation.1_lowered:
.L_overlay_start_0:
0x88: {  	s2 =	sld [smem:$0x3FD9]  }
0x89: {  	s3 =	sld [smem:$0x3FFE];
	_ =	sdelay $0x1  }
0x8a: {  	s1 =	srdreg.scid  }
0x8b: {  	s0 =	sand.u32 $0x1, s1  }
0x8c: {  	s17 =	sshll.u32 s0, $0xA;
	s2 =	sadd.s32 s3, s2  }
0x8d: {  	s2 =	sadd.s32 s2, s17  }
0x8e: {  	[smem:$0x3FB6] =	sst s2  }
0x8f: {  	_ = 	snop  }
0x90: {  	s2 =	sld [smem:$0x3FD0];
	(tm) =	ssettm $0x1  }
0x91: {  	s18 =	sld [smem:$0x3FFB];
	_ =	sdelay $0x3  }
0x92: {  	_ =	strace s18  }
0x93: {  	s3 =	sld [smem:$0x3FFC];
	_ =	sdelay $0x3  }
0x94: {  	_ =	strace s3  }
0x95: {  	s3 =	sld [smem:$0x3FFD];
	_ =	sdelay $0x3  }
0x96: {  	_ =	strace s3  }
0x97: {  	_ =	strace $0x8FFFFFFF  }
0x98: {  	s19 =	sld [smem:$0x3FDB];
	_ =	sdelay $0x1  }
0x99: {  	s4 =	simm.s32 $_scs_section_size  }
0x9a: {  	s5 =	simm.s32 $_size__tile_overlayer_lowered;
	s6 =	simm.s32 $_tile_overlayer_lowered  }
0x9b: {  	s22 =	simm.s32 $0x1BFF;
	s21 =	sshll.u32 s6, $0x1;
	s3 =	sadd.s32 s4, s19  }
0x9c: {  	s7 =	simm.s32 $0x0;
	s20 =	sshll.u32 s5, $0x1;
	s5 =	sadd.s32 s21, s3  }
0x9d: {  	[timem:s7], [sflag:s22] =	dma.local [hbm:s5], s20  }
0x9e: {  	_ =	swait.ge [sflag:s22], s20  }
0x9f: {  	s4 =	ssub.s32 $0x0, s20;
	[sflag:s22] =	ssyncset.done $0x0  }
0xa0: {  	[sflag:s22] =	ssyncadd.s32 s4;
	_ =	sdelay $0x1  }
0xa1: {  	s23 =	simm.s32 $0x1B8B  }
0xa2: {  	_ =	swait.ge [sflag:s23], $0x1  }
0xa3: {  	[sflag:s23] =	ssyncset.done $0x0  }
0xa4: {  	s25 =	simm.s32 $0x1B8E;
	s24 =	sld [smem:$0x3FFE];
	[sflag:s23] =	ssyncadd.s32 $0xFFFFFFFF  }
0xa5: {  	s26 =	simm.s32 $execute0_lowered;
	[smem:$0x3FD2] =	sst s25  }
0xa6: {  	s5 =	sshll.u32 s26, $0x1;
	_ =	strace $0x80000049;
	[dreg:$0x1] =	wrdreg $0xFFFFFFFF  }
0xa7: {  	s28 =	simm.s32 $_size_execute0_lowered;
	s3 =	sadd.s32 s3, s5;
	[dreg:$0x0] =	wrdreg $0x0  }
0xa8: {  	s5 =	sshll.u32 s28, $0x1;
	[dreg:$0x2] =	wrdreg s3  }
0xa9: {  	[dreg:$0x3] =	wrdreg s5  }
0xaa: {  	[dreg:$0x4] =	wrdreg $0xC0  }
0xab: {  	_ =	task [dreg:s7], $0x5FFFF  }
0xac: {  	[dreg:$0x1] =	wrdreg $0xFFFFFFFF  }
0xad: {  	[dreg:$0x0] =	wrdreg $0x60  }
0xae: {  	[dreg:$0x2] =	wrdreg s24  }
0xaf: {  	[dreg:$0x3] =	wrdreg s2  }
0xb0: {  	[dreg:$0x4] =	wrdreg $0x65000  }
0xb1: {  	[dreg:$0x5] =	wrdreg $0x9  }
0xb2: {  	_ =	task.clear_ibuf [dreg:s7], $0x6FFFF;
	_ =	strace $0x90000049  }
0xb3: {  	s29 =	simm.s32 $0x9;
	_ =	strace $0x8000004B  }
0xb4: {  	_ =	swait.ge [sflag:s29], $0x1  }
0xb5: {  	[sflag:s29] =	ssyncadd.s32 $0xFFFFFFFF  }
0xb6: {  	_ =	strace $0x9000004B  }
0xb7: {  	_ =	sfence  }
0xb8: {  	s30 =	sld [smem:$0x0];
	_ =	sdelay $0x2  }
0xb9: {  	s31 =	sshll.u32 s1, $0xD;
	s1 =	sshrl.u32 s1, $0x2  }
0xba: {  	s3 =	sand.u32 $0x4000, s31;
	s1 =	sadd.s32 s1, s30  }
0xbb: {  	s0 =	sor.u32 s3, s0;
	s1 =	sshll.u32 s1, $0x11  }
0xbc: {  	s0 =	sor.u32 s1, s0  }
0xbd: {  	s0 =	sadd.s32 $0x8F2B, s0  }
0xbe: {  	[sflag:s0] =	ssyncadd.remote.s32 $0x1  }
0xbf: {  	_ =	sfence.sel $0xFFFF  }
0xc0: {  	[dreg:$0x0] =	wrdreg $0xFFFFFFFF;
	(pc) =	sbr.abs _section_cstart, $3  }
0xc1: {  	[dreg:$0x1] =	wrdreg $0xFFFFFFFF  }
0xc2: {  	_ =	task.clear_ibuf [dreg:s7], $0x2FFFF;
	_ =	strace $0x9FFFFFFF  }
0xc3: {  	(tm) =	ssettm $0x7FFFFFFF  }
tec
execute0_lowered:
.L_overlay_start_1:
0x0: {  	(tag) =	ssettag $0x1  }
0x1: {  	s0 =	srdreg.scid  }
0x2: {  	s1 =	rddreg [dreg:$0x0];
	s11 =	stileid.u32  }
0x3: {  	s5 =	rddreg [dreg:$0x1];
	s28 =	simm.s32 $0x4E00;
	s29 =	simm.s32 $0x6  }
0x4: {  	s30 =	simm.s32 $0x1;
	s31 =	simm.s32 $0x80;
	s0 =	sand.u32 $0x1, s0  }
0x5: {  	s8 =	smul.u32 $0x17000, s11;
	s4 =	sadd.s32 $0x7400, s1;
	s2 =	sshll.u32 s0, $0x4  }
0x6: {  	s7 =	smul.u32 $0x170000, s0;
	s0 =	ssub.s32 $0x2, s0;
	s3 =	sor.u32 s11, s2  }
0x7: {  	s2 =	rddreg [dreg:$0x2];
	s10 =	sshrl.u32 s0, $0x1;
	s11 =	smul.u32 $0x5C000, s11  }
0x8: {  	s6 =	smul.u32 $0x2E0, s3;
	s3 =	simm.s32 $0x0;
	s7 =	sadd.s32 s8, s7  }
0x9: {  	s0 =	ssub.s32 s0, s10;
	s13 =	sadd.s32 s8, s2;
	s8 =	simm.s32 $0x5  }
0xa: {  	[smem:$0x7FF] =	sst s3;
	s7 =	sshrl.u32 s7, $0x3;
	s12 =	sshrl.u32 s11, $0x2  }
0xb: {  	s0 =	smax.u32 s0, $0x1;
	_ =	strace $0x8000004A;
	s9 =	sadd.s32 s6, s1  }
0xc: {  	s1 =	sadd.s32 s7, s1;
	s5 =	sadd.s32 s5, s6;
	[dreg:$0x7] =	wrdreg s0  }
0xd: {  	s0 =	simm.s32 $0x3E00;
	s6 =	simm.s32 $0x4;
	s7 =	simm.s32 $0x3  }
0xe: {  	s10 =	sadd.s32 $0x45A00, s9;
	[dreg:$0x5] =	wrdreg s5;
	s1 =	sadd.s32 $0x4B600, s1  }
0xf: {  	s9 =	sadd.s32 s12, s2;
	s5 =	simm.s32 $0x2;
	[dreg:$0x4] =	wrdreg s10  }
0x10: {  	[dreg:$0x6] =	wrdreg s1;
	s23 =	sadd.s32 $0x1700, s9;
	s24 =	sadd.s32 $0x2E00, s9  }
0x11: {  	s25 =	sadd.s32 $0x4500, s9;
	s26 =	sadd.s32 $0x5C00, s9;
	s14 =	sadd.s32 $0x7300, s9  }
0x12: {  	s15 =	sadd.s32 $0x8A00, s9;
	s16 =	sadd.s32 $0xA100, s9;
	s17 =	sadd.s32 $0xB800, s9  }
0x13: {  	s18 =	sadd.s32 $0xCF00, s9;
	s19 =	sadd.s32 $0xE600, s9;
	[dreg:$0x8] =	wrdreg s23  }
0x14: {  	s20 =	sadd.s32 $0xFD00, s9;
	s21 =	sadd.s32 $0x11400, s9;
	[dreg:$0x9] =	wrdreg s24  }
0x15: {  	s22 =	sadd.s32 $0x12B00, s9;
	s1 =	simm.s32 $0x2E00;
	[dreg:$0xa] =	wrdreg s25  }
0x16: {  	s10 =	simm.s32 $0x0;
	[dreg:$0xb] =	wrdreg s26;
	s23 =	sadd.s32 $0x14200, s9  }
0x17: {  	v0 =	vimm.f32 $0.0e+00;
	s24 =	sadd.s32 $0x15900, s9;
	s25 =	sshrl.u32 s13, $0x3;
	s26 =	simm.s32 $0x1700  }
.LBB2_1:
0x18: {  	s11 =	simm.s32 $0x80;
	s12 =	simm.s32 $0x0  }
.LBB2_2:
0x19: {  	p0 =	sne.s32 s11, $0x5B80;
	[tilespmem:s12+$0x4E00] =	vst v0;
	s13 =	smov.u32 s11;
	s11 =	sadd.s32 $0x80, s11  }
.Ltmp0:
0x1a: {  	[tilespmem:s12+$0x4E10] =	vst v0;
	(pc) =	sbr.rel @p0 .LBB2_2-.Ltmp0, $2  }
0x1b: {  	_ =	sdelay $0x2  }
0x1c: {  	s12 =	sshra.s32 s13, $0x2  }
0x1d: {  	[tilespmem:s12+$0x4E00] =	vst v0  }
0x1e: {  	[tilespmem:s12+$0x4E10] =	vst v0;
	s11 =	rddreg [dreg:$0x4]  }
0x1f: {  	[tilespmem:s3], [sflag:$0x1] =	stream.linear.gather [hbm4b:s11+s3], $0x1700, $0x38;
	[tilespmem:$0x1D500] =	vst v63  }
0x20: {  	s12 =	rddreg [dreg:$0x5]  }
0x21: {  	[tilespmem:s26], [sflag:$0x1] =	stream.linear.gather [hbm4b:s12+s3], $0x1700, $0x38;
	[tilespmem:$0x1D500] =	vst v63  }
0x22: {  	_ = 	snop  }
0x23: {  	[spmem:s9] =	stream.linear.scatter [tilespmem:s28], [sflag:$0x6], $0x1700, $0x38;
	[tilespmem:$0x1D500] =	vst v63  }
0x24: {  	_ =	swait.ge [sflag:s29], $0x1700  }
0x25: {  	[sflag:s29] =	ssyncset.done $0x0  }
0x26: {  	s13 =	rddreg [dreg:$0x8];
	[sflag:s29] =	ssyncadd.s32 $0xFFFFE900  }
0x27: {  	[spmem:s13] =	stream.linear.scatter [tilespmem:s28], [sflag:$0x6], $0x1700, $0x38;
	[tilespmem:$0x1D500] =	vst v63  }
0x28: {  	_ =	swait.ge [sflag:s29], $0x1700  }
0x29: {  	[sflag:s29] =	ssyncset.done $0x0  }
0x2a: {  	s12 =	rddreg [dreg:$0x9];
	[sflag:s29] =	ssyncadd.s32 $0xFFFFE900  }
0x2b: {  	[spmem:s12] =	stream.linear.scatter [tilespmem:s28], [sflag:$0x6], $0x1700, $0x38;
	[tilespmem:$0x1D500] =	vst v63  }
0x2c: {  	_ =	swait.ge [sflag:s29], $0x1700  }
0x2d: {  	[sflag:s29] =	ssyncset.done $0x0  }
0x2e: {  	s13 =	rddreg [dreg:$0xa];
	[sflag:s29] =	ssyncadd.s32 $0xFFFFE900  }
0x2f: {  	[spmem:s13] =	stream.linear.scatter [tilespmem:s28], [sflag:$0x6], $0x1700, $0x38;
	[tilespmem:$0x1D500] =	vst v63  }
0x30: {  	_ =	swait.ge [sflag:s29], $0x1700  }
0x31: {  	[sflag:s29] =	ssyncset.done $0x0  }
0x32: {  	s12 =	rddreg [dreg:$0xb];
	[sflag:s29] =	ssyncadd.s32 $0xFFFFE900  }
0x33: {  	[spmem:s12] =	stream.linear.scatter [tilespmem:s28], [sflag:$0x6], $0x1700, $0x38;
	[tilespmem:$0x1D500] =	vst v63  }
0x34: {  	_ =	swait.ge [sflag:s29], $0x1700  }
0x35: {  	[sflag:s29] =	ssyncset.done $0x0  }
0x36: {  	[sflag:s29] =	ssyncadd.s32 $0xFFFFE900  }
0x37: {  	[spmem:s14] =	stream.linear.scatter [tilespmem:s28], [sflag:$0x6], $0x1700, $0x38;
	[tilespmem:$0x1D500] =	vst v63  }
0x38: {  	_ =	swait.ge [sflag:s29], $0x1700  }
0x39: {  	[sflag:s29] =	ssyncset.done $0x0  }
0x3a: {  	[sflag:s29] =	ssyncadd.s32 $0xFFFFE900  }
0x3b: {  	[spmem:s15] =	stream.linear.scatter [tilespmem:s28], [sflag:$0x6], $0x1700, $0x38;
	[tilespmem:$0x1D500] =	vst v63  }
0x3c: {  	_ =	swait.ge [sflag:s29], $0x1700  }
0x3d: {  	[sflag:s29] =	ssyncset.done $0x0  }
0x3e: {  	[sflag:s29] =	ssyncadd.s32 $0xFFFFE900  }
0x3f: {  	[spmem:s16] =	stream.linear.scatter [tilespmem:s28], [sflag:$0x6], $0x1700, $0x38;
	[tilespmem:$0x1D500] =	vst v63  }
0x40: {  	_ =	swait.ge [sflag:s29], $0x1700  }
0x41: {  	[sflag:s29] =	ssyncset.done $0x0  }
0x42: {  	[sflag:s29] =	ssyncadd.s32 $0xFFFFE900  }
0x43: {  	[spmem:s17] =	stream.linear.scatter [tilespmem:s28], [sflag:$0x6], $0x1700, $0x38;
	[tilespmem:$0x1D500] =	vst v63  }
0x44: {  	_ =	swait.ge [sflag:s29], $0x1700  }
0x45: {  	[sflag:s29] =	ssyncset.done $0x0  }
0x46: {  	[sflag:s29] =	ssyncadd.s32 $0xFFFFE900  }
0x47: {  	[spmem:s18] =	stream.linear.scatter [tilespmem:s28], [sflag:$0x6], $0x1700, $0x38;
	[tilespmem:$0x1D500] =	vst v63  }
0x48: {  	_ =	swait.ge [sflag:s29], $0x1700  }
0x49: {  	[sflag:s29] =	ssyncset.done $0x0  }
0x4a: {  	[sflag:s29] =	ssyncadd.s32 $0xFFFFE900  }
0x4b: {  	[spmem:s19] =	stream.linear.scatter [tilespmem:s28], [sflag:$0x6], $0x1700, $0x38;
	[tilespmem:$0x1D500] =	vst v63  }
0x4c: {  	_ =	swait.ge [sflag:s29], $0x1700  }
0x4d: {  	[sflag:s29] =	ssyncset.done $0x0  }
0x4e: {  	[sflag:s29] =	ssyncadd.s32 $0xFFFFE900  }
0x4f: {  	[spmem:s20] =	stream.linear.scatter [tilespmem:s28], [sflag:$0x6], $0x1700, $0x38;
	[tilespmem:$0x1D500] =	vst v63  }
0x50: {  	_ =	swait.ge [sflag:s29], $0x1700  }
0x51: {  	[sflag:s29] =	ssyncset.done $0x0  }
0x52: {  	[sflag:s29] =	ssyncadd.s32 $0xFFFFE900  }
0x53: {  	[spmem:s21] =	stream.linear.scatter [tilespmem:s28], [sflag:$0x6], $0x1700, $0x38;
	[tilespmem:$0x1D500] =	vst v63  }
0x54: {  	_ =	swait.ge [sflag:s29], $0x1700  }
0x55: {  	[sflag:s29] =	ssyncset.done $0x0  }
0x56: {  	[sflag:s29] =	ssyncadd.s32 $0xFFFFE900  }
0x57: {  	[spmem:s22] =	stream.linear.scatter [tilespmem:s28], [sflag:$0x6], $0x1700, $0x38;
	[tilespmem:$0x1D500] =	vst v63  }
0x58: {  	_ =	swait.ge [sflag:s29], $0x1700  }
0x59: {  	[sflag:s29] =	ssyncset.done $0x0  }
0x5a: {  	[sflag:s29] =	ssyncadd.s32 $0xFFFFE900  }
0x5b: {  	[spmem:s23] =	stream.linear.scatter [tilespmem:s28], [sflag:$0x6], $0x1700, $0x38;
	[tilespmem:$0x1D500] =	vst v63  }
0x5c: {  	_ =	swait.ge [sflag:s29], $0x1700  }
0x5d: {  	[sflag:s29] =	ssyncset.done $0x0  }
0x5e: {  	[sflag:s29] =	ssyncadd.s32 $0xFFFFE900  }
0x5f: {  	[spmem:s24] =	stream.linear.scatter [tilespmem:s28], [sflag:$0x6], $0x1700, $0x38;
	[tilespmem:$0x1D500] =	vst v63  }
0x60: {  	_ =	swait.ge [sflag:s29], $0x1700  }
0x61: {  	[sflag:s29] =	ssyncset.done $0x0  }
0x62: {  	[sflag:s29] =	ssyncadd.s32 $0xFFFFE900  }
0x63: {  	_ =	swait.ge [sflag:s30], $0x1700  }
0x64: {  	[sflag:s30] =	ssyncset.done $0x0  }
0x65: {  	[sflag:s30] =	ssyncadd.s32 $0xFFFFE900  }
0x66: {  	_ =	swait.ge [sflag:s30], $0x1700  }
0x67: {  	[sflag:s30] =	ssyncset.done $0x0  }
0x68: {  	[sflag:s30] =	ssyncadd.s32 $0xFFFFE900  }
0x69: {  	[bflag:$0x0] =	sbarrier.arrive $0xFFFF  }
0x6a: {  	[tilespmem:s1], [sflag:$0x2] =	stream.indirect.gather [hbm4b:s4+s31], $0x20, s3, s31, $0xb8;
	[tilespmem:$0x1D500] =	vst v63  }
0x6b: {  	_ = 	snop  }
0x6c: {  	[tilespmem:s0], [sflag:$0x3] =	stream.indirect.gather [hbm4b:s4+s31], $0x20, s31, s31, $0xb8;
	[tilespmem:$0x1D500] =	vst v63  }
0x6d: {  	_ =	swait.ge [sflag:s5], $0x1000  }
0x6e: {  	[sflag:s5] =	ssyncset.done $0x0  }
0x6f: {  	[sflag:s5] =	ssyncadd.s32 $0xFFFFF000  }
0x70: {  	[spmem:s2] =	stream.indirect.scatter.add.f32 [tilespmem:s1], [sflag:$0x4], $0x20, s26, s31, $0xb8;
	[tilespmem:$0x1D500] =	vst v63  }
0x71: {  	_ =	swait.ge [sflag:s6], $0x1000  }
0x72: {  	[sflag:s6] =	ssyncset.done $0x0  }
0x73: {  	s13 =	simm.s32 $0x100;
	[sflag:s6] =	ssyncadd.s32 $0xFFFFF000  }
0x74: {  	[tilespmem:s1], [sflag:$0x2] =	stream.indirect.gather [hbm4b:s4+s31], $0x20, s13, s31, $0xb8;
	[tilespmem:$0x1D500] =	vst v63  }
0x75: {  	_ =	swait.ge [sflag:s7], $0x1000  }
0x76: {  	[sflag:s7] =	ssyncset.done $0x0  }
0x77: {  	s12 =	simm.s32 $0x1780;
	[sflag:s7] =	ssyncadd.s32 $0xFFFFF000  }
0x78: {  	[spmem:s2] =	stream.indirect.scatter.add.f32 [tilespmem:s0], [sflag:$0x5], $0x20, s12, s31, $0xb8;
	[tilespmem:$0x1D500] =	vst v63  }
0x79: {  	_ =	swait.ge [sflag:s8], $0x1000  }
0x7a: {  	[sflag:s8] =	ssyncset.done $0x0  }
0x7b: {  	s13 =	simm.s32 $0x180;
	[sflag:s8] =	ssyncadd.s32 $0xFFFFF000  }
0x7c: {  	[tilespmem:s0], [sflag:$0x3] =	stream.indirect.gather [hbm4b:s4+s31], $0x20, s13, s31, $0xb8;
	[tilespmem:$0x1D500] =	vst v63  }
0x7d: {  	_ =	swait.ge [sflag:s5], $0x1000  }
0x7e: {  	[sflag:s5] =	ssyncset.done $0x0  }
0x7f: {  	s12 =	simm.s32 $0x1800;
	[sflag:s5] =	ssyncadd.s32 $0xFFFFF000  }
0x80: {  	[spmem:s2] =	stream.indirect.scatter.add.f32 [tilespmem:s1], [sflag:$0x4], $0x20, s12, s31, $0xb8;
	[tilespmem:$0x1D500] =	vst v63  }
0x81: {  	_ =	swait.ge [sflag:s6], $0x1000  }
0x82: {  	[sflag:s6] =	ssyncset.done $0x0  }
0x83: {  	s13 =	simm.s32 $0x200;
	[sflag:s6] =	ssyncadd.s32 $0xFFFFF000  }
0x84: {  	[tilespmem:s1], [sflag:$0x2] =	stream.indirect.gather [hbm4b:s4+s31], $0x20, s13, s31, $0xb8;
	[tilespmem:$0x1D500] =	vst v63  }
0x85: {  	_ =	swait.ge [sflag:s7], $0x1000  }
0x86: {  	[sflag:s7] =	ssyncset.done $0x0  }
0x87: {  	s11 =	simm.s32 $0xFFFFB000;
	s12 =	simm.s32 $0x1880;
	[sflag:s7] =	ssyncadd.s32 $0xFFFFF000  }
.LBB2_4:
0x88: {  	[spmem:s2] =	stream.indirect.scatter.add.f32 [tilespmem:s0], [sflag:$0x5], $0x20, s12, s31, $0xb8;
	[tilespmem:$0x1D500] =	vst v63  }
0x89: {  	s12 =	smov.u32 s11  }
0x8a: {  	p0 =	sne.s32 s11, $0xFFFFFC00;
	s11 =	sadd.s32 $0x400, s11;
	_ =	swait.ge [sflag:s8], $0x1000  }
0x8b: {  	s12 =	sshra.s32 s12, $0x2;
	[sflag:s8] =	ssyncset.done $0x0  }
0x8c: {  	s13 =	sadd.s32 $0x1680, s12;
	[sflag:s8] =	ssyncadd.s32 $0xFFFFF000  }
0x8d: {  	[tilespmem:s0], [sflag:$0x3] =	stream.indirect.gather [hbm4b:s4+s31], $0x20, s13, s31, $0xb8;
	[tilespmem:$0x1D500] =	vst v63  }
0x8e: {  	_ =	swait.ge [sflag:s5], $0x1000  }
0x8f: {  	[sflag:s5] =	ssyncset.done $0x0  }
0x90: {  	s13 =	sadd.s32 $0x2D00, s12;
	[sflag:s5] =	ssyncadd.s32 $0xFFFFF000  }
0x91: {  	[spmem:s2] =	stream.indirect.scatter.add.f32 [tilespmem:s1], [sflag:$0x4], $0x20, s13, s31, $0xb8;
	[tilespmem:$0x1D500] =	vst v63  }
0x92: {  	_ =	swait.ge [sflag:s6], $0x1000  }
0x93: {  	[sflag:s6] =	ssyncset.done $0x0  }
.Ltmp1:
0x94: {  	s13 =	sadd.s32 $0x1700, s12;
	[sflag:s6] =	ssyncadd.s32 $0xFFFFF000;
	(pc) =	sbr.rel @p0 .LBB2_4-.Ltmp1, $4  }
0x95: {  	[tilespmem:s1], [sflag:$0x2] =	stream.indirect.gather [hbm4b:s4+s31], $0x20, s13, s31, $0xb8;
	[tilespmem:$0x1D500] =	vst v63  }
0x96: {  	_ =	swait.ge [sflag:s7], $0x1000  }
0x97: {  	[sflag:s7] =	ssyncset.done $0x0  }
0x98: {  	s12 =	sadd.s32 $0x2D80, s12;
	[sflag:s7] =	ssyncadd.s32 $0xFFFFF000  }
0x99: {  	[spmem:s2] =	stream.indirect.scatter.add.f32 [tilespmem:s0], [sflag:$0x5], $0x20, s12, s31, $0xb8;
	[tilespmem:$0x1D500] =	vst v63  }
0x9a: {  	_ =	swait.ge [sflag:s8], $0x1000  }
0x9b: {  	[sflag:s8] =	ssyncset.done $0x0  }
0x9c: {  	s11 =	simm.s32 $0x1680;
	[sflag:s8] =	ssyncadd.s32 $0xFFFFF000  }
0x9d: {  	[tilespmem:s0], [sflag:$0x3] =	stream.indirect.gather [hbm4b:s4+s31], $0x20, s11, s31, $0xb8;
	[tilespmem:$0x1D500] =	vst v63  }
0x9e: {  	_ =	swait.ge [sflag:s5], $0x1000  }
0x9f: {  	[sflag:s5] =	ssyncset.done $0x0  }
0xa0: {  	s12 =	simm.s32 $0x2D00;
	[sflag:s5] =	ssyncadd.s32 $0xFFFFF000  }
0xa1: {  	[spmem:s2] =	stream.indirect.scatter.add.f32 [tilespmem:s1], [sflag:$0x4], $0x20, s12, s31, $0xb8;
	[tilespmem:$0x1D500] =	vst v63  }
0xa2: {  	_ =	swait.ge [sflag:s7], $0x1000  }
0xa3: {  	[sflag:s7] =	ssyncset.done $0x0  }
0xa4: {  	s13 =	simm.s32 $0x2D80;
	[sflag:s7] =	ssyncadd.s32 $0xFFFFF000  }
0xa5: {  	[spmem:s2] =	stream.indirect.scatter.add.f32 [tilespmem:s0], [sflag:$0x5], $0x20, s13, s31, $0xb8;
	[tilespmem:$0x1D500] =	vst v63  }
0xa6: {  	_ =	swait.ge [sflag:s6], $0x1000  }
0xa7: {  	[sflag:s6] =	ssyncset.done $0x0  }
0xa8: {  	[sflag:s6] =	ssyncadd.s32 $0xFFFFF000  }
0xa9: {  	_ =	swait.ge [sflag:s8], $0x1000  }
0xaa: {  	[sflag:s8] =	ssyncset.done $0x0  }
0xab: {  	s12 =	stileid.u32;
	[sflag:s8] =	ssyncadd.s32 $0xFFFFF000  }
0xac: {  	s11 =	sshll.u32 s12, $0x6;
	[bflag:$0x0] =	sbarrier.arrive $0xFFFF  }
0xad: {  	s11 =	sor.u32 $0x1C06, s11;
	s13 =	rddreg [dreg:$0x6]  }
0xae: {  	[hbm:s13], [sflag:s11] =	dma.local [spmem:s25], $0x2E00  }
0xaf: {  	_ =	swait.ge [sflag:s29], $0x2E00  }
0xb0: {  	s10 =	sadd.s32 $0x1, s10;
	s13 =	rddreg [dreg:$0x7]  }
0xb1: {  	p0 =	sne.s32 s10, s13  }
.Ltmp2:
0xb2: {  	_ = 	snop;
	(pc) =	sbr.rel @p0 .LBB2_1-.Ltmp2, $3  }
0xb3: {  	_ =	sdelay $0x1  }
0xb4: {  	[sflag:s29] =	ssyncset.done $0x0  }
0xb5: {  	[sflag:s29] =	ssyncadd.s32 $0xFFFFD200  }
0xb6: {  	_ =	sfence.sel $0x180000  }
0xb7: {  	[bflag:$0x0] =	sbarrier.arrive $0xFFFF  }
0xb8: {  	_ =	strace $0x9000004A  }
0xb9: {  	s0 =	stileid.u32;
	[bflag:$0x2] =	sbarrier.arrive $0xFFFF  }
0xba: {  	p0 =	sne.s32 s0, $0x0;
	s0 =	rddreg [dreg:$0x3]  }
0xbb: {  	s0 =	sadd.s32 @!p0 $0x100000, s0  }
0xbc: {  	[sflag:s0] =	ssyncadd.tile.s32 @!p0 $0x1;
	_ =	shalt  }
.Lfunc_end2:
_tile_overlayer_lowered:
.L_overlay_start_2:
0xbd: {  	(tag) =	ssettag $0x2  }
0xbe: {  	s0 =	rddreg [dreg:$0x0];
	s2 =	stileid.u32  }
0xbf: {  	s1 =	rddreg [dreg:$0x1];
	p0 =	sne.s32 s2, $0x0  }
0xc0: {  	s3 =	rddreg [dreg:$0x2];
	[bflag:$0x3] =	sbarrier.arrive $0xFFFF;
	s2 =	simm.s32 @!p0 $0x1C06  }
0xc1: {  	[timem:s3], [sflag:s2] =	dma.local @!p0 [hbm:s0], s1  }
0xc2: {  	s0 =	simm.s32 @!p0 $0x6  }
0xc3: {  	_ =	swait.ge @!p0 [sflag:s0], s1  }
0xc4: {  	s1 =	ssub.s32 @!p0 $0x0, s1;
	[sflag:s0] =	ssyncset.done @!p0 $0x0  }
0xc5: {  	[sflag:s0] =	ssyncadd.s32 @!p0 s1  }
0xc6: {  	[bflag:$0x3] =	sbarrier.arrive $0xFFFF  }
0xc7: {  	_ =	shalt  }

// kernel: kernel.25.cloned.1.call-start
scs
__scs_entry_jumppad:
0x0: {  	(pc) =	sbr.rel $0x88, $3  }
0x1: {  	(tag) =	ssettag $0x0;
	lr =	simm.s32 $0x1  }
0x2: {  	[smem:$0x3F8F] =	sst lr;
	_ =	strace $0xD0000000  }
0x3: {  	_ = 	snop  }
0x4: {  	_ = 	snop  }
0x5: {  	_ = 	snop  }
0x6: {  	_ = 	snop  }
0x7: {  	_ = 	snop  }
__scs_overlays_trampoline_lowered:
0x8: {  	[smem:$0x3F9E] =	sst s0  }
0x9: {  	[smem:$0x3F9F] =	sst s1  }
0xa: {  	[smem:$0x3FA0] =	sst s2  }
0xb: {  	[smem:$0x3FA1] =	sst s3  }
0xc: {  	[smem:$0x3FA2] =	sst s4  }
0xd: {  	[smem:$0x3FA3] =	sst s5  }
0xe: {  	[smem:$0x3FA4] =	sst s6  }
0xf: {  	[smem:$0x3FA5] =	sst s7  }
0x10: {  	[smem:$0x3FA6] =	sst s8  }
0x11: {  	[smem:$0x3FA7] =	sst s9;
	s0 =	simm.s32 @!p0 $0x0  }
0x12: {  	s1 =	sld [smem:$0x3F8D];
	s0 =	simm.s32 @p0 $0x1  }
0x13: {  	[smem:$0x3FA8] =	sst s0;
	s0 =	simm.s32 @!p1 $0x0  }
0x14: {  	s2 =	sld [smem:$0x3F8C];
	s0 =	simm.s32 @p1 $0x1  }
0x15: {  	[smem:$0x3FA9] =	sst s0;
	s0 =	simm.s32 @!p2 $0x0  }
0x16: {  	s3 =	sld [smem:$0x3FDB];
	s0 =	simm.s32 @p2 $0x1  }
0x17: {  	s4 =	simm.s32 $0x1BF5;
	[smem:$0x3FAB] =	sst s0  }
0x18: {  	s0 =	sld [smem:$0x3F8E];
	_ =	swait.ge [sflag:s4], $0x0  }
0x19: {  	s7 =	sld [smem:$0x3F8F]  }
0x1a: {  	s8 =	sadd.s32 $0xFFFFE003, lr  }
0x1b: {  	s9 =	sadd.s32 $0xFFFFFEF7, lr;
	s5 =	simm.s32 $0xFFFFFFFF;
	p2 =	slt.u32 s8, $0xFFFFF086  }
0x1c: {  	p1 =	slt.u32 s9, $0xF7A;
	s5 =	simm.s32 @!p2 $0x0  }
0x1d: {  	s5 =	simm.s32 @p1 $0x1;
	p0 =	seq.s32 s7, s2  }
0x1e: {  	s7 =	smul.u32 @!p0 $0xF7A, s2;
	p2 =	seq.s32 @!p0 s5, $0x0  }
0x1f: {  	s9 =	smul.u32 $0xF7A, s1;
	s8 =	simm.s32 @!p0 $0x1BF5;
	p2 =	por !p2, p0  }
0x20: {  	[sflag:s8] =	ssyncset.s32 @!p0 $0xFFFFF086;
	s6 =	sadd.s32 @!p0 s3, s7;
	s7 =	simm.s32 @!p0 $0x108  }
0x21: {  	s3 =	sadd.s32 s3, s9;
	s6 =	sadd.s32 @!p0 $0x88, s6;
	s7 =	simm.s32 @p2 $0x1082  }
0x22: {  	[simem:s7], [sflag:s8] =	dma.local @!p0 [hbm:s6], $0xF7A  }
0x23: {  	s9 =	sor.u32 $0xD0000000, s2;
	s6 =	simm.s32 $0x108;
	_ =	swait.ge @!p0 [sflag:s8], $0x0  }
0x24: {  	s3 =	sadd.s32 $0x88, s3;
	s6 =	simm.s32 @!p1 $0x1082;
	[sflag:s4] =	ssyncset.s32 $0xFFFFF086  }
0x25: {  	[simem:s6], [sflag:s4] =	dma.local [hbm:s3], $0xF7A  }
0x26: {  	[smem:$0x3F8F] =	sst s1;
	(tag) =	ssettag s2;
	_ =	strace s9  }
0x27: {  	s1 =	sld [smem:$0x3F9F]  }
0x28: {  	s2 =	sld [smem:$0x3FA0]  }
0x29: {  	s4 =	sld [smem:$0x3FA2]  }
0x2a: {  	p0 =	seq.s32 s5, $0x0;
	s5 =	sld [smem:$0x3FA3]  }
0x2b: {  	s6 =	sld [smem:$0x3FA4]  }
0x2c: {  	s7 =	sld [smem:$0x3FA5]  }
0x2d: {  	s3 =	simm.s32 $0x108;
	s8 =	sld [smem:$0x3FA6]  }
0x2e: {  	s3 =	simm.s32 @!p0 $0x1082;
	s9 =	sld [smem:$0x3FA7]  }
0x2f: {  	lr =	sadd.s32 s0, s3;
	s0 =	sld [smem:$0x3F9E]  }
0x30: {  	s3 =	sld [smem:$0x3FA1]  }
0x31: {  	[smem:$0x3FAA] =	sst s10  }
0x32: {  	s10 =	sld [smem:$0x3FA8];
	_ =	sdelay $0x3  }
0x33: {  	p0 =	seq.s32 s10, $0x1;
	s10 =	sld [smem:$0x3FAA];
	_ =	sdelay $0x3  }
0x34: {  	[smem:$0x3FAA] =	sst s10  }
0x35: {  	s10 =	sld [smem:$0x3FA9];
	_ =	sdelay $0x3  }
0x36: {  	p1 =	seq.s32 s10, $0x1;
	s10 =	sld [smem:$0x3FAA];
	_ =	sdelay $0x3  }
0x37: {  	[smem:$0x3FAA] =	sst s10  }
0x38: {  	s10 =	sld [smem:$0x3FAB]  }
0x39: {  	_ = 	snop;
	(pc) =	sbr.ind lr, $3  }
0x3a: {  	_ = 	snop  }
0x3b: {  	_ = 	snop  }
0x3c: {  	p2 =	seq.s32 s10, $0x1;
	s10 =	sld [smem:$0x3FAA]  }
0x3d: {  	_ =	shalt  }
0x3e: {  	_ =	shalt  }
0x3f: {  	_ =	shalt  }
0x40: {  	_ =	shalt  }
0x41: {  	_ =	shalt  }
0x42: {  	_ =	shalt  }
0x43: {  	_ =	shalt  }
0x44: {  	_ =	shalt  }
0x45: {  	_ =	shalt  }
0x46: {  	_ =	shalt  }
0x47: {  	_ =	shalt  }
0x48: {  	_ =	shalt  }
0x49: {  	_ =	shalt  }
0x4a: {  	_ =	shalt  }
0x4b: {  	_ =	shalt  }
0x4c: {  	_ =	shalt  }
0x4d: {  	_ =	shalt  }
0x4e: {  	_ =	shalt  }
0x4f: {  	_ =	shalt  }
0x50: {  	_ =	shalt  }
0x51: {  	_ =	shalt  }
0x52: {  	_ =	shalt  }
0x53: {  	_ =	shalt  }
0x54: {  	_ =	shalt  }
0x55: {  	_ =	shalt  }
0x56: {  	_ =	shalt  }
0x57: {  	_ =	shalt  }
0x58: {  	_ =	shalt  }
0x59: {  	_ =	shalt  }
0x5a: {  	_ =	shalt  }
0x5b: {  	_ =	shalt  }
0x5c: {  	_ =	shalt  }
0x5d: {  	_ =	shalt  }
0x5e: {  	_ =	shalt  }
0x5f: {  	_ =	shalt  }
0x60: {  	_ =	shalt  }
0x61: {  	_ =	shalt  }
0x62: {  	_ =	shalt  }
0x63: {  	_ =	shalt  }
0x64: {  	_ =	shalt  }
0x65: {  	_ =	shalt  }
0x66: {  	_ =	shalt  }
0x67: {  	_ =	shalt  }
0x68: {  	_ =	shalt  }
0x69: {  	_ =	shalt  }
0x6a: {  	_ =	shalt  }
0x6b: {  	_ =	shalt  }
0x6c: {  	_ =	shalt  }
0x6d: {  	_ =	shalt  }
0x6e: {  	_ =	shalt  }
0x6f: {  	_ =	shalt  }
0x70: {  	_ =	shalt  }
0x71: {  	_ =	shalt  }
0x72: {  	_ =	shalt  }
0x73: {  	_ =	shalt  }
0x74: {  	_ =	shalt  }
0x75: {  	_ =	shalt  }
0x76: {  	_ =	shalt  }
0x77: {  	_ =	shalt  }
0x78: {  	_ =	shalt  }
0x79: {  	_ =	shalt  }
0x7a: {  	_ =	shalt  }
0x7b: {  	_ =	shalt  }
0x7c: {  	_ =	shalt  }
0x7d: {  	_ =	shalt  }
0x7e: {  	_ =	shalt  }
0x7f: {  	_ =	shalt  }
0x80: {  	_ =	shalt  }
0x81: {  	_ =	shalt  }
0x82: {  	_ =	shalt  }
0x83: {  	_ =	shalt  }
0x84: {  	_ =	shalt  }
0x85: {  	_ =	shalt  }
0x86: {  	_ =	shalt  }
0x87: {  	_ =	shalt  }
.Lfunc_end0:
.L_simem_size_0:
called_computation.2_lowered:
.L_overlay_start_0:
0x88: {  	s2 =	sld [smem:$0x3FD9]  }
0x89: {  	s3 =	sld [smem:$0x3FFE];
	_ =	sdelay $0x1  }
0x8a: {  	s1 =	srdreg.scid  }
0x8b: {  	s0 =	sand.u32 $0x1, s1  }
0x8c: {  	s16 =	sshll.u32 s0, $0xA;
	s2 =	sadd.s32 s3, s2  }
0x8d: {  	s2 =	sadd.s32 s2, s16  }
0x8e: {  	[smem:$0x3FB6] =	sst s2  }
0x8f: {  	_ = 	snop  }
0x90: {  	(tm) =	ssettm $0x1  }
0x91: {  	s17 =	sld [smem:$0x3FFB];
	_ =	sdelay $0x3  }
0x92: {  	_ =	strace s17  }
0x93: {  	s2 =	sld [smem:$0x3FFC];
	_ =	sdelay $0x3  }
0x94: {  	_ =	strace s2  }
0x95: {  	s2 =	sld [smem:$0x3FFD];
	_ =	sdelay $0x3  }
0x96: {  	_ =	strace s2  }
0x97: {  	_ =	strace $0x8FFFFFFF  }
0x98: {  	s18 =	sld [smem:$0x3FDB];
	_ =	sdelay $0x1  }
0x99: {  	s19 =	simm.s32 $_scs_section_size  }
0x9a: {  	s4 =	simm.s32 $_size__tile_overlayer_lowered;
	s5 =	simm.s32 $_tile_overlayer_lowered  }
0x9b: {  	s22 =	simm.s32 $0x1BFF;
	s21 =	sshll.u32 s5, $0x1;
	s2 =	sadd.s32 s19, s18  }
0x9c: {  	s6 =	simm.s32 $0x0;
	s20 =	sshll.u32 s4, $0x1;
	s4 =	sadd.s32 s21, s2  }
0x9d: {  	[timem:s6], [sflag:s22] =	dma.local [hbm:s4], s20  }
0x9e: {  	_ =	swait.ge [sflag:s22], s20  }
0x9f: {  	s3 =	ssub.s32 $0x0, s20;
	[sflag:s22] =	ssyncset.done $0x0  }
0xa0: {  	[sflag:s22] =	ssyncadd.s32 s3;
	_ =	sdelay $0x1  }
0xa1: {  	s23 =	simm.s32 $0x1B8B  }
0xa2: {  	_ =	swait.ge [sflag:s23], $0x1  }
0xa3: {  	[sflag:s23] =	ssyncset.done $0x0  }
0xa4: {  	s25 =	simm.s32 $0x1B8E;
	s24 =	sld [smem:$0x3FFE];
	[sflag:s23] =	ssyncadd.s32 $0xFFFFFFFF  }
0xa5: {  	s26 =	simm.s32 $execute0_lowered;
	[smem:$0x3FD2] =	sst s25  }
0xa6: {  	s4 =	sshll.u32 s26, $0x1;
	_ =	strace $0x8000004C;
	[dreg:$0x1] =	wrdreg $0xFFFFFFFF  }
0xa7: {  	s28 =	simm.s32 $_size_execute0_lowered;
	s2 =	sadd.s32 s2, s4;
	[dreg:$0x0] =	wrdreg $0x0  }
0xa8: {  	s4 =	sshll.u32 s28, $0x1;
	[dreg:$0x2] =	wrdreg s2  }
0xa9: {  	[dreg:$0x3] =	wrdreg s4  }
0xaa: {  	[dreg:$0x4] =	wrdreg $0xC0  }
0xab: {  	_ =	task [dreg:s6], $0x5FFFF  }
0xac: {  	[dreg:$0x1] =	wrdreg $0xFFFFFFFF  }
0xad: {  	[dreg:$0x0] =	wrdreg $0x60  }
0xae: {  	[dreg:$0x2] =	wrdreg s24  }
0xaf: {  	[dreg:$0x3] =	wrdreg $0x43000  }
0xb0: {  	[dreg:$0x4] =	wrdreg $0x9  }
0xb1: {  	_ =	task.clear_ibuf [dreg:s6], $0x5FFFF;
	_ =	strace $0x9000004C  }
0xb2: {  	s29 =	simm.s32 $0x9;
	_ =	strace $0x8000004E  }
0xb3: {  	_ =	swait.ge [sflag:s29], $0x1  }
0xb4: {  	[sflag:s29] =	ssyncadd.s32 $0xFFFFFFFF  }
0xb5: {  	_ =	strace $0x9000004E  }
0xb6: {  	_ =	sfence  }
0xb7: {  	s30 =	sld [smem:$0x0];
	_ =	sdelay $0x2  }
0xb8: {  	s31 =	sshll.u32 s1, $0xD;
	s1 =	sshrl.u32 s1, $0x2  }
0xb9: {  	s3 =	sand.u32 $0x4000, s31;
	s1 =	sadd.s32 s1, s30  }
0xba: {  	s0 =	sor.u32 s3, s0;
	s1 =	sshll.u32 s1, $0x11  }
0xbb: {  	s0 =	sor.u32 s1, s0  }
0xbc: {  	s0 =	sadd.s32 $0x8F2B, s0  }
0xbd: {  	[sflag:s0] =	ssyncadd.remote.s32 $0x1  }
0xbe: {  	_ =	sfence.sel $0xFFFF  }
0xbf: {  	[dreg:$0x0] =	wrdreg $0xFFFFFFFF;
	(pc) =	sbr.abs _section_cstart, $3  }
0xc0: {  	[dreg:$0x1] =	wrdreg $0xFFFFFFFF  }
0xc1: {  	_ =	task.clear_ibuf [dreg:s6], $0x2FFFF;
	_ =	strace $0x9FFFFFFF  }
0xc2: {  	(tm) =	ssettm $0x7FFFFFFF  }
0xc3: {  	_ =	shalt  }
tec
execute0_lowered:
.L_overlay_start_1:
0x0: {  	(tag) =	ssettag $0x1  }
0x1: {  	s0 =	rddreg [dreg:$0x0]  }
0x2: {  	s1 =	rddreg [dreg:$0x1];
	s2 =	srdreg.scid;
	s3 =	simm.s32 $0x0  }
0x3: {  	s7 =	stileid.u32;
	s13 =	simm.s32 $0x600;
	s14 =	simm.s32 $0x2C00  }
0x4: {  	s15 =	simm.s32 $0x6;
	s16 =	simm.s32 $0x1;
	s17 =	simm.s32 $0x80  }
0x5: {  	s18 =	simm.s32 $0xC00;
	s19 =	simm.s32 $0x1C00;
	s20 =	simm.s32 $0x2  }
0x6: {  	s21 =	simm.s32 $0x4;
	s23 =	simm.s32 $0x3;
	s24 =	simm.s32 $0xA80  }
0x7: {  	s28 =	simm.s32 $0x580;
	s29 =	simm.s32 $0xB00;
	s30 =	simm.s32 $0xB80  }
0x8: {  	s31 =	simm.s32 $0x0;
	s2 =	sand.u32 $0x1, s2;
	s9 =	smul.u32 $0x5C00, s7  }
0x9: {  	[smem:$0x7FF] =	sst s3;
	s5 =	smul.u32 $0x5C000, s2;
	s4 =	sshll.u32 s2, $0x4  }
0xa: {  	_ =	strace $0x8000004D;
	s2 =	ssub.s32 $0x2, s2;
	s6 =	sor.u32 s7, s4  }
0xb: {  	s4 =	sadd.s32 $0x36C00, s0;
	s7 =	smul.u32 $0x17000, s7;
	s25 =	sshrl.u32 s2, $0x1  }
0xc: {  	s26 =	sadd.s32 s9, s1;
	s6 =	smul.u32 $0xC0, s6;
	s5 =	sadd.s32 s9, s5  }
0xd: {  	s2 =	ssub.s32 s2, s25;
	s25 =	sshrl.u32 s26, $0x3;
	s26 =	simm.s32 $0x5  }
0xe: {  	s5 =	sshrl.u32 s5, $0x3;
	s8 =	sshrl.u32 s7, $0x2;
	s9 =	smax.u32 s2, $0x1  }
0xf: {  	s6 =	sadd.s32 s6, s0;
	s0 =	sadd.s32 s5, s0;
	s8 =	sadd.s32 s8, s1  }
0x10: {  	s5 =	sadd.s32 $0xA7600, s6;
	s6 =	sadd.s32 $0x35400, s6;
	s7 =	sadd.s32 $0x4B600, s0  }
0x11: {  	v0 =	vimm.f32 $0.0e+00;
	s10 =	sadd.s32 $0x1700, s8;
	s11 =	sadd.s32 $0x2E00, s8;
	s12 =	sadd.s32 $0x4500, s8  }
.LBB2_1:
0x12: {  	s0 =	simm.s32 $0x80;
	s2 =	simm.s32 $0x0  }
.LBB2_2:
0x13: {  	p0 =	sne.s32 s0, $0x5B80;
	[tilespmem:s2+$0x2C00] =	vst v0;
	s22 =	smov.u32 s0;
	s0 =	sadd.s32 $0x80, s0  }
.Ltmp0:
0x14: {  	[tilespmem:s2+$0x2C10] =	vst v0;
	(pc) =	sbr.rel @p0 .LBB2_2-.Ltmp0, $2  }
0x15: {  	_ =	sdelay $0x2  }
0x16: {  	s2 =	sshra.s32 s22, $0x2  }
0x17: {  	[tilespmem:s2+$0x2C00] =	vst v0  }
0x18: {  	[tilespmem:s2+$0x2C10] =	vst v0  }
0x19: {  	[tilespmem:s3], [sflag:$0x1] =	stream.linear.gather [hbm4b:s5+s3], $0x600, $0x38;
	[tilespmem:$0x9F00] =	vst v63  }
0x1a: {  	_ = 	snop  }
0x1b: {  	[tilespmem:s13], [sflag:$0x1] =	stream.linear.gather [hbm4b:s6+s3], $0x600, $0x38;
	[tilespmem:$0x9F00] =	vst v63  }
0x1c: {  	_ = 	snop  }
0x1d: {  	[spmem:s8] =	stream.linear.scatter [tilespmem:s14], [sflag:$0x6], $0x1700, $0x38;
	[tilespmem:$0x9F00] =	vst v63  }
0x1e: {  	_ =	swait.ge [sflag:s15], $0x1700  }
0x1f: {  	[sflag:s15] =	ssyncset.done $0x0  }
0x20: {  	[sflag:s15] =	ssyncadd.s32 $0xFFFFE900  }
0x21: {  	[spmem:s10] =	stream.linear.scatter [tilespmem:s14], [sflag:$0x6], $0x1700, $0x38;
	[tilespmem:$0x9F00] =	vst v63  }
0x22: {  	_ =	swait.ge [sflag:s15], $0x1700  }
0x23: {  	[sflag:s15] =	ssyncset.done $0x0  }
0x24: {  	[sflag:s15] =	ssyncadd.s32 $0xFFFFE900  }
0x25: {  	[spmem:s11] =	stream.linear.scatter [tilespmem:s14], [sflag:$0x6], $0x1700, $0x38;
	[tilespmem:$0x9F00] =	vst v63  }
0x26: {  	_ =	swait.ge [sflag:s15], $0x1700  }
0x27: {  	[sflag:s15] =	ssyncset.done $0x0  }
0x28: {  	[sflag:s15] =	ssyncadd.s32 $0xFFFFE900  }
0x29: {  	[spmem:s12] =	stream.linear.scatter [tilespmem:s14], [sflag:$0x6], $0x1700, $0x38;
	[tilespmem:$0x9F00] =	vst v63  }
0x2a: {  	_ =	swait.ge [sflag:s15], $0x1700  }
0x2b: {  	[sflag:s15] =	ssyncset.done $0x0  }
0x2c: {  	[sflag:s15] =	ssyncadd.s32 $0xFFFFE900  }
0x2d: {  	_ =	swait.ge [sflag:s16], $0x600  }
0x2e: {  	[sflag:s16] =	ssyncset.done $0x0  }
0x2f: {  	[sflag:s16] =	ssyncadd.s32 $0xFFFFFA00  }
0x30: {  	_ =	swait.ge [sflag:s16], $0x600  }
0x31: {  	[sflag:s16] =	ssyncset.done $0x0  }
0x32: {  	[sflag:s16] =	ssyncadd.s32 $0xFFFFFA00  }
0x33: {  	[bflag:$0x0] =	sbarrier.arrive $0xFFFF  }
0x34: {  	[tilespmem:s18], [sflag:$0x2] =	stream.indirect.gather [hbm4b:s4+s17], $0x20, s3, s17, $0xb8;
	[tilespmem:$0x9F00] =	vst v63  }
0x35: {  	_ = 	snop  }
0x36: {  	[tilespmem:s19], [sflag:$0x3] =	stream.indirect.gather [hbm4b:s4+s17], $0x20, s17, s17, $0xb8;
	[tilespmem:$0x9F00] =	vst v63  }
0x37: {  	_ =	swait.ge [sflag:s20], $0x1000  }
0x38: {  	[sflag:s20] =	ssyncset.done $0x0  }
0x39: {  	[sflag:s20] =	ssyncadd.s32 $0xFFFFF000  }
0x3a: {  	[spmem:s1] =	stream.indirect.scatter.add.f32 [tilespmem:s18], [sflag:$0x4], $0x20, s13, s17, $0xb8;
	[tilespmem:$0x9F00] =	vst v63  }
0x3b: {  	_ =	swait.ge [sflag:s21], $0x1000  }
0x3c: {  	[sflag:s21] =	ssyncset.done $0x0  }
0x3d: {  	s0 =	simm.s32 $0x100;
	[sflag:s21] =	ssyncadd.s32 $0xFFFFF000  }
0x3e: {  	[tilespmem:s18], [sflag:$0x2] =	stream.indirect.gather [hbm4b:s4+s17], $0x20, s0, s17, $0xb8;
	[tilespmem:$0x9F00] =	vst v63  }
0x3f: {  	_ =	swait.ge [sflag:s23], $0x1000  }
0x40: {  	[sflag:s23] =	ssyncset.done $0x0  }
0x41: {  	s22 =	simm.s32 $0x680;
	[sflag:s23] =	ssyncadd.s32 $0xFFFFF000  }
0x42: {  	[spmem:s1] =	stream.indirect.scatter.add.f32 [tilespmem:s19], [sflag:$0x5], $0x20, s22, s17, $0xb8;
	[tilespmem:$0x9F00] =	vst v63  }
0x43: {  	_ =	swait.ge [sflag:s26], $0x1000  }
0x44: {  	[sflag:s26] =	ssyncset.done $0x0  }
0x45: {  	s2 =	simm.s32 $0x180;
	[sflag:s26] =	ssyncadd.s32 $0xFFFFF000  }
0x46: {  	[tilespmem:s19], [sflag:$0x3] =	stream.indirect.gather [hbm4b:s4+s17], $0x20, s2, s17, $0xb8;
	[tilespmem:$0x9F00] =	vst v63  }
0x47: {  	_ =	swait.ge [sflag:s20], $0x1000  }
0x48: {  	[sflag:s20] =	ssyncset.done $0x0  }
0x49: {  	s22 =	simm.s32 $0x700;
	[sflag:s20] =	ssyncadd.s32 $0xFFFFF000  }
0x4a: {  	[spmem:s1] =	stream.indirect.scatter.add.f32 [tilespmem:s18], [sflag:$0x4], $0x20, s22, s17, $0xb8;
	[tilespmem:$0x9F00] =	vst v63  }
0x4b: {  	_ =	swait.ge [sflag:s21], $0x1000  }
0x4c: {  	[sflag:s21] =	ssyncset.done $0x0  }
0x4d: {  	s2 =	simm.s32 $0x200;
	[sflag:s21] =	ssyncadd.s32 $0xFFFFF000  }
0x4e: {  	[tilespmem:s18], [sflag:$0x2] =	stream.indirect.gather [hbm4b:s4+s17], $0x20, s2, s17, $0xb8;
	[tilespmem:$0x9F00] =	vst v63  }
0x4f: {  	_ =	swait.ge [sflag:s23], $0x1000  }
0x50: {  	[sflag:s23] =	ssyncset.done $0x0  }
0x51: {  	s22 =	simm.s32 $0x780;
	[sflag:s23] =	ssyncadd.s32 $0xFFFFF000  }
0x52: {  	[spmem:s1] =	stream.indirect.scatter.add.f32 [tilespmem:s19], [sflag:$0x5], $0x20, s22, s17, $0xb8;
	[tilespmem:$0x9F00] =	vst v63  }
0x53: {  	_ =	swait.ge [sflag:s26], $0x1000  }
0x54: {  	[sflag:s26] =	ssyncset.done $0x0  }
0x55: {  	s2 =	simm.s32 $0x280;
	[sflag:s26] =	ssyncadd.s32 $0xFFFFF000  }
0x56: {  	[tilespmem:s19], [sflag:$0x3] =	stream.indirect.gather [hbm4b:s4+s17], $0x20, s2, s17, $0xb8;
	[tilespmem:$0x9F00] =	vst v63  }
0x57: {  	_ =	swait.ge [sflag:s20], $0x1000  }
0x58: {  	[sflag:s20] =	ssyncset.done $0x0  }
0x59: {  	s22 =	simm.s32 $0x800;
	[sflag:s20] =	ssyncadd.s32 $0xFFFFF000  }
0x5a: {  	[spmem:s1] =	stream.indirect.scatter.add.f32 [tilespmem:s18], [sflag:$0x4], $0x20, s22, s17, $0xb8;
	[tilespmem:$0x9F00] =	vst v63  }
0x5b: {  	_ =	swait.ge [sflag:s21], $0x1000  }
0x5c: {  	[sflag:s21] =	ssyncset.done $0x0  }
0x5d: {  	s2 =	simm.s32 $0x300;
	[sflag:s21] =	ssyncadd.s32 $0xFFFFF000  }
0x5e: {  	[tilespmem:s18], [sflag:$0x2] =	stream.indirect.gather [hbm4b:s4+s17], $0x20, s2, s17, $0xb8;
	[tilespmem:$0x9F00] =	vst v63  }
0x5f: {  	_ =	swait.ge [sflag:s23], $0x1000  }
0x60: {  	[sflag:s23] =	ssyncset.done $0x0  }
0x61: {  	s22 =	simm.s32 $0x880;
	[sflag:s23] =	ssyncadd.s32 $0xFFFFF000  }
0x62: {  	[spmem:s1] =	stream.indirect.scatter.add.f32 [tilespmem:s19], [sflag:$0x5], $0x20, s22, s17, $0xb8;
	[tilespmem:$0x9F00] =	vst v63  }
0x63: {  	_ =	swait.ge [sflag:s26], $0x1000  }
0x64: {  	[sflag:s26] =	ssyncset.done $0x0  }
0x65: {  	s2 =	simm.s32 $0x380;
	[sflag:s26] =	ssyncadd.s32 $0xFFFFF000  }
0x66: {  	[tilespmem:s19], [sflag:$0x3] =	stream.indirect.gather [hbm4b:s4+s17], $0x20, s2, s17, $0xb8;
	[tilespmem:$0x9F00] =	vst v63  }
0x67: {  	_ =	swait.ge [sflag:s20], $0x1000  }
0x68: {  	[sflag:s20] =	ssyncset.done $0x0  }
0x69: {  	s22 =	simm.s32 $0x900;
	[sflag:s20] =	ssyncadd.s32 $0xFFFFF000  }
0x6a: {  	[spmem:s1] =	stream.indirect.scatter.add.f32 [tilespmem:s18], [sflag:$0x4], $0x20, s22, s17, $0xb8;
	[tilespmem:$0x9F00] =	vst v63  }
0x6b: {  	_ =	swait.ge [sflag:s21], $0x1000  }
0x6c: {  	[sflag:s21] =	ssyncset.done $0x0  }
0x6d: {  	s2 =	simm.s32 $0x400;
	[sflag:s21] =	ssyncadd.s32 $0xFFFFF000  }
0x6e: {  	[tilespmem:s18], [sflag:$0x2] =	stream.indirect.gather [hbm4b:s4+s17], $0x20, s2, s17, $0xb8;
	[tilespmem:$0x9F00] =	vst v63  }
0x6f: {  	_ =	swait.ge [sflag:s23], $0x1000  }
0x70: {  	[sflag:s23] =	ssyncset.done $0x0  }
0x71: {  	s22 =	simm.s32 $0x980;
	[sflag:s23] =	ssyncadd.s32 $0xFFFFF000  }
0x72: {  	[spmem:s1] =	stream.indirect.scatter.add.f32 [tilespmem:s19], [sflag:$0x5], $0x20, s22, s17, $0xb8;
	[tilespmem:$0x9F00] =	vst v63  }
0x73: {  	_ =	swait.ge [sflag:s26], $0x1000  }
0x74: {  	[sflag:s26] =	ssyncset.done $0x0  }
0x75: {  	s2 =	simm.s32 $0x480;
	[sflag:s26] =	ssyncadd.s32 $0xFFFFF000  }
0x76: {  	[tilespmem:s19], [sflag:$0x3] =	stream.indirect.gather [hbm4b:s4+s17], $0x20, s2, s17, $0xb8;
	[tilespmem:$0x9F00] =	vst v63  }
0x77: {  	_ =	swait.ge [sflag:s20], $0x1000  }
0x78: {  	[sflag:s20] =	ssyncset.done $0x0  }
0x79: {  	s22 =	simm.s32 $0xA00;
	[sflag:s20] =	ssyncadd.s32 $0xFFFFF000  }
0x7a: {  	[spmem:s1] =	stream.indirect.scatter.add.f32 [tilespmem:s18], [sflag:$0x4], $0x20, s22, s17, $0xb8;
	[tilespmem:$0x9F00] =	vst v63  }
0x7b: {  	_ =	swait.ge [sflag:s21], $0x1000  }
0x7c: {  	[sflag:s21] =	ssyncset.done $0x0  }
0x7d: {  	s2 =	simm.s32 $0x500;
	[sflag:s21] =	ssyncadd.s32 $0xFFFFF000  }
0x7e: {  	[tilespmem:s18], [sflag:$0x2] =	stream.indirect.gather [hbm4b:s4+s17], $0x20, s2, s17, $0xb8;
	[tilespmem:$0x9F00] =	vst v63  }
0x7f: {  	_ =	swait.ge [sflag:s23], $0x1000  }
0x80: {  	[sflag:s23] =	ssyncset.done $0x0  }
0x81: {  	[sflag:s23] =	ssyncadd.s32 $0xFFFFF000  }
0x82: {  	[spmem:s1] =	stream.indirect.scatter.add.f32 [tilespmem:s19], [sflag:$0x5], $0x20, s24, s17, $0xb8;
	[tilespmem:$0x9F00] =	vst v63  }
0x83: {  	_ =	swait.ge [sflag:s26], $0x1000  }
0x84: {  	[sflag:s26] =	ssyncset.done $0x0  }
0x85: {  	[sflag:s26] =	ssyncadd.s32 $0xFFFFF000  }
0x86: {  	[tilespmem:s19], [sflag:$0x3] =	stream.indirect.gather [hbm4b:s4+s17], $0x20, s28, s17, $0xb8;
	[tilespmem:$0x9F00] =	vst v63  }
0x87: {  	_ =	swait.ge [sflag:s20], $0x1000  }
0x88: {  	[sflag:s20] =	ssyncset.done $0x0  }
0x89: {  	[sflag:s20] =	ssyncadd.s32 $0xFFFFF000  }
0x8a: {  	[spmem:s1] =	stream.indirect.scatter.add.f32 [tilespmem:s18], [sflag:$0x4], $0x20, s29, s17, $0xb8;
	[tilespmem:$0x9F00] =	vst v63  }
0x8b: {  	_ =	swait.ge [sflag:s23], $0x1000  }
0x8c: {  	[sflag:s23] =	ssyncset.done $0x0  }
0x8d: {  	[sflag:s23] =	ssyncadd.s32 $0xFFFFF000  }
0x8e: {  	[spmem:s1] =	stream.indirect.scatter.add.f32 [tilespmem:s19], [sflag:$0x5], $0x20, s30, s17, $0xb8;
	[tilespmem:$0x9F00] =	vst v63  }
0x8f: {  	_ =	swait.ge [sflag:s21], $0x1000  }
0x90: {  	[sflag:s21] =	ssyncset.done $0x0  }
0x91: {  	[sflag:s21] =	ssyncadd.s32 $0xFFFFF000  }
0x92: {  	_ =	swait.ge [sflag:s26], $0x1000  }
0x93: {  	s31 =	sadd.s32 $0x1, s31;
	s22 =	stileid.u32;
	[sflag:s26] =	ssyncset.done $0x0  }
0x94: {  	p0 =	sne.s32 s31, s9;
	s0 =	sshll.u32 s22, $0x6;
	[sflag:s26] =	ssyncadd.s32 $0xFFFFF000  }
.Ltmp1:
0x95: {  	s0 =	sor.u32 $0x1C06, s0;
	[bflag:$0x0] =	sbarrier.arrive $0xFFFF;
	(pc) =	sbr.rel @p0 .LBB2_1-.Ltmp1, $4  }
0x96: {  	[hbm:s7], [sflag:s0] =	dma.local [spmem:s25], $0xB80  }
0x97: {  	_ =	swait.ge [sflag:s15], $0xB80  }
0x98: {  	[sflag:s15] =	ssyncset.done $0x0  }
0x99: {  	[sflag:s15] =	ssyncadd.s32 $0xFFFFF480  }
0x9a: {  	_ =	sfence.sel $0x180000  }
0x9b: {  	[bflag:$0x0] =	sbarrier.arrive $0xFFFF  }
0x9c: {  	_ =	strace $0x9000004D  }
0x9d: {  	s0 =	stileid.u32;
	[bflag:$0x2] =	sbarrier.arrive $0xFFFF  }
0x9e: {  	p0 =	sne.s32 s0, $0x0;
	s0 =	rddreg [dreg:$0x2]  }
0x9f: {  	s0 =	sadd.s32 @!p0 $0x100000, s0  }
0xa0: {  	[sflag:s0] =	ssyncadd.tile.s32 @!p0 $0x1;
	_ =	shalt  }
.Lfunc_end2:
_tile_overlayer_lowered:
.L_overlay_start_2:
0xa1: {  	(tag) =	ssettag $0x2  }
0xa2: {  	s0 =	rddreg [dreg:$0x0];
	s2 =	stileid.u32  }
0xa3: {  	s1 =	rddreg [dreg:$0x1];
	p0 =	sne.s32 s2, $0x0  }
0xa4: {  	s3 =	rddreg [dreg:$0x2];
	[bflag:$0x3] =	sbarrier.arrive $0xFFFF;
	s2 =	simm.s32 @!p0 $0x1C06  }
0xa5: {  	[timem:s3], [sflag:s2] =	dma.local @!p0 [hbm:s0], s1  }
0xa6: {  	s0 =	simm.s32 @!p0 $0x6  }
0xa7: {  	_ =	swait.ge @!p0 [sflag:s0], s1  }
0xa8: {  	s1 =	ssub.s32 @!p0 $0x0, s1;
	[sflag:s0] =	ssyncset.done @!p0 $0x0  }
0xa9: {  	[sflag:s0] =	ssyncadd.s32 @!p0 s1  }
0xaa: {  	[bflag:$0x3] =	sbarrier.arrive $0xFFFF  }
0xab: {  	_ =	shalt  }

// kernel: kernel.28.cloned.1.call-start
scs
__scs_entry_jumppad:
0x0: {  	(pc) =	sbr.rel $0x88, $3  }
0x1: {  	(tag) =	ssettag $0x0;
	lr =	simm.s32 $0x1  }
0x2: {  	[smem:$0x3F8F] =	sst lr;
	_ =	strace $0xD0000000  }
0x3: {  	_ = 	snop  }
0x4: {  	_ = 	snop  }
0x5: {  	_ = 	snop  }
0x6: {  	_ = 	snop  }
0x7: {  	_ = 	snop  }
__scs_overlays_trampoline_lowered:
0x8: {  	[smem:$0x3F9E] =	sst s0  }
0x9: {  	[smem:$0x3F9F] =	sst s1  }
0xa: {  	[smem:$0x3FA0] =	sst s2  }
0xb: {  	[smem:$0x3FA1] =	sst s3  }
0xc: {  	[smem:$0x3FA2] =	sst s4  }
0xd: {  	[smem:$0x3FA3] =	sst s5  }
0xe: {  	[smem:$0x3FA4] =	sst s6  }
0xf: {  	[smem:$0x3FA5] =	sst s7  }
0x10: {  	[smem:$0x3FA6] =	sst s8  }
0x11: {  	[smem:$0x3FA7] =	sst s9;
	s0 =	simm.s32 @!p0 $0x0  }
0x12: {  	s1 =	sld [smem:$0x3F8D];
	s0 =	simm.s32 @p0 $0x1  }
0x13: {  	[smem:$0x3FA8] =	sst s0;
	s0 =	simm.s32 @!p1 $0x0  }
0x14: {  	s2 =	sld [smem:$0x3F8C];
	s0 =	simm.s32 @p1 $0x1  }
0x15: {  	[smem:$0x3FA9] =	sst s0;
	s0 =	simm.s32 @!p2 $0x0  }
0x16: {  	s3 =	sld [smem:$0x3FDB];
	s0 =	simm.s32 @p2 $0x1  }
0x17: {  	s4 =	simm.s32 $0x1BF5;
	[smem:$0x3FAB] =	sst s0  }
0x18: {  	s0 =	sld [smem:$0x3F8E];
	_ =	swait.ge [sflag:s4], $0x0  }
0x19: {  	s7 =	sld [smem:$0x3F8F]  }
0x1a: {  	s8 =	sadd.s32 $0xFFFFE003, lr  }
0x1b: {  	s9 =	sadd.s32 $0xFFFFFEF7, lr;
	s5 =	simm.s32 $0xFFFFFFFF;
	p2 =	slt.u32 s8, $0xFFFFF086  }
0x1c: {  	p1 =	slt.u32 s9, $0xF7A;
	s5 =	simm.s32 @!p2 $0x0  }
0x1d: {  	s5 =	simm.s32 @p1 $0x1;
	p0 =	seq.s32 s7, s2  }
0x1e: {  	s7 =	smul.u32 @!p0 $0xF7A, s2;
	p2 =	seq.s32 @!p0 s5, $0x0  }
0x1f: {  	s9 =	smul.u32 $0xF7A, s1;
	s8 =	simm.s32 @!p0 $0x1BF5;
	p2 =	por !p2, p0  }
0x20: {  	[sflag:s8] =	ssyncset.s32 @!p0 $0xFFFFF086;
	s6 =	sadd.s32 @!p0 s3, s7;
	s7 =	simm.s32 @!p0 $0x108  }
0x21: {  	s3 =	sadd.s32 s3, s9;
	s6 =	sadd.s32 @!p0 $0x88, s6;
	s7 =	simm.s32 @p2 $0x1082  }
0x22: {  	[simem:s7], [sflag:s8] =	dma.local @!p0 [hbm:s6], $0xF7A  }
0x23: {  	s9 =	sor.u32 $0xD0000000, s2;
	s6 =	simm.s32 $0x108;
	_ =	swait.ge @!p0 [sflag:s8], $0x0  }
0x24: {  	s3 =	sadd.s32 $0x88, s3;
	s6 =	simm.s32 @!p1 $0x1082;
	[sflag:s4] =	ssyncset.s32 $0xFFFFF086  }
0x25: {  	[simem:s6], [sflag:s4] =	dma.local [hbm:s3], $0xF7A  }
0x26: {  	[smem:$0x3F8F] =	sst s1;
	(tag) =	ssettag s2;
	_ =	strace s9  }
0x27: {  	s1 =	sld [smem:$0x3F9F]  }
0x28: {  	s2 =	sld [smem:$0x3FA0]  }
0x29: {  	s4 =	sld [smem:$0x3FA2]  }
0x2a: {  	p0 =	seq.s32 s5, $0x0;
	s5 =	sld [smem:$0x3FA3]  }
0x2b: {  	s6 =	sld [smem:$0x3FA4]  }
0x2c: {  	s7 =	sld [smem:$0x3FA5]  }
0x2d: {  	s3 =	simm.s32 $0x108;
	s8 =	sld [smem:$0x3FA6]  }
0x2e: {  	s3 =	simm.s32 @!p0 $0x1082;
	s9 =	sld [smem:$0x3FA7]  }
0x2f: {  	lr =	sadd.s32 s0, s3;
	s0 =	sld [smem:$0x3F9E]  }
0x30: {  	s3 =	sld [smem:$0x3FA1]  }
0x31: {  	[smem:$0x3FAA] =	sst s10  }
0x32: {  	s10 =	sld [smem:$0x3FA8];
	_ =	sdelay $0x3  }
0x33: {  	p0 =	seq.s32 s10, $0x1;
	s10 =	sld [smem:$0x3FAA];
	_ =	sdelay $0x3  }
0x34: {  	[smem:$0x3FAA] =	sst s10  }
0x35: {  	s10 =	sld [smem:$0x3FA9];
	_ =	sdelay $0x3  }
0x36: {  	p1 =	seq.s32 s10, $0x1;
	s10 =	sld [smem:$0x3FAA];
	_ =	sdelay $0x3  }
0x37: {  	[smem:$0x3FAA] =	sst s10  }
0x38: {  	s10 =	sld [smem:$0x3FAB]  }
0x39: {  	_ = 	snop;
	(pc) =	sbr.ind lr, $3  }
0x3a: {  	_ = 	snop  }
0x3b: {  	_ = 	snop  }
0x3c: {  	p2 =	seq.s32 s10, $0x1;
	s10 =	sld [smem:$0x3FAA]  }
0x3d: {  	_ =	shalt  }
0x3e: {  	_ =	shalt  }
0x3f: {  	_ =	shalt  }
0x40: {  	_ =	shalt  }
0x41: {  	_ =	shalt  }
0x42: {  	_ =	shalt  }
0x43: {  	_ =	shalt  }
0x44: {  	_ =	shalt  }
0x45: {  	_ =	shalt  }
0x46: {  	_ =	shalt  }
0x47: {  	_ =	shalt  }
0x48: {  	_ =	shalt  }
0x49: {  	_ =	shalt  }
0x4a: {  	_ =	shalt  }
0x4b: {  	_ =	shalt  }
0x4c: {  	_ =	shalt  }
0x4d: {  	_ =	shalt  }
0x4e: {  	_ =	shalt  }
0x4f: {  	_ =	shalt  }
0x50: {  	_ =	shalt  }
0x51: {  	_ =	shalt  }
0x52: {  	_ =	shalt  }
0x53: {  	_ =	shalt  }
0x54: {  	_ =	shalt  }
0x55: {  	_ =	shalt  }
0x56: {  	_ =	shalt  }
0x57: {  	_ =	shalt  }
0x58: {  	_ =	shalt  }
0x59: {  	_ =	shalt  }
0x5a: {  	_ =	shalt  }
0x5b: {  	_ =	shalt  }
0x5c: {  	_ =	shalt  }
0x5d: {  	_ =	shalt  }
0x5e: {  	_ =	shalt  }
0x5f: {  	_ =	shalt  }
0x60: {  	_ =	shalt  }
0x61: {  	_ =	shalt  }
0x62: {  	_ =	shalt  }
0x63: {  	_ =	shalt  }
0x64: {  	_ =	shalt  }
0x65: {  	_ =	shalt  }
0x66: {  	_ =	shalt  }
0x67: {  	_ =	shalt  }
0x68: {  	_ =	shalt  }
0x69: {  	_ =	shalt  }
0x6a: {  	_ =	shalt  }
0x6b: {  	_ =	shalt  }
0x6c: {  	_ =	shalt  }
0x6d: {  	_ =	shalt  }
0x6e: {  	_ =	shalt  }
0x6f: {  	_ =	shalt  }
0x70: {  	_ =	shalt  }
0x71: {  	_ =	shalt  }
0x72: {  	_ =	shalt  }
0x73: {  	_ =	shalt  }
0x74: {  	_ =	shalt  }
0x75: {  	_ =	shalt  }
0x76: {  	_ =	shalt  }
0x77: {  	_ =	shalt  }
0x78: {  	_ =	shalt  }
0x79: {  	_ =	shalt  }
0x7a: {  	_ =	shalt  }
0x7b: {  	_ =	shalt  }
0x7c: {  	_ =	shalt  }
0x7d: {  	_ =	shalt  }
0x7e: {  	_ =	shalt  }
0x7f: {  	_ =	shalt  }
0x80: {  	_ =	shalt  }
0x81: {  	_ =	shalt  }
0x82: {  	_ =	shalt  }
0x83: {  	_ =	shalt  }
0x84: {  	_ =	shalt  }
0x85: {  	_ =	shalt  }
0x86: {  	_ =	shalt  }
0x87: {  	_ =	shalt  }
.Lfunc_end0:
.L_simem_size_0:
called_computation.3_lowered:
.L_overlay_start_0:
0x88: {  	s2 =	sld [smem:$0x3FD9]  }
0x89: {  	s3 =	sld [smem:$0x3FFE];
	_ =	sdelay $0x1  }
0x8a: {  	s1 =	srdreg.scid  }
0x8b: {  	s0 =	sand.u32 $0x1, s1  }
0x8c: {  	s16 =	sshll.u32 s0, $0xA;
	s2 =	sadd.s32 s3, s2  }
0x8d: {  	s2 =	sadd.s32 s2, s16  }
0x8e: {  	[smem:$0x3FB6] =	sst s2  }
0x8f: {  	_ = 	snop  }
0x90: {  	(tm) =	ssettm $0x1  }
0x91: {  	s17 =	sld [smem:$0x3FFB];
	_ =	sdelay $0x3  }
0x92: {  	_ =	strace s17  }
0x93: {  	s2 =	sld [smem:$0x3FFC];
	_ =	sdelay $0x3  }
0x94: {  	_ =	strace s2  }
0x95: {  	s2 =	sld [smem:$0x3FFD];
	_ =	sdelay $0x3  }
0x96: {  	_ =	strace s2  }
0x97: {  	_ =	strace $0x8FFFFFFF  }
0x98: {  	s18 =	sld [smem:$0x3FDB];
	_ =	sdelay $0x1  }
0x99: {  	s19 =	simm.s32 $_scs_section_size  }
0x9a: {  	s4 =	simm.s32 $_size__tile_overlayer_lowered;
	s5 =	simm.s32 $_tile_overlayer_lowered  }
0x9b: {  	s22 =	simm.s32 $0x1BFF;
	s21 =	sshll.u32 s5, $0x1;
	s2 =	sadd.s32 s19, s18  }
0x9c: {  	s6 =	simm.s32 $0x0;
	s20 =	sshll.u32 s4, $0x1;
	s4 =	sadd.s32 s21, s2  }
0x9d: {  	[timem:s6], [sflag:s22] =	dma.local [hbm:s4], s20  }
0x9e: {  	_ =	swait.ge [sflag:s22], s20  }
0x9f: {  	s3 =	ssub.s32 $0x0, s20;
	[sflag:s22] =	ssyncset.done $0x0  }
0xa0: {  	[sflag:s22] =	ssyncadd.s32 s3;
	_ =	sdelay $0x1  }
0xa1: {  	s23 =	simm.s32 $0x1B8B  }
0xa2: {  	_ =	swait.ge [sflag:s23], $0x1  }
0xa3: {  	[sflag:s23] =	ssyncset.done $0x0  }
0xa4: {  	s25 =	simm.s32 $0x1B8E;
	s24 =	sld [smem:$0x3FFE];
	[sflag:s23] =	ssyncadd.s32 $0xFFFFFFFF  }
0xa5: {  	s26 =	simm.s32 $execute0_lowered;
	[smem:$0x3FD2] =	sst s25  }
0xa6: {  	s4 =	sshll.u32 s26, $0x1;
	_ =	strace $0x8000004F;
	[dreg:$0x1] =	wrdreg $0xFFFFFFFF  }
0xa7: {  	s28 =	simm.s32 $_size_execute0_lowered;
	s2 =	sadd.s32 s2, s4;
	[dreg:$0x0] =	wrdreg $0x0  }
0xa8: {  	s4 =	sshll.u32 s28, $0x1;
	[dreg:$0x2] =	wrdreg s2  }
0xa9: {  	[dreg:$0x3] =	wrdreg s4  }
0xaa: {  	[dreg:$0x4] =	wrdreg $0xC0  }
0xab: {  	_ =	task [dreg:s6], $0x5FFFF  }
0xac: {  	[dreg:$0x1] =	wrdreg $0xFFFFFFFF  }
0xad: {  	[dreg:$0x0] =	wrdreg $0x60  }
0xae: {  	[dreg:$0x2] =	wrdreg s24  }
0xaf: {  	[dreg:$0x3] =	wrdreg $0x3B000  }
0xb0: {  	[dreg:$0x4] =	wrdreg $0x9  }
0xb1: {  	_ =	task.clear_ibuf [dreg:s6], $0x5FFFF;
	_ =	strace $0x9000004F  }
0xb2: {  	s29 =	simm.s32 $0x9;
	_ =	strace $0x80000051  }
0xb3: {  	_ =	swait.ge [sflag:s29], $0x1  }
0xb4: {  	[sflag:s29] =	ssyncadd.s32 $0xFFFFFFFF  }
0xb5: {  	_ =	strace $0x90000051  }
0xb6: {  	_ =	sfence  }
0xb7: {  	s30 =	sld [smem:$0x0];
	_ =	sdelay $0x2  }
0xb8: {  	s31 =	sshll.u32 s1, $0xD;
	s1 =	sshrl.u32 s1, $0x2  }
0xb9: {  	s3 =	sand.u32 $0x4000, s31;
	s1 =	sadd.s32 s1, s30  }
0xba: {  	s0 =	sor.u32 s3, s0;
	s1 =	sshll.u32 s1, $0x11  }
0xbb: {  	s0 =	sor.u32 s1, s0  }
0xbc: {  	s0 =	sadd.s32 $0x8F2B, s0  }
0xbd: {  	[sflag:s0] =	ssyncadd.remote.s32 $0x1  }
0xbe: {  	_ =	sfence.sel $0xFFFF  }
0xbf: {  	[dreg:$0x0] =	wrdreg $0xFFFFFFFF;
	(pc) =	sbr.abs _section_cstart, $3  }
0xc0: {  	[dreg:$0x1] =	wrdreg $0xFFFFFFFF  }
0xc1: {  	_ =	task.clear_ibuf [dreg:s6], $0x2FFFF;
	_ =	strace $0x9FFFFFFF  }
0xc2: {  	(tm) =	ssettm $0x7FFFFFFF  }
0xc3: {  	_ =	shalt  }
tec
execute0_lowered:
.L_overlay_start_1:
0x0: {  	(tag) =	ssettag $0x1  }
0x1: {  	s6 =	rddreg [dreg:$0x0]  }
0x2: {  	s2 =	rddreg [dreg:$0x1]  }
0x3: {  	s0 =	rddreg [dreg:$0x2];
	s3 =	simm.s32 $0x0;
	s4 =	srdreg.scid  }
0x4: {  	s1 =	stileid.u32;
	s12 =	simm.s32 $0x2400;
	s13 =	simm.s32 $0x6  }
0x5: {  	s14 =	simm.s32 $0x1;
	s15 =	simm.s32 $0x80;
	s16 =	simm.s32 $0x400  }
0x6: {  	s17 =	simm.s32 $0x1400;
	s18 =	simm.s32 $0x2;
	s19 =	simm.s32 $0x4  }
0x7: {  	s20 =	simm.s32 $0x100;
	s21 =	simm.s32 $0x3;
	s22 =	simm.s32 $0x280  }
0x8: {  	s23 =	simm.s32 $0x5;
	s24 =	simm.s32 $0x180;
	s25 =	simm.s32 $0x300  }
0x9: {  	s26 =	simm.s32 $0x380;
	s28 =	simm.s32 $0x0;
	[smem:$0x7FF] =	sst s3  }
0xa: {  	s7 =	sand.u32 $0x1, s4;
	s8 =	smul.u32 $0x1700, s1;
	s4 =	sadd.s32 $0x42C00, s6  }
0xb: {  	s5 =	sshll.u32 s1, $0x6;
	s9 =	smul.u32 $0x17000, s7;
	s10 =	sshll.u32 s7, $0xA  }
0xc: {  	_ =	strace $0x80000050;
	s7 =	ssub.s32 $0x2, s7;
	s10 =	sor.u32 s5, s10  }
0xd: {  	s11 =	sshrl.u32 s7, $0x1;
	s9 =	sadd.s32 s8, s9;
	s10 =	sadd.s32 s10, s6  }
0xe: {  	s11 =	ssub.s32 s7, s11;
	s8 =	sadd.s32 s8, s2;
	s9 =	sshrl.u32 s9, $0x3  }
0xf: {  	s7 =	sadd.s32 $0x6C00, s10;
	s9 =	sadd.s32 s9, s6;
	s6 =	sadd.s32 $0x42400, s10  }
0x10: {  	v0 =	vimm.f32 $0.0e+00;
	s10 =	smax.u32 s11, $0x1;
	s11 =	simm.s32 $0x200;
	s9 =	sadd.s32 $0x36C00, s9  }
.LBB2_1:
0x11: {  	s29 =	simm.s32 $0x80;
	s30 =	simm.s32 $0x0  }
.LBB2_2:
0x12: {  	p0 =	sne.s32 s29, $0x5B80;
	[tilespmem:s30+$0x2400] =	vst v0;
	s31 =	smov.u32 s29;
	s29 =	sadd.s32 $0x80, s29  }
.Ltmp0:
0x13: {  	[tilespmem:s30+$0x2410] =	vst v0;
	(pc) =	sbr.rel @p0 .LBB2_2-.Ltmp0, $2  }
0x14: {  	_ =	sdelay $0x2  }
0x15: {  	s30 =	sshra.s32 s31, $0x2  }
0x16: {  	[tilespmem:s30+$0x2400] =	vst v0  }
0x17: {  	[tilespmem:s30+$0x2410] =	vst v0  }
0x18: {  	[tilespmem:s3], [sflag:$0x1] =	stream.linear.gather [hbm4b:s6+s3], $0x200, $0x38;
	[tilespmem:$0x5200] =	vst v63  }
0x19: {  	_ = 	snop  }
0x1a: {  	[tilespmem:s11], [sflag:$0x1] =	stream.linear.gather [hbm4b:s7+s3], $0x200, $0x38;
	[tilespmem:$0x5200] =	vst v63  }
0x1b: {  	_ = 	snop  }
0x1c: {  	[spmem:s8] =	stream.linear.scatter [tilespmem:s12], [sflag:$0x6], $0x1700, $0x38;
	[tilespmem:$0x5200] =	vst v63  }
0x1d: {  	_ =	swait.ge [sflag:s13], $0x1700  }
0x1e: {  	[sflag:s13] =	ssyncset.done $0x0  }
0x1f: {  	[sflag:s13] =	ssyncadd.s32 $0xFFFFE900  }
0x20: {  	_ =	swait.ge [sflag:s14], $0x200  }
0x21: {  	[sflag:s14] =	ssyncset.done $0x0  }
0x22: {  	[sflag:s14] =	ssyncadd.s32 $0xFFFFFE00  }
0x23: {  	_ =	swait.ge [sflag:s14], $0x200  }
0x24: {  	[sflag:s14] =	ssyncset.done $0x0  }
0x25: {  	[sflag:s14] =	ssyncadd.s32 $0xFFFFFE00  }
0x26: {  	[bflag:$0x0] =	sbarrier.arrive $0xFFFF  }
0x27: {  	[tilespmem:s16], [sflag:$0x2] =	stream.indirect.gather [hbm4b:s4+s15], $0x20, s3, s15, $0xb8;
	[tilespmem:$0x5200] =	vst v63  }
0x28: {  	_ = 	snop  }
0x29: {  	[tilespmem:s17], [sflag:$0x3] =	stream.indirect.gather [hbm4b:s4+s15], $0x20, s15, s15, $0xb8;
	[tilespmem:$0x5200] =	vst v63  }
0x2a: {  	_ =	swait.ge [sflag:s18], $0x1000  }
0x2b: {  	[sflag:s18] =	ssyncset.done $0x0  }
0x2c: {  	[sflag:s18] =	ssyncadd.s32 $0xFFFFF000  }
0x2d: {  	[spmem:s2] =	stream.indirect.scatter.add.f32 [tilespmem:s16], [sflag:$0x4], $0x20, s11, s15, $0xb8;
	[tilespmem:$0x5200] =	vst v63  }
0x2e: {  	_ =	swait.ge [sflag:s19], $0x1000  }
0x2f: {  	[sflag:s19] =	ssyncset.done $0x0  }
0x30: {  	[sflag:s19] =	ssyncadd.s32 $0xFFFFF000  }
0x31: {  	[tilespmem:s16], [sflag:$0x2] =	stream.indirect.gather [hbm4b:s4+s15], $0x20, s20, s15, $0xb8;
	[tilespmem:$0x5200] =	vst v63  }
0x32: {  	_ =	swait.ge [sflag:s21], $0x1000  }
0x33: {  	[sflag:s21] =	ssyncset.done $0x0  }
0x34: {  	[sflag:s21] =	ssyncadd.s32 $0xFFFFF000  }
0x35: {  	[spmem:s2] =	stream.indirect.scatter.add.f32 [tilespmem:s17], [sflag:$0x5], $0x20, s22, s15, $0xb8;
	[tilespmem:$0x5200] =	vst v63  }
0x36: {  	_ =	swait.ge [sflag:s23], $0x1000  }
0x37: {  	[sflag:s23] =	ssyncset.done $0x0  }
0x38: {  	[sflag:s23] =	ssyncadd.s32 $0xFFFFF000  }
0x39: {  	[tilespmem:s17], [sflag:$0x3] =	stream.indirect.gather [hbm4b:s4+s15], $0x20, s24, s15, $0xb8;
	[tilespmem:$0x5200] =	vst v63  }
0x3a: {  	_ =	swait.ge [sflag:s18], $0x1000  }
0x3b: {  	[sflag:s18] =	ssyncset.done $0x0  }
0x3c: {  	[sflag:s18] =	ssyncadd.s32 $0xFFFFF000  }
0x3d: {  	[spmem:s2] =	stream.indirect.scatter.add.f32 [tilespmem:s16], [sflag:$0x4], $0x20, s25, s15, $0xb8;
	[tilespmem:$0x5200] =	vst v63  }
0x3e: {  	_ =	swait.ge [sflag:s21], $0x1000  }
0x3f: {  	[sflag:s21] =	ssyncset.done $0x0  }
0x40: {  	[sflag:s21] =	ssyncadd.s32 $0xFFFFF000  }
0x41: {  	[spmem:s2] =	stream.indirect.scatter.add.f32 [tilespmem:s17], [sflag:$0x5], $0x20, s26, s15, $0xb8;
	[tilespmem:$0x5200] =	vst v63  }
0x42: {  	_ =	swait.ge [sflag:s19], $0x1000  }
0x43: {  	[sflag:s19] =	ssyncset.done $0x0  }
0x44: {  	[sflag:s19] =	ssyncadd.s32 $0xFFFFF000  }
0x45: {  	_ =	swait.ge [sflag:s23], $0x1000  }
0x46: {  	s28 =	sadd.s32 $0x1, s28;
	[sflag:s23] =	ssyncset.done $0x0  }
0x47: {  	s29 =	sor.u32 $0x1C06, s5;
	p0 =	sne.s32 s28, s10;
	[sflag:s23] =	ssyncadd.s32 $0xFFFFF000  }
.Ltmp1:
0x48: {  	s31 =	sshrl.u32 s8, $0x3;
	[bflag:$0x0] =	sbarrier.arrive $0xFFFF;
	(pc) =	sbr.rel @p0 .LBB2_1-.Ltmp1, $4  }
0x49: {  	[hbm:s9], [sflag:s29] =	dma.local [spmem:s31], $0x2E0  }
0x4a: {  	_ =	swait.ge [sflag:s13], $0x2E0  }
0x4b: {  	[sflag:s13] =	ssyncset.done $0x0  }
0x4c: {  	[sflag:s13] =	ssyncadd.s32 $0xFFFFFD20  }
0x4d: {  	_ =	sfence.sel $0x180000  }
0x4e: {  	[bflag:$0x0] =	sbarrier.arrive $0xFFFF  }
0x4f: {  	p0 =	sne.s32 s1, $0x0;
	_ =	strace $0x90000050  }
0x50: {  	s0 =	sadd.s32 @!p0 $0x100000, s0;
	[bflag:$0x2] =	sbarrier.arrive $0xFFFF  }
0x51: {  	[sflag:s0] =	ssyncadd.tile.s32 @!p0 $0x1;
	_ =	shalt  }
.Lfunc_end2:
_tile_overlayer_lowered:
.L_overlay_start_2:
0x52: {  	(tag) =	ssettag $0x2  }
0x53: {  	s0 =	rddreg [dreg:$0x0];
	s2 =	stileid.u32  }
0x54: {  	s1 =	rddreg [dreg:$0x1];
	p0 =	sne.s32 s2, $0x0  }
0x55: {  	s3 =	rddreg [dreg:$0x2];
	[bflag:$0x3] =	sbarrier.arrive $0xFFFF;
	s2 =	simm.s32 @!p0 $0x1C06  }
0x56: {  	[timem:s3], [sflag:s2] =	dma.local @!p0 [hbm:s0], s1  }
0x57: {  	s0 =	simm.s32 @!p0 $0x6  }
0x58: {  	_ =	swait.ge @!p0 [sflag:s0], s1  }
0x59: {  	s1 =	ssub.s32 @!p0 $0x0, s1;
	[sflag:s0] =	ssyncset.done @!p0 $0x0  }
0x5a: {  	[sflag:s0] =	ssyncadd.s32 @!p0 s1  }
0x5b: {  	[bflag:$0x3] =	sbarrier.arrive $0xFFFF  }
0x5c: {  	_ =	shalt  }

// kernel: kernel.31.cloned.1.call-start
scs
__scs_entry_jumppad:
0x0: {  	(pc) =	sbr.rel $0x88, $3  }
0x1: {  	(tag) =	ssettag $0x0;
	lr =	simm.s32 $0x1  }
0x2: {  	[smem:$0x3F8F] =	sst lr;
	_ =	strace $0xD0000000  }
0x3: {  	_ = 	snop  }
0x4: {  	_ = 	snop  }
0x5: {  	_ = 	snop  }
0x6: {  	_ = 	snop  }
0x7: {  	_ = 	snop  }
__scs_overlays_trampoline_lowered:
0x8: {  	[smem:$0x3F9E] =	sst s0  }
0x9: {  	[smem:$0x3F9F] =	sst s1  }
0xa: {  	[smem:$0x3FA0] =	sst s2  }
0xb: {  	[smem:$0x3FA1] =	sst s3  }
0xc: {  	[smem:$0x3FA2] =	sst s4  }
0xd: {  	[smem:$0x3FA3] =	sst s5  }
0xe: {  	[smem:$0x3FA4] =	sst s6  }
0xf: {  	[smem:$0x3FA5] =	sst s7  }
0x10: {  	[smem:$0x3FA6] =	sst s8  }
0x11: {  	[smem:$0x3FA7] =	sst s9;
	s0 =	simm.s32 @!p0 $0x0  }
0x12: {  	s1 =	sld [smem:$0x3F8D];
	s0 =	simm.s32 @p0 $0x1  }
0x13: {  	[smem:$0x3FA8] =	sst s0;
	s0 =	simm.s32 @!p1 $0x0  }
0x14: {  	s2 =	sld [smem:$0x3F8C];
	s0 =	simm.s32 @p1 $0x1  }
0x15: {  	[smem:$0x3FA9] =	sst s0;
	s0 =	simm.s32 @!p2 $0x0  }
0x16: {  	s3 =	sld [smem:$0x3FDB];
	s0 =	simm.s32 @p2 $0x1  }
0x17: {  	s4 =	simm.s32 $0x1BF5;
	[smem:$0x3FAB] =	sst s0  }
0x18: {  	s0 =	sld [smem:$0x3F8E];
	_ =	swait.ge [sflag:s4], $0x0  }
0x19: {  	s7 =	sld [smem:$0x3F8F]  }
0x1a: {  	s8 =	sadd.s32 $0xFFFFE003, lr  }
0x1b: {  	s9 =	sadd.s32 $0xFFFFFEF7, lr;
	s5 =	simm.s32 $0xFFFFFFFF;
	p2 =	slt.u32 s8, $0xFFFFF086  }
0x1c: {  	p1 =	slt.u32 s9, $0xF7A;
	s5 =	simm.s32 @!p2 $0x0  }
0x1d: {  	s5 =	simm.s32 @p1 $0x1;
	p0 =	seq.s32 s7, s2  }
0x1e: {  	s7 =	smul.u32 @!p0 $0xF7A, s2;
	p2 =	seq.s32 @!p0 s5, $0x0  }
0x1f: {  	s9 =	smul.u32 $0xF7A, s1;
	s8 =	simm.s32 @!p0 $0x1BF5;
	p2 =	por !p2, p0  }
0x20: {  	[sflag:s8] =	ssyncset.s32 @!p0 $0xFFFFF086;
	s6 =	sadd.s32 @!p0 s3, s7;
	s7 =	simm.s32 @!p0 $0x108  }
0x21: {  	s3 =	sadd.s32 s3, s9;
	s6 =	sadd.s32 @!p0 $0x88, s6;
	s7 =	simm.s32 @p2 $0x1082  }
0x22: {  	[simem:s7], [sflag:s8] =	dma.local @!p0 [hbm:s6], $0xF7A  }
0x23: {  	s9 =	sor.u32 $0xD0000000, s2;
	s6 =	simm.s32 $0x108;
	_ =	swait.ge @!p0 [sflag:s8], $0x0  }
0x24: {  	s3 =	sadd.s32 $0x88, s3;
	s6 =	simm.s32 @!p1 $0x1082;
	[sflag:s4] =	ssyncset.s32 $0xFFFFF086  }
0x25: {  	[simem:s6], [sflag:s4] =	dma.local [hbm:s3], $0xF7A  }
0x26: {  	[smem:$0x3F8F] =	sst s1;
	(tag) =	ssettag s2;
	_ =	strace s9  }
0x27: {  	s1 =	sld [smem:$0x3F9F]  }
0x28: {  	s2 =	sld [smem:$0x3FA0]  }
0x29: {  	s4 =	sld [smem:$0x3FA2]  }
0x2a: {  	p0 =	seq.s32 s5, $0x0;
	s5 =	sld [smem:$0x3FA3]  }
0x2b: {  	s6 =	sld [smem:$0x3FA4]  }
0x2c: {  	s7 =	sld [smem:$0x3FA5]  }
0x2d: {  	s3 =	simm.s32 $0x108;
	s8 =	sld [smem:$0x3FA6]  }
0x2e: {  	s3 =	simm.s32 @!p0 $0x1082;
	s9 =	sld [smem:$0x3FA7]  }
0x2f: {  	lr =	sadd.s32 s0, s3;
	s0 =	sld [smem:$0x3F9E]  }
0x30: {  	s3 =	sld [smem:$0x3FA1]  }
0x31: {  	[smem:$0x3FAA] =	sst s10  }
0x32: {  	s10 =	sld [smem:$0x3FA8];
	_ =	sdelay $0x3  }
0x33: {  	p0 =	seq.s32 s10, $0x1;
	s10 =	sld [smem:$0x3FAA];
	_ =	sdelay $0x3  }
0x34: {  	[smem:$0x3FAA] =	sst s10  }
0x35: {  	s10 =	sld [smem:$0x3FA9];
	_ =	sdelay $0x3  }
0x36: {  	p1 =	seq.s32 s10, $0x1;
	s10 =	sld [smem:$0x3FAA];
	_ =	sdelay $0x3  }
0x37: {  	[smem:$0x3FAA] =	sst s10  }
0x38: {  	s10 =	sld [smem:$0x3FAB]  }
0x39: {  	_ = 	snop;
	(pc) =	sbr.ind lr, $3  }
0x3a: {  	_ = 	snop  }
0x3b: {  	_ = 	snop  }
0x3c: {  	p2 =	seq.s32 s10, $0x1;
	s10 =	sld [smem:$0x3FAA]  }
0x3d: {  	_ =	shalt  }
0x3e: {  	_ =	shalt  }
0x3f: {  	_ =	shalt  }
0x40: {  	_ =	shalt  }
0x41: {  	_ =	shalt  }
0x42: {  	_ =	shalt  }
0x43: {  	_ =	shalt  }
0x44: {  	_ =	shalt  }
0x45: {  	_ =	shalt  }
0x46: {  	_ =	shalt  }
0x47: {  	_ =	shalt  }
0x48: {  	_ =	shalt  }
0x49: {  	_ =	shalt  }
0x4a: {  	_ =	shalt  }
0x4b: {  	_ =	shalt  }
0x4c: {  	_ =	shalt  }
0x4d: {  	_ =	shalt  }
0x4e: {  	_ =	shalt  }
0x4f: {  	_ =	shalt  }
0x50: {  	_ =	shalt  }
0x51: {  	_ =	shalt  }
0x52: {  	_ =	shalt  }
0x53: {  	_ =	shalt  }
0x54: {  	_ =	shalt  }
0x55: {  	_ =	shalt  }
0x56: {  	_ =	shalt  }
0x57: {  	_ =	shalt  }
0x58: {  	_ =	shalt  }
0x59: {  	_ =	shalt  }
0x5a: {  	_ =	shalt  }
0x5b: {  	_ =	shalt  }
0x5c: {  	_ =	shalt  }
0x5d: {  	_ =	shalt  }
0x5e: {  	_ =	shalt  }
0x5f: {  	_ =	shalt  }
0x60: {  	_ =	shalt  }
0x61: {  	_ =	shalt  }
0x62: {  	_ =	shalt  }
0x63: {  	_ =	shalt  }
0x64: {  	_ =	shalt  }
0x65: {  	_ =	shalt  }
0x66: {  	_ =	shalt  }
0x67: {  	_ =	shalt  }
0x68: {  	_ =	shalt  }
0x69: {  	_ =	shalt  }
0x6a: {  	_ =	shalt  }
0x6b: {  	_ =	shalt  }
0x6c: {  	_ =	shalt  }
0x6d: {  	_ =	shalt  }
0x6e: {  	_ =	shalt  }
0x6f: {  	_ =	shalt  }
0x70: {  	_ =	shalt  }
0x71: {  	_ =	shalt  }
0x72: {  	_ =	shalt  }
0x73: {  	_ =	shalt  }
0x74: {  	_ =	shalt  }
0x75: {  	_ =	shalt  }
0x76: {  	_ =	shalt  }
0x77: {  	_ =	shalt  }
0x78: {  	_ =	shalt  }
0x79: {  	_ =	shalt  }
0x7a: {  	_ =	shalt  }
0x7b: {  	_ =	shalt  }
0x7c: {  	_ =	shalt  }
0x7d: {  	_ =	shalt  }
0x7e: {  	_ =	shalt  }
0x7f: {  	_ =	shalt  }
0x80: {  	_ =	shalt  }
0x81: {  	_ =	shalt  }
0x82: {  	_ =	shalt  }
0x83: {  	_ =	shalt  }
0x84: {  	_ =	shalt  }
0x85: {  	_ =	shalt  }
0x86: {  	_ =	shalt  }
0x87: {  	_ =	shalt  }
.Lfunc_end0:
.L_simem_size_0:
called_computation.4_lowered:
.L_overlay_start_0:
0x88: {  	s2 =	sld [smem:$0x3FD9]  }
0x89: {  	s3 =	sld [smem:$0x3FFE];
	_ =	sdelay $0x1  }
0x8a: {  	s1 =	srdreg.scid  }
0x8b: {  	s0 =	sand.u32 $0x1, s1  }
0x8c: {  	s16 =	sshll.u32 s0, $0xA;
	s2 =	sadd.s32 s3, s2  }
0x8d: {  	s2 =	sadd.s32 s2, s16  }
0x8e: {  	[smem:$0x3FB6] =	sst s2  }
0x8f: {  	_ = 	snop  }
0x90: {  	(tm) =	ssettm $0x1  }
0x91: {  	s17 =	sld [smem:$0x3FFB];
	_ =	sdelay $0x3  }
0x92: {  	_ =	strace s17  }
0x93: {  	s2 =	sld [smem:$0x3FFC];
	_ =	sdelay $0x3  }
0x94: {  	_ =	strace s2  }
0x95: {  	s2 =	sld [smem:$0x3FFD];
	_ =	sdelay $0x3  }
0x96: {  	_ =	strace s2  }
0x97: {  	_ =	strace $0x8FFFFFFF  }
0x98: {  	s18 =	sld [smem:$0x3FDB];
	_ =	sdelay $0x1  }
0x99: {  	s19 =	simm.s32 $_scs_section_size  }
0x9a: {  	s4 =	simm.s32 $_size__tile_overlayer_lowered;
	s5 =	simm.s32 $_tile_overlayer_lowered  }
0x9b: {  	s22 =	simm.s32 $0x1BFF;
	s21 =	sshll.u32 s5, $0x1;
	s2 =	sadd.s32 s19, s18  }
0x9c: {  	s6 =	simm.s32 $0x0;
	s20 =	sshll.u32 s4, $0x1;
	s4 =	sadd.s32 s21, s2  }
0x9d: {  	[timem:s6], [sflag:s22] =	dma.local [hbm:s4], s20  }
0x9e: {  	_ =	swait.ge [sflag:s22], s20  }
0x9f: {  	s3 =	ssub.s32 $0x0, s20;
	[sflag:s22] =	ssyncset.done $0x0  }
0xa0: {  	[sflag:s22] =	ssyncadd.s32 s3;
	_ =	sdelay $0x1  }
0xa1: {  	s23 =	simm.s32 $0x1B8B  }
0xa2: {  	_ =	swait.ge [sflag:s23], $0x1  }
0xa3: {  	[sflag:s23] =	ssyncset.done $0x0  }
0xa4: {  	s25 =	simm.s32 $0x1B8E;
	s24 =	sld [smem:$0x3FFE];
	[sflag:s23] =	ssyncadd.s32 $0xFFFFFFFF  }
0xa5: {  	s26 =	simm.s32 $execute0_lowered;
	[smem:$0x3FD2] =	sst s25  }
0xa6: {  	s4 =	sshll.u32 s26, $0x1;
	_ =	strace $0x80000052;
	[dreg:$0x1] =	wrdreg $0xFFFFFFFF  }
0xa7: {  	s28 =	simm.s32 $_size_execute0_lowered;
	s2 =	sadd.s32 s2, s4;
	[dreg:$0x0] =	wrdreg $0x0  }
0xa8: {  	s4 =	sshll.u32 s28, $0x1;
	[dreg:$0x2] =	wrdreg s2  }
0xa9: {  	[dreg:$0x3] =	wrdreg s4  }
0xaa: {  	[dreg:$0x4] =	wrdreg $0xC0  }
0xab: {  	_ =	task [dreg:s6], $0x5FFFF  }
0xac: {  	[dreg:$0x1] =	wrdreg $0xFFFFFFFF  }
0xad: {  	[dreg:$0x0] =	wrdreg $0x60  }
0xae: {  	[dreg:$0x2] =	wrdreg s24  }
0xaf: {  	[dreg:$0x3] =	wrdreg $0x43000  }
0xb0: {  	[dreg:$0x4] =	wrdreg $0x9  }
0xb1: {  	_ =	task.clear_ibuf [dreg:s6], $0x5FFFF;
	_ =	strace $0x90000052  }
0xb2: {  	s29 =	simm.s32 $0x9;
	_ =	strace $0x80000054  }
0xb3: {  	_ =	swait.ge [sflag:s29], $0x1  }
0xb4: {  	[sflag:s29] =	ssyncadd.s32 $0xFFFFFFFF  }
0xb5: {  	_ =	strace $0x90000054  }
0xb6: {  	_ =	sfence  }
0xb7: {  	s30 =	sld [smem:$0x0];
	_ =	sdelay $0x2  }
0xb8: {  	s31 =	sshll.u32 s1, $0xD;
	s1 =	sshrl.u32 s1, $0x2  }
0xb9: {  	s3 =	sand.u32 $0x4000, s31;
	s1 =	sadd.s32 s1, s30  }
0xba: {  	s0 =	sor.u32 s3, s0;
	s1 =	sshll.u32 s1, $0x11  }
0xbb: {  	s0 =	sor.u32 s1, s0  }
0xbc: {  	s0 =	sadd.s32 $0x8F2B, s0  }
0xbd: {  	[sflag:s0] =	ssyncadd.remote.s32 $0x1  }
0xbe: {  	_ =	sfence.sel $0xFFFF  }
0xbf: {  	[dreg:$0x0] =	wrdreg $0xFFFFFFFF;
	(pc) =	sbr.abs _section_cstart, $3  }
0xc0: {  	[dreg:$0x1] =	wrdreg $0xFFFFFFFF  }
0xc1: {  	_ =	task.clear_ibuf [dreg:s6], $0x2FFFF;
	_ =	strace $0x9FFFFFFF  }
0xc2: {  	(tm) =	ssettm $0x7FFFFFFF  }
0xc3: {  	_ =	shalt  }
tec
execute0_lowered:
.L_overlay_start_1:
0x0: {  	(tag) =	ssettag $0x1  }
0x1: {  	s0 =	rddreg [dreg:$0x0]  }
0x2: {  	s1 =	rddreg [dreg:$0x1];
	s2 =	srdreg.scid;
	s3 =	simm.s32 $0x0  }
0x3: {  	s7 =	stileid.u32;
	s13 =	simm.s32 $0x600;
	s14 =	simm.s32 $0x2C00  }
0x4: {  	s15 =	simm.s32 $0x6;
	s16 =	simm.s32 $0x1;
	s17 =	simm.s32 $0x80  }
0x5: {  	s18 =	simm.s32 $0xC00;
	s19 =	simm.s32 $0x1C00;
	s20 =	simm.s32 $0x2  }
0x6: {  	s21 =	simm.s32 $0x4;
	s23 =	simm.s32 $0x3;
	s24 =	simm.s32 $0xA80  }
0x7: {  	s28 =	simm.s32 $0x580;
	s29 =	simm.s32 $0xB00;
	s30 =	simm.s32 $0xB80  }
0x8: {  	s31 =	simm.s32 $0x0;
	s2 =	sand.u32 $0x1, s2;
	s9 =	smul.u32 $0x5C00, s7  }
0x9: {  	[smem:$0x7FF] =	sst s3;
	s5 =	smul.u32 $0x5C000, s2;
	s4 =	sshll.u32 s2, $0x4  }
0xa: {  	_ =	strace $0x80000053;
	s2 =	ssub.s32 $0x2, s2;
	s6 =	sor.u32 s7, s4  }
0xb: {  	s4 =	sadd.s32 $0x36C00, s0;
	s7 =	smul.u32 $0x17000, s7;
	s25 =	sshrl.u32 s2, $0x1  }
0xc: {  	s26 =	sadd.s32 s9, s1;
	s6 =	smul.u32 $0xC0, s6;
	s5 =	sadd.s32 s9, s5  }
0xd: {  	s2 =	ssub.s32 s2, s25;
	s25 =	sshrl.u32 s26, $0x3;
	s26 =	simm.s32 $0x5  }
0xe: {  	s5 =	sshrl.u32 s5, $0x3;
	s8 =	sshrl.u32 s7, $0x2;
	s9 =	smax.u32 s2, $0x1  }
0xf: {  	s6 =	sadd.s32 s6, s0;
	s0 =	sadd.s32 s5, s0;
	s8 =	sadd.s32 s8, s1  }
0x10: {  	s5 =	sadd.s32 $0xA7600, s6;
	s6 =	sadd.s32 $0x35400, s6;
	s7 =	sadd.s32 $0x4B600, s0  }
0x11: {  	v0 =	vimm.f32 $0.0e+00;
	s10 =	sadd.s32 $0x1700, s8;
	s11 =	sadd.s32 $0x2E00, s8;
	s12 =	sadd.s32 $0x4500, s8  }
.LBB2_1:
0x12: {  	s0 =	simm.s32 $0x80;
	s2 =	simm.s32 $0x0  }
.LBB2_2:
0x13: {  	p0 =	sne.s32 s0, $0x5B80;
	[tilespmem:s2+$0x2C00] =	vst v0;
	s22 =	smov.u32 s0;
	s0 =	sadd.s32 $0x80, s0  }
.Ltmp0:
0x14: {  	[tilespmem:s2+$0x2C10] =	vst v0;
	(pc) =	sbr.rel @p0 .LBB2_2-.Ltmp0, $2  }
0x15: {  	_ =	sdelay $0x2  }
0x16: {  	s2 =	sshra.s32 s22, $0x2  }
0x17: {  	[tilespmem:s2+$0x2C00] =	vst v0  }
0x18: {  	[tilespmem:s2+$0x2C10] =	vst v0  }
0x19: {  	[tilespmem:s3], [sflag:$0x1] =	stream.linear.gather [hbm4b:s5+s3], $0x600, $0x38;
	[tilespmem:$0x9F00] =	vst v63  }
0x1a: {  	_ = 	snop  }
0x1b: {  	[tilespmem:s13], [sflag:$0x1] =	stream.linear.gather [hbm4b:s6+s3], $0x600, $0x38;
	[tilespmem:$0x9F00] =	vst v63  }
0x1c: {  	_ = 	snop  }
0x1d: {  	[spmem:s8] =	stream.linear.scatter [tilespmem:s14], [sflag:$0x6], $0x1700, $0x38;
	[tilespmem:$0x9F00] =	vst v63  }
0x1e: {  	_ =	swait.ge [sflag:s15], $0x1700  }
0x1f: {  	[sflag:s15] =	ssyncset.done $0x0  }
0x20: {  	[sflag:s15] =	ssyncadd.s32 $0xFFFFE900  }
0x21: {  	[spmem:s10] =	stream.linear.scatter [tilespmem:s14], [sflag:$0x6], $0x1700, $0x38;
	[tilespmem:$0x9F00] =	vst v63  }
0x22: {  	_ =	swait.ge [sflag:s15], $0x1700  }
0x23: {  	[sflag:s15] =	ssyncset.done $0x0  }
0x24: {  	[sflag:s15] =	ssyncadd.s32 $0xFFFFE900  }
0x25: {  	[spmem:s11] =	stream.linear.scatter [tilespmem:s14], [sflag:$0x6], $0x1700, $0x38;
	[tilespmem:$0x9F00] =	vst v63  }
0x26: {  	_ =	swait.ge [sflag:s15], $0x1700  }
0x27: {  	[sflag:s15] =	ssyncset.done $0x0  }
0x28: {  	[sflag:s15] =	ssyncadd.s32 $0xFFFFE900  }
0x29: {  	[spmem:s12] =	stream.linear.scatter [tilespmem:s14], [sflag:$0x6], $0x1700, $0x38;
	[tilespmem:$0x9F00] =	vst v63  }
0x2a: {  	_ =	swait.ge [sflag:s15], $0x1700  }
0x2b: {  	[sflag:s15] =	ssyncset.done $0x0  }
0x2c: {  	[sflag:s15] =	ssyncadd.s32 $0xFFFFE900  }
0x2d: {  	_ =	swait.ge [sflag:s16], $0x600  }
0x2e: {  	[sflag:s16] =	ssyncset.done $0x0  }
0x2f: {  	[sflag:s16] =	ssyncadd.s32 $0xFFFFFA00  }
0x30: {  	_ =	swait.ge [sflag:s16], $0x600  }
0x31: {  	[sflag:s16] =	ssyncset.done $0x0  }
0x32: {  	[sflag:s16] =	ssyncadd.s32 $0xFFFFFA00  }
0x33: {  	[bflag:$0x0] =	sbarrier.arrive $0xFFFF  }
0x34: {  	[tilespmem:s18], [sflag:$0x2] =	stream.indirect.gather [hbm4b:s4+s17], $0x20, s3, s17, $0xb8;
	[tilespmem:$0x9F00] =	vst v63  }
0x35: {  	_ = 	snop  }
0x36: {  	[tilespmem:s19], [sflag:$0x3] =	stream.indirect.gather [hbm4b:s4+s17], $0x20, s17, s17, $0xb8;
	[tilespmem:$0x9F00] =	vst v63  }
0x37: {  	_ =	swait.ge [sflag:s20], $0x1000  }
0x38: {  	[sflag:s20] =	ssyncset.done $0x0  }
0x39: {  	[sflag:s20] =	ssyncadd.s32 $0xFFFFF000  }
0x3a: {  	[spmem:s1] =	stream.indirect.scatter.add.f32 [tilespmem:s18], [sflag:$0x4], $0x20, s13, s17, $0xb8;
	[tilespmem:$0x9F00] =	vst v63  }
0x3b: {  	_ =	swait.ge [sflag:s21], $0x1000  }
0x3c: {  	[sflag:s21] =	ssyncset.done $0x0  }
0x3d: {  	s0 =	simm.s32 $0x100;
	[sflag:s21] =	ssyncadd.s32 $0xFFFFF000  }
0x3e: {  	[tilespmem:s18], [sflag:$0x2] =	stream.indirect.gather [hbm4b:s4+s17], $0x20, s0, s17, $0xb8;
	[tilespmem:$0x9F00] =	vst v63  }
0x3f: {  	_ =	swait.ge [sflag:s23], $0x1000  }
0x40: {  	[sflag:s23] =	ssyncset.done $0x0  }
0x41: {  	s22 =	simm.s32 $0x680;
	[sflag:s23] =	ssyncadd.s32 $0xFFFFF000  }
0x42: {  	[spmem:s1] =	stream.indirect.scatter.add.f32 [tilespmem:s19], [sflag:$0x5], $0x20, s22, s17, $0xb8;
	[tilespmem:$0x9F00] =	vst v63  }
0x43: {  	_ =	swait.ge [sflag:s26], $0x1000  }
0x44: {  	[sflag:s26] =	ssyncset.done $0x0  }
0x45: {  	s2 =	simm.s32 $0x180;
	[sflag:s26] =	ssyncadd.s32 $0xFFFFF000  }
0x46: {  	[tilespmem:s19], [sflag:$0x3] =	stream.indirect.gather [hbm4b:s4+s17], $0x20, s2, s17, $0xb8;
	[tilespmem:$0x9F00] =	vst v63  }
0x47: {  	_ =	swait.ge [sflag:s20], $0x1000  }
0x48: {  	[sflag:s20] =	ssyncset.done $0x0  }
0x49: {  	s22 =	simm.s32 $0x700;
	[sflag:s20] =	ssyncadd.s32 $0xFFFFF000  }
0x4a: {  	[spmem:s1] =	stream.indirect.scatter.add.f32 [tilespmem:s18], [sflag:$0x4], $0x20, s22, s17, $0xb8;
	[tilespmem:$0x9F00] =	vst v63  }
0x4b: {  	_ =	swait.ge [sflag:s21], $0x1000  }
0x4c: {  	[sflag:s21] =	ssyncset.done $0x0  }
0x4d: {  	s2 =	simm.s32 $0x200;
	[sflag:s21] =	ssyncadd.s32 $0xFFFFF000  }
0x4e: {  	[tilespmem:s18], [sflag:$0x2] =	stream.indirect.gather [hbm4b:s4+s17], $0x20, s2, s17, $0xb8;
	[tilespmem:$0x9F00] =	vst v63  }
0x4f: {  	_ =	swait.ge [sflag:s23], $0x1000  }
0x50: {  	[sflag:s23] =	ssyncset.done $0x0  }
0x51: {  	s22 =	simm.s32 $0x780;
	[sflag:s23] =	ssyncadd.s32 $0xFFFFF000  }
0x52: {  	[spmem:s1] =	stream.indirect.scatter.add.f32 [tilespmem:s19], [sflag:$0x5], $0x20, s22, s17, $0xb8;
	[tilespmem:$0x9F00] =	vst v63  }
0x53: {  	_ =	swait.ge [sflag:s26], $0x1000  }
0x54: {  	[sflag:s26] =	ssyncset.done $0x0  }
0x55: {  	s2 =	simm.s32 $0x280;
	[sflag:s26] =	ssyncadd.s32 $0xFFFFF000  }
0x56: {  	[tilespmem:s19], [sflag:$0x3] =	stream.indirect.gather [hbm4b:s4+s17], $0x20, s2, s17, $0xb8;
	[tilespmem:$0x9F00] =	vst v63  }
0x57: {  	_ =	swait.ge [sflag:s20], $0x1000  }
0x58: {  	[sflag:s20] =	ssyncset.done $0x0  }
0x59: {  	s22 =	simm.s32 $0x800;
	[sflag:s20] =	ssyncadd.s32 $0xFFFFF000  }
0x5a: {  	[spmem:s1] =	stream.indirect.scatter.add.f32 [tilespmem:s18], [sflag:$0x4], $0x20, s22, s17, $0xb8;
	[tilespmem:$0x9F00] =	vst v63  }
0x5b: {  	_ =	swait.ge [sflag:s21], $0x1000  }
0x5c: {  	[sflag:s21] =	ssyncset.done $0x0  }
0x5d: {  	s2 =	simm.s32 $0x300;
	[sflag:s21] =	ssyncadd.s32 $0xFFFFF000  }
0x5e: {  	[tilespmem:s18], [sflag:$0x2] =	stream.indirect.gather [hbm4b:s4+s17], $0x20, s2, s17, $0xb8;
	[tilespmem:$0x9F00] =	vst v63  }
0x5f: {  	_ =	swait.ge [sflag:s23], $0x1000  }
0x60: {  	[sflag:s23] =	ssyncset.done $0x0  }
0x61: {  	s22 =	simm.s32 $0x880;
	[sflag:s23] =	ssyncadd.s32 $0xFFFFF000  }
0x62: {  	[spmem:s1] =	stream.indirect.scatter.add.f32 [tilespmem:s19], [sflag:$0x5], $0x20, s22, s17, $0xb8;
	[tilespmem:$0x9F00] =	vst v63  }
0x63: {  	_ =	swait.ge [sflag:s26], $0x1000  }
0x64: {  	[sflag:s26] =	ssyncset.done $0x0  }
0x65: {  	s2 =	simm.s32 $0x380;
	[sflag:s26] =	ssyncadd.s32 $0xFFFFF000  }
0x66: {  	[tilespmem:s19], [sflag:$0x3] =	stream.indirect.gather [hbm4b:s4+s17], $0x20, s2, s17, $0xb8;
	[tilespmem:$0x9F00] =	vst v63  }
0x67: {  	_ =	swait.ge [sflag:s20], $0x1000  }
0x68: {  	[sflag:s20] =	ssyncset.done $0x0  }
0x69: {  	s22 =	simm.s32 $0x900;
	[sflag:s20] =	ssyncadd.s32 $0xFFFFF000  }
0x6a: {  	[spmem:s1] =	stream.indirect.scatter.add.f32 [tilespmem:s18], [sflag:$0x4], $0x20, s22, s17, $0xb8;
	[tilespmem:$0x9F00] =	vst v63  }
0x6b: {  	_ =	swait.ge [sflag:s21], $0x1000  }
0x6c: {  	[sflag:s21] =	ssyncset.done $0x0  }
0x6d: {  	s2 =	simm.s32 $0x400;
	[sflag:s21] =	ssyncadd.s32 $0xFFFFF000  }
0x6e: {  	[tilespmem:s18], [sflag:$0x2] =	stream.indirect.gather [hbm4b:s4+s17], $0x20, s2, s17, $0xb8;
	[tilespmem:$0x9F00] =	vst v63  }
0x6f: {  	_ =	swait.ge [sflag:s23], $0x1000  }
0x70: {  	[sflag:s23] =	ssyncset.done $0x0  }
0x71: {  	s22 =	simm.s32 $0x980;
	[sflag:s23] =	ssyncadd.s32 $0xFFFFF000  }
0x72: {  	[spmem:s1] =	stream.indirect.scatter.add.f32 [tilespmem:s19], [sflag:$0x5], $0x20, s22, s17, $0xb8;
	[tilespmem:$0x9F00] =	vst v63  }
0x73: {  	_ =	swait.ge [sflag:s26], $0x1000  }
0x74: {  	[sflag:s26] =	ssyncset.done $0x0  }
0x75: {  	s2 =	simm.s32 $0x480;
	[sflag:s26] =	ssyncadd.s32 $0xFFFFF000  }
0x76: {  	[tilespmem:s19], [sflag:$0x3] =	stream.indirect.gather [hbm4b:s4+s17], $0x20, s2, s17, $0xb8;
	[tilespmem:$0x9F00] =	vst v63  }
0x77: {  	_ =	swait.ge [sflag:s20], $0x1000  }
0x78: {  	[sflag:s20] =	ssyncset.done $0x0  }
0x79: {  	s22 =	simm.s32 $0xA00;
	[sflag:s20] =	ssyncadd.s32 $0xFFFFF000  }
0x7a: {  	[spmem:s1] =	stream.indirect.scatter.add.f32 [tilespmem:s18], [sflag:$0x4], $0x20, s22, s17, $0xb8;
	[tilespmem:$0x9F00] =	vst v63  }
0x7b: {  	_ =	swait.ge [sflag:s21], $0x1000  }
0x7c: {  	[sflag:s21] =	ssyncset.done $0x0  }
0x7d: {  	s2 =	simm.s32 $0x500;
	[sflag:s21] =	ssyncadd.s32 $0xFFFFF000  }
0x7e: {  	[tilespmem:s18], [sflag:$0x2] =	stream.indirect.gather [hbm4b:s4+s17], $0x20, s2, s17, $0xb8;
	[tilespmem:$0x9F00] =	vst v63  }
0x7f: {  	_ =	swait.ge [sflag:s23], $0x1000  }
0x80: {  	[sflag:s23] =	ssyncset.done $0x0  }
0x81: {  	[sflag:s23] =	ssyncadd.s32 $0xFFFFF000  }
0x82: {  	[spmem:s1] =	stream.indirect.scatter.add.f32 [tilespmem:s19], [sflag:$0x5], $0x20, s24, s17, $0xb8;
	[tilespmem:$0x9F00] =	vst v63  }
0x83: {  	_ =	swait.ge [sflag:s26], $0x1000  }
0x84: {  	[sflag:s26] =	ssyncset.done $0x0  }
0x85: {  	[sflag:s26] =	ssyncadd.s32 $0xFFFFF000  }
0x86: {  	[tilespmem:s19], [sflag:$0x3] =	stream.indirect.gather [hbm4b:s4+s17], $0x20, s28, s17, $0xb8;
	[tilespmem:$0x9F00] =	vst v63  }
0x87: {  	_ =	swait.ge [sflag:s20], $0x1000  }
0x88: {  	[sflag:s20] =	ssyncset.done $0x0  }
0x89: {  	[sflag:s20] =	ssyncadd.s32 $0xFFFFF000  }
0x8a: {  	[spmem:s1] =	stream.indirect.scatter.add.f32 [tilespmem:s18], [sflag:$0x4], $0x20, s29, s17, $0xb8;
	[tilespmem:$0x9F00] =	vst v63  }
0x8b: {  	_ =	swait.ge [sflag:s23], $0x1000  }
0x8c: {  	[sflag:s23] =	ssyncset.done $0x0  }
0x8d: {  	[sflag:s23] =	ssyncadd.s32 $0xFFFFF000  }
0x8e: {  	[spmem:s1] =	stream.indirect.scatter.add.f32 [tilespmem:s19], [sflag:$0x5], $0x20, s30, s17, $0xb8;
	[tilespmem:$0x9F00] =	vst v63  }
0x8f: {  	_ =	swait.ge [sflag:s21], $0x1000  }
0x90: {  	[sflag:s21] =	ssyncset.done $0x0  }
0x91: {  	[sflag:s21] =	ssyncadd.s32 $0xFFFFF000  }
0x92: {  	_ =	swait.ge [sflag:s26], $0x1000  }
0x93: {  	s31 =	sadd.s32 $0x1, s31;
	s22 =	stileid.u32;
	[sflag:s26] =	ssyncset.done $0x0  }
0x94: {  	p0 =	sne.s32 s31, s9;
	s0 =	sshll.u32 s22, $0x6;
	[sflag:s26] =	ssyncadd.s32 $0xFFFFF000  }
.Ltmp1:
0x95: {  	s0 =	sor.u32 $0x1C06, s0;
	[bflag:$0x0] =	sbarrier.arrive $0xFFFF;
	(pc) =	sbr.rel @p0 .LBB2_1-.Ltmp1, $4  }
0x96: {  	[hbm:s7], [sflag:s0] =	dma.local [spmem:s25], $0xB80  }
0x97: {  	_ =	swait.ge [sflag:s15], $0xB80  }
0x98: {  	[sflag:s15] =	ssyncset.done $0x0  }
0x99: {  	[sflag:s15] =	ssyncadd.s32 $0xFFFFF480  }
0x9a: {  	_ =	sfence.sel $0x180000  }
0x9b: {  	[bflag:$0x0] =	sbarrier.arrive $0xFFFF  }
0x9c: {  	_ =	strace $0x90000053  }
0x9d: {  	s0 =	stileid.u32;
	[bflag:$0x2] =	sbarrier.arrive $0xFFFF  }
0x9e: {  	p0 =	sne.s32 s0, $0x0;
	s0 =	rddreg [dreg:$0x2]  }
0x9f: {  	s0 =	sadd.s32 @!p0 $0x100000, s0  }
0xa0: {  	[sflag:s0] =	ssyncadd.tile.s32 @!p0 $0x1;
	_ =	shalt  }
.Lfunc_end2:
_tile_overlayer_lowered:
.L_overlay_start_2:
0xa1: {  	(tag) =	ssettag $0x2  }
0xa2: {  	s0 =	rddreg [dreg:$0x0];
	s2 =	stileid.u32  }
0xa3: {  	s1 =	rddreg [dreg:$0x1];
	p0 =	sne.s32 s2, $0x0  }
0xa4: {  	s3 =	rddreg [dreg:$0x2];
	[bflag:$0x3] =	sbarrier.arrive $0xFFFF;
	s2 =	simm.s32 @!p0 $0x1C06  }
0xa5: {  	[timem:s3], [sflag:s2] =	dma.local @!p0 [hbm:s0], s1  }
0xa6: {  	s0 =	simm.s32 @!p0 $0x6  }
0xa7: {  	_ =	swait.ge @!p0 [sflag:s0], s1  }
0xa8: {  	s1 =	ssub.s32 @!p0 $0x0, s1;
	[sflag:s0] =	ssyncset.done @!p0 $0x0  }
0xa9: {  	[sflag:s0] =	ssyncadd.s32 @!p0 s1  }
0xaa: {  	[bflag:$0x3] =	sbarrier.arrive $0xFFFF  }
0xab: {  	_ =	shalt  }

// kernel: kernel.34.cloned.1.call-start
scs
__scs_entry_jumppad:
0x0: {  	(pc) =	sbr.rel $0x88, $3  }
0x1: {  	(tag) =	ssettag $0x0;
	lr =	simm.s32 $0x1  }
0x2: {  	[smem:$0x3F8F] =	sst lr;
	_ =	strace $0xD0000000  }
0x3: {  	_ = 	snop  }
0x4: {  	_ = 	snop  }
0x5: {  	_ = 	snop  }
0x6: {  	_ = 	snop  }
0x7: {  	_ = 	snop  }
__scs_overlays_trampoline_lowered:
0x8: {  	[smem:$0x3F9E] =	sst s0  }
0x9: {  	[smem:$0x3F9F] =	sst s1  }
0xa: {  	[smem:$0x3FA0] =	sst s2  }
0xb: {  	[smem:$0x3FA1] =	sst s3  }
0xc: {  	[smem:$0x3FA2] =	sst s4  }
0xd: {  	[smem:$0x3FA3] =	sst s5  }
0xe: {  	[smem:$0x3FA4] =	sst s6  }
0xf: {  	[smem:$0x3FA5] =	sst s7  }
0x10: {  	[smem:$0x3FA6] =	sst s8  }
0x11: {  	[smem:$0x3FA7] =	sst s9;
	s0 =	simm.s32 @!p0 $0x0  }
0x12: {  	s1 =	sld [smem:$0x3F8D];
	s0 =	simm.s32 @p0 $0x1  }
0x13: {  	[smem:$0x3FA8] =	sst s0;
	s0 =	simm.s32 @!p1 $0x0  }
0x14: {  	s2 =	sld [smem:$0x3F8C];
	s0 =	simm.s32 @p1 $0x1  }
0x15: {  	[smem:$0x3FA9] =	sst s0;
	s0 =	simm.s32 @!p2 $0x0  }
0x16: {  	s3 =	sld [smem:$0x3FDB];
	s0 =	simm.s32 @p2 $0x1  }
0x17: {  	s4 =	simm.s32 $0x1BF5;
	[smem:$0x3FAB] =	sst s0  }
0x18: {  	s0 =	sld [smem:$0x3F8E];
	_ =	swait.ge [sflag:s4], $0x0  }
0x19: {  	s7 =	sld [smem:$0x3F8F]  }
0x1a: {  	s8 =	sadd.s32 $0xFFFFE003, lr  }
0x1b: {  	s9 =	sadd.s32 $0xFFFFFEF7, lr;
	s5 =	simm.s32 $0xFFFFFFFF;
	p2 =	slt.u32 s8, $0xFFFFF086  }
0x1c: {  	p1 =	slt.u32 s9, $0xF7A;
	s5 =	simm.s32 @!p2 $0x0  }
0x1d: {  	s5 =	simm.s32 @p1 $0x1;
	p0 =	seq.s32 s7, s2  }
0x1e: {  	s7 =	smul.u32 @!p0 $0xF7A, s2;
	p2 =	seq.s32 @!p0 s5, $0x0  }
0x1f: {  	s9 =	smul.u32 $0xF7A, s1;
	s8 =	simm.s32 @!p0 $0x1BF5;
	p2 =	por !p2, p0  }
0x20: {  	[sflag:s8] =	ssyncset.s32 @!p0 $0xFFFFF086;
	s6 =	sadd.s32 @!p0 s3, s7;
	s7 =	simm.s32 @!p0 $0x108  }
0x21: {  	s3 =	sadd.s32 s3, s9;
	s6 =	sadd.s32 @!p0 $0x88, s6;
	s7 =	simm.s32 @p2 $0x1082  }
0x22: {  	[simem:s7], [sflag:s8] =	dma.local @!p0 [hbm:s6], $0xF7A  }
0x23: {  	s9 =	sor.u32 $0xD0000000, s2;
	s6 =	simm.s32 $0x108;
	_ =	swait.ge @!p0 [sflag:s8], $0x0  }
0x24: {  	s3 =	sadd.s32 $0x88, s3;
	s6 =	simm.s32 @!p1 $0x1082;
	[sflag:s4] =	ssyncset.s32 $0xFFFFF086  }
0x25: {  	[simem:s6], [sflag:s4] =	dma.local [hbm:s3], $0xF7A  }
0x26: {  	[smem:$0x3F8F] =	sst s1;
	(tag) =	ssettag s2;
	_ =	strace s9  }
0x27: {  	s1 =	sld [smem:$0x3F9F]  }
0x28: {  	s2 =	sld [smem:$0x3FA0]  }
0x29: {  	s4 =	sld [smem:$0x3FA2]  }
0x2a: {  	p0 =	seq.s32 s5, $0x0;
	s5 =	sld [smem:$0x3FA3]  }
0x2b: {  	s6 =	sld [smem:$0x3FA4]  }
0x2c: {  	s7 =	sld [smem:$0x3FA5]  }
0x2d: {  	s3 =	simm.s32 $0x108;
	s8 =	sld [smem:$0x3FA6]  }
0x2e: {  	s3 =	simm.s32 @!p0 $0x1082;
	s9 =	sld [smem:$0x3FA7]  }
0x2f: {  	lr =	sadd.s32 s0, s3;
	s0 =	sld [smem:$0x3F9E]  }
0x30: {  	s3 =	sld [smem:$0x3FA1]  }
0x31: {  	[smem:$0x3FAA] =	sst s10  }
0x32: {  	s10 =	sld [smem:$0x3FA8];
	_ =	sdelay $0x3  }
0x33: {  	p0 =	seq.s32 s10, $0x1;
	s10 =	sld [smem:$0x3FAA];
	_ =	sdelay $0x3  }
0x34: {  	[smem:$0x3FAA] =	sst s10  }
0x35: {  	s10 =	sld [smem:$0x3FA9];
	_ =	sdelay $0x3  }
0x36: {  	p1 =	seq.s32 s10, $0x1;
	s10 =	sld [smem:$0x3FAA];
	_ =	sdelay $0x3  }
0x37: {  	[smem:$0x3FAA] =	sst s10  }
0x38: {  	s10 =	sld [smem:$0x3FAB]  }
0x39: {  	_ = 	snop;
	(pc) =	sbr.ind lr, $3  }
0x3a: {  	_ = 	snop  }
0x3b: {  	_ = 	snop  }
0x3c: {  	p2 =	seq.s32 s10, $0x1;
	s10 =	sld [smem:$0x3FAA]  }
0x3d: {  	_ =	shalt  }
0x3e: {  	_ =	shalt  }
0x3f: {  	_ =	shalt  }
0x40: {  	_ =	shalt  }
0x41: {  	_ =	shalt  }
0x42: {  	_ =	shalt  }
0x43: {  	_ =	shalt  }
0x44: {  	_ =	shalt  }
0x45: {  	_ =	shalt  }
0x46: {  	_ =	shalt  }
0x47: {  	_ =	shalt  }
0x48: {  	_ =	shalt  }
0x49: {  	_ =	shalt  }
0x4a: {  	_ =	shalt  }
0x4b: {  	_ =	shalt  }
0x4c: {  	_ =	shalt  }
0x4d: {  	_ =	shalt  }
0x4e: {  	_ =	shalt  }
0x4f: {  	_ =	shalt  }
0x50: {  	_ =	shalt  }
0x51: {  	_ =	shalt  }
0x52: {  	_ =	shalt  }
0x53: {  	_ =	shalt  }
0x54: {  	_ =	shalt  }
0x55: {  	_ =	shalt  }
0x56: {  	_ =	shalt  }
0x57: {  	_ =	shalt  }
0x58: {  	_ =	shalt  }
0x59: {  	_ =	shalt  }
0x5a: {  	_ =	shalt  }
0x5b: {  	_ =	shalt  }
0x5c: {  	_ =	shalt  }
0x5d: {  	_ =	shalt  }
0x5e: {  	_ =	shalt  }
0x5f: {  	_ =	shalt  }
0x60: {  	_ =	shalt  }
0x61: {  	_ =	shalt  }
0x62: {  	_ =	shalt  }
0x63: {  	_ =	shalt  }
0x64: {  	_ =	shalt  }
0x65: {  	_ =	shalt  }
0x66: {  	_ =	shalt  }
0x67: {  	_ =	shalt  }
0x68: {  	_ =	shalt  }
0x69: {  	_ =	shalt  }
0x6a: {  	_ =	shalt  }
0x6b: {  	_ =	shalt  }
0x6c: {  	_ =	shalt  }
0x6d: {  	_ =	shalt  }
0x6e: {  	_ =	shalt  }
0x6f: {  	_ =	shalt  }
0x70: {  	_ =	shalt  }
0x71: {  	_ =	shalt  }
0x72: {  	_ =	shalt  }
0x73: {  	_ =	shalt  }
0x74: {  	_ =	shalt  }
0x75: {  	_ =	shalt  }
0x76: {  	_ =	shalt  }
0x77: {  	_ =	shalt  }
0x78: {  	_ =	shalt  }
0x79: {  	_ =	shalt  }
0x7a: {  	_ =	shalt  }
0x7b: {  	_ =	shalt  }
0x7c: {  	_ =	shalt  }
0x7d: {  	_ =	shalt  }
0x7e: {  	_ =	shalt  }
0x7f: {  	_ =	shalt  }
0x80: {  	_ =	shalt  }
0x81: {  	_ =	shalt  }
0x82: {  	_ =	shalt  }
0x83: {  	_ =	shalt  }
0x84: {  	_ =	shalt  }
0x85: {  	_ =	shalt  }
0x86: {  	_ =	shalt  }
0x87: {  	_ =	shalt  }
.Lfunc_end0:
.L_simem_size_0:
called_computation.5_lowered:
.L_overlay_start_0:
0x88: {  	s2 =	sld [smem:$0x3FD9]  }
0x89: {  	s3 =	sld [smem:$0x3FFE];
	_ =	sdelay $0x1  }
0x8a: {  	s1 =	srdreg.scid  }
0x8b: {  	s0 =	sand.u32 $0x1, s1  }
0x8c: {  	s17 =	sshll.u32 s0, $0xA;
	s2 =	sadd.s32 s3, s2  }
0x8d: {  	s2 =	sadd.s32 s2, s17  }
0x8e: {  	[smem:$0x3FB6] =	sst s2  }
0x8f: {  	_ = 	snop  }
0x90: {  	s2 =	sld [smem:$0x3FD0];
	(tm) =	ssettm $0x1  }
0x91: {  	s18 =	sld [smem:$0x3FFB];
	_ =	sdelay $0x3  }
0x92: {  	_ =	strace s18  }
0x93: {  	s3 =	sld [smem:$0x3FFC];
	_ =	sdelay $0x3  }
0x94: {  	_ =	strace s3  }
0x95: {  	s3 =	sld [smem:$0x3FFD];
	_ =	sdelay $0x3  }
0x96: {  	_ =	strace s3  }
0x97: {  	_ =	strace $0x8FFFFFFF  }
0x98: {  	s19 =	sld [smem:$0x3FDB];
	_ =	sdelay $0x1  }
0x99: {  	s4 =	simm.s32 $_scs_section_size  }
0x9a: {  	s5 =	simm.s32 $_size__tile_overlayer_lowered;
	s6 =	simm.s32 $_tile_overlayer_lowered  }
0x9b: {  	s22 =	simm.s32 $0x1BFF;
	s21 =	sshll.u32 s6, $0x1;
	s3 =	sadd.s32 s4, s19  }
0x9c: {  	s7 =	simm.s32 $0x0;
	s20 =	sshll.u32 s5, $0x1;
	s5 =	sadd.s32 s21, s3  }
0x9d: {  	[timem:s7], [sflag:s22] =	dma.local [hbm:s5], s20  }
0x9e: {  	_ =	swait.ge [sflag:s22], s20  }
0x9f: {  	s4 =	ssub.s32 $0x0, s20;
	[sflag:s22] =	ssyncset.done $0x0  }
0xa0: {  	[sflag:s22] =	ssyncadd.s32 s4;
	_ =	sdelay $0x1  }
0xa1: {  	s23 =	simm.s32 $0x1B8B  }
0xa2: {  	_ =	swait.ge [sflag:s23], $0x1  }
0xa3: {  	[sflag:s23] =	ssyncset.done $0x0  }
0xa4: {  	s25 =	simm.s32 $0x1B8E;
	s24 =	sld [smem:$0x3FFE];
	[sflag:s23] =	ssyncadd.s32 $0xFFFFFFFF  }
0xa5: {  	s26 =	simm.s32 $execute0_lowered;
	[smem:$0x3FD2] =	sst s25  }
0xa6: {  	s5 =	sshll.u32 s26, $0x1;
	_ =	strace $0x80000055;
	[dreg:$0x1] =	wrdreg $0xFFFFFFFF  }
0xa7: {  	s28 =	simm.s32 $_size_execute0_lowered;
	s3 =	sadd.s32 s3, s5;
	[dreg:$0x0] =	wrdreg $0x0  }
0xa8: {  	s5 =	sshll.u32 s28, $0x1;
	[dreg:$0x2] =	wrdreg s3  }
0xa9: {  	[dreg:$0x3] =	wrdreg s5  }
0xaa: {  	[dreg:$0x4] =	wrdreg $0xC0  }
0xab: {  	_ =	task [dreg:s7], $0x5FFFF  }
0xac: {  	[dreg:$0x1] =	wrdreg $0xFFFFFFFF  }
0xad: {  	[dreg:$0x0] =	wrdreg $0x60  }
0xae: {  	[dreg:$0x2] =	wrdreg s24  }
0xaf: {  	[dreg:$0x3] =	wrdreg s2  }
0xb0: {  	[dreg:$0x4] =	wrdreg $0x65000  }
0xb1: {  	[dreg:$0x5] =	wrdreg $0x9  }
0xb2: {  	_ =	task.clear_ibuf [dreg:s7], $0x6FFFF;
	_ =	strace $0x90000055  }
0xb3: {  	s29 =	simm.s32 $0x9;
	_ =	strace $0x80000057  }
0xb4: {  	_ =	swait.ge [sflag:s29], $0x1  }
0xb5: {  	[sflag:s29] =	ssyncadd.s32 $0xFFFFFFFF  }
0xb6: {  	_ =	strace $0x90000057  }
0xb7: {  	_ =	sfence  }
0xb8: {  	s30 =	sld [smem:$0x0];
	_ =	sdelay $0x2  }
0xb9: {  	s31 =	sshll.u32 s1, $0xD;
	s1 =	sshrl.u32 s1, $0x2  }
0xba: {  	s3 =	sand.u32 $0x4000, s31;
	s1 =	sadd.s32 s1, s30  }
0xbb: {  	s0 =	sor.u32 s3, s0;
	s1 =	sshll.u32 s1, $0x11  }
0xbc: {  	s0 =	sor.u32 s1, s0  }
0xbd: {  	s0 =	sadd.s32 $0x8F2B, s0  }
0xbe: {  	[sflag:s0] =	ssyncadd.remote.s32 $0x1  }
0xbf: {  	_ =	sfence.sel $0xFFFF  }
0xc0: {  	[dreg:$0x0] =	wrdreg $0xFFFFFFFF;
	(pc) =	sbr.abs _section_cstart, $3  }
0xc1: {  	[dreg:$0x1] =	wrdreg $0xFFFFFFFF  }
0xc2: {  	_ =	task.clear_ibuf [dreg:s7], $0x2FFFF;
	_ =	strace $0x9FFFFFFF  }
0xc3: {  	(tm) =	ssettm $0x7FFFFFFF  }
tec
execute0_lowered:
.L_overlay_start_1:
0x0: {  	(tag) =	ssettag $0x1  }
0x1: {  	s0 =	srdreg.scid  }
0x2: {  	s1 =	rddreg [dreg:$0x0];
	s11 =	stileid.u32  }
0x3: {  	s5 =	rddreg [dreg:$0x1];
	s28 =	simm.s32 $0x4E00;
	s29 =	simm.s32 $0x6  }
0x4: {  	s30 =	simm.s32 $0x1;
	s31 =	simm.s32 $0x80;
	s0 =	sand.u32 $0x1, s0  }
0x5: {  	s8 =	smul.u32 $0x17000, s11;
	s4 =	sadd.s32 $0x6C00, s1;
	s2 =	sshll.u32 s0, $0x4  }
0x6: {  	s7 =	smul.u32 $0x170000, s0;
	s0 =	ssub.s32 $0x2, s0;
	s3 =	sor.u32 s11, s2  }
0x7: {  	s2 =	rddreg [dreg:$0x2];
	s10 =	sshrl.u32 s0, $0x1;
	s11 =	smul.u32 $0x5C000, s11  }
0x8: {  	s6 =	smul.u32 $0x2E0, s3;
	s3 =	simm.s32 $0x0;
	s7 =	sadd.s32 s8, s7  }
0x9: {  	s0 =	ssub.s32 s0, s10;
	s13 =	sadd.s32 s8, s2;
	s8 =	simm.s32 $0x5  }
0xa: {  	[smem:$0x7FF] =	sst s3;
	s7 =	sshrl.u32 s7, $0x3;
	s12 =	sshrl.u32 s11, $0x2  }
0xb: {  	s0 =	smax.u32 s0, $0x1;
	_ =	strace $0x80000056;
	s9 =	sadd.s32 s6, s1  }
0xc: {  	s1 =	sadd.s32 s7, s1;
	s5 =	sadd.s32 s5, s6;
	[dreg:$0x7] =	wrdreg s0  }
0xd: {  	s0 =	simm.s32 $0x3E00;
	s6 =	simm.s32 $0x4;
	s7 =	simm.s32 $0x3  }
0xe: {  	s10 =	sadd.s32 $0x45A00, s9;
	[dreg:$0x5] =	wrdreg s5;
	s1 =	sadd.s32 $0x4B600, s1  }
0xf: {  	s9 =	sadd.s32 s12, s2;
	s5 =	simm.s32 $0x2;
	[dreg:$0x4] =	wrdreg s10  }
0x10: {  	[dreg:$0x6] =	wrdreg s1;
	s23 =	sadd.s32 $0x1700, s9;
	s24 =	sadd.s32 $0x2E00, s9  }
0x11: {  	s25 =	sadd.s32 $0x4500, s9;
	s26 =	sadd.s32 $0x5C00, s9;
	s14 =	sadd.s32 $0x7300, s9  }
0x12: {  	s15 =	sadd.s32 $0x8A00, s9;
	s16 =	sadd.s32 $0xA100, s9;
	s17 =	sadd.s32 $0xB800, s9  }
0x13: {  	s18 =	sadd.s32 $0xCF00, s9;
	s19 =	sadd.s32 $0xE600, s9;
	[dreg:$0x8] =	wrdreg s23  }
0x14: {  	s20 =	sadd.s32 $0xFD00, s9;
	s21 =	sadd.s32 $0x11400, s9;
	[dreg:$0x9] =	wrdreg s24  }
0x15: {  	s22 =	sadd.s32 $0x12B00, s9;
	s1 =	simm.s32 $0x2E00;
	[dreg:$0xa] =	wrdreg s25  }
0x16: {  	s10 =	simm.s32 $0x0;
	[dreg:$0xb] =	wrdreg s26;
	s23 =	sadd.s32 $0x14200, s9  }
0x17: {  	v0 =	vimm.f32 $0.0e+00;
	s24 =	sadd.s32 $0x15900, s9;
	s25 =	sshrl.u32 s13, $0x3;
	s26 =	simm.s32 $0x1700  }
.LBB2_1:
0x18: {  	s11 =	simm.s32 $0x80;
	s12 =	simm.s32 $0x0  }
.LBB2_2:
0x19: {  	p0 =	sne.s32 s11, $0x5B80;
	[tilespmem:s12+$0x4E00] =	vst v0;
	s13 =	smov.u32 s11;
	s11 =	sadd.s32 $0x80, s11  }
.Ltmp0:
0x1a: {  	[tilespmem:s12+$0x4E10] =	vst v0;
	(pc) =	sbr.rel @p0 .LBB2_2-.Ltmp0, $2  }
0x1b: {  	_ =	sdelay $0x2  }
0x1c: {  	s12 =	sshra.s32 s13, $0x2  }
0x1d: {  	[tilespmem:s12+$0x4E00] =	vst v0  }
0x1e: {  	[tilespmem:s12+$0x4E10] =	vst v0;
	s11 =	rddreg [dreg:$0x4]  }
0x1f: {  	[tilespmem:s3], [sflag:$0x1] =	stream.linear.gather [hbm4b:s11+s3], $0x1700, $0x38;
	[tilespmem:$0x1D500] =	vst v63  }
0x20: {  	s12 =	rddreg [dreg:$0x5]  }
0x21: {  	[tilespmem:s26], [sflag:$0x1] =	stream.linear.gather [hbm4b:s12+s3], $0x1700, $0x38;
	[tilespmem:$0x1D500] =	vst v63  }
0x22: {  	_ = 	snop  }
0x23: {  	[spmem:s9] =	stream.linear.scatter [tilespmem:s28], [sflag:$0x6], $0x1700, $0x38;
	[tilespmem:$0x1D500] =	vst v63  }
0x24: {  	_ =	swait.ge [sflag:s29], $0x1700  }
0x25: {  	[sflag:s29] =	ssyncset.done $0x0  }
0x26: {  	s13 =	rddreg [dreg:$0x8];
	[sflag:s29] =	ssyncadd.s32 $0xFFFFE900  }
0x27: {  	[spmem:s13] =	stream.linear.scatter [tilespmem:s28], [sflag:$0x6], $0x1700, $0x38;
	[tilespmem:$0x1D500] =	vst v63  }
0x28: {  	_ =	swait.ge [sflag:s29], $0x1700  }
0x29: {  	[sflag:s29] =	ssyncset.done $0x0  }
0x2a: {  	s12 =	rddreg [dreg:$0x9];
	[sflag:s29] =	ssyncadd.s32 $0xFFFFE900  }
0x2b: {  	[spmem:s12] =	stream.linear.scatter [tilespmem:s28], [sflag:$0x6], $0x1700, $0x38;
	[tilespmem:$0x1D500] =	vst v63  }
0x2c: {  	_ =	swait.ge [sflag:s29], $0x1700  }
0x2d: {  	[sflag:s29] =	ssyncset.done $0x0  }
0x2e: {  	s13 =	rddreg [dreg:$0xa];
	[sflag:s29] =	ssyncadd.s32 $0xFFFFE900  }
0x2f: {  	[spmem:s13] =	stream.linear.scatter [tilespmem:s28], [sflag:$0x6], $0x1700, $0x38;
	[tilespmem:$0x1D500] =	vst v63  }
0x30: {  	_ =	swait.ge [sflag:s29], $0x1700  }
0x31: {  	[sflag:s29] =	ssyncset.done $0x0  }
0x32: {  	s12 =	rddreg [dreg:$0xb];
	[sflag:s29] =	ssyncadd.s32 $0xFFFFE900  }
0x33: {  	[spmem:s12] =	stream.linear.scatter [tilespmem:s28], [sflag:$0x6], $0x1700, $0x38;
	[tilespmem:$0x1D500] =	vst v63  }
0x34: {  	_ =	swait.ge [sflag:s29], $0x1700  }
0x35: {  	[sflag:s29] =	ssyncset.done $0x0  }
0x36: {  	[sflag:s29] =	ssyncadd.s32 $0xFFFFE900  }
0x37: {  	[spmem:s14] =	stream.linear.scatter [tilespmem:s28], [sflag:$0x6], $0x1700, $0x38;
	[tilespmem:$0x1D500] =	vst v63  }
0x38: {  	_ =	swait.ge [sflag:s29], $0x1700  }
0x39: {  	[sflag:s29] =	ssyncset.done $0x0  }
0x3a: {  	[sflag:s29] =	ssyncadd.s32 $0xFFFFE900  }
0x3b: {  	[spmem:s15] =	stream.linear.scatter [tilespmem:s28], [sflag:$0x6], $0x1700, $0x38;
	[tilespmem:$0x1D500] =	vst v63  }
0x3c: {  	_ =	swait.ge [sflag:s29], $0x1700  }
0x3d: {  	[sflag:s29] =	ssyncset.done $0x0  }
0x3e: {  	[sflag:s29] =	ssyncadd.s32 $0xFFFFE900  }
0x3f: {  	[spmem:s16] =	stream.linear.scatter [tilespmem:s28], [sflag:$0x6], $0x1700, $0x38;
	[tilespmem:$0x1D500] =	vst v63  }
0x40: {  	_ =	swait.ge [sflag:s29], $0x1700  }
0x41: {  	[sflag:s29] =	ssyncset.done $0x0  }
0x42: {  	[sflag:s29] =	ssyncadd.s32 $0xFFFFE900  }
0x43: {  	[spmem:s17] =	stream.linear.scatter [tilespmem:s28], [sflag:$0x6], $0x1700, $0x38;
	[tilespmem:$0x1D500] =	vst v63  }
0x44: {  	_ =	swait.ge [sflag:s29], $0x1700  }
0x45: {  	[sflag:s29] =	ssyncset.done $0x0  }
0x46: {  	[sflag:s29] =	ssyncadd.s32 $0xFFFFE900  }
0x47: {  	[spmem:s18] =	stream.linear.scatter [tilespmem:s28], [sflag:$0x6], $0x1700, $0x38;
	[tilespmem:$0x1D500] =	vst v63  }
0x48: {  	_ =	swait.ge [sflag:s29], $0x1700  }
0x49: {  	[sflag:s29] =	ssyncset.done $0x0  }
0x4a: {  	[sflag:s29] =	ssyncadd.s32 $0xFFFFE900  }
0x4b: {  	[spmem:s19] =	stream.linear.scatter [tilespmem:s28], [sflag:$0x6], $0x1700, $0x38;
	[tilespmem:$0x1D500] =	vst v63  }
0x4c: {  	_ =	swait.ge [sflag:s29], $0x1700  }
0x4d: {  	[sflag:s29] =	ssyncset.done $0x0  }
0x4e: {  	[sflag:s29] =	ssyncadd.s32 $0xFFFFE900  }
0x4f: {  	[spmem:s20] =	stream.linear.scatter [tilespmem:s28], [sflag:$0x6], $0x1700, $0x38;
	[tilespmem:$0x1D500] =	vst v63  }
0x50: {  	_ =	swait.ge [sflag:s29], $0x1700  }
0x51: {  	[sflag:s29] =	ssyncset.done $0x0  }
0x52: {  	[sflag:s29] =	ssyncadd.s32 $0xFFFFE900  }
0x53: {  	[spmem:s21] =	stream.linear.scatter [tilespmem:s28], [sflag:$0x6], $0x1700, $0x38;
	[tilespmem:$0x1D500] =	vst v63  }
0x54: {  	_ =	swait.ge [sflag:s29], $0x1700  }
0x55: {  	[sflag:s29] =	ssyncset.done $0x0  }
0x56: {  	[sflag:s29] =	ssyncadd.s32 $0xFFFFE900  }
0x57: {  	[spmem:s22] =	stream.linear.scatter [tilespmem:s28], [sflag:$0x6], $0x1700, $0x38;
	[tilespmem:$0x1D500] =	vst v63  }
0x58: {  	_ =	swait.ge [sflag:s29], $0x1700  }
0x59: {  	[sflag:s29] =	ssyncset.done $0x0  }
0x5a: {  	[sflag:s29] =	ssyncadd.s32 $0xFFFFE900  }
0x5b: {  	[spmem:s23] =	stream.linear.scatter [tilespmem:s28], [sflag:$0x6], $0x1700, $0x38;
	[tilespmem:$0x1D500] =	vst v63  }
0x5c: {  	_ =	swait.ge [sflag:s29], $0x1700  }
0x5d: {  	[sflag:s29] =	ssyncset.done $0x0  }
0x5e: {  	[sflag:s29] =	ssyncadd.s32 $0xFFFFE900  }
0x5f: {  	[spmem:s24] =	stream.linear.scatter [tilespmem:s28], [sflag:$0x6], $0x1700, $0x38;
	[tilespmem:$0x1D500] =	vst v63  }
0x60: {  	_ =	swait.ge [sflag:s29], $0x1700  }
0x61: {  	[sflag:s29] =	ssyncset.done $0x0  }
0x62: {  	[sflag:s29] =	ssyncadd.s32 $0xFFFFE900  }
0x63: {  	_ =	swait.ge [sflag:s30], $0x1700  }
0x64: {  	[sflag:s30] =	ssyncset.done $0x0  }
0x65: {  	[sflag:s30] =	ssyncadd.s32 $0xFFFFE900  }
0x66: {  	_ =	swait.ge [sflag:s30], $0x1700  }
0x67: {  	[sflag:s30] =	ssyncset.done $0x0  }
0x68: {  	[sflag:s30] =	ssyncadd.s32 $0xFFFFE900  }
0x69: {  	[bflag:$0x0] =	sbarrier.arrive $0xFFFF  }
0x6a: {  	[tilespmem:s1], [sflag:$0x2] =	stream.indirect.gather [hbm4b:s4+s31], $0x20, s3, s31, $0xb8;
	[tilespmem:$0x1D500] =	vst v63  }
0x6b: {  	_ = 	snop  }
0x6c: {  	[tilespmem:s0], [sflag:$0x3] =	stream.indirect.gather [hbm4b:s4+s31], $0x20, s31, s31, $0xb8;
	[tilespmem:$0x1D500] =	vst v63  }
0x6d: {  	_ =	swait.ge [sflag:s5], $0x1000  }
0x6e: {  	[sflag:s5] =	ssyncset.done $0x0  }
0x6f: {  	[sflag:s5] =	ssyncadd.s32 $0xFFFFF000  }
0x70: {  	[spmem:s2] =	stream.indirect.scatter.add.f32 [tilespmem:s1], [sflag:$0x4], $0x20, s26, s31, $0xb8;
	[tilespmem:$0x1D500] =	vst v63  }
0x71: {  	_ =	swait.ge [sflag:s6], $0x1000  }
0x72: {  	[sflag:s6] =	ssyncset.done $0x0  }
0x73: {  	s13 =	simm.s32 $0x100;
	[sflag:s6] =	ssyncadd.s32 $0xFFFFF000  }
0x74: {  	[tilespmem:s1], [sflag:$0x2] =	stream.indirect.gather [hbm4b:s4+s31], $0x20, s13, s31, $0xb8;
	[tilespmem:$0x1D500] =	vst v63  }
0x75: {  	_ =	swait.ge [sflag:s7], $0x1000  }
0x76: {  	[sflag:s7] =	ssyncset.done $0x0  }
0x77: {  	s12 =	simm.s32 $0x1780;
	[sflag:s7] =	ssyncadd.s32 $0xFFFFF000  }
0x78: {  	[spmem:s2] =	stream.indirect.scatter.add.f32 [tilespmem:s0], [sflag:$0x5], $0x20, s12, s31, $0xb8;
	[tilespmem:$0x1D500] =	vst v63  }
0x79: {  	_ =	swait.ge [sflag:s8], $0x1000  }
0x7a: {  	[sflag:s8] =	ssyncset.done $0x0  }
0x7b: {  	s13 =	simm.s32 $0x180;
	[sflag:s8] =	ssyncadd.s32 $0xFFFFF000  }
0x7c: {  	[tilespmem:s0], [sflag:$0x3] =	stream.indirect.gather [hbm4b:s4+s31], $0x20, s13, s31, $0xb8;
	[tilespmem:$0x1D500] =	vst v63  }
0x7d: {  	_ =	swait.ge [sflag:s5], $0x1000  }
0x7e: {  	[sflag:s5] =	ssyncset.done $0x0  }
0x7f: {  	s12 =	simm.s32 $0x1800;
	[sflag:s5] =	ssyncadd.s32 $0xFFFFF000  }
0x80: {  	[spmem:s2] =	stream.indirect.scatter.add.f32 [tilespmem:s1], [sflag:$0x4], $0x20, s12, s31, $0xb8;
	[tilespmem:$0x1D500] =	vst v63  }
0x81: {  	_ =	swait.ge [sflag:s6], $0x1000  }
0x82: {  	[sflag:s6] =	ssyncset.done $0x0  }
0x83: {  	s13 =	simm.s32 $0x200;
	[sflag:s6] =	ssyncadd.s32 $0xFFFFF000  }
0x84: {  	[tilespmem:s1], [sflag:$0x2] =	stream.indirect.gather [hbm4b:s4+s31], $0x20, s13, s31, $0xb8;
	[tilespmem:$0x1D500] =	vst v63  }
0x85: {  	_ =	swait.ge [sflag:s7], $0x1000  }
0x86: {  	[sflag:s7] =	ssyncset.done $0x0  }
0x87: {  	s11 =	simm.s32 $0xFFFFB000;
	s12 =	simm.s32 $0x1880;
	[sflag:s7] =	ssyncadd.s32 $0xFFFFF000  }
.LBB2_4:
0x88: {  	[spmem:s2] =	stream.indirect.scatter.add.f32 [tilespmem:s0], [sflag:$0x5], $0x20, s12, s31, $0xb8;
	[tilespmem:$0x1D500] =	vst v63  }
0x89: {  	s12 =	smov.u32 s11  }
0x8a: {  	p0 =	sne.s32 s11, $0xFFFFFC00;
	s11 =	sadd.s32 $0x400, s11;
	_ =	swait.ge [sflag:s8], $0x1000  }
0x8b: {  	s12 =	sshra.s32 s12, $0x2;
	[sflag:s8] =	ssyncset.done $0x0  }
0x8c: {  	s13 =	sadd.s32 $0x1680, s12;
	[sflag:s8] =	ssyncadd.s32 $0xFFFFF000  }
0x8d: {  	[tilespmem:s0], [sflag:$0x3] =	stream.indirect.gather [hbm4b:s4+s31], $0x20, s13, s31, $0xb8;
	[tilespmem:$0x1D500] =	vst v63  }
0x8e: {  	_ =	swait.ge [sflag:s5], $0x1000  }
0x8f: {  	[sflag:s5] =	ssyncset.done $0x0  }
0x90: {  	s13 =	sadd.s32 $0x2D00, s12;
	[sflag:s5] =	ssyncadd.s32 $0xFFFFF000  }
0x91: {  	[spmem:s2] =	stream.indirect.scatter.add.f32 [tilespmem:s1], [sflag:$0x4], $0x20, s13, s31, $0xb8;
	[tilespmem:$0x1D500] =	vst v63  }
0x92: {  	_ =	swait.ge [sflag:s6], $0x1000  }
0x93: {  	[sflag:s6] =	ssyncset.done $0x0  }
.Ltmp1:
0x94: {  	s13 =	sadd.s32 $0x1700, s12;
	[sflag:s6] =	ssyncadd.s32 $0xFFFFF000;
	(pc) =	sbr.rel @p0 .LBB2_4-.Ltmp1, $4  }
0x95: {  	[tilespmem:s1], [sflag:$0x2] =	stream.indirect.gather [hbm4b:s4+s31], $0x20, s13, s31, $0xb8;
	[tilespmem:$0x1D500] =	vst v63  }
0x96: {  	_ =	swait.ge [sflag:s7], $0x1000  }
0x97: {  	[sflag:s7] =	ssyncset.done $0x0  }
0x98: {  	s12 =	sadd.s32 $0x2D80, s12;
	[sflag:s7] =	ssyncadd.s32 $0xFFFFF000  }
0x99: {  	[spmem:s2] =	stream.indirect.scatter.add.f32 [tilespmem:s0], [sflag:$0x5], $0x20, s12, s31, $0xb8;
	[tilespmem:$0x1D500] =	vst v63  }
0x9a: {  	_ =	swait.ge [sflag:s8], $0x1000  }
0x9b: {  	[sflag:s8] =	ssyncset.done $0x0  }
0x9c: {  	s11 =	simm.s32 $0x1680;
	[sflag:s8] =	ssyncadd.s32 $0xFFFFF000  }
0x9d: {  	[tilespmem:s0], [sflag:$0x3] =	stream.indirect.gather [hbm4b:s4+s31], $0x20, s11, s31, $0xb8;
	[tilespmem:$0x1D500] =	vst v63  }
0x9e: {  	_ =	swait.ge [sflag:s5], $0x1000  }
0x9f: {  	[sflag:s5] =	ssyncset.done $0x0  }
0xa0: {  	s12 =	simm.s32 $0x2D00;
	[sflag:s5] =	ssyncadd.s32 $0xFFFFF000  }
0xa1: {  	[spmem:s2] =	stream.indirect.scatter.add.f32 [tilespmem:s1], [sflag:$0x4], $0x20, s12, s31, $0xb8;
	[tilespmem:$0x1D500] =	vst v63  }
0xa2: {  	_ =	swait.ge [sflag:s7], $0x1000  }
0xa3: {  	[sflag:s7] =	ssyncset.done $0x0  }
0xa4: {  	s13 =	simm.s32 $0x2D80;
	[sflag:s7] =	ssyncadd.s32 $0xFFFFF000  }
0xa5: {  	[spmem:s2] =	stream.indirect.scatter.add.f32 [tilespmem:s0], [sflag:$0x5], $0x20, s13, s31, $0xb8;
	[tilespmem:$0x1D500] =	vst v63  }
0xa6: {  	_ =	swait.ge [sflag:s6], $0x1000  }
0xa7: {  	[sflag:s6] =	ssyncset.done $0x0  }
0xa8: {  	[sflag:s6] =	ssyncadd.s32 $0xFFFFF000  }
0xa9: {  	_ =	swait.ge [sflag:s8], $0x1000  }
0xaa: {  	[sflag:s8] =	ssyncset.done $0x0  }
0xab: {  	s12 =	stileid.u32;
	[sflag:s8] =	ssyncadd.s32 $0xFFFFF000  }
0xac: {  	s11 =	sshll.u32 s12, $0x6;
	[bflag:$0x0] =	sbarrier.arrive $0xFFFF  }
0xad: {  	s11 =	sor.u32 $0x1C06, s11;
	s13 =	rddreg [dreg:$0x6]  }
0xae: {  	[hbm:s13], [sflag:s11] =	dma.local [spmem:s25], $0x2E00  }
0xaf: {  	_ =	swait.ge [sflag:s29], $0x2E00  }
0xb0: {  	s10 =	sadd.s32 $0x1, s10;
	s13 =	rddreg [dreg:$0x7]  }
0xb1: {  	p0 =	sne.s32 s10, s13  }
.Ltmp2:
0xb2: {  	_ = 	snop;
	(pc) =	sbr.rel @p0 .LBB2_1-.Ltmp2, $3  }
0xb3: {  	_ =	sdelay $0x1  }
0xb4: {  	[sflag:s29] =	ssyncset.done $0x0  }
0xb5: {  	[sflag:s29] =	ssyncadd.s32 $0xFFFFD200  }
0xb6: {  	_ =	sfence.sel $0x180000  }
0xb7: {  	[bflag:$0x0] =	sbarrier.arrive $0xFFFF  }
0xb8: {  	_ =	strace $0x90000056  }
0xb9: {  	s0 =	stileid.u32;
	[bflag:$0x2] =	sbarrier.arrive $0xFFFF  }
0xba: {  	p0 =	sne.s32 s0, $0x0;
	s0 =	rddreg [dreg:$0x3]  }
0xbb: {  	s0 =	sadd.s32 @!p0 $0x100000, s0  }
0xbc: {  	[sflag:s0] =	ssyncadd.tile.s32 @!p0 $0x1;
	_ =	shalt  }
.Lfunc_end2:
_tile_overlayer_lowered:
.L_overlay_start_2:
0xbd: {  	(tag) =	ssettag $0x2  }
0xbe: {  	s0 =	rddreg [dreg:$0x0];
	s2 =	stileid.u32  }
0xbf: {  	s1 =	rddreg [dreg:$0x1];
	p0 =	sne.s32 s2, $0x0  }
0xc0: {  	s3 =	rddreg [dreg:$0x2];
	[bflag:$0x3] =	sbarrier.arrive $0xFFFF;
	s2 =	simm.s32 @!p0 $0x1C06  }
0xc1: {  	[timem:s3], [sflag:s2] =	dma.local @!p0 [hbm:s0], s1  }
0xc2: {  	s0 =	simm.s32 @!p0 $0x6  }
0xc3: {  	_ =	swait.ge @!p0 [sflag:s0], s1  }
0xc4: {  	s1 =	ssub.s32 @!p0 $0x0, s1;
	[sflag:s0] =	ssyncset.done @!p0 $0x0  }
0xc5: {  	[sflag:s0] =	ssyncadd.s32 @!p0 s1  }
0xc6: {  	[bflag:$0x3] =	sbarrier.arrive $0xFFFF  }
0xc7: {  	_ =	shalt  }

</sc_bundles>
